<compile_context>
chip_gen: v7x
topology: tpu7x:2x2x1
jax: 0.10.2.dev20260603
libtpu: 0.0.44.dev20260713+nightly
codegen_flags: <defaults>
</compile_context>

<pallas_src>
import functools

import jax
import jax.numpy as jnp
from jax import lax
from jax.experimental import pallas as pl
from jax.experimental.pallas import tpu as pltpu
from jax.experimental.pallas import tpu_sc as plsc

N = 10000
D = 256
H1 = 512
H2 = 512
E = 160000

CHUNK = 128
EDGE_BLK = 40
TILES = 16
N_PAD = 10240
ROWS_PER_TILE = N_PAD // TILES
E_PER_TILE = E // TILES
N_STEPS = E_PER_TILE // EDGE_BLK

NB = 5
N_OUTER = N_STEPS // NB
LEAD = 3


def _chunk_pass(x_hbm, out_hbm, z_hbm, dst_hbm, idx_hbm, src_all,
                dstb, rowsb, acc_sh, semg, semd, sems, sid,
                idx_mul=1, idx_add=0, preload=True):
    row0 = sid * ROWS_PER_TILE
    ebase = sid * E_PER_TILE
    zcopy = pltpu.async_copy(z_hbm.at[pl.ds(row0, ROWS_PER_TILE)],
                             acc_sh.at[pl.ds(row0, ROWS_PER_TILE)], semg[0])
    if preload:
        pltpu.sync_copy(idx_hbm.at[pl.ds(ebase, E_PER_TILE)], src_all)
    if idx_mul != 1 or idx_add != 0:
        def tbody(k, _):
            for i in range(5):
                off = k * 80 + i * 16
                v = src_all[pl.ds(off, 16)]
                src_all[pl.ds(off, 16)] = v * idx_mul + idx_add
            return 0

        lax.fori_loop(0, E_PER_TILE // 80, tbody, 0)
    zcopy.wait()
    plsc.subcore_barrier()

    def fetch(j, b):
        pltpu.async_copy(dst_hbm.at[pl.ds(ebase + j * EDGE_BLK, EDGE_BLK)],
                         dstb[b], semd[b])
        pltpu.async_copy(x_hbm.at[src_all.at[pl.ds(j * EDGE_BLK, EDGE_BLK)]],
                         rowsb[b], semg[b])

    def wait_fetch(j, b):
        pltpu.make_async_copy(
            dst_hbm.at[pl.ds(ebase + j * EDGE_BLK, EDGE_BLK)],
            dstb[b], semd[b]).wait()
        pltpu.make_async_copy(
            x_hbm.at[src_all.at[pl.ds(j * EDGE_BLK, EDGE_BLK)]],
            rowsb[b], semg[b]).wait()

    def wait_scatter(b):
        pltpu.make_async_copy(rowsb[b], acc_sh.at[dstb[b]], sems[b]).wait()

    for b in range(LEAD):
        fetch(b, b)

    def outer(g, _):
        for b in range(NB):
            j = NB * g + b
            wait_fetch(j, b)
            pltpu.async_copy(rowsb[b], acc_sh.at[dstb[b]], sems[b], add=True)
            bn = (b + LEAD) % NB
            if b + LEAD < NB:
                @pl.when(g > 0)
                def _():
                    wait_scatter(bn)

                fetch(j + LEAD, bn)
            else:
                wait_scatter(bn)

                @pl.when(g < N_OUTER - 1)
                def _():
                    fetch(j + LEAD, bn)
        return 0

    lax.fori_loop(0, N_OUTER, outer, 0)
    for b in range(NB - LEAD):
        wait_scatter((b + LEAD) % NB)
    plsc.subcore_barrier()
    pltpu.sync_copy(acc_sh.at[pl.ds(row0, ROWS_PER_TILE)],
                    out_hbm.at[pl.ds(row0, ROWS_PER_TILE)])


@functools.lru_cache(maxsize=None)
def _build_segsum_kernels():
    mesh = plsc.VectorSubcoreMesh(core_axis_name="c", subcore_axis_name="s")
    scratch = (
        [pltpu.VMEM((E_PER_TILE,), jnp.int32)]
        + [pltpu.VMEM((EDGE_BLK,), jnp.int32)] * NB
        + [pltpu.VMEM((EDGE_BLK, CHUNK), jnp.float32)] * NB
        + [pltpu.VMEM_SHARED((N_PAD, CHUNK), jnp.float32)]
        + [pltpu.SemaphoreType.DMA] * (3 * NB)
    )

    def unpack(scr):
        src_all = scr[0]
        dstb = scr[1:1 + NB]
        rowsb = scr[1 + NB:1 + 2 * NB]
        acc_sh = scr[1 + 2 * NB]
        semg = scr[2 + 2 * NB:2 + 3 * NB]
        semd = scr[2 + 3 * NB:2 + 4 * NB]
        sems = scr[2 + 4 * NB:2 + 5 * NB]
        return src_all, dstb, rowsb, acc_sh, semg, semd, sems

    @functools.partial(
        pl.kernel,
        mesh=mesh,
        out_type=[jax.ShapeDtypeStruct((N_PAD, CHUNK), jnp.float32)] * 2,
        scratch_types=scratch,
    )
    def segsum2(x_rs, src_hbm, dst_hbm, z_hbm, o0, o1, *scr):
        src_all, dstb, rowsb, acc_sh, semg, semd, sems = unpack(scr)
        cid = lax.axis_index("c")
        sid = lax.axis_index("s")

        @pl.when(cid == 0)
        def _():
            _chunk_pass(x_rs, o0, z_hbm, dst_hbm, src_hbm, src_all,
                        dstb, rowsb, acc_sh, semg, semd, sems, sid,
                        idx_mul=2, idx_add=0)

        @pl.when(cid == 1)
        def _():
            _chunk_pass(x_rs, o1, z_hbm, dst_hbm, src_hbm, src_all,
                        dstb, rowsb, acc_sh, semg, semd, sems, sid,
                        idx_mul=2, idx_add=1)

    @functools.partial(
        pl.kernel,
        mesh=mesh,
        out_type=[jax.ShapeDtypeStruct((N_PAD, CHUNK), jnp.float32)] * 4,
        scratch_types=scratch,
    )
    def segsum4(h0, h1, h2, h3, src_hbm, dst_hbm, z_hbm, o0, o1, o2, o3,
                *scr):
        src_all, dstb, rowsb, acc_sh, semg, semd, sems = unpack(scr)
        cid = lax.axis_index("c")
        sid = lax.axis_index("s")

        @pl.when(cid == 0)
        def _():
            _chunk_pass(h0, o0, z_hbm, dst_hbm, src_hbm, src_all,
                        dstb, rowsb, acc_sh, semg, semd, sems, sid)
            _chunk_pass(h1, o1, z_hbm, dst_hbm, src_hbm, src_all,
                        dstb, rowsb, acc_sh, semg, semd, sems, sid,
                        preload=False)

        @pl.when(cid == 1)
        def _():
            _chunk_pass(h2, o2, z_hbm, dst_hbm, src_hbm, src_all,
                        dstb, rowsb, acc_sh, semg, semd, sems, sid)
            _chunk_pass(h3, o3, z_hbm, dst_hbm, src_hbm, src_all,
                        dstb, rowsb, acc_sh, semg, semd, sems, sid,
                        preload=False)

    return segsum2, segsum4


BM = 2000


def _dot_nt(a, w):
    return lax.dot_general(a, w, (((1,), (1,)), ((), ())),
                           preferred_element_type=jnp.float32)


def _mm1_body(a0_ref, a1_ref, w_ref, b_ref, o0, o1, o2, o3):
    acc = _dot_nt(a0_ref[...], w_ref[:, 0:CHUNK])
    acc += _dot_nt(a1_ref[...], w_ref[:, CHUNK:2 * CHUNK])
    res = jnp.maximum(acc + b_ref[...], 0.0)
    o0[...] = res[:, 0:CHUNK]
    o1[...] = res[:, CHUNK:2 * CHUNK]
    o2[...] = res[:, 2 * CHUNK:3 * CHUNK]
    o3[...] = res[:, 3 * CHUNK:4 * CHUNK]


def _matmul1(a0, a1, wt, b):
    return pl.pallas_call(
        _mm1_body,
        grid=(N // BM,),
        in_specs=[
            pl.BlockSpec((BM, CHUNK), lambda m: (m, 0)),
            pl.BlockSpec((BM, CHUNK), lambda m: (m, 0)),
            pl.BlockSpec((H1, D), lambda m: (0, 0)),
            pl.BlockSpec((1, H1), lambda m: (0, 0)),
        ],
        out_specs=[pl.BlockSpec((BM, CHUNK), lambda m: (m, 0))] * 4,
        out_shape=[jax.ShapeDtypeStruct((N, CHUNK), jnp.float32)] * 4,
    )(a0, a1, wt, b)


def _mm2_body(a0_ref, a1_ref, a2_ref, a3_ref, w_ref, b_ref, o_ref):
    acc = _dot_nt(a0_ref[...], w_ref[:, 0:CHUNK])
    acc += _dot_nt(a1_ref[...], w_ref[:, CHUNK:2 * CHUNK])
    acc += _dot_nt(a2_ref[...], w_ref[:, 2 * CHUNK:3 * CHUNK])
    acc += _dot_nt(a3_ref[...], w_ref[:, 3 * CHUNK:4 * CHUNK])
    o_ref[...] = jnp.maximum(acc + b_ref[...], 0.0)


def _matmul2(a0, a1, a2, a3, wt, b):
    return pl.pallas_call(
        _mm2_body,
        grid=(N // BM,),
        in_specs=[
            pl.BlockSpec((BM, CHUNK), lambda m: (m, 0)),
            pl.BlockSpec((BM, CHUNK), lambda m: (m, 0)),
            pl.BlockSpec((BM, CHUNK), lambda m: (m, 0)),
            pl.BlockSpec((BM, CHUNK), lambda m: (m, 0)),
            pl.BlockSpec((H2, H1), lambda m: (0, 0)),
            pl.BlockSpec((1, H2), lambda m: (0, 0)),
        ],
        out_specs=pl.BlockSpec((BM, H2), lambda m: (m, 0)),
        out_shape=jax.ShapeDtypeStruct((N, H2), jnp.float32),
    )(a0, a1, a2, a3, wt, b)


def kernel(x, edge_attr, W1, b1, W2, b2, edge_index):
    del edge_attr
    ei = edge_index.astype(jnp.int32)
    src = ei[0]
    dst = ei[1]
    zeros_nc = jnp.zeros((N_PAD, CHUNK), jnp.float32)

    segsum2, segsum4 = _build_segsum_kernels()

    a0, a1 = segsum2(x.reshape(2 * N, CHUNK), src, dst, zeros_nc)
    h0, h1, h2, h3 = _matmul1(a0, a1, W1, b1.reshape(1, H1))
    g0, g1, g2, g3 = segsum4(h0, h1, h2, h3, src, dst, zeros_nc)
    return _matmul2(g0, g1, g2, g3, W2, b2.reshape(1, H2))

# --- scband reference (transcript-rebuilt; emitter-appended) ---
"""Pipeline reference for scband-grafiti-encoder-module-2576980378072 (READ-ONLY COPY).

The authoritative reference and input builder live on the scoring server;
editing this copy changes nothing except your own understanding.
"""

import jax, jax.numpy as jnp
import numpy as np

N = 10000
E = 160000
D = 256
H1 = 512
H2 = 512


def setup_inputs(seed: int = 0) -> dict:
    key = jax.random.key(seed)
    k1, k2, k3, k4, k5, k6 = jax.random.split(key, 6)
    x = jax.random.normal(k1, (N, D), dtype=jnp.float32)
    edge_index = jax.random.randint(k2, (2, E), 0, N)
    edge_attr = jnp.ones((E,), dtype=jnp.float32)
    # Learned parameters for the two GrafitiEncoderLayer linear maps
    W1 = jax.random.normal(k3, (H1, D), dtype=jnp.float32) * (1.0 / np.sqrt(D))
    b1 = jax.random.normal(k4, (H1,), dtype=jnp.float32) * 0.01
    W2 = jax.random.normal(k5, (H2, H1), dtype=jnp.float32) * (1.0 / np.sqrt(H1))
    b2 = jax.random.normal(k6, (H2,), dtype=jnp.float32) * 0.01
    return {"x": x, "edge_attr": edge_attr, "W1": W1, "b1": b1, "W2": W2, "b2": b2, "edge_index": edge_index}


def _grafiti_layer(x, edge_index, edge_attr, W, b):
    # PyG MessagePassing default flow source_to_target:
    # x_j = x[edge_index[0]] (source), aggregated at edge_index[1] (target) with aggr='add'
    src = edge_index[0]
    dst = edge_index[1]
    msgs = x[src] / edge_attr[:, None]
    agg = jax.ops.segment_sum(msgs, dst, num_segments=x.shape[0])
    ret = agg @ W.T + b
    return jax.nn.leaky_relu(ret, negative_slope=0.01)


def reference(x, edge_attr, W1, b1, W2, b2, edge_index):
    h = _grafiti_layer(x, edge_index, edge_attr, W1, b1)
    h = jax.nn.relu(h)
    h = _grafiti_layer(h, edge_index, edge_attr, W2, b2)
    h = jax.nn.relu(h)
    return h

if __name__ == "__main__":
    import jax
    _d = setup_inputs()
    print(jax.jit(kernel)(*tuple(_d.values())))

</pallas_src>

<mosaic_0001>
#map = affine_map<(d0, d1) -> (0, 0)>
#map1 = affine_map<(d0, d1) -> (0)>
module attributes {stable_mosaic.version = 14 : i64} {
  func.func @segsum4(%arg0: i32, %arg1: i32, %arg2: memref<10000x128xf32, #tpu.memory_space<hbm>>, %arg3: memref<10000x128xf32, #tpu.memory_space<hbm>>, %arg4: memref<10000x128xf32, #tpu.memory_space<hbm>>, %arg5: memref<10000x128xf32, #tpu.memory_space<hbm>>, %arg6: memref<160000xi32, #tpu.memory_space<hbm>>, %arg7: memref<160000xi32, #tpu.memory_space<hbm>>, %arg8: memref<10240x128xf32, #tpu.memory_space<hbm>>, %arg9: memref<10240x128xf32, #tpu.memory_space<hbm>>, %arg10: memref<10240x128xf32, #tpu.memory_space<hbm>>, %arg11: memref<10240x128xf32, #tpu.memory_space<hbm>>, %arg12: memref<10240x128xf32, #tpu.memory_space<hbm>>, %arg13: memref<10000xi32, #tpu.memory_space<vmem>>, %arg14: memref<40xi32, #tpu.memory_space<vmem>>, %arg15: memref<40xi32, #tpu.memory_space<vmem>>, %arg16: memref<40xi32, #tpu.memory_space<vmem>>, %arg17: memref<40xi32, #tpu.memory_space<vmem>>, %arg18: memref<40xi32, #tpu.memory_space<vmem>>, %arg19: memref<40x128xf32, #tpu.memory_space<vmem>>, %arg20: memref<40x128xf32, #tpu.memory_space<vmem>>, %arg21: memref<40x128xf32, #tpu.memory_space<vmem>>, %arg22: memref<40x128xf32, #tpu.memory_space<vmem>>, %arg23: memref<40x128xf32, #tpu.memory_space<vmem>>, %arg24: memref<10240x128xf32, #tpu.memory_space<vmem_shared>>, %arg25: memref<!tpu.dma_semaphore, #tpu.memory_space<semaphore_mem>>, %arg26: memref<!tpu.dma_semaphore, #tpu.memory_space<semaphore_mem>>, %arg27: memref<!tpu.dma_semaphore, #tpu.memory_space<semaphore_mem>>, %arg28: memref<!tpu.dma_semaphore, #tpu.memory_space<semaphore_mem>>, %arg29: memref<!tpu.dma_semaphore, #tpu.memory_space<semaphore_mem>>, %arg30: memref<!tpu.dma_semaphore, #tpu.memory_space<semaphore_mem>>, %arg31: memref<!tpu.dma_semaphore, #tpu.memory_space<semaphore_mem>>, %arg32: memref<!tpu.dma_semaphore, #tpu.memory_space<semaphore_mem>>, %arg33: memref<!tpu.dma_semaphore, #tpu.memory_space<semaphore_mem>>, %arg34: memref<!tpu.dma_semaphore, #tpu.memory_space<semaphore_mem>>, %arg35: memref<!tpu.dma_semaphore, #tpu.memory_space<semaphore_mem>>, %arg36: memref<!tpu.dma_semaphore, #tpu.memory_space<semaphore_mem>>, %arg37: memref<!tpu.dma_semaphore, #tpu.memory_space<semaphore_mem>>, %arg38: memref<!tpu.dma_semaphore, #tpu.memory_space<semaphore_mem>>, %arg39: memref<!tpu.dma_semaphore, #tpu.memory_space<semaphore_mem>>) attributes {dimension_semantics = [#tpu.dimension_semantics<core_parallel>, #tpu.dimension_semantics<subcore_parallel>], iteration_bounds = array<i64: 2, 16>, scalar_prefetch = 0 : i64, scratch_operands = 27 : i64, tpu.core_type = #tpu.core_type<sc_vector_subcore>, window_params = [{transform_indices = #map}, {transform_indices = #map}, {transform_indices = #map}, {transform_indices = #map}, {transform_indices = #map1}, {transform_indices = #map1}, {transform_indices = #map}, {transform_indices = #map}, {transform_indices = #map}, {transform_indices = #map}, {transform_indices = #map}]} {
    %eq3A = arith.constant 0 : i32
    %eq3A_0 = arith.cmpi eq, %arg0, %eq3A : i32
    %convert_element_type3A = arith.extui %eq3A_0 : i1 to i32
    %cond3A = arith.constant 0 : i32
    %cond3A_1 = arith.cmpi ne, %convert_element_type3A, %cond3A : i32
    scf.if %cond3A_1 {
      %mul3A = arith.constant 640 : i32
      %mul3A_7 = arith.muli %arg1, %mul3A : i32
      %mul3A_8 = arith.constant 10000 : i32
      %mul3A_9 = arith.muli %arg1, %mul3A_8 : i32
      %dma_start3A = arith.constant 0 : i32
      %dma_start3A_10 = tpu.memref_slice %arg24[%mul3A_7, %dma_start3A] : memref<10240x128xf32, #tpu.memory_space<vmem_shared>> -> memref<640x128xf32, #tpu.memory_space<vmem_shared>>
      %dma_start3A_11 = arith.constant 0 : i32
      %dma_start3A_12 = tpu.memref_slice %arg8[%mul3A_7, %dma_start3A_11] : memref<10240x128xf32, #tpu.memory_space<hbm>> -> memref<640x128xf32, #tpu.memory_space<hbm>>
      tpu.enqueue_dma source(%dma_start3A_12 : memref<640x128xf32, #tpu.memory_space<hbm>>) target(%dma_start3A_10 : memref<640x128xf32, #tpu.memory_space<vmem_shared>>) target_semaphore(%arg25 : memref<!tpu.dma_semaphore, #tpu.memory_space<semaphore_mem>>)
      "tpu.region"() ({
        %run_scoped3A = tpu.sem_alloc : memref<!tpu.dma_semaphore, #tpu.memory_space<semaphore_mem>>
        %dma_start3A_109 = tpu.memref_slice %arg6[%mul3A_9] : memref<160000xi32, #tpu.memory_space<hbm>> -> memref<10000xi32, #tpu.memory_space<hbm>>
        %dma_start3A_110 = tpu.memref_slice %arg6[%mul3A_9] : memref<160000xi32, #tpu.memory_space<hbm>> -> memref<10000xi32, #tpu.memory_space<hbm>>
        tpu.enqueue_dma source(%dma_start3A_110 : memref<10000xi32, #tpu.memory_space<hbm>>) target(%arg13 : memref<10000xi32, #tpu.memory_space<vmem>>) target_semaphore(%run_scoped3A : memref<!tpu.dma_semaphore, #tpu.memory_space<semaphore_mem>>)
        %dma_wait3A_111 = tpu.memref_slice %arg6[%mul3A_9] : memref<160000xi32, #tpu.memory_space<hbm>> -> memref<10000xi32, #tpu.memory_space<hbm>>
        %dma_wait3A_112 = tpu.memref_slice %arg6[%mul3A_9] : memref<160000xi32, #tpu.memory_space<hbm>> -> memref<10000xi32, #tpu.memory_space<hbm>>
        tpu.wait_dma2 semaphore(%run_scoped3A : memref<!tpu.dma_semaphore, #tpu.memory_space<semaphore_mem>>) src(%dma_wait3A_112 : memref<10000xi32, #tpu.memory_space<hbm>>) dst(%arg13 : memref<10000xi32, #tpu.memory_space<vmem>>)
        tpu.yield
      }) : () -> ()
      %dma_wait3A = arith.constant 0 : i32
      %dma_wait3A_13 = tpu.memref_slice %arg24[%mul3A_7, %dma_wait3A] : memref<10240x128xf32, #tpu.memory_space<vmem_shared>> -> memref<640x128xf32, #tpu.memory_space<vmem_shared>>
      %dma_wait3A_14 = arith.constant 0 : i32
      %dma_wait3A_15 = tpu.memref_slice %arg8[%mul3A_7, %dma_wait3A_14] : memref<10240x128xf32, #tpu.memory_space<hbm>> -> memref<640x128xf32, #tpu.memory_space<hbm>>
      tpu.wait_dma2 semaphore(%arg25 : memref<!tpu.dma_semaphore, #tpu.memory_space<semaphore_mem>>) src(%dma_wait3A_15 : memref<640x128xf32, #tpu.memory_space<hbm>>) dst(%dma_wait3A_13 : memref<640x128xf32, #tpu.memory_space<vmem_shared>>)
      %barrier3A = arith.constant 0 : index
      tpu.barrier barrier_id(%barrier3A)
      %add3A = arith.constant 0 : i32
      %add3A_16 = arith.addi %mul3A_9, %add3A : i32
      %dma_start3A_17 = tpu.memref_slice %arg7[%add3A_16] : memref<160000xi32, #tpu.memory_space<hbm>> -> memref<40xi32, #tpu.memory_space<hbm>>
      %dma_start3A_18 = tpu.memref_slice %arg7[%add3A_16] : memref<160000xi32, #tpu.memory_space<hbm>> -> memref<40xi32, #tpu.memory_space<hbm>>
      tpu.enqueue_dma source(%dma_start3A_18 : memref<40xi32, #tpu.memory_space<hbm>>) target(%arg14 : memref<40xi32, #tpu.memory_space<vmem>>) target_semaphore(%arg30 : memref<!tpu.dma_semaphore, #tpu.memory_space<semaphore_mem>>)
      %dma_start3A_19 = arith.constant 0 : i32
      %dma_start3A_20 = tpu.memref_slice %arg13[%dma_start3A_19] : memref<10000xi32, #tpu.memory_space<vmem>> -> memref<40xi32, #tpu.memory_space<vmem>>
      %dma_start3A_21 = arith.constant 0 : i32
      %dma_start3A_22 = arith.constant 0 : i32
      %dma_start3A_23 = tpu.memref_slice %arg2[%dma_start3A_21, %dma_start3A_22] : memref<10000x128xf32, #tpu.memory_space<hbm>> -> memref<10000x128xf32, #tpu.memory_space<hbm>>
      tpu.enqueue_indirect_dma source(%dma_start3A_23 : memref<10000x128xf32, #tpu.memory_space<hbm>>) target(%arg19 : memref<40x128xf32, #tpu.memory_space<vmem>>) offsets(%dma_start3A_20 : memref<40xi32, #tpu.memory_space<vmem>>) semaphore(%arg25 : memref<!tpu.dma_semaphore, #tpu.memory_space<semaphore_mem>>)
      %add3A_24 = arith.constant 40 : i32
      %add3A_25 = arith.addi %mul3A_9, %add3A_24 : i32
      %dma_start3A_26 = tpu.memref_slice %arg7[%add3A_25] : memref<160000xi32, #tpu.memory_space<hbm>> -> memref<40xi32, #tpu.memory_space<hbm>>
      %dma_start3A_27 = tpu.memref_slice %arg7[%add3A_25] : memref<160000xi32, #tpu.memory_space<hbm>> -> memref<40xi32, #tpu.memory_space<hbm>>
      tpu.enqueue_dma source(%dma_start3A_27 : memref<40xi32, #tpu.memory_space<hbm>>) target(%arg15 : memref<40xi32, #tpu.memory_space<vmem>>) target_semaphore(%arg31 : memref<!tpu.dma_semaphore, #tpu.memory_space<semaphore_mem>>)
      %dma_start3A_28 = arith.constant 40 : i32
      %dma_start3A_29 = tpu.memref_slice %arg13[%dma_start3A_28] : memref<10000xi32, #tpu.memory_space<vmem>> -> memref<40xi32, #tpu.memory_space<vmem>>
      %dma_start3A_30 = arith.constant 0 : i32
      %dma_start3A_31 = arith.constant 0 : i32
      %dma_start3A_32 = tpu.memref_slice %arg2[%dma_start3A_30, %dma_start3A_31] : memref<10000x128xf32, #tpu.memory_space<hbm>> -> memref<10000x128xf32, #tpu.memory_space<hbm>>
      tpu.enqueue_indirect_dma source(%dma_start3A_32 : memref<10000x128xf32, #tpu.memory_space<hbm>>) target(%arg20 : memref<40x128xf32, #tpu.memory_space<vmem>>) offsets(%dma_start3A_29 : memref<40xi32, #tpu.memory_space<vmem>>) semaphore(%arg26 : memref<!tpu.dma_semaphore, #tpu.memory_space<semaphore_mem>>)
      %add3A_33 = arith.constant 80 : i32
      %add3A_34 = arith.addi %mul3A_9, %add3A_33 : i32
      %dma_start3A_35 = tpu.memref_slice %arg7[%add3A_34] : memref<160000xi32, #tpu.memory_space<hbm>> -> memref<40xi32, #tpu.memory_space<hbm>>
      %dma_start3A_36 = tpu.memref_slice %arg7[%add3A_34] : memref<160000xi32, #tpu.memory_space<hbm>> -> memref<40xi32, #tpu.memory_space<hbm>>
      tpu.enqueue_dma source(%dma_start3A_36 : memref<40xi32, #tpu.memory_space<hbm>>) target(%arg16 : memref<40xi32, #tpu.memory_space<vmem>>) target_semaphore(%arg32 : memref<!tpu.dma_semaphore, #tpu.memory_space<semaphore_mem>>)
      %dma_start3A_37 = arith.constant 80 : i32
      %dma_start3A_38 = tpu.memref_slice %arg13[%dma_start3A_37] : memref<10000xi32, #tpu.memory_space<vmem>> -> memref<40xi32, #tpu.memory_space<vmem>>
      %dma_start3A_39 = arith.constant 0 : i32
      %dma_start3A_40 = arith.constant 0 : i32
      %dma_start3A_41 = tpu.memref_slice %arg2[%dma_start3A_39, %dma_start3A_40] : memref<10000x128xf32, #tpu.memory_space<hbm>> -> memref<10000x128xf32, #tpu.memory_space<hbm>>
      tpu.enqueue_indirect_dma source(%dma_start3A_41 : memref<10000x128xf32, #tpu.memory_space<hbm>>) target(%arg21 : memref<40x128xf32, #tpu.memory_space<vmem>>) offsets(%dma_start3A_38 : memref<40xi32, #tpu.memory_space<vmem>>) semaphore(%arg27 : memref<!tpu.dma_semaphore, #tpu.memory_space<semaphore_mem>>)
      %scan3A = arith.constant 0 : i32
      %scan3A_42 = arith.constant 0 : i32
      %scan3A_43 = arith.constant 50 : i32
      %scan3A_44 = arith.addi %scan3A_42, %scan3A_43 : i32
      %scan3A_45 = arith.constant 1 : i32
      %scan3A_46 = scf.for %scan3A_109 = %scan3A_42 to %scan3A_44 step %scan3A_45 iter_args(%scan3A_110 = %scan3A) -> (i32)  : i32 {
        %mul3A_111 = arith.constant 5 : i32
        %mul3A_112 = arith.muli %mul3A_111, %scan3A_109 : i32
        %add3A_113 = arith.constant 0 : i32
        %add3A_114 = arith.addi %mul3A_112, %add3A_113 : i32
        %mul3A_115 = arith.constant 40 : i32
        %mul3A_116 = arith.muli %add3A_114, %mul3A_115 : i32
        %add3A_117 = arith.addi %mul3A_9, %mul3A_116 : i32
        %dma_wait3A_118 = tpu.memref_slice %arg7[%add3A_117] : memref<160000xi32, #tpu.memory_space<hbm>> -> memref<40xi32, #tpu.memory_space<hbm>>
        %dma_wait3A_119 = tpu.memref_slice %arg7[%add3A_117] : memref<160000xi32, #tpu.memory_space<hbm>> -> memref<40xi32, #tpu.memory_space<hbm>>
        tpu.wait_dma2 semaphore(%arg30 : memref<!tpu.dma_semaphore, #tpu.memory_space<semaphore_mem>>) src(%dma_wait3A_119 : memref<40xi32, #tpu.memory_space<hbm>>) dst(%arg14 : memref<40xi32, #tpu.memory_space<vmem>>)
        %mul3A_120 = arith.constant 40 : i32
        %mul3A_121 = arith.muli %add3A_114, %mul3A_120 : i32
        %dma_wait3A_122 = tpu.memref_slice %arg13[%mul3A_121] : memref<10000xi32, #tpu.memory_space<vmem>> -> memref<40xi32, #tpu.memory_space<vmem>>
        %dma_wait3A_123 = arith.constant 0 : i32
        %dma_wait3A_124 = arith.constant 0 : i32
        %dma_wait3A_125 = tpu.memref_slice %arg2[%dma_wait3A_123, %dma_wait3A_124] : memref<10000x128xf32, #tpu.memory_space<hbm>> -> memref<10000x128xf32, #tpu.memory_space<hbm>>
        tpu.wait_indirect_dma semaphore(%arg25 : memref<!tpu.dma_semaphore, #tpu.memory_space<semaphore_mem>>) src(%dma_wait3A_125 : memref<10000x128xf32, #tpu.memory_space<hbm>>) dst(%arg19 : memref<40x128xf32, #tpu.memory_space<vmem>>)
        %dma_start3A_126 = arith.constant 0 : i32
        %dma_start3A_127 = arith.constant 0 : i32
        %dma_start3A_128 = tpu.memref_slice %arg24[%dma_start3A_126, %dma_start3A_127] : memref<10240x128xf32, #tpu.memory_space<vmem_shared>> -> memref<10240x128xf32, #tpu.memory_space<vmem_shared>>
        tpu.enqueue_indirect_dma source(%arg19 : memref<40x128xf32, #tpu.memory_space<vmem>>) target(%dma_start3A_128 : memref<10240x128xf32, #tpu.memory_space<vmem_shared>>) offsets(%arg14 : memref<40xi32, #tpu.memory_space<vmem>>) semaphore(%arg35 : memref<!tpu.dma_semaphore, #tpu.memory_space<semaphore_mem>>) {add = true}
        %gt3A = arith.constant 0 : i32
        %gt3A_129 = arith.cmpi sgt, %scan3A_109, %gt3A : i32
        %convert_element_type3A_130 = arith.extui %gt3A_129 : i1 to i32
        %cond3A_131 = arith.constant 0 : i32
        %cond3A_132 = arith.cmpi ne, %convert_element_type3A_130, %cond3A_131 : i32
        scf.if %cond3A_132 {
          %dma_wait3A_260 = arith.constant 0 : i32
          %dma_wait3A_261 = arith.constant 0 : i32
          %dma_wait3A_262 = tpu.memref_slice %arg24[%dma_wait3A_260, %dma_wait3A_261] : memref<10240x128xf32, #tpu.memory_space<vmem_shared>> -> memref<10240x128xf32, #tpu.memory_space<vmem_shared>>
          tpu.wait_indirect_dma semaphore(%arg38 : memref<!tpu.dma_semaphore, #tpu.memory_space<semaphore_mem>>) src(%arg22 : memref<40x128xf32, #tpu.memory_space<vmem>>) dst(%dma_wait3A_262 : memref<10240x128xf32, #tpu.memory_space<vmem_shared>>)
        } else {
        }
        %add3A_133 = arith.constant 3 : i32
        %add3A_134 = arith.addi %add3A_114, %add3A_133 : i32
        %mul3A_135 = arith.constant 40 : i32
        %mul3A_136 = arith.muli %add3A_134, %mul3A_135 : i32
        %add3A_137 = arith.addi %mul3A_9, %mul3A_136 : i32
        %dma_start3A_138 = tpu.memref_slice %arg7[%add3A_137] : memref<160000xi32, #tpu.memory_space<hbm>> -> memref<40xi32, #tpu.memory_space<hbm>>
        %dma_start3A_139 = tpu.memref_slice %arg7[%add3A_137] : memref<160000xi32, #tpu.memory_space<hbm>> -> memref<40xi32, #tpu.memory_space<hbm>>
        tpu.enqueue_dma source(%dma_start3A_139 : memref<40xi32, #tpu.memory_space<hbm>>) target(%arg17 : memref<40xi32, #tpu.memory_space<vmem>>) target_semaphore(%arg33 : memref<!tpu.dma_semaphore, #tpu.memory_space<semaphore_mem>>)
        %mul3A_140 = arith.constant 40 : i32
        %mul3A_141 = arith.muli %add3A_134, %mul3A_140 : i32
        %dma_start3A_142 = tpu.memref_slice %arg13[%mul3A_141] : memref<10000xi32, #tpu.memory_space<vmem>> -> memref<40xi32, #tpu.memory_space<vmem>>
        %dma_start3A_143 = arith.constant 0 : i32
        %dma_start3A_144 = arith.constant 0 : i32
        %dma_start3A_145 = tpu.memref_slice %arg2[%dma_start3A_143, %dma_start3A_144] : memref<10000x128xf32, #tpu.memory_space<hbm>> -> memref<10000x128xf32, #tpu.memory_space<hbm>>
        tpu.enqueue_indirect_dma source(%dma_start3A_145 : memref<10000x128xf32, #tpu.memory_space<hbm>>) target(%arg22 : memref<40x128xf32, #tpu.memory_space<vmem>>) offsets(%dma_start3A_142 : memref<40xi32, #tpu.memory_space<vmem>>) semaphore(%arg28 : memref<!tpu.dma_semaphore, #tpu.memory_space<semaphore_mem>>)
        %mul3A_146 = arith.constant 5 : i32
        %mul3A_147 = arith.muli %mul3A_146, %scan3A_109 : i32
        %add3A_148 = arith.constant 1 : i32
        %add3A_149 = arith.addi %mul3A_147, %add3A_148 : i32
        %mul3A_150 = arith.constant 40 : i32
        %mul3A_151 = arith.muli %add3A_149, %mul3A_150 : i32
        %add3A_152 = arith.addi %mul3A_9, %mul3A_151 : i32
        %dma_wait3A_153 = tpu.memref_slice %arg7[%add3A_152] : memref<160000xi32, #tpu.memory_space<hbm>> -> memref<40xi32, #tpu.memory_space<hbm>>
        %dma_wait3A_154 = tpu.memref_slice %arg7[%add3A_152] : memref<160000xi32, #tpu.memory_space<hbm>> -> memref<40xi32, #tpu.memory_space<hbm>>
        tpu.wait_dma2 semaphore(%arg31 : memref<!tpu.dma_semaphore, #tpu.memory_space<semaphore_mem>>) src(%dma_wait3A_154 : memref<40xi32, #tpu.memory_space<hbm>>) dst(%arg15 : memref<40xi32, #tpu.memory_space<vmem>>)
        %mul3A_155 = arith.constant 40 : i32
        %mul3A_156 = arith.muli %add3A_149, %mul3A_155 : i32
        %dma_wait3A_157 = tpu.memref_slice %arg13[%mul3A_156] : memref<10000xi32, #tpu.memory_space<vmem>> -> memref<40xi32, #tpu.memory_space<vmem>>
        %dma_wait3A_158 = arith.constant 0 : i32
        %dma_wait3A_159 = arith.constant 0 : i32
        %dma_wait3A_160 = tpu.memref_slice %arg2[%dma_wait3A_158, %dma_wait3A_159] : memref<10000x128xf32, #tpu.memory_space<hbm>> -> memref<10000x128xf32, #tpu.memory_space<hbm>>
        tpu.wait_indirect_dma semaphore(%arg26 : memref<!tpu.dma_semaphore, #tpu.memory_space<semaphore_mem>>) src(%dma_wait3A_160 : memref<10000x128xf32, #tpu.memory_space<hbm>>) dst(%arg20 : memref<40x128xf32, #tpu.memory_space<vmem>>)
        %dma_start3A_161 = arith.constant 0 : i32
        %dma_start3A_162 = arith.constant 0 : i32
        %dma_start3A_163 = tpu.memref_slice %arg24[%dma_start3A_161, %dma_start3A_162] : memref<10240x128xf32, #tpu.memory_space<vmem_shared>> -> memref<10240x128xf32, #tpu.memory_space<vmem_shared>>
        tpu.enqueue_indirect_dma source(%arg20 : memref<40x128xf32, #tpu.memory_space<vmem>>) target(%dma_start3A_163 : memref<10240x128xf32, #tpu.memory_space<vmem_shared>>) offsets(%arg15 : memref<40xi32, #tpu.memory_space<vmem>>) semaphore(%arg36 : memref<!tpu.dma_semaphore, #tpu.memory_space<semaphore_mem>>) {add = true}
        %gt3A_164 = arith.constant 0 : i32
        %gt3A_165 = arith.cmpi sgt, %scan3A_109, %gt3A_164 : i32
        %convert_element_type3A_166 = arith.extui %gt3A_165 : i1 to i32
        %cond3A_167 = arith.constant 0 : i32
        %cond3A_168 = arith.cmpi ne, %convert_element_type3A_166, %cond3A_167 : i32
        scf.if %cond3A_168 {
          %dma_wait3A_260 = arith.constant 0 : i32
          %dma_wait3A_261 = arith.constant 0 : i32
          %dma_wait3A_262 = tpu.memref_slice %arg24[%dma_wait3A_260, %dma_wait3A_261] : memref<10240x128xf32, #tpu.memory_space<vmem_shared>> -> memref<10240x128xf32, #tpu.memory_space<vmem_shared>>
          tpu.wait_indirect_dma semaphore(%arg39 : memref<!tpu.dma_semaphore, #tpu.memory_space<semaphore_mem>>) src(%arg23 : memref<40x128xf32, #tpu.memory_space<vmem>>) dst(%dma_wait3A_262 : memref<10240x128xf32, #tpu.memory_space<vmem_shared>>)
        } else {
        }
        %add3A_169 = arith.constant 3 : i32
        %add3A_170 = arith.addi %add3A_149, %add3A_169 : i32
        %mul3A_171 = arith.constant 40 : i32
        %mul3A_172 = arith.muli %add3A_170, %mul3A_171 : i32
        %add3A_173 = arith.addi %mul3A_9, %mul3A_172 : i32
        %dma_start3A_174 = tpu.memref_slice %arg7[%add3A_173] : memref<160000xi32, #tpu.memory_space<hbm>> -> memref<40xi32, #tpu.memory_space<hbm>>
        %dma_start3A_175 = tpu.memref_slice %arg7[%add3A_173] : memref<160000xi32, #tpu.memory_space<hbm>> -> memref<40xi32, #tpu.memory_space<hbm>>
        tpu.enqueue_dma source(%dma_start3A_175 : memref<40xi32, #tpu.memory_space<hbm>>) target(%arg18 : memref<40xi32, #tpu.memory_space<vmem>>) target_semaphore(%arg34 : memref<!tpu.dma_semaphore, #tpu.memory_space<semaphore_mem>>)
        %mul3A_176 = arith.constant 40 : i32
        %mul3A_177 = arith.muli %add3A_170, %mul3A_176 : i32
        %dma_start3A_178 = tpu.memref_slice %arg13[%mul3A_177] : memref<10000xi32, #tpu.memory_space<vmem>> -> memref<40xi32, #tpu.memory_space<vmem>>
        %dma_start3A_179 = arith.constant 0 : i32
        %dma_start3A_180 = arith.constant 0 : i32
        %dma_start3A_181 = tpu.memref_slice %arg2[%dma_start3A_179, %dma_start3A_180] : memref<10000x128xf32, #tpu.memory_space<hbm>> -> memref<10000x128xf32, #tpu.memory_space<hbm>>
        tpu.enqueue_indirect_dma source(%dma_start3A_181 : memref<10000x128xf32, #tpu.memory_space<hbm>>) target(%arg23 : memref<40x128xf32, #tpu.memory_space<vmem>>) offsets(%dma_start3A_178 : memref<40xi32, #tpu.memory_space<vmem>>) semaphore(%arg29 : memref<!tpu.dma_semaphore, #tpu.memory_space<semaphore_mem>>)
        %mul3A_182 = arith.constant 5 : i32
        %mul3A_183 = arith.muli %mul3A_182, %scan3A_109 : i32
        %add3A_184 = arith.constant 2 : i32
        %add3A_185 = arith.addi %mul3A_183, %add3A_184 : i32
        %mul3A_186 = arith.constant 40 : i32
        %mul3A_187 = arith.muli %add3A_185, %mul3A_186 : i32
        %add3A_188 = arith.addi %mul3A_9, %mul3A_187 : i32
        %dma_wait3A_189 = tpu.memref_slice %arg7[%add3A_188] : memref<160000xi32, #tpu.memory_space<hbm>> -> memref<40xi32, #tpu.memory_space<hbm>>
        %dma_wait3A_190 = tpu.memref_slice %arg7[%add3A_188] : memref<160000xi32, #tpu.memory_space<hbm>> -> memref<40xi32, #tpu.memory_space<hbm>>
        tpu.wait_dma2 semaphore(%arg32 : memref<!tpu.dma_semaphore, #tpu.memory_space<semaphore_mem>>) src(%dma_wait3A_190 : memref<40xi32, #tpu.memory_space<hbm>>) dst(%arg16 : memref<40xi32, #tpu.memory_space<vmem>>)
        %mul3A_191 = arith.constant 40 : i32
        %mul3A_192 = arith.muli %add3A_185, %mul3A_191 : i32
        %dma_wait3A_193 = tpu.memref_slice %arg13[%mul3A_192] : memref<10000xi32, #tpu.memory_space<vmem>> -> memref<40xi32, #tpu.memory_space<vmem>>
        %dma_wait3A_194 = arith.constant 0 : i32
        %dma_wait3A_195 = arith.constant 0 : i32
        %dma_wait3A_196 = tpu.memref_slice %arg2[%dma_wait3A_194, %dma_wait3A_195] : memref<10000x128xf32, #tpu.memory_space<hbm>> -> memref<10000x128xf32, #tpu.memory_space<hbm>>
        tpu.wait_indirect_dma semaphore(%arg27 : memref<!tpu.dma_semaphore, #tpu.memory_space<semaphore_mem>>) src(%dma_wait3A_196 : memref<10000x128xf32, #tpu.memory_space<hbm>>) dst(%arg21 : memref<40x128xf32, #tpu.memory_space<vmem>>)
        %dma_start3A_197 = arith.constant 0 : i32
        %dma_start3A_198 = arith.constant 0 : i32
        %dma_start3A_199 = tpu.memref_slice %arg24[%dma_start3A_197, %dma_start3A_198] : memref<10240x128xf32, #tpu.memory_space<vmem_shared>> -> memref<10240x128xf32, #tpu.memory_space<vmem_shared>>
        tpu.enqueue_indirect_dma source(%arg21 : memref<40x128xf32, #tpu.memory_space<vmem>>) target(%dma_start3A_199 : memref<10240x128xf32, #tpu.memory_space<vmem_shared>>) offsets(%arg16 : memref<40xi32, #tpu.memory_space<vmem>>) semaphore(%arg37 : memref<!tpu.dma_semaphore, #tpu.memory_space<semaphore_mem>>) {add = true}
        %dma_wait3A_200 = arith.constant 0 : i32
        %dma_wait3A_201 = arith.constant 0 : i32
        %dma_wait3A_202 = tpu.memref_slice %arg24[%dma_wait3A_200, %dma_wait3A_201] : memref<10240x128xf32, #tpu.memory_space<vmem_shared>> -> memref<10240x128xf32, #tpu.memory_space<vmem_shared>>
        tpu.wait_indirect_dma semaphore(%arg35 : memref<!tpu.dma_semaphore, #tpu.memory_space<semaphore_mem>>) src(%arg19 : memref<40x128xf32, #tpu.memory_space<vmem>>) dst(%dma_wait3A_202 : memref<10240x128xf32, #tpu.memory_space<vmem_shared>>)
        %lt3A = arith.constant 49 : i32
        %lt3A_203 = arith.cmpi slt, %scan3A_109, %lt3A : i32
        %convert_element_type3A_204 = arith.extui %lt3A_203 : i1 to i32
        %cond3A_205 = arith.constant 0 : i32
        %cond3A_206 = arith.cmpi ne, %convert_element_type3A_204, %cond3A_205 : i32
        scf.if %cond3A_206 {
          %add3A_260 = arith.constant 3 : i32
          %add3A_261 = arith.addi %add3A_185, %add3A_260 : i32
          %mul3A_262 = arith.constant 40 : i32
          %mul3A_263 = arith.muli %add3A_261, %mul3A_262 : i32
          %add3A_264 = arith.addi %mul3A_9, %mul3A_263 : i32
          %dma_start3A_265 = tpu.memref_slice %arg7[%add3A_264] : memref<160000xi32, #tpu.memory_space<hbm>> -> memref<40xi32, #tpu.memory_space<hbm>>
          %dma_start3A_266 = tpu.memref_slice %arg7[%add3A_264] : memref<160000xi32, #tpu.memory_space<hbm>> -> memref<40xi32, #tpu.memory_space<hbm>>
          tpu.enqueue_dma source(%dma_start3A_266 : memref<40xi32, #tpu.memory_space<hbm>>) target(%arg14 : memref<40xi32, #tpu.memory_space<vmem>>) target_semaphore(%arg30 : memref<!tpu.dma_semaphore, #tpu.memory_space<semaphore_mem>>)
          %mul3A_267 = arith.constant 40 : i32
          %mul3A_268 = arith.muli %add3A_261, %mul3A_267 : i32
          %dma_start3A_269 = tpu.memref_slice %arg13[%mul3A_268] : memref<10000xi32, #tpu.memory_space<vmem>> -> memref<40xi32, #tpu.memory_space<vmem>>
          %dma_start3A_270 = arith.constant 0 : i32
          %dma_start3A_271 = arith.constant 0 : i32
          %dma_start3A_272 = tpu.memref_slice %arg2[%dma_start3A_270, %dma_start3A_271] : memref<10000x128xf32, #tpu.memory_space<hbm>> -> memref<10000x128xf32, #tpu.memory_space<hbm>>
          tpu.enqueue_indirect_dma source(%dma_start3A_272 : memref<10000x128xf32, #tpu.memory_space<hbm>>) target(%arg19 : memref<40x128xf32, #tpu.memory_space<vmem>>) offsets(%dma_start3A_269 : memref<40xi32, #tpu.memory_space<vmem>>) semaphore(%arg25 : memref<!tpu.dma_semaphore, #tpu.memory_space<semaphore_mem>>)
        } else {
        }
        %mul3A_207 = arith.constant 5 : i32
        %mul3A_208 = arith.muli %mul3A_207, %scan3A_109 : i32
        %add3A_209 = arith.constant 3 : i32
        %add3A_210 = arith.addi %mul3A_208, %add3A_209 : i32
        %mul3A_211 = arith.constant 40 : i32
        %mul3A_212 = arith.muli %add3A_210, %mul3A_211 : i32
        %add3A_213 = arith.addi %mul3A_9, %mul3A_212 : i32
        %dma_wait3A_214 = tpu.memref_slice %arg7[%add3A_213] : memref<160000xi32, #tpu.memory_space<hbm>> -> memref<40xi32, #tpu.memory_space<hbm>>
        %dma_wait3A_215 = tpu.memref_slice %arg7[%add3A_213] : memref<160000xi32, #tpu.memory_space<hbm>> -> memref<40xi32, #tpu.memory_space<hbm>>
        tpu.wait_dma2 semaphore(%arg33 : memref<!tpu.dma_semaphore, #tpu.memory_space<semaphore_mem>>) src(%dma_wait3A_215 : memref<40xi32, #tpu.memory_space<hbm>>) dst(%arg17 : memref<40xi32, #tpu.memory_space<vmem>>)
        %mul3A_216 = arith.constant 40 : i32
        %mul3A_217 = arith.muli %add3A_210, %mul3A_216 : i32
        %dma_wait3A_218 = tpu.memref_slice %arg13[%mul3A_217] : memref<10000xi32, #tpu.memory_space<vmem>> -> memref<40xi32, #tpu.memory_space<vmem>>
        %dma_wait3A_219 = arith.constant 0 : i32
        %dma_wait3A_220 = arith.constant 0 : i32
        %dma_wait3A_221 = tpu.memref_slice %arg2[%dma_wait3A_219, %dma_wait3A_220] : memref<10000x128xf32, #tpu.memory_space<hbm>> -> memref<10000x128xf32, #tpu.memory_space<hbm>>
        tpu.wait_indirect_dma semaphore(%arg28 : memref<!tpu.dma_semaphore, #tpu.memory_space<semaphore_mem>>) src(%dma_wait3A_221 : memref<10000x128xf32, #tpu.memory_space<hbm>>) dst(%arg22 : memref<40x128xf32, #tpu.memory_space<vmem>>)
        %dma_start3A_222 = arith.constant 0 : i32
        %dma_start3A_223 = arith.constant 0 : i32
        %dma_start3A_224 = tpu.memref_slice %arg24[%dma_start3A_222, %dma_start3A_223] : memref<10240x128xf32, #tpu.memory_space<vmem_shared>> -> memref<10240x128xf32, #tpu.memory_space<vmem_shared>>
        tpu.enqueue_indirect_dma source(%arg22 : memref<40x128xf32, #tpu.memory_space<vmem>>) target(%dma_start3A_224 : memref<10240x128xf32, #tpu.memory_space<vmem_shared>>) offsets(%arg17 : memref<40xi32, #tpu.memory_space<vmem>>) semaphore(%arg38 : memref<!tpu.dma_semaphore, #tpu.memory_space<semaphore_mem>>) {add = true}
        %dma_wait3A_225 = arith.constant 0 : i32
        %dma_wait3A_226 = arith.constant 0 : i32
        %dma_wait3A_227 = tpu.memref_slice %arg24[%dma_wait3A_225, %dma_wait3A_226] : memref<10240x128xf32, #tpu.memory_space<vmem_shared>> -> memref<10240x128xf32, #tpu.memory_space<vmem_shared>>
        tpu.wait_indirect_dma semaphore(%arg36 : memref<!tpu.dma_semaphore, #tpu.memory_space<semaphore_mem>>) src(%arg20 : memref<40x128xf32, #tpu.memory_space<vmem>>) dst(%dma_wait3A_227 : memref<10240x128xf32, #tpu.memory_space<vmem_shared>>)
        %lt3A_228 = arith.constant 49 : i32
        %lt3A_229 = arith.cmpi slt, %scan3A_109, %lt3A_228 : i32
        %convert_element_type3A_230 = arith.extui %lt3A_229 : i1 to i32
        %cond3A_231 = arith.constant 0 : i32
        %cond3A_232 = arith.cmpi ne, %convert_element_type3A_230, %cond3A_231 : i32
        scf.if %cond3A_232 {
          %add3A_260 = arith.constant 3 : i32
          %add3A_261 = arith.addi %add3A_210, %add3A_260 : i32
          %mul3A_262 = arith.constant 40 : i32
          %mul3A_263 = arith.muli %add3A_261, %mul3A_262 : i32
          %add3A_264 = arith.addi %mul3A_9, %mul3A_263 : i32
          %dma_start3A_265 = tpu.memref_slice %arg7[%add3A_264] : memref<160000xi32, #tpu.memory_space<hbm>> -> memref<40xi32, #tpu.memory_space<hbm>>
          %dma_start3A_266 = tpu.memref_slice %arg7[%add3A_264] : memref<160000xi32, #tpu.memory_space<hbm>> -> memref<40xi32, #tpu.memory_space<hbm>>
          tpu.enqueue_dma source(%dma_start3A_266 : memref<40xi32, #tpu.memory_space<hbm>>) target(%arg15 : memref<40xi32, #tpu.memory_space<vmem>>) target_semaphore(%arg31 : memref<!tpu.dma_semaphore, #tpu.memory_space<semaphore_mem>>)
          %mul3A_267 = arith.constant 40 : i32
          %mul3A_268 = arith.muli %add3A_261, %mul3A_267 : i32
          %dma_start3A_269 = tpu.memref_slice %arg13[%mul3A_268] : memref<10000xi32, #tpu.memory_space<vmem>> -> memref<40xi32, #tpu.memory_space<vmem>>
          %dma_start3A_270 = arith.constant 0 : i32
          %dma_start3A_271 = arith.constant 0 : i32
          %dma_start3A_272 = tpu.memref_slice %arg2[%dma_start3A_270, %dma_start3A_271] : memref<10000x128xf32, #tpu.memory_space<hbm>> -> memref<10000x128xf32, #tpu.memory_space<hbm>>
          tpu.enqueue_indirect_dma source(%dma_start3A_272 : memref<10000x128xf32, #tpu.memory_space<hbm>>) target(%arg20 : memref<40x128xf32, #tpu.memory_space<vmem>>) offsets(%dma_start3A_269 : memref<40xi32, #tpu.memory_space<vmem>>) semaphore(%arg26 : memref<!tpu.dma_semaphore, #tpu.memory_space<semaphore_mem>>)
        } else {
        }
        %mul3A_233 = arith.constant 5 : i32
        %mul3A_234 = arith.muli %mul3A_233, %scan3A_109 : i32
        %add3A_235 = arith.constant 4 : i32
        %add3A_236 = arith.addi %mul3A_234, %add3A_235 : i32
        %mul3A_237 = arith.constant 40 : i32
        %mul3A_238 = arith.muli %add3A_236, %mul3A_237 : i32
        %add3A_239 = arith.addi %mul3A_9, %mul3A_238 : i32
        %dma_wait3A_240 = tpu.memref_slice %arg7[%add3A_239] : memref<160000xi32, #tpu.memory_space<hbm>> -> memref<40xi32, #tpu.memory_space<hbm>>
        %dma_wait3A_241 = tpu.memref_slice %arg7[%add3A_239] : memref<160000xi32, #tpu.memory_space<hbm>> -> memref<40xi32, #tpu.memory_space<hbm>>
        tpu.wait_dma2 semaphore(%arg34 : memref<!tpu.dma_semaphore, #tpu.memory_space<semaphore_mem>>) src(%dma_wait3A_241 : memref<40xi32, #tpu.memory_space<hbm>>) dst(%arg18 : memref<40xi32, #tpu.memory_space<vmem>>)
        %mul3A_242 = arith.constant 40 : i32
        %mul3A_243 = arith.muli %add3A_236, %mul3A_242 : i32
        %dma_wait3A_244 = tpu.memref_slice %arg13[%mul3A_243] : memref<10000xi32, #tpu.memory_space<vmem>> -> memref<40xi32, #tpu.memory_space<vmem>>
        %dma_wait3A_245 = arith.constant 0 : i32
        %dma_wait3A_246 = arith.constant 0 : i32
        %dma_wait3A_247 = tpu.memref_slice %arg2[%dma_wait3A_245, %dma_wait3A_246] : memref<10000x128xf32, #tpu.memory_space<hbm>> -> memref<10000x128xf32, #tpu.memory_space<hbm>>
        tpu.wait_indirect_dma semaphore(%arg29 : memref<!tpu.dma_semaphore, #tpu.memory_space<semaphore_mem>>) src(%dma_wait3A_247 : memref<10000x128xf32, #tpu.memory_space<hbm>>) dst(%arg23 : memref<40x128xf32, #tpu.memory_space<vmem>>)
        %dma_start3A_248 = arith.constant 0 : i32
        %dma_start3A_249 = arith.constant 0 : i32
        %dma_start3A_250 = tpu.memref_slice %arg24[%dma_start3A_248, %dma_start3A_249] : memref<10240x128xf32, #tpu.memory_space<vmem_shared>> -> memref<10240x128xf32, #tpu.memory_space<vmem_shared>>
        tpu.enqueue_indirect_dma source(%arg23 : memref<40x128xf32, #tpu.memory_space<vmem>>) target(%dma_start3A_250 : memref<10240x128xf32, #tpu.memory_space<vmem_shared>>) offsets(%arg18 : memref<40xi32, #tpu.memory_space<vmem>>) semaphore(%arg39 : memref<!tpu.dma_semaphore, #tpu.memory_space<semaphore_mem>>) {add = true}
        %dma_wait3A_251 = arith.constant 0 : i32
        %dma_wait3A_252 = arith.constant 0 : i32
        %dma_wait3A_253 = tpu.memref_slice %arg24[%dma_wait3A_251, %dma_wait3A_252] : memref<10240x128xf32, #tpu.memory_space<vmem_shared>> -> memref<10240x128xf32, #tpu.memory_space<vmem_shared>>
        tpu.wait_indirect_dma semaphore(%arg37 : memref<!tpu.dma_semaphore, #tpu.memory_space<semaphore_mem>>) src(%arg21 : memref<40x128xf32, #tpu.memory_space<vmem>>) dst(%dma_wait3A_253 : memref<10240x128xf32, #tpu.memory_space<vmem_shared>>)
        %lt3A_254 = arith.constant 49 : i32
        %lt3A_255 = arith.cmpi slt, %scan3A_109, %lt3A_254 : i32
        %convert_element_type3A_256 = arith.extui %lt3A_255 : i1 to i32
        %cond3A_257 = arith.constant 0 : i32
        %cond3A_258 = arith.cmpi ne, %convert_element_type3A_256, %cond3A_257 : i32
        scf.if %cond3A_258 {
          %add3A_260 = arith.constant 3 : i32
          %add3A_261 = arith.addi %add3A_236, %add3A_260 : i32
          %mul3A_262 = arith.constant 40 : i32
          %mul3A_263 = arith.muli %add3A_261, %mul3A_262 : i32
          %add3A_264 = arith.addi %mul3A_9, %mul3A_263 : i32
          %dma_start3A_265 = tpu.memref_slice %arg7[%add3A_264] : memref<160000xi32, #tpu.memory_space<hbm>> -> memref<40xi32, #tpu.memory_space<hbm>>
          %dma_start3A_266 = tpu.memref_slice %arg7[%add3A_264] : memref<160000xi32, #tpu.memory_space<hbm>> -> memref<40xi32, #tpu.memory_space<hbm>>
          tpu.enqueue_dma source(%dma_start3A_266 : memref<40xi32, #tpu.memory_space<hbm>>) target(%arg16 : memref<40xi32, #tpu.memory_space<vmem>>) target_semaphore(%arg32 : memref<!tpu.dma_semaphore, #tpu.memory_space<semaphore_mem>>)
          %mul3A_267 = arith.constant 40 : i32
          %mul3A_268 = arith.muli %add3A_261, %mul3A_267 : i32
          %dma_start3A_269 = tpu.memref_slice %arg13[%mul3A_268] : memref<10000xi32, #tpu.memory_space<vmem>> -> memref<40xi32, #tpu.memory_space<vmem>>
          %dma_start3A_270 = arith.constant 0 : i32
          %dma_start3A_271 = arith.constant 0 : i32
          %dma_start3A_272 = tpu.memref_slice %arg2[%dma_start3A_270, %dma_start3A_271] : memref<10000x128xf32, #tpu.memory_space<hbm>> -> memref<10000x128xf32, #tpu.memory_space<hbm>>
          tpu.enqueue_indirect_dma source(%dma_start3A_272 : memref<10000x128xf32, #tpu.memory_space<hbm>>) target(%arg21 : memref<40x128xf32, #tpu.memory_space<vmem>>) offsets(%dma_start3A_269 : memref<40xi32, #tpu.memory_space<vmem>>) semaphore(%arg27 : memref<!tpu.dma_semaphore, #tpu.memory_space<semaphore_mem>>)
        } else {
        }
        %scan3A_259 = arith.constant 0 : i32
        scf.yield %scan3A_259 : i32
      }
      %scan3A_47 = arith.constant 50 : i32
      %dma_wait3A_48 = arith.constant 0 : i32
      %dma_wait3A_49 = arith.constant 0 : i32
      %dma_wait3A_50 = tpu.memref_slice %arg24[%dma_wait3A_48, %dma_wait3A_49] : memref<10240x128xf32, #tpu.memory_space<vmem_shared>> -> memref<10240x128xf32, #tpu.memory_space<vmem_shared>>
      tpu.wait_indirect_dma semaphore(%arg38 : memref<!tpu.dma_semaphore, #tpu.memory_space<semaphore_mem>>) src(%arg22 : memref<40x128xf32, #tpu.memory_space<vmem>>) dst(%dma_wait3A_50 : memref<10240x128xf32, #tpu.memory_space<vmem_shared>>)
      %dma_wait3A_51 = arith.constant 0 : i32
      %dma_wait3A_52 = arith.constant 0 : i32
      %dma_wait3A_53 = tpu.memref_slice %arg24[%dma_wait3A_51, %dma_wait3A_52] : memref<10240x128xf32, #tpu.memory_space<vmem_shared>> -> memref<10240x128xf32, #tpu.memory_space<vmem_shared>>
      tpu.wait_indirect_dma semaphore(%arg39 : memref<!tpu.dma_semaphore, #tpu.memory_space<semaphore_mem>>) src(%arg23 : memref<40x128xf32, #tpu.memory_space<vmem>>) dst(%dma_wait3A_53 : memref<10240x128xf32, #tpu.memory_space<vmem_shared>>)
      %barrier3A_54 = arith.constant 0 : index
      tpu.barrier barrier_id(%barrier3A_54)
      "tpu.region"() ({
        %run_scoped3A = tpu.sem_alloc : memref<!tpu.dma_semaphore, #tpu.memory_space<semaphore_mem>>
        %dma_start3A_109 = arith.constant 0 : i32
        %dma_start3A_110 = tpu.memref_slice %arg9[%mul3A_7, %dma_start3A_109] : memref<10240x128xf32, #tpu.memory_space<hbm>> -> memref<640x128xf32, #tpu.memory_space<hbm>>
        %dma_start3A_111 = arith.constant 0 : i32
        %dma_start3A_112 = tpu.memref_slice %arg24[%mul3A_7, %dma_start3A_111] : memref<10240x128xf32, #tpu.memory_space<vmem_shared>> -> memref<640x128xf32, #tpu.memory_space<vmem_shared>>
        tpu.enqueue_dma source(%dma_start3A_112 : memref<640x128xf32, #tpu.memory_space<vmem_shared>>) target(%dma_start3A_110 : memref<640x128xf32, #tpu.memory_space<hbm>>) target_semaphore(%run_scoped3A : memref<!tpu.dma_semaphore, #tpu.memory_space<semaphore_mem>>)
        %dma_wait3A_113 = arith.constant 0 : i32
        %dma_wait3A_114 = tpu.memref_slice %arg9[%mul3A_7, %dma_wait3A_113] : memref<10240x128xf32, #tpu.memory_space<hbm>> -> memref<640x128xf32, #tpu.memory_space<hbm>>
        %dma_wait3A_115 = arith.constant 0 : i32
        %dma_wait3A_116 = tpu.memref_slice %arg24[%mul3A_7, %dma_wait3A_115] : memref<10240x128xf32, #tpu.memory_space<vmem_shared>> -> memref<640x128xf32, #tpu.memory_space<vmem_shared>>
        tpu.wait_dma2 semaphore(%run_scoped3A : memref<!tpu.dma_semaphore, #tpu.memory_space<semaphore_mem>>) src(%dma_wait3A_116 : memref<640x128xf32, #tpu.memory_space<vmem_shared>>) dst(%dma_wait3A_114 : memref<640x128xf32, #tpu.memory_space<hbm>>)
        tpu.yield
      }) : () -> ()
      %mul3A_55 = arith.constant 640 : i32
      %mul3A_56 = arith.muli %arg1, %mul3A_55 : i32
      %mul3A_57 = arith.constant 10000 : i32
      %mul3A_58 = arith.muli %arg1, %mul3A_57 : i32
      %dma_start3A_59 = arith.constant 0 : i32
      %dma_start3A_60 = tpu.memref_slice %arg24[%mul3A_56, %dma_start3A_59] : memref<10240x128xf32, #tpu.memory_space<vmem_shared>> -> memref<640x128xf32, #tpu.memory_space<vmem_shared>>
      %dma_start3A_61 = arith.constant 0 : i32
      %dma_start3A_62 = tpu.memref_slice %arg8[%mul3A_56, %dma_start3A_61] : memref<10240x128xf32, #tpu.memory_space<hbm>> -> memref<640x128xf32, #tpu.memory_space<hbm>>
      tpu.enqueue_dma source(%dma_start3A_62 : memref<640x128xf32, #tpu.memory_space<hbm>>) target(%dma_start3A_60 : memref<640x128xf32, #tpu.memory_space<vmem_shared>>) target_semaphore(%arg25 : memref<!tpu.dma_semaphore, #tpu.memory_space<semaphore_mem>>)
      %dma_wait3A_63 = arith.constant 0 : i32
      %dma_wait3A_64 = tpu.memref_slice %arg24[%mul3A_56, %dma_wait3A_63] : memref<10240x128xf32, #tpu.memory_space<vmem_shared>> -> memref<640x128xf32, #tpu.memory_space<vmem_shared>>
      %dma_wait3A_65 = arith.constant 0 : i32
      %dma_wait3A_66 = tpu.memref_slice %arg8[%mul3A_56, %dma_wait3A_65] : memref<10240x128xf32, #tpu.memory_space<hbm>> -> memref<640x128xf32, #tpu.memory_space<hbm>>
      tpu.wait_dma2 semaphore(%arg25 : memref<!tpu.dma_semaphore, #tpu.memory_space<semaphore_mem>>) src(%dma_wait3A_66 : memref<640x128xf32, #tpu.memory_space<hbm>>) dst(%dma_wait3A_64 : memref<640x128xf32, #tpu.memory_space<vmem_shared>>)
      %barrier3A_67 = arith.constant 0 : index
      tpu.barrier barrier_id(%barrier3A_67)
      %add3A_68 = arith.constant 0 : i32
      %add3A_69 = arith.addi %mul3A_58, %add3A_68 : i32
      %dma_start3A_70 = tpu.memref_slice %arg7[%add3A_69] : memref<160000xi32, #tpu.memory_space<hbm>> -> memref<40xi32, #tpu.memory_space<hbm>>
      %dma_start3A_71 = tpu.memref_slice %arg7[%add3A_69] : memref<160000xi32, #tpu.memory_space<hbm>> -> memref<40xi32, #tpu.memory_space<hbm>>
      tpu.enqueue_dma source(%dma_start3A_71 : memref<40xi32, #tpu.memory_space<hbm>>) target(%arg14 : memref<40xi32, #tpu.memory_space<vmem>>) target_semaphore(%arg30 : memref<!tpu.dma_semaphore, #tpu.memory_space<semaphore_mem>>)
      %dma_start3A_72 = arith.constant 0 : i32
      %dma_start3A_73 = tpu.memref_slice %arg13[%dma_start3A_72] : memref<10000xi32, #tpu.memory_space<vmem>> -> memref<40xi32, #tpu.memory_space<vmem>>
      %dma_start3A_74 = arith.constant 0 : i32
      %dma_start3A_75 = arith.constant 0 : i32
      %dma_start3A_76 = tpu.memref_slice %arg3[%dma_start3A_74, %dma_start3A_75] : memref<10000x128xf32, #tpu.memory_space<hbm>> -> memref<10000x128xf32, #tpu.memory_space<hbm>>
      tpu.enqueue_indirect_dma source(%dma_start3A_76 : memref<10000x128xf32, #tpu.memory_space<hbm>>) target(%arg19 : memref<40x128xf32, #tpu.memory_space<vmem>>) offsets(%dma_start3A_73 : memref<40xi32, #tpu.memory_space<vmem>>) semaphore(%arg25 : memref<!tpu.dma_semaphore, #tpu.memory_space<semaphore_mem>>)
      %add3A_77 = arith.constant 40 : i32
      %add3A_78 = arith.addi %mul3A_58, %add3A_77 : i32
      %dma_start3A_79 = tpu.memref_slice %arg7[%add3A_78] : memref<160000xi32, #tpu.memory_space<hbm>> -> memref<40xi32, #tpu.memory_space<hbm>>
      %dma_start3A_80 = tpu.memref_slice %arg7[%add3A_78] : memref<160000xi32, #tpu.memory_space<hbm>> -> memref<40xi32, #tpu.memory_space<hbm>>
      tpu.enqueue_dma source(%dma_start3A_80 : memref<40xi32, #tpu.memory_space<hbm>>) target(%arg15 : memref<40xi32, #tpu.memory_space<vmem>>) target_semaphore(%arg31 : memref<!tpu.dma_semaphore, #tpu.memory_space<semaphore_mem>>)
      %dma_start3A_81 = arith.constant 40 : i32
      %dma_start3A_82 = tpu.memref_slice %arg13[%dma_start3A_81] : memref<10000xi32, #tpu.memory_space<vmem>> -> memref<40xi32, #tpu.memory_space<vmem>>
      %dma_start3A_83 = arith.constant 0 : i32
      %dma_start3A_84 = arith.constant 0 : i32
      %dma_start3A_85 = tpu.memref_slice %arg3[%dma_start3A_83, %dma_start3A_84] : memref<10000x128xf32, #tpu.memory_space<hbm>> -> memref<10000x128xf32, #tpu.memory_space<hbm>>
      tpu.enqueue_indirect_dma source(%dma_start3A_85 : memref<10000x128xf32, #tpu.memory_space<hbm>>) target(%arg20 : memref<40x128xf32, #tpu.memory_space<vmem>>) offsets(%dma_start3A_82 : memref<40xi32, #tpu.memory_space<vmem>>) semaphore(%arg26 : memref<!tpu.dma_semaphore, #tpu.memory_space<semaphore_mem>>)
      %add3A_86 = arith.constant 80 : i32
      %add3A_87 = arith.addi %mul3A_58, %add3A_86 : i32
      %dma_start3A_88 = tpu.memref_slice %arg7[%add3A_87] : memref<160000xi32, #tpu.memory_space<hbm>> -> memref<40xi32, #tpu.memory_space<hbm>>
      %dma_start3A_89 = tpu.memref_slice %arg7[%add3A_87] : memref<160000xi32, #tpu.memory_space<hbm>> -> memref<40xi32, #tpu.memory_space<hbm>>
      tpu.enqueue_dma source(%dma_start3A_89 : memref<40xi32, #tpu.memory_space<hbm>>) target(%arg16 : memref<40xi32, #tpu.memory_space<vmem>>) target_semaphore(%arg32 : memref<!tpu.dma_semaphore, #tpu.memory_space<semaphore_mem>>)
      %dma_start3A_90 = arith.constant 80 : i32
      %dma_start3A_91 = tpu.memref_slice %arg13[%dma_start3A_90] : memref<10000xi32, #tpu.memory_space<vmem>> -> memref<40xi32, #tpu.memory_space<vmem>>
      %dma_start3A_92 = arith.constant 0 : i32
      %dma_start3A_93 = arith.constant 0 : i32
      %dma_start3A_94 = tpu.memref_slice %arg3[%dma_start3A_92, %dma_start3A_93] : memref<10000x128xf32, #tpu.memory_space<hbm>> -> memref<10000x128xf32, #tpu.memory_space<hbm>>
      tpu.enqueue_indirect_dma source(%dma_start3A_94 : memref<10000x128xf32, #tpu.memory_space<hbm>>) target(%arg21 : memref<40x128xf32, #tpu.memory_space<vmem>>) offsets(%dma_start3A_91 : memref<40xi32, #tpu.memory_space<vmem>>) semaphore(%arg27 : memref<!tpu.dma_semaphore, #tpu.memory_space<semaphore_mem>>)
      %scan3A_95 = arith.constant 0 : i32
      %scan3A_96 = arith.constant 0 : i32
      %scan3A_97 = arith.constant 50 : i32
      %scan3A_98 = arith.addi %scan3A_96, %scan3A_97 : i32
      %scan3A_99 = arith.constant 1 : i32
      %scan3A_100 = scf.for %scan3A_109 = %scan3A_96 to %scan3A_98 step %scan3A_99 iter_args(%scan3A_110 = %scan3A_95) -> (i32)  : i32 {
        %mul3A_111 = arith.constant 5 : i32
        %mul3A_112 = arith.muli %mul3A_111, %scan3A_109 : i32
        %add3A_113 = arith.constant 0 : i32
        %add3A_114 = arith.addi %mul3A_112, %add3A_113 : i32
        %mul3A_115 = arith.constant 40 : i32
        %mul3A_116 = arith.muli %add3A_114, %mul3A_115 : i32
        %add3A_117 = arith.addi %mul3A_58, %mul3A_116 : i32
        %dma_wait3A_118 = tpu.memref_slice %arg7[%add3A_117] : memref<160000xi32, #tpu.memory_space<hbm>> -> memref<40xi32, #tpu.memory_space<hbm>>
        %dma_wait3A_119 = tpu.memref_slice %arg7[%add3A_117] : memref<160000xi32, #tpu.memory_space<hbm>> -> memref<40xi32, #tpu.memory_space<hbm>>
        tpu.wait_dma2 semaphore(%arg30 : memref<!tpu.dma_semaphore, #tpu.memory_space<semaphore_mem>>) src(%dma_wait3A_119 : memref<40xi32, #tpu.memory_space<hbm>>) dst(%arg14 : memref<40xi32, #tpu.memory_space<vmem>>)
        %mul3A_120 = arith.constant 40 : i32
        %mul3A_121 = arith.muli %add3A_114, %mul3A_120 : i32
        %dma_wait3A_122 = tpu.memref_slice %arg13[%mul3A_121] : memref<10000xi32, #tpu.memory_space<vmem>> -> memref<40xi32, #tpu.memory_space<vmem>>
        %dma_wait3A_123 = arith.constant 0 : i32
        %dma_wait3A_124 = arith.constant 0 : i32
        %dma_wait3A_125 = tpu.memref_slice %arg3[%dma_wait3A_123, %dma_wait3A_124] : memref<10000x128xf32, #tpu.memory_space<hbm>> -> memref<10000x128xf32, #tpu.memory_space<hbm>>
        tpu.wait_indirect_dma semaphore(%arg25 : memref<!tpu.dma_semaphore, #tpu.memory_space<semaphore_mem>>) src(%dma_wait3A_125 : memref<10000x128xf32, #tpu.memory_space<hbm>>) dst(%arg19 : memref<40x128xf32, #tpu.memory_space<vmem>>)
        %dma_start3A_126 = arith.constant 0 : i32
        %dma_start3A_127 = arith.constant 0 : i32
        %dma_start3A_128 = tpu.memref_slice %arg24[%dma_start3A_126, %dma_start3A_127] : memref<10240x128xf32, #tpu.memory_space<vmem_shared>> -> memref<10240x128xf32, #tpu.memory_space<vmem_shared>>
        tpu.enqueue_indirect_dma source(%arg19 : memref<40x128xf32, #tpu.memory_space<vmem>>) target(%dma_start3A_128 : memref<10240x128xf32, #tpu.memory_space<vmem_shared>>) offsets(%arg14 : memref<40xi32, #tpu.memory_space<vmem>>) semaphore(%arg35 : memref<!tpu.dma_semaphore, #tpu.memory_space<semaphore_mem>>) {add = true}
        %gt3A = arith.constant 0 : i32
        %gt3A_129 = arith.cmpi sgt, %scan3A_109, %gt3A : i32
        %convert_element_type3A_130 = arith.extui %gt3A_129 : i1 to i32
        %cond3A_131 = arith.constant 0 : i32
        %cond3A_132 = arith.cmpi ne, %convert_element_type3A_130, %cond3A_131 : i32
        scf.if %cond3A_132 {
          %dma_wait3A_260 = arith.constant 0 : i32
          %dma_wait3A_261 = arith.constant 0 : i32
          %dma_wait3A_262 = tpu.memref_slice %arg24[%dma_wait3A_260, %dma_wait3A_261] : memref<10240x128xf32, #tpu.memory_space<vmem_shared>> -> memref<10240x128xf32, #tpu.memory_space<vmem_shared>>
          tpu.wait_indirect_dma semaphore(%arg38 : memref<!tpu.dma_semaphore, #tpu.memory_space<semaphore_mem>>) src(%arg22 : memref<40x128xf32, #tpu.memory_space<vmem>>) dst(%dma_wait3A_262 : memref<10240x128xf32, #tpu.memory_space<vmem_shared>>)
        } else {
        }
        %add3A_133 = arith.constant 3 : i32
        %add3A_134 = arith.addi %add3A_114, %add3A_133 : i32
        %mul3A_135 = arith.constant 40 : i32
        %mul3A_136 = arith.muli %add3A_134, %mul3A_135 : i32
        %add3A_137 = arith.addi %mul3A_58, %mul3A_136 : i32
        %dma_start3A_138 = tpu.memref_slice %arg7[%add3A_137] : memref<160000xi32, #tpu.memory_space<hbm>> -> memref<40xi32, #tpu.memory_space<hbm>>
        %dma_start3A_139 = tpu.memref_slice %arg7[%add3A_137] : memref<160000xi32, #tpu.memory_space<hbm>> -> memref<40xi32, #tpu.memory_space<hbm>>
        tpu.enqueue_dma source(%dma_start3A_139 : memref<40xi32, #tpu.memory_space<hbm>>) target(%arg17 : memref<40xi32, #tpu.memory_space<vmem>>) target_semaphore(%arg33 : memref<!tpu.dma_semaphore, #tpu.memory_space<semaphore_mem>>)
        %mul3A_140 = arith.constant 40 : i32
        %mul3A_141 = arith.muli %add3A_134, %mul3A_140 : i32
        %dma_start3A_142 = tpu.memref_slice %arg13[%mul3A_141] : memref<10000xi32, #tpu.memory_space<vmem>> -> memref<40xi32, #tpu.memory_space<vmem>>
        %dma_start3A_143 = arith.constant 0 : i32
        %dma_start3A_144 = arith.constant 0 : i32
        %dma_start3A_145 = tpu.memref_slice %arg3[%dma_start3A_143, %dma_start3A_144] : memref<10000x128xf32, #tpu.memory_space<hbm>> -> memref<10000x128xf32, #tpu.memory_space<hbm>>
        tpu.enqueue_indirect_dma source(%dma_start3A_145 : memref<10000x128xf32, #tpu.memory_space<hbm>>) target(%arg22 : memref<40x128xf32, #tpu.memory_space<vmem>>) offsets(%dma_start3A_142 : memref<40xi32, #tpu.memory_space<vmem>>) semaphore(%arg28 : memref<!tpu.dma_semaphore, #tpu.memory_space<semaphore_mem>>)
        %mul3A_146 = arith.constant 5 : i32
        %mul3A_147 = arith.muli %mul3A_146, %scan3A_109 : i32
        %add3A_148 = arith.constant 1 : i32
        %add3A_149 = arith.addi %mul3A_147, %add3A_148 : i32
        %mul3A_150 = arith.constant 40 : i32
        %mul3A_151 = arith.muli %add3A_149, %mul3A_150 : i32
        %add3A_152 = arith.addi %mul3A_58, %mul3A_151 : i32
        %dma_wait3A_153 = tpu.memref_slice %arg7[%add3A_152] : memref<160000xi32, #tpu.memory_space<hbm>> -> memref<40xi32, #tpu.memory_space<hbm>>
        %dma_wait3A_154 = tpu.memref_slice %arg7[%add3A_152] : memref<160000xi32, #tpu.memory_space<hbm>> -> memref<40xi32, #tpu.memory_space<hbm>>
        tpu.wait_dma2 semaphore(%arg31 : memref<!tpu.dma_semaphore, #tpu.memory_space<semaphore_mem>>) src(%dma_wait3A_154 : memref<40xi32, #tpu.memory_space<hbm>>) dst(%arg15 : memref<40xi32, #tpu.memory_space<vmem>>)
        %mul3A_155 = arith.constant 40 : i32
        %mul3A_156 = arith.muli %add3A_149, %mul3A_155 : i32
        %dma_wait3A_157 = tpu.memref_slice %arg13[%mul3A_156] : memref<10000xi32, #tpu.memory_space<vmem>> -> memref<40xi32, #tpu.memory_space<vmem>>
        %dma_wait3A_158 = arith.constant 0 : i32
        %dma_wait3A_159 = arith.constant 0 : i32
        %dma_wait3A_160 = tpu.memref_slice %arg3[%dma_wait3A_158, %dma_wait3A_159] : memref<10000x128xf32, #tpu.memory_space<hbm>> -> memref<10000x128xf32, #tpu.memory_space<hbm>>
        tpu.wait_indirect_dma semaphore(%arg26 : memref<!tpu.dma_semaphore, #tpu.memory_space<semaphore_mem>>) src(%dma_wait3A_160 : memref<10000x128xf32, #tpu.memory_space<hbm>>) dst(%arg20 : memref<40x128xf32, #tpu.memory_space<vmem>>)
        %dma_start3A_161 = arith.constant 0 : i32
        %dma_start3A_162 = arith.constant 0 : i32
        %dma_start3A_163 = tpu.memref_slice %arg24[%dma_start3A_161, %dma_start3A_162] : memref<10240x128xf32, #tpu.memory_space<vmem_shared>> -> memref<10240x128xf32, #tpu.memory_space<vmem_shared>>
        tpu.enqueue_indirect_dma source(%arg20 : memref<40x128xf32, #tpu.memory_space<vmem>>) target(%dma_start3A_163 : memref<10240x128xf32, #tpu.memory_space<vmem_shared>>) offsets(%arg15 : memref<40xi32, #tpu.memory_space<vmem>>) semaphore(%arg36 : memref<!tpu.dma_semaphore, #tpu.memory_space<semaphore_mem>>) {add = true}
        %gt3A_164 = arith.constant 0 : i32
        %gt3A_165 = arith.cmpi sgt, %scan3A_109, %gt3A_164 : i32
        %convert_element_type3A_166 = arith.extui %gt3A_165 : i1 to i32
        %cond3A_167 = arith.constant 0 : i32
        %cond3A_168 = arith.cmpi ne, %convert_element_type3A_166, %cond3A_167 : i32
        scf.if %cond3A_168 {
          %dma_wait3A_260 = arith.constant 0 : i32
          %dma_wait3A_261 = arith.constant 0 : i32
          %dma_wait3A_262 = tpu.memref_slice %arg24[%dma_wait3A_260, %dma_wait3A_261] : memref<10240x128xf32, #tpu.memory_space<vmem_shared>> -> memref<10240x128xf32, #tpu.memory_space<vmem_shared>>
          tpu.wait_indirect_dma semaphore(%arg39 : memref<!tpu.dma_semaphore, #tpu.memory_space<semaphore_mem>>) src(%arg23 : memref<40x128xf32, #tpu.memory_space<vmem>>) dst(%dma_wait3A_262 : memref<10240x128xf32, #tpu.memory_space<vmem_shared>>)
        } else {
        }
        %add3A_169 = arith.constant 3 : i32
        %add3A_170 = arith.addi %add3A_149, %add3A_169 : i32
        %mul3A_171 = arith.constant 40 : i32
        %mul3A_172 = arith.muli %add3A_170, %mul3A_171 : i32
        %add3A_173 = arith.addi %mul3A_58, %mul3A_172 : i32
        %dma_start3A_174 = tpu.memref_slice %arg7[%add3A_173] : memref<160000xi32, #tpu.memory_space<hbm>> -> memref<40xi32, #tpu.memory_space<hbm>>
        %dma_start3A_175 = tpu.memref_slice %arg7[%add3A_173] : memref<160000xi32, #tpu.memory_space<hbm>> -> memref<40xi32, #tpu.memory_space<hbm>>
        tpu.enqueue_dma source(%dma_start3A_175 : memref<40xi32, #tpu.memory_space<hbm>>) target(%arg18 : memref<40xi32, #tpu.memory_space<vmem>>) target_semaphore(%arg34 : memref<!tpu.dma_semaphore, #tpu.memory_space<semaphore_mem>>)
        %mul3A_176 = arith.constant 40 : i32
        %mul3A_177 = arith.muli %add3A_170, %mul3A_176 : i32
        %dma_start3A_178 = tpu.memref_slice %arg13[%mul3A_177] : memref<10000xi32, #tpu.memory_space<vmem>> -> memref<40xi32, #tpu.memory_space<vmem>>
        %dma_start3A_179 = arith.constant 0 : i32
        %dma_start3A_180 = arith.constant 0 : i32
        %dma_start3A_181 = tpu.memref_slice %arg3[%dma_start3A_179, %dma_start3A_180] : memref<10000x128xf32, #tpu.memory_space<hbm>> -> memref<10000x128xf32, #tpu.memory_space<hbm>>
        tpu.enqueue_indirect_dma source(%dma_start3A_181 : memref<10000x128xf32, #tpu.memory_space<hbm>>) target(%arg23 : memref<40x128xf32, #tpu.memory_space<vmem>>) offsets(%dma_start3A_178 : memref<40xi32, #tpu.memory_space<vmem>>) semaphore(%arg29 : memref<!tpu.dma_semaphore, #tpu.memory_space<semaphore_mem>>)
        %mul3A_182 = arith.constant 5 : i32
        %mul3A_183 = arith.muli %mul3A_182, %scan3A_109 : i32
        %add3A_184 = arith.constant 2 : i32
        %add3A_185 = arith.addi %mul3A_183, %add3A_184 : i32
        %mul3A_186 = arith.constant 40 : i32
        %mul3A_187 = arith.muli %add3A_185, %mul3A_186 : i32
        %add3A_188 = arith.addi %mul3A_58, %mul3A_187 : i32
        %dma_wait3A_189 = tpu.memref_slice %arg7[%add3A_188] : memref<160000xi32, #tpu.memory_space<hbm>> -> memref<40xi32, #tpu.memory_space<hbm>>
        %dma_wait3A_190 = tpu.memref_slice %arg7[%add3A_188] : memref<160000xi32, #tpu.memory_space<hbm>> -> memref<40xi32, #tpu.memory_space<hbm>>
        tpu.wait_dma2 semaphore(%arg32 : memref<!tpu.dma_semaphore, #tpu.memory_space<semaphore_mem>>) src(%dma_wait3A_190 : memref<40xi32, #tpu.memory_space<hbm>>) dst(%arg16 : memref<40xi32, #tpu.memory_space<vmem>>)
        %mul3A_191 = arith.constant 40 : i32
        %mul3A_192 = arith.muli %add3A_185, %mul3A_191 : i32
        %dma_wait3A_193 = tpu.memref_slice %arg13[%mul3A_192] : memref<10000xi32, #tpu.memory_space<vmem>> -> memref<40xi32, #tpu.memory_space<vmem>>
        %dma_wait3A_194 = arith.constant 0 : i32
        %dma_wait3A_195 = arith.constant 0 : i32
        %dma_wait3A_196 = tpu.memref_slice %arg3[%dma_wait3A_194, %dma_wait3A_195] : memref<10000x128xf32, #tpu.memory_space<hbm>> -> memref<10000x128xf32, #tpu.memory_space<hbm>>
        tpu.wait_indirect_dma semaphore(%arg27 : memref<!tpu.dma_semaphore, #tpu.memory_space<semaphore_mem>>) src(%dma_wait3A_196 : memref<10000x128xf32, #tpu.memory_space<hbm>>) dst(%arg21 : memref<40x128xf32, #tpu.memory_space<vmem>>)
        %dma_start3A_197 = arith.constant 0 : i32
        %dma_start3A_198 = arith.constant 0 : i32
        %dma_start3A_199 = tpu.memref_slice %arg24[%dma_start3A_197, %dma_start3A_198] : memref<10240x128xf32, #tpu.memory_space<vmem_shared>> -> memref<10240x128xf32, #tpu.memory_space<vmem_shared>>
        tpu.enqueue_indirect_dma source(%arg21 : memref<40x128xf32, #tpu.memory_space<vmem>>) target(%dma_start3A_199 : memref<10240x128xf32, #tpu.memory_space<vmem_shared>>) offsets(%arg16 : memref<40xi32, #tpu.memory_space<vmem>>) semaphore(%arg37 : memref<!tpu.dma_semaphore, #tpu.memory_space<semaphore_mem>>) {add = true}
        %dma_wait3A_200 = arith.constant 0 : i32
        %dma_wait3A_201 = arith.constant 0 : i32
        %dma_wait3A_202 = tpu.memref_slice %arg24[%dma_wait3A_200, %dma_wait3A_201] : memref<10240x128xf32, #tpu.memory_space<vmem_shared>> -> memref<10240x128xf32, #tpu.memory_space<vmem_shared>>
        tpu.wait_indirect_dma semaphore(%arg35 : memref<!tpu.dma_semaphore, #tpu.memory_space<semaphore_mem>>) src(%arg19 : memref<40x128xf32, #tpu.memory_space<vmem>>) dst(%dma_wait3A_202 : memref<10240x128xf32, #tpu.memory_space<vmem_shared>>)
        %lt3A = arith.constant 49 : i32
        %lt3A_203 = arith.cmpi slt, %scan3A_109, %lt3A : i32
        %convert_element_type3A_204 = arith.extui %lt3A_203 : i1 to i32
        %cond3A_205 = arith.constant 0 : i32
        %cond3A_206 = arith.cmpi ne, %convert_element_type3A_204, %cond3A_205 : i32
        scf.if %cond3A_206 {
          %add3A_260 = arith.constant 3 : i32
          %add3A_261 = arith.addi %add3A_185, %add3A_260 : i32
          %mul3A_262 = arith.constant 40 : i32
          %mul3A_263 = arith.muli %add3A_261, %mul3A_262 : i32
          %add3A_264 = arith.addi %mul3A_58, %mul3A_263 : i32
          %dma_start3A_265 = tpu.memref_slice %arg7[%add3A_264] : memref<160000xi32, #tpu.memory_space<hbm>> -> memref<40xi32, #tpu.memory_space<hbm>>
          %dma_start3A_266 = tpu.memref_slice %arg7[%add3A_264] : memref<160000xi32, #tpu.memory_space<hbm>> -> memref<40xi32, #tpu.memory_space<hbm>>
          tpu.enqueue_dma source(%dma_start3A_266 : memref<40xi32, #tpu.memory_space<hbm>>) target(%arg14 : memref<40xi32, #tpu.memory_space<vmem>>) target_semaphore(%arg30 : memref<!tpu.dma_semaphore, #tpu.memory_space<semaphore_mem>>)
          %mul3A_267 = arith.constant 40 : i32
          %mul3A_268 = arith.muli %add3A_261, %mul3A_267 : i32
          %dma_start3A_269 = tpu.memref_slice %arg13[%mul3A_268] : memref<10000xi32, #tpu.memory_space<vmem>> -> memref<40xi32, #tpu.memory_space<vmem>>
          %dma_start3A_270 = arith.constant 0 : i32
          %dma_start3A_271 = arith.constant 0 : i32
          %dma_start3A_272 = tpu.memref_slice %arg3[%dma_start3A_270, %dma_start3A_271] : memref<10000x128xf32, #tpu.memory_space<hbm>> -> memref<10000x128xf32, #tpu.memory_space<hbm>>
          tpu.enqueue_indirect_dma source(%dma_start3A_272 : memref<10000x128xf32, #tpu.memory_space<hbm>>) target(%arg19 : memref<40x128xf32, #tpu.memory_space<vmem>>) offsets(%dma_start3A_269 : memref<40xi32, #tpu.memory_space<vmem>>) semaphore(%arg25 : memref<!tpu.dma_semaphore, #tpu.memory_space<semaphore_mem>>)
        } else {
        }
        %mul3A_207 = arith.constant 5 : i32
        %mul3A_208 = arith.muli %mul3A_207, %scan3A_109 : i32
        %add3A_209 = arith.constant 3 : i32
        %add3A_210 = arith.addi %mul3A_208, %add3A_209 : i32
        %mul3A_211 = arith.constant 40 : i32
        %mul3A_212 = arith.muli %add3A_210, %mul3A_211 : i32
        %add3A_213 = arith.addi %mul3A_58, %mul3A_212 : i32
        %dma_wait3A_214 = tpu.memref_slice %arg7[%add3A_213] : memref<160000xi32, #tpu.memory_space<hbm>> -> memref<40xi32, #tpu.memory_space<hbm>>
        %dma_wait3A_215 = tpu.memref_slice %arg7[%add3A_213] : memref<160000xi32, #tpu.memory_space<hbm>> -> memref<40xi32, #tpu.memory_space<hbm>>
        tpu.wait_dma2 semaphore(%arg33 : memref<!tpu.dma_semaphore, #tpu.memory_space<semaphore_mem>>) src(%dma_wait3A_215 : memref<40xi32, #tpu.memory_space<hbm>>) dst(%arg17 : memref<40xi32, #tpu.memory_space<vmem>>)
        %mul3A_216 = arith.constant 40 : i32
        %mul3A_217 = arith.muli %add3A_210, %mul3A_216 : i32
        %dma_wait3A_218 = tpu.memref_slice %arg13[%mul3A_217] : memref<10000xi32, #tpu.memory_space<vmem>> -> memref<40xi32, #tpu.memory_space<vmem>>
        %dma_wait3A_219 = arith.constant 0 : i32
        %dma_wait3A_220 = arith.constant 0 : i32
        %dma_wait3A_221 = tpu.memref_slice %arg3[%dma_wait3A_219, %dma_wait3A_220] : memref<10000x128xf32, #tpu.memory_space<hbm>> -> memref<10000x128xf32, #tpu.memory_space<hbm>>
        tpu.wait_indirect_dma semaphore(%arg28 : memref<!tpu.dma_semaphore, #tpu.memory_space<semaphore_mem>>) src(%dma_wait3A_221 : memref<10000x128xf32, #tpu.memory_space<hbm>>) dst(%arg22 : memref<40x128xf32, #tpu.memory_space<vmem>>)
        %dma_start3A_222 = arith.constant 0 : i32
        %dma_start3A_223 = arith.constant 0 : i32
        %dma_start3A_224 = tpu.memref_slice %arg24[%dma_start3A_222, %dma_start3A_223] : memref<10240x128xf32, #tpu.memory_space<vmem_shared>> -> memref<10240x128xf32, #tpu.memory_space<vmem_shared>>
        tpu.enqueue_indirect_dma source(%arg22 : memref<40x128xf32, #tpu.memory_space<vmem>>) target(%dma_start3A_224 : memref<10240x128xf32, #tpu.memory_space<vmem_shared>>) offsets(%arg17 : memref<40xi32, #tpu.memory_space<vmem>>) semaphore(%arg38 : memref<!tpu.dma_semaphore, #tpu.memory_space<semaphore_mem>>) {add = true}
        %dma_wait3A_225 = arith.constant 0 : i32
        %dma_wait3A_226 = arith.constant 0 : i32
        %dma_wait3A_227 = tpu.memref_slice %arg24[%dma_wait3A_225, %dma_wait3A_226] : memref<10240x128xf32, #tpu.memory_space<vmem_shared>> -> memref<10240x128xf32, #tpu.memory_space<vmem_shared>>
        tpu.wait_indirect_dma semaphore(%arg36 : memref<!tpu.dma_semaphore, #tpu.memory_space<semaphore_mem>>) src(%arg20 : memref<40x128xf32, #tpu.memory_space<vmem>>) dst(%dma_wait3A_227 : memref<10240x128xf32, #tpu.memory_space<vmem_shared>>)
        %lt3A_228 = arith.constant 49 : i32
        %lt3A_229 = arith.cmpi slt, %scan3A_109, %lt3A_228 : i32
        %convert_element_type3A_230 = arith.extui %lt3A_229 : i1 to i32
        %cond3A_231 = arith.constant 0 : i32
        %cond3A_232 = arith.cmpi ne, %convert_element_type3A_230, %cond3A_231 : i32
        scf.if %cond3A_232 {
          %add3A_260 = arith.constant 3 : i32
          %add3A_261 = arith.addi %add3A_210, %add3A_260 : i32
          %mul3A_262 = arith.constant 40 : i32
          %mul3A_263 = arith.muli %add3A_261, %mul3A_262 : i32
          %add3A_264 = arith.addi %mul3A_58, %mul3A_263 : i32
          %dma_start3A_265 = tpu.memref_slice %arg7[%add3A_264] : memref<160000xi32, #tpu.memory_space<hbm>> -> memref<40xi32, #tpu.memory_space<hbm>>
          %dma_start3A_266 = tpu.memref_slice %arg7[%add3A_264] : memref<160000xi32, #tpu.memory_space<hbm>> -> memref<40xi32, #tpu.memory_space<hbm>>
          tpu.enqueue_dma source(%dma_start3A_266 : memref<40xi32, #tpu.memory_space<hbm>>) target(%arg15 : memref<40xi32, #tpu.memory_space<vmem>>) target_semaphore(%arg31 : memref<!tpu.dma_semaphore, #tpu.memory_space<semaphore_mem>>)
          %mul3A_267 = arith.constant 40 : i32
          %mul3A_268 = arith.muli %add3A_261, %mul3A_267 : i32
          %dma_start3A_269 = tpu.memref_slice %arg13[%mul3A_268] : memref<10000xi32, #tpu.memory_space<vmem>> -> memref<40xi32, #tpu.memory_space<vmem>>
          %dma_start3A_270 = arith.constant 0 : i32
          %dma_start3A_271 = arith.constant 0 : i32
          %dma_start3A_272 = tpu.memref_slice %arg3[%dma_start3A_270, %dma_start3A_271] : memref<10000x128xf32, #tpu.memory_space<hbm>> -> memref<10000x128xf32, #tpu.memory_space<hbm>>
          tpu.enqueue_indirect_dma source(%dma_start3A_272 : memref<10000x128xf32, #tpu.memory_space<hbm>>) target(%arg20 : memref<40x128xf32, #tpu.memory_space<vmem>>) offsets(%dma_start3A_269 : memref<40xi32, #tpu.memory_space<vmem>>) semaphore(%arg26 : memref<!tpu.dma_semaphore, #tpu.memory_space<semaphore_mem>>)
        } else {
        }
        %mul3A_233 = arith.constant 5 : i32
        %mul3A_234 = arith.muli %mul3A_233, %scan3A_109 : i32
        %add3A_235 = arith.constant 4 : i32
        %add3A_236 = arith.addi %mul3A_234, %add3A_235 : i32
        %mul3A_237 = arith.constant 40 : i32
        %mul3A_238 = arith.muli %add3A_236, %mul3A_237 : i32
        %add3A_239 = arith.addi %mul3A_58, %mul3A_238 : i32
        %dma_wait3A_240 = tpu.memref_slice %arg7[%add3A_239] : memref<160000xi32, #tpu.memory_space<hbm>> -> memref<40xi32, #tpu.memory_space<hbm>>
        %dma_wait3A_241 = tpu.memref_slice %arg7[%add3A_239] : memref<160000xi32, #tpu.memory_space<hbm>> -> memref<40xi32, #tpu.memory_space<hbm>>
        tpu.wait_dma2 semaphore(%arg34 : memref<!tpu.dma_semaphore, #tpu.memory_space<semaphore_mem>>) src(%dma_wait3A_241 : memref<40xi32, #tpu.memory_space<hbm>>) dst(%arg18 : memref<40xi32, #tpu.memory_space<vmem>>)
        %mul3A_242 = arith.constant 40 : i32
        %mul3A_243 = arith.muli %add3A_236, %mul3A_242 : i32
        %dma_wait3A_244 = tpu.memref_slice %arg13[%mul3A_243] : memref<10000xi32, #tpu.memory_space<vmem>> -> memref<40xi32, #tpu.memory_space<vmem>>
        %dma_wait3A_245 = arith.constant 0 : i32
        %dma_wait3A_246 = arith.constant 0 : i32
        %dma_wait3A_247 = tpu.memref_slice %arg3[%dma_wait3A_245, %dma_wait3A_246] : memref<10000x128xf32, #tpu.memory_space<hbm>> -> memref<10000x128xf32, #tpu.memory_space<hbm>>
        tpu.wait_indirect_dma semaphore(%arg29 : memref<!tpu.dma_semaphore, #tpu.memory_space<semaphore_mem>>) src(%dma_wait3A_247 : memref<10000x128xf32, #tpu.memory_space<hbm>>) dst(%arg23 : memref<40x128xf32, #tpu.memory_space<vmem>>)
        %dma_start3A_248 = arith.constant 0 : i32
        %dma_start3A_249 = arith.constant 0 : i32
        %dma_start3A_250 = tpu.memref_slice %arg24[%dma_start3A_248, %dma_start3A_249] : memref<10240x128xf32, #tpu.memory_space<vmem_shared>> -> memref<10240x128xf32, #tpu.memory_space<vmem_shared>>
        tpu.enqueue_indirect_dma source(%arg23 : memref<40x128xf32, #tpu.memory_space<vmem>>) target(%dma_start3A_250 : memref<10240x128xf32, #tpu.memory_space<vmem_shared>>) offsets(%arg18 : memref<40xi32, #tpu.memory_space<vmem>>) semaphore(%arg39 : memref<!tpu.dma_semaphore, #tpu.memory_space<semaphore_mem>>) {add = true}
        %dma_wait3A_251 = arith.constant 0 : i32
        %dma_wait3A_252 = arith.constant 0 : i32
        %dma_wait3A_253 = tpu.memref_slice %arg24[%dma_wait3A_251, %dma_wait3A_252] : memref<10240x128xf32, #tpu.memory_space<vmem_shared>> -> memref<10240x128xf32, #tpu.memory_space<vmem_shared>>
        tpu.wait_indirect_dma semaphore(%arg37 : memref<!tpu.dma_semaphore, #tpu.memory_space<semaphore_mem>>) src(%arg21 : memref<40x128xf32, #tpu.memory_space<vmem>>) dst(%dma_wait3A_253 : memref<10240x128xf32, #tpu.memory_space<vmem_shared>>)
        %lt3A_254 = arith.constant 49 : i32
        %lt3A_255 = arith.cmpi slt, %scan3A_109, %lt3A_254 : i32
        %convert_element_type3A_256 = arith.extui %lt3A_255 : i1 to i32
        %cond3A_257 = arith.constant 0 : i32
        %cond3A_258 = arith.cmpi ne, %convert_element_type3A_256, %cond3A_257 : i32
        scf.if %cond3A_258 {
          %add3A_260 = arith.constant 3 : i32
          %add3A_261 = arith.addi %add3A_236, %add3A_260 : i32
          %mul3A_262 = arith.constant 40 : i32
          %mul3A_263 = arith.muli %add3A_261, %mul3A_262 : i32
          %add3A_264 = arith.addi %mul3A_58, %mul3A_263 : i32
          %dma_start3A_265 = tpu.memref_slice %arg7[%add3A_264] : memref<160000xi32, #tpu.memory_space<hbm>> -> memref<40xi32, #tpu.memory_space<hbm>>
          %dma_start3A_266 = tpu.memref_slice %arg7[%add3A_264] : memref<160000xi32, #tpu.memory_space<hbm>> -> memref<40xi32, #tpu.memory_space<hbm>>
          tpu.enqueue_dma source(%dma_start3A_266 : memref<40xi32, #tpu.memory_space<hbm>>) target(%arg16 : memref<40xi32, #tpu.memory_space<vmem>>) target_semaphore(%arg32 : memref<!tpu.dma_semaphore, #tpu.memory_space<semaphore_mem>>)
          %mul3A_267 = arith.constant 40 : i32
          %mul3A_268 = arith.muli %add3A_261, %mul3A_267 : i32
          %dma_start3A_269 = tpu.memref_slice %arg13[%mul3A_268] : memref<10000xi32, #tpu.memory_space<vmem>> -> memref<40xi32, #tpu.memory_space<vmem>>
          %dma_start3A_270 = arith.constant 0 : i32
          %dma_start3A_271 = arith.constant 0 : i32
          %dma_start3A_272 = tpu.memref_slice %arg3[%dma_start3A_270, %dma_start3A_271] : memref<10000x128xf32, #tpu.memory_space<hbm>> -> memref<10000x128xf32, #tpu.memory_space<hbm>>
          tpu.enqueue_indirect_dma source(%dma_start3A_272 : memref<10000x128xf32, #tpu.memory_space<hbm>>) target(%arg21 : memref<40x128xf32, #tpu.memory_space<vmem>>) offsets(%dma_start3A_269 : memref<40xi32, #tpu.memory_space<vmem>>) semaphore(%arg27 : memref<!tpu.dma_semaphore, #tpu.memory_space<semaphore_mem>>)
        } else {
        }
        %scan3A_259 = arith.constant 0 : i32
        scf.yield %scan3A_259 : i32
      }
      %scan3A_101 = arith.constant 50 : i32
      %dma_wait3A_102 = arith.constant 0 : i32
      %dma_wait3A_103 = arith.constant 0 : i32
      %dma_wait3A_104 = tpu.memref_slice %arg24[%dma_wait3A_102, %dma_wait3A_103] : memref<10240x128xf32, #tpu.memory_space<vmem_shared>> -> memref<10240x128xf32, #tpu.memory_space<vmem_shared>>
      tpu.wait_indirect_dma semaphore(%arg38 : memref<!tpu.dma_semaphore, #tpu.memory_space<semaphore_mem>>) src(%arg22 : memref<40x128xf32, #tpu.memory_space<vmem>>) dst(%dma_wait3A_104 : memref<10240x128xf32, #tpu.memory_space<vmem_shared>>)
      %dma_wait3A_105 = arith.constant 0 : i32
      %dma_wait3A_106 = arith.constant 0 : i32
      %dma_wait3A_107 = tpu.memref_slice %arg24[%dma_wait3A_105, %dma_wait3A_106] : memref<10240x128xf32, #tpu.memory_space<vmem_shared>> -> memref<10240x128xf32, #tpu.memory_space<vmem_shared>>
      tpu.wait_indirect_dma semaphore(%arg39 : memref<!tpu.dma_semaphore, #tpu.memory_space<semaphore_mem>>) src(%arg23 : memref<40x128xf32, #tpu.memory_space<vmem>>) dst(%dma_wait3A_107 : memref<10240x128xf32, #tpu.memory_space<vmem_shared>>)
      %barrier3A_108 = arith.constant 0 : index
      tpu.barrier barrier_id(%barrier3A_108)
      "tpu.region"() ({
        %run_scoped3A = tpu.sem_alloc : memref<!tpu.dma_semaphore, #tpu.memory_space<semaphore_mem>>
        %dma_start3A_109 = arith.constant 0 : i32
        %dma_start3A_110 = tpu.memref_slice %arg10[%mul3A_56, %dma_start3A_109] : memref<10240x128xf32, #tpu.memory_space<hbm>> -> memref<640x128xf32, #tpu.memory_space<hbm>>
        %dma_start3A_111 = arith.constant 0 : i32
        %dma_start3A_112 = tpu.memref_slice %arg24[%mul3A_56, %dma_start3A_111] : memref<10240x128xf32, #tpu.memory_space<vmem_shared>> -> memref<640x128xf32, #tpu.memory_space<vmem_shared>>
        tpu.enqueue_dma source(%dma_start3A_112 : memref<640x128xf32, #tpu.memory_space<vmem_shared>>) target(%dma_start3A_110 : memref<640x128xf32, #tpu.memory_space<hbm>>) target_semaphore(%run_scoped3A : memref<!tpu.dma_semaphore, #tpu.memory_space<semaphore_mem>>)
        %dma_wait3A_113 = arith.constant 0 : i32
        %dma_wait3A_114 = tpu.memref_slice %arg10[%mul3A_56, %dma_wait3A_113] : memref<10240x128xf32, #tpu.memory_space<hbm>> -> memref<640x128xf32, #tpu.memory_space<hbm>>
        %dma_wait3A_115 = arith.constant 0 : i32
        %dma_wait3A_116 = tpu.memref_slice %arg24[%mul3A_56, %dma_wait3A_115] : memref<10240x128xf32, #tpu.memory_space<vmem_shared>> -> memref<640x128xf32, #tpu.memory_space<vmem_shared>>
        tpu.wait_dma2 semaphore(%run_scoped3A : memref<!tpu.dma_semaphore, #tpu.memory_space<semaphore_mem>>) src(%dma_wait3A_116 : memref<640x128xf32, #tpu.memory_space<vmem_shared>>) dst(%dma_wait3A_114 : memref<640x128xf32, #tpu.memory_space<hbm>>)
        tpu.yield
      }) : () -> ()
    } else {
    }
    %eq3A_2 = arith.constant 1 : i32
    %eq3A_3 = arith.cmpi eq, %arg0, %eq3A_2 : i32
    %convert_element_type3A_4 = arith.extui %eq3A_3 : i1 to i32
    %cond3A_5 = arith.constant 0 : i32
    %cond3A_6 = arith.cmpi ne, %convert_element_type3A_4, %cond3A_5 : i32
    scf.if %cond3A_6 {
      %mul3A = arith.constant 640 : i32
      %mul3A_7 = arith.muli %arg1, %mul3A : i32
      %mul3A_8 = arith.constant 10000 : i32
      %mul3A_9 = arith.muli %arg1, %mul3A_8 : i32
      %dma_start3A = arith.constant 0 : i32
      %dma_start3A_10 = tpu.memref_slice %arg24[%mul3A_7, %dma_start3A] : memref<10240x128xf32, #tpu.memory_space<vmem_shared>> -> memref<640x128xf32, #tpu.memory_space<vmem_shared>>
      %dma_start3A_11 = arith.constant 0 : i32
      %dma_start3A_12 = tpu.memref_slice %arg8[%mul3A_7, %dma_start3A_11] : memref<10240x128xf32, #tpu.memory_space<hbm>> -> memref<640x128xf32, #tpu.memory_space<hbm>>
      tpu.enqueue_dma source(%dma_start3A_12 : memref<640x128xf32, #tpu.memory_space<hbm>>) target(%dma_start3A_10 : memref<640x128xf32, #tpu.memory_space<vmem_shared>>) target_semaphore(%arg25 : memref<!tpu.dma_semaphore, #tpu.memory_space<semaphore_mem>>)
      "tpu.region"() ({
        %run_scoped3A = tpu.sem_alloc : memref<!tpu.dma_semaphore, #tpu.memory_space<semaphore_mem>>
        %dma_start3A_109 = tpu.memref_slice %arg6[%mul3A_9] : memref<160000xi32, #tpu.memory_space<hbm>> -> memref<10000xi32, #tpu.memory_space<hbm>>
        %dma_start3A_110 = tpu.memref_slice %arg6[%mul3A_9] : memref<160000xi32, #tpu.memory_space<hbm>> -> memref<10000xi32, #tpu.memory_space<hbm>>
        tpu.enqueue_dma source(%dma_start3A_110 : memref<10000xi32, #tpu.memory_space<hbm>>) target(%arg13 : memref<10000xi32, #tpu.memory_space<vmem>>) target_semaphore(%run_scoped3A : memref<!tpu.dma_semaphore, #tpu.memory_space<semaphore_mem>>)
        %dma_wait3A_111 = tpu.memref_slice %arg6[%mul3A_9] : memref<160000xi32, #tpu.memory_space<hbm>> -> memref<10000xi32, #tpu.memory_space<hbm>>
        %dma_wait3A_112 = tpu.memref_slice %arg6[%mul3A_9] : memref<160000xi32, #tpu.memory_space<hbm>> -> memref<10000xi32, #tpu.memory_space<hbm>>
        tpu.wait_dma2 semaphore(%run_scoped3A : memref<!tpu.dma_semaphore, #tpu.memory_space<semaphore_mem>>) src(%dma_wait3A_112 : memref<10000xi32, #tpu.memory_space<hbm>>) dst(%arg13 : memref<10000xi32, #tpu.memory_space<vmem>>)
        tpu.yield
      }) : () -> ()
      %dma_wait3A = arith.constant 0 : i32
      %dma_wait3A_13 = tpu.memref_slice %arg24[%mul3A_7, %dma_wait3A] : memref<10240x128xf32, #tpu.memory_space<vmem_shared>> -> memref<640x128xf32, #tpu.memory_space<vmem_shared>>
      %dma_wait3A_14 = arith.constant 0 : i32
      %dma_wait3A_15 = tpu.memref_slice %arg8[%mul3A_7, %dma_wait3A_14] : memref<10240x128xf32, #tpu.memory_space<hbm>> -> memref<640x128xf32, #tpu.memory_space<hbm>>
      tpu.wait_dma2 semaphore(%arg25 : memref<!tpu.dma_semaphore, #tpu.memory_space<semaphore_mem>>) src(%dma_wait3A_15 : memref<640x128xf32, #tpu.memory_space<hbm>>) dst(%dma_wait3A_13 : memref<640x128xf32, #tpu.memory_space<vmem_shared>>)
      %barrier3A = arith.constant 0 : index
      tpu.barrier barrier_id(%barrier3A)
      %add3A = arith.constant 0 : i32
      %add3A_16 = arith.addi %mul3A_9, %add3A : i32
      %dma_start3A_17 = tpu.memref_slice %arg7[%add3A_16] : memref<160000xi32, #tpu.memory_space<hbm>> -> memref<40xi32, #tpu.memory_space<hbm>>
      %dma_start3A_18 = tpu.memref_slice %arg7[%add3A_16] : memref<160000xi32, #tpu.memory_space<hbm>> -> memref<40xi32, #tpu.memory_space<hbm>>
      tpu.enqueue_dma source(%dma_start3A_18 : memref<40xi32, #tpu.memory_space<hbm>>) target(%arg14 : memref<40xi32, #tpu.memory_space<vmem>>) target_semaphore(%arg30 : memref<!tpu.dma_semaphore, #tpu.memory_space<semaphore_mem>>)
      %dma_start3A_19 = arith.constant 0 : i32
      %dma_start3A_20 = tpu.memref_slice %arg13[%dma_start3A_19] : memref<10000xi32, #tpu.memory_space<vmem>> -> memref<40xi32, #tpu.memory_space<vmem>>
      %dma_start3A_21 = arith.constant 0 : i32
      %dma_start3A_22 = arith.constant 0 : i32
      %dma_start3A_23 = tpu.memref_slice %arg4[%dma_start3A_21, %dma_start3A_22] : memref<10000x128xf32, #tpu.memory_space<hbm>> -> memref<10000x128xf32, #tpu.memory_space<hbm>>
      tpu.enqueue_indirect_dma source(%dma_start3A_23 : memref<10000x128xf32, #tpu.memory_space<hbm>>) target(%arg19 : memref<40x128xf32, #tpu.memory_space<vmem>>) offsets(%dma_start3A_20 : memref<40xi32, #tpu.memory_space<vmem>>) semaphore(%arg25 : memref<!tpu.dma_semaphore, #tpu.memory_space<semaphore_mem>>)
      %add3A_24 = arith.constant 40 : i32
      %add3A_25 = arith.addi %mul3A_9, %add3A_24 : i32
      %dma_start3A_26 = tpu.memref_slice %arg7[%add3A_25] : memref<160000xi32, #tpu.memory_space<hbm>> -> memref<40xi32, #tpu.memory_space<hbm>>
      %dma_start3A_27 = tpu.memref_slice %arg7[%add3A_25] : memref<160000xi32, #tpu.memory_space<hbm>> -> memref<40xi32, #tpu.memory_space<hbm>>
      tpu.enqueue_dma source(%dma_start3A_27 : memref<40xi32, #tpu.memory_space<hbm>>) target(%arg15 : memref<40xi32, #tpu.memory_space<vmem>>) target_semaphore(%arg31 : memref<!tpu.dma_semaphore, #tpu.memory_space<semaphore_mem>>)
      %dma_start3A_28 = arith.constant 40 : i32
      %dma_start3A_29 = tpu.memref_slice %arg13[%dma_start3A_28] : memref<10000xi32, #tpu.memory_space<vmem>> -> memref<40xi32, #tpu.memory_space<vmem>>
      %dma_start3A_30 = arith.constant 0 : i32
      %dma_start3A_31 = arith.constant 0 : i32
      %dma_start3A_32 = tpu.memref_slice %arg4[%dma_start3A_30, %dma_start3A_31] : memref<10000x128xf32, #tpu.memory_space<hbm>> -> memref<10000x128xf32, #tpu.memory_space<hbm>>
      tpu.enqueue_indirect_dma source(%dma_start3A_32 : memref<10000x128xf32, #tpu.memory_space<hbm>>) target(%arg20 : memref<40x128xf32, #tpu.memory_space<vmem>>) offsets(%dma_start3A_29 : memref<40xi32, #tpu.memory_space<vmem>>) semaphore(%arg26 : memref<!tpu.dma_semaphore, #tpu.memory_space<semaphore_mem>>)
      %add3A_33 = arith.constant 80 : i32
      %add3A_34 = arith.addi %mul3A_9, %add3A_33 : i32
      %dma_start3A_35 = tpu.memref_slice %arg7[%add3A_34] : memref<160000xi32, #tpu.memory_space<hbm>> -> memref<40xi32, #tpu.memory_space<hbm>>
      %dma_start3A_36 = tpu.memref_slice %arg7[%add3A_34] : memref<160000xi32, #tpu.memory_space<hbm>> -> memref<40xi32, #tpu.memory_space<hbm>>
      tpu.enqueue_dma source(%dma_start3A_36 : memref<40xi32, #tpu.memory_space<hbm>>) target(%arg16 : memref<40xi32, #tpu.memory_space<vmem>>) target_semaphore(%arg32 : memref<!tpu.dma_semaphore, #tpu.memory_space<semaphore_mem>>)
      %dma_start3A_37 = arith.constant 80 : i32
      %dma_start3A_38 = tpu.memref_slice %arg13[%dma_start3A_37] : memref<10000xi32, #tpu.memory_space<vmem>> -> memref<40xi32, #tpu.memory_space<vmem>>
      %dma_start3A_39 = arith.constant 0 : i32
      %dma_start3A_40 = arith.constant 0 : i32
      %dma_start3A_41 = tpu.memref_slice %arg4[%dma_start3A_39, %dma_start3A_40] : memref<10000x128xf32, #tpu.memory_space<hbm>> -> memref<10000x128xf32, #tpu.memory_space<hbm>>
      tpu.enqueue_indirect_dma source(%dma_start3A_41 : memref<10000x128xf32, #tpu.memory_space<hbm>>) target(%arg21 : memref<40x128xf32, #tpu.memory_space<vmem>>) offsets(%dma_start3A_38 : memref<40xi32, #tpu.memory_space<vmem>>) semaphore(%arg27 : memref<!tpu.dma_semaphore, #tpu.memory_space<semaphore_mem>>)
      %scan3A = arith.constant 0 : i32
      %scan3A_42 = arith.constant 0 : i32
      %scan3A_43 = arith.constant 50 : i32
      %scan3A_44 = arith.addi %scan3A_42, %scan3A_43 : i32
      %scan3A_45 = arith.constant 1 : i32
      %scan3A_46 = scf.for %scan3A_109 = %scan3A_42 to %scan3A_44 step %scan3A_45 iter_args(%scan3A_110 = %scan3A) -> (i32)  : i32 {
        %mul3A_111 = arith.constant 5 : i32
        %mul3A_112 = arith.muli %mul3A_111, %scan3A_109 : i32
        %add3A_113 = arith.constant 0 : i32
        %add3A_114 = arith.addi %mul3A_112, %add3A_113 : i32
        %mul3A_115 = arith.constant 40 : i32
        %mul3A_116 = arith.muli %add3A_114, %mul3A_115 : i32
        %add3A_117 = arith.addi %mul3A_9, %mul3A_116 : i32
        %dma_wait3A_118 = tpu.memref_slice %arg7[%add3A_117] : memref<160000xi32, #tpu.memory_space<hbm>> -> memref<40xi32, #tpu.memory_space<hbm>>
        %dma_wait3A_119 = tpu.memref_slice %arg7[%add3A_117] : memref<160000xi32, #tpu.memory_space<hbm>> -> memref<40xi32, #tpu.memory_space<hbm>>
        tpu.wait_dma2 semaphore(%arg30 : memref<!tpu.dma_semaphore, #tpu.memory_space<semaphore_mem>>) src(%dma_wait3A_119 : memref<40xi32, #tpu.memory_space<hbm>>) dst(%arg14 : memref<40xi32, #tpu.memory_space<vmem>>)
        %mul3A_120 = arith.constant 40 : i32
        %mul3A_121 = arith.muli %add3A_114, %mul3A_120 : i32
        %dma_wait3A_122 = tpu.memref_slice %arg13[%mul3A_121] : memref<10000xi32, #tpu.memory_space<vmem>> -> memref<40xi32, #tpu.memory_space<vmem>>
        %dma_wait3A_123 = arith.constant 0 : i32
        %dma_wait3A_124 = arith.constant 0 : i32
        %dma_wait3A_125 = tpu.memref_slice %arg4[%dma_wait3A_123, %dma_wait3A_124] : memref<10000x128xf32, #tpu.memory_space<hbm>> -> memref<10000x128xf32, #tpu.memory_space<hbm>>
        tpu.wait_indirect_dma semaphore(%arg25 : memref<!tpu.dma_semaphore, #tpu.memory_space<semaphore_mem>>) src(%dma_wait3A_125 : memref<10000x128xf32, #tpu.memory_space<hbm>>) dst(%arg19 : memref<40x128xf32, #tpu.memory_space<vmem>>)
        %dma_start3A_126 = arith.constant 0 : i32
        %dma_start3A_127 = arith.constant 0 : i32
        %dma_start3A_128 = tpu.memref_slice %arg24[%dma_start3A_126, %dma_start3A_127] : memref<10240x128xf32, #tpu.memory_space<vmem_shared>> -> memref<10240x128xf32, #tpu.memory_space<vmem_shared>>
        tpu.enqueue_indirect_dma source(%arg19 : memref<40x128xf32, #tpu.memory_space<vmem>>) target(%dma_start3A_128 : memref<10240x128xf32, #tpu.memory_space<vmem_shared>>) offsets(%arg14 : memref<40xi32, #tpu.memory_space<vmem>>) semaphore(%arg35 : memref<!tpu.dma_semaphore, #tpu.memory_space<semaphore_mem>>) {add = true}
        %gt3A = arith.constant 0 : i32
        %gt3A_129 = arith.cmpi sgt, %scan3A_109, %gt3A : i32
        %convert_element_type3A_130 = arith.extui %gt3A_129 : i1 to i32
        %cond3A_131 = arith.constant 0 : i32
        %cond3A_132 = arith.cmpi ne, %convert_element_type3A_130, %cond3A_131 : i32
        scf.if %cond3A_132 {
          %dma_wait3A_260 = arith.constant 0 : i32
          %dma_wait3A_261 = arith.constant 0 : i32
          %dma_wait3A_262 = tpu.memref_slice %arg24[%dma_wait3A_260, %dma_wait3A_261] : memref<10240x128xf32, #tpu.memory_space<vmem_shared>> -> memref<10240x128xf32, #tpu.memory_space<vmem_shared>>
          tpu.wait_indirect_dma semaphore(%arg38 : memref<!tpu.dma_semaphore, #tpu.memory_space<semaphore_mem>>) src(%arg22 : memref<40x128xf32, #tpu.memory_space<vmem>>) dst(%dma_wait3A_262 : memref<10240x128xf32, #tpu.memory_space<vmem_shared>>)
        } else {
        }
        %add3A_133 = arith.constant 3 : i32
        %add3A_134 = arith.addi %add3A_114, %add3A_133 : i32
        %mul3A_135 = arith.constant 40 : i32
        %mul3A_136 = arith.muli %add3A_134, %mul3A_135 : i32
        %add3A_137 = arith.addi %mul3A_9, %mul3A_136 : i32
        %dma_start3A_138 = tpu.memref_slice %arg7[%add3A_137] : memref<160000xi32, #tpu.memory_space<hbm>> -> memref<40xi32, #tpu.memory_space<hbm>>
        %dma_start3A_139 = tpu.memref_slice %arg7[%add3A_137] : memref<160000xi32, #tpu.memory_space<hbm>> -> memref<40xi32, #tpu.memory_space<hbm>>
        tpu.enqueue_dma source(%dma_start3A_139 : memref<40xi32, #tpu.memory_space<hbm>>) target(%arg17 : memref<40xi32, #tpu.memory_space<vmem>>) target_semaphore(%arg33 : memref<!tpu.dma_semaphore, #tpu.memory_space<semaphore_mem>>)
        %mul3A_140 = arith.constant 40 : i32
        %mul3A_141 = arith.muli %add3A_134, %mul3A_140 : i32
        %dma_start3A_142 = tpu.memref_slice %arg13[%mul3A_141] : memref<10000xi32, #tpu.memory_space<vmem>> -> memref<40xi32, #tpu.memory_space<vmem>>
        %dma_start3A_143 = arith.constant 0 : i32
        %dma_start3A_144 = arith.constant 0 : i32
        %dma_start3A_145 = tpu.memref_slice %arg4[%dma_start3A_143, %dma_start3A_144] : memref<10000x128xf32, #tpu.memory_space<hbm>> -> memref<10000x128xf32, #tpu.memory_space<hbm>>
        tpu.enqueue_indirect_dma source(%dma_start3A_145 : memref<10000x128xf32, #tpu.memory_space<hbm>>) target(%arg22 : memref<40x128xf32, #tpu.memory_space<vmem>>) offsets(%dma_start3A_142 : memref<40xi32, #tpu.memory_space<vmem>>) semaphore(%arg28 : memref<!tpu.dma_semaphore, #tpu.memory_space<semaphore_mem>>)
        %mul3A_146 = arith.constant 5 : i32
        %mul3A_147 = arith.muli %mul3A_146, %scan3A_109 : i32
        %add3A_148 = arith.constant 1 : i32
        %add3A_149 = arith.addi %mul3A_147, %add3A_148 : i32
        %mul3A_150 = arith.constant 40 : i32
        %mul3A_151 = arith.muli %add3A_149, %mul3A_150 : i32
        %add3A_152 = arith.addi %mul3A_9, %mul3A_151 : i32
        %dma_wait3A_153 = tpu.memref_slice %arg7[%add3A_152] : memref<160000xi32, #tpu.memory_space<hbm>> -> memref<40xi32, #tpu.memory_space<hbm>>
        %dma_wait3A_154 = tpu.memref_slice %arg7[%add3A_152] : memref<160000xi32, #tpu.memory_space<hbm>> -> memref<40xi32, #tpu.memory_space<hbm>>
        tpu.wait_dma2 semaphore(%arg31 : memref<!tpu.dma_semaphore, #tpu.memory_space<semaphore_mem>>) src(%dma_wait3A_154 : memref<40xi32, #tpu.memory_space<hbm>>) dst(%arg15 : memref<40xi32, #tpu.memory_space<vmem>>)
        %mul3A_155 = arith.constant 40 : i32
        %mul3A_156 = arith.muli %add3A_149, %mul3A_155 : i32
        %dma_wait3A_157 = tpu.memref_slice %arg13[%mul3A_156] : memref<10000xi32, #tpu.memory_space<vmem>> -> memref<40xi32, #tpu.memory_space<vmem>>
        %dma_wait3A_158 = arith.constant 0 : i32
        %dma_wait3A_159 = arith.constant 0 : i32
        %dma_wait3A_160 = tpu.memref_slice %arg4[%dma_wait3A_158, %dma_wait3A_159] : memref<10000x128xf32, #tpu.memory_space<hbm>> -> memref<10000x128xf32, #tpu.memory_space<hbm>>
        tpu.wait_indirect_dma semaphore(%arg26 : memref<!tpu.dma_semaphore, #tpu.memory_space<semaphore_mem>>) src(%dma_wait3A_160 : memref<10000x128xf32, #tpu.memory_space<hbm>>) dst(%arg20 : memref<40x128xf32, #tpu.memory_space<vmem>>)
        %dma_start3A_161 = arith.constant 0 : i32
        %dma_start3A_162 = arith.constant 0 : i32
        %dma_start3A_163 = tpu.memref_slice %arg24[%dma_start3A_161, %dma_start3A_162] : memref<10240x128xf32, #tpu.memory_space<vmem_shared>> -> memref<10240x128xf32, #tpu.memory_space<vmem_shared>>
        tpu.enqueue_indirect_dma source(%arg20 : memref<40x128xf32, #tpu.memory_space<vmem>>) target(%dma_start3A_163 : memref<10240x128xf32, #tpu.memory_space<vmem_shared>>) offsets(%arg15 : memref<40xi32, #tpu.memory_space<vmem>>) semaphore(%arg36 : memref<!tpu.dma_semaphore, #tpu.memory_space<semaphore_mem>>) {add = true}
        %gt3A_164 = arith.constant 0 : i32
        %gt3A_165 = arith.cmpi sgt, %scan3A_109, %gt3A_164 : i32
        %convert_element_type3A_166 = arith.extui %gt3A_165 : i1 to i32
        %cond3A_167 = arith.constant 0 : i32
        %cond3A_168 = arith.cmpi ne, %convert_element_type3A_166, %cond3A_167 : i32
        scf.if %cond3A_168 {
          %dma_wait3A_260 = arith.constant 0 : i32
          %dma_wait3A_261 = arith.constant 0 : i32
          %dma_wait3A_262 = tpu.memref_slice %arg24[%dma_wait3A_260, %dma_wait3A_261] : memref<10240x128xf32, #tpu.memory_space<vmem_shared>> -> memref<10240x128xf32, #tpu.memory_space<vmem_shared>>
          tpu.wait_indirect_dma semaphore(%arg39 : memref<!tpu.dma_semaphore, #tpu.memory_space<semaphore_mem>>) src(%arg23 : memref<40x128xf32, #tpu.memory_space<vmem>>) dst(%dma_wait3A_262 : memref<10240x128xf32, #tpu.memory_space<vmem_shared>>)
        } else {
        }
        %add3A_169 = arith.constant 3 : i32
        %add3A_170 = arith.addi %add3A_149, %add3A_169 : i32
        %mul3A_171 = arith.constant 40 : i32
        %mul3A_172 = arith.muli %add3A_170, %mul3A_171 : i32
        %add3A_173 = arith.addi %mul3A_9, %mul3A_172 : i32
        %dma_start3A_174 = tpu.memref_slice %arg7[%add3A_173] : memref<160000xi32, #tpu.memory_space<hbm>> -> memref<40xi32, #tpu.memory_space<hbm>>
        %dma_start3A_175 = tpu.memref_slice %arg7[%add3A_173] : memref<160000xi32, #tpu.memory_space<hbm>> -> memref<40xi32, #tpu.memory_space<hbm>>
        tpu.enqueue_dma source(%dma_start3A_175 : memref<40xi32, #tpu.memory_space<hbm>>) target(%arg18 : memref<40xi32, #tpu.memory_space<vmem>>) target_semaphore(%arg34 : memref<!tpu.dma_semaphore, #tpu.memory_space<semaphore_mem>>)
        %mul3A_176 = arith.constant 40 : i32
        %mul3A_177 = arith.muli %add3A_170, %mul3A_176 : i32
        %dma_start3A_178 = tpu.memref_slice %arg13[%mul3A_177] : memref<10000xi32, #tpu.memory_space<vmem>> -> memref<40xi32, #tpu.memory_space<vmem>>
        %dma_start3A_179 = arith.constant 0 : i32
        %dma_start3A_180 = arith.constant 0 : i32
        %dma_start3A_181 = tpu.memref_slice %arg4[%dma_start3A_179, %dma_start3A_180] : memref<10000x128xf32, #tpu.memory_space<hbm>> -> memref<10000x128xf32, #tpu.memory_space<hbm>>
        tpu.enqueue_indirect_dma source(%dma_start3A_181 : memref<10000x128xf32, #tpu.memory_space<hbm>>) target(%arg23 : memref<40x128xf32, #tpu.memory_space<vmem>>) offsets(%dma_start3A_178 : memref<40xi32, #tpu.memory_space<vmem>>) semaphore(%arg29 : memref<!tpu.dma_semaphore, #tpu.memory_space<semaphore_mem>>)
        %mul3A_182 = arith.constant 5 : i32
        %mul3A_183 = arith.muli %mul3A_182, %scan3A_109 : i32
        %add3A_184 = arith.constant 2 : i32
        %add3A_185 = arith.addi %mul3A_183, %add3A_184 : i32
        %mul3A_186 = arith.constant 40 : i32
        %mul3A_187 = arith.muli %add3A_185, %mul3A_186 : i32
        %add3A_188 = arith.addi %mul3A_9, %mul3A_187 : i32
        %dma_wait3A_189 = tpu.memref_slice %arg7[%add3A_188] : memref<160000xi32, #tpu.memory_space<hbm>> -> memref<40xi32, #tpu.memory_space<hbm>>
        %dma_wait3A_190 = tpu.memref_slice %arg7[%add3A_188] : memref<160000xi32, #tpu.memory_space<hbm>> -> memref<40xi32, #tpu.memory_space<hbm>>
        tpu.wait_dma2 semaphore(%arg32 : memref<!tpu.dma_semaphore, #tpu.memory_space<semaphore_mem>>) src(%dma_wait3A_190 : memref<40xi32, #tpu.memory_space<hbm>>) dst(%arg16 : memref<40xi32, #tpu.memory_space<vmem>>)
        %mul3A_191 = arith.constant 40 : i32
        %mul3A_192 = arith.muli %add3A_185, %mul3A_191 : i32
        %dma_wait3A_193 = tpu.memref_slice %arg13[%mul3A_192] : memref<10000xi32, #tpu.memory_space<vmem>> -> memref<40xi32, #tpu.memory_space<vmem>>
        %dma_wait3A_194 = arith.constant 0 : i32
        %dma_wait3A_195 = arith.constant 0 : i32
        %dma_wait3A_196 = tpu.memref_slice %arg4[%dma_wait3A_194, %dma_wait3A_195] : memref<10000x128xf32, #tpu.memory_space<hbm>> -> memref<10000x128xf32, #tpu.memory_space<hbm>>
        tpu.wait_indirect_dma semaphore(%arg27 : memref<!tpu.dma_semaphore, #tpu.memory_space<semaphore_mem>>) src(%dma_wait3A_196 : memref<10000x128xf32, #tpu.memory_space<hbm>>) dst(%arg21 : memref<40x128xf32, #tpu.memory_space<vmem>>)
        %dma_start3A_197 = arith.constant 0 : i32
        %dma_start3A_198 = arith.constant 0 : i32
        %dma_start3A_199 = tpu.memref_slice %arg24[%dma_start3A_197, %dma_start3A_198] : memref<10240x128xf32, #tpu.memory_space<vmem_shared>> -> memref<10240x128xf32, #tpu.memory_space<vmem_shared>>
        tpu.enqueue_indirect_dma source(%arg21 : memref<40x128xf32, #tpu.memory_space<vmem>>) target(%dma_start3A_199 : memref<10240x128xf32, #tpu.memory_space<vmem_shared>>) offsets(%arg16 : memref<40xi32, #tpu.memory_space<vmem>>) semaphore(%arg37 : memref<!tpu.dma_semaphore, #tpu.memory_space<semaphore_mem>>) {add = true}
        %dma_wait3A_200 = arith.constant 0 : i32
        %dma_wait3A_201 = arith.constant 0 : i32
        %dma_wait3A_202 = tpu.memref_slice %arg24[%dma_wait3A_200, %dma_wait3A_201] : memref<10240x128xf32, #tpu.memory_space<vmem_shared>> -> memref<10240x128xf32, #tpu.memory_space<vmem_shared>>
        tpu.wait_indirect_dma semaphore(%arg35 : memref<!tpu.dma_semaphore, #tpu.memory_space<semaphore_mem>>) src(%arg19 : memref<40x128xf32, #tpu.memory_space<vmem>>) dst(%dma_wait3A_202 : memref<10240x128xf32, #tpu.memory_space<vmem_shared>>)
        %lt3A = arith.constant 49 : i32
        %lt3A_203 = arith.cmpi slt, %scan3A_109, %lt3A : i32
        %convert_element_type3A_204 = arith.extui %lt3A_203 : i1 to i32
        %cond3A_205 = arith.constant 0 : i32
        %cond3A_206 = arith.cmpi ne, %convert_element_type3A_204, %cond3A_205 : i32
        scf.if %cond3A_206 {
          %add3A_260 = arith.constant 3 : i32
          %add3A_261 = arith.addi %add3A_185, %add3A_260 : i32
          %mul3A_262 = arith.constant 40 : i32
          %mul3A_263 = arith.muli %add3A_261, %mul3A_262 : i32
          %add3A_264 = arith.addi %mul3A_9, %mul3A_263 : i32
          %dma_start3A_265 = tpu.memref_slice %arg7[%add3A_264] : memref<160000xi32, #tpu.memory_space<hbm>> -> memref<40xi32, #tpu.memory_space<hbm>>
          %dma_start3A_266 = tpu.memref_slice %arg7[%add3A_264] : memref<160000xi32, #tpu.memory_space<hbm>> -> memref<40xi32, #tpu.memory_space<hbm>>
          tpu.enqueue_dma source(%dma_start3A_266 : memref<40xi32, #tpu.memory_space<hbm>>) target(%arg14 : memref<40xi32, #tpu.memory_space<vmem>>) target_semaphore(%arg30 : memref<!tpu.dma_semaphore, #tpu.memory_space<semaphore_mem>>)
          %mul3A_267 = arith.constant 40 : i32
          %mul3A_268 = arith.muli %add3A_261, %mul3A_267 : i32
          %dma_start3A_269 = tpu.memref_slice %arg13[%mul3A_268] : memref<10000xi32, #tpu.memory_space<vmem>> -> memref<40xi32, #tpu.memory_space<vmem>>
          %dma_start3A_270 = arith.constant 0 : i32
          %dma_start3A_271 = arith.constant 0 : i32
          %dma_start3A_272 = tpu.memref_slice %arg4[%dma_start3A_270, %dma_start3A_271] : memref<10000x128xf32, #tpu.memory_space<hbm>> -> memref<10000x128xf32, #tpu.memory_space<hbm>>
          tpu.enqueue_indirect_dma source(%dma_start3A_272 : memref<10000x128xf32, #tpu.memory_space<hbm>>) target(%arg19 : memref<40x128xf32, #tpu.memory_space<vmem>>) offsets(%dma_start3A_269 : memref<40xi32, #tpu.memory_space<vmem>>) semaphore(%arg25 : memref<!tpu.dma_semaphore, #tpu.memory_space<semaphore_mem>>)
        } else {
        }
        %mul3A_207 = arith.constant 5 : i32
        %mul3A_208 = arith.muli %mul3A_207, %scan3A_109 : i32
        %add3A_209 = arith.constant 3 : i32
        %add3A_210 = arith.addi %mul3A_208, %add3A_209 : i32
        %mul3A_211 = arith.constant 40 : i32
        %mul3A_212 = arith.muli %add3A_210, %mul3A_211 : i32
        %add3A_213 = arith.addi %mul3A_9, %mul3A_212 : i32
        %dma_wait3A_214 = tpu.memref_slice %arg7[%add3A_213] : memref<160000xi32, #tpu.memory_space<hbm>> -> memref<40xi32, #tpu.memory_space<hbm>>
        %dma_wait3A_215 = tpu.memref_slice %arg7[%add3A_213] : memref<160000xi32, #tpu.memory_space<hbm>> -> memref<40xi32, #tpu.memory_space<hbm>>
        tpu.wait_dma2 semaphore(%arg33 : memref<!tpu.dma_semaphore, #tpu.memory_space<semaphore_mem>>) src(%dma_wait3A_215 : memref<40xi32, #tpu.memory_space<hbm>>) dst(%arg17 : memref<40xi32, #tpu.memory_space<vmem>>)
        %mul3A_216 = arith.constant 40 : i32
        %mul3A_217 = arith.muli %add3A_210, %mul3A_216 : i32
        %dma_wait3A_218 = tpu.memref_slice %arg13[%mul3A_217] : memref<10000xi32, #tpu.memory_space<vmem>> -> memref<40xi32, #tpu.memory_space<vmem>>
        %dma_wait3A_219 = arith.constant 0 : i32
        %dma_wait3A_220 = arith.constant 0 : i32
        %dma_wait3A_221 = tpu.memref_slice %arg4[%dma_wait3A_219, %dma_wait3A_220] : memref<10000x128xf32, #tpu.memory_space<hbm>> -> memref<10000x128xf32, #tpu.memory_space<hbm>>
        tpu.wait_indirect_dma semaphore(%arg28 : memref<!tpu.dma_semaphore, #tpu.memory_space<semaphore_mem>>) src(%dma_wait3A_221 : memref<10000x128xf32, #tpu.memory_space<hbm>>) dst(%arg22 : memref<40x128xf32, #tpu.memory_space<vmem>>)
        %dma_start3A_222 = arith.constant 0 : i32
        %dma_start3A_223 = arith.constant 0 : i32
        %dma_start3A_224 = tpu.memref_slice %arg24[%dma_start3A_222, %dma_start3A_223] : memref<10240x128xf32, #tpu.memory_space<vmem_shared>> -> memref<10240x128xf32, #tpu.memory_space<vmem_shared>>
        tpu.enqueue_indirect_dma source(%arg22 : memref<40x128xf32, #tpu.memory_space<vmem>>) target(%dma_start3A_224 : memref<10240x128xf32, #tpu.memory_space<vmem_shared>>) offsets(%arg17 : memref<40xi32, #tpu.memory_space<vmem>>) semaphore(%arg38 : memref<!tpu.dma_semaphore, #tpu.memory_space<semaphore_mem>>) {add = true}
        %dma_wait3A_225 = arith.constant 0 : i32
        %dma_wait3A_226 = arith.constant 0 : i32
        %dma_wait3A_227 = tpu.memref_slice %arg24[%dma_wait3A_225, %dma_wait3A_226] : memref<10240x128xf32, #tpu.memory_space<vmem_shared>> -> memref<10240x128xf32, #tpu.memory_space<vmem_shared>>
        tpu.wait_indirect_dma semaphore(%arg36 : memref<!tpu.dma_semaphore, #tpu.memory_space<semaphore_mem>>) src(%arg20 : memref<40x128xf32, #tpu.memory_space<vmem>>) dst(%dma_wait3A_227 : memref<10240x128xf32, #tpu.memory_space<vmem_shared>>)
        %lt3A_228 = arith.constant 49 : i32
        %lt3A_229 = arith.cmpi slt, %scan3A_109, %lt3A_228 : i32
        %convert_element_type3A_230 = arith.extui %lt3A_229 : i1 to i32
        %cond3A_231 = arith.constant 0 : i32
        %cond3A_232 = arith.cmpi ne, %convert_element_type3A_230, %cond3A_231 : i32
        scf.if %cond3A_232 {
          %add3A_260 = arith.constant 3 : i32
          %add3A_261 = arith.addi %add3A_210, %add3A_260 : i32
          %mul3A_262 = arith.constant 40 : i32
          %mul3A_263 = arith.muli %add3A_261, %mul3A_262 : i32
          %add3A_264 = arith.addi %mul3A_9, %mul3A_263 : i32
          %dma_start3A_265 = tpu.memref_slice %arg7[%add3A_264] : memref<160000xi32, #tpu.memory_space<hbm>> -> memref<40xi32, #tpu.memory_space<hbm>>
          %dma_start3A_266 = tpu.memref_slice %arg7[%add3A_264] : memref<160000xi32, #tpu.memory_space<hbm>> -> memref<40xi32, #tpu.memory_space<hbm>>
          tpu.enqueue_dma source(%dma_start3A_266 : memref<40xi32, #tpu.memory_space<hbm>>) target(%arg15 : memref<40xi32, #tpu.memory_space<vmem>>) target_semaphore(%arg31 : memref<!tpu.dma_semaphore, #tpu.memory_space<semaphore_mem>>)
          %mul3A_267 = arith.constant 40 : i32
          %mul3A_268 = arith.muli %add3A_261, %mul3A_267 : i32
          %dma_start3A_269 = tpu.memref_slice %arg13[%mul3A_268] : memref<10000xi32, #tpu.memory_space<vmem>> -> memref<40xi32, #tpu.memory_space<vmem>>
          %dma_start3A_270 = arith.constant 0 : i32
          %dma_start3A_271 = arith.constant 0 : i32
          %dma_start3A_272 = tpu.memref_slice %arg4[%dma_start3A_270, %dma_start3A_271] : memref<10000x128xf32, #tpu.memory_space<hbm>> -> memref<10000x128xf32, #tpu.memory_space<hbm>>
          tpu.enqueue_indirect_dma source(%dma_start3A_272 : memref<10000x128xf32, #tpu.memory_space<hbm>>) target(%arg20 : memref<40x128xf32, #tpu.memory_space<vmem>>) offsets(%dma_start3A_269 : memref<40xi32, #tpu.memory_space<vmem>>) semaphore(%arg26 : memref<!tpu.dma_semaphore, #tpu.memory_space<semaphore_mem>>)
        } else {
        }
        %mul3A_233 = arith.constant 5 : i32
        %mul3A_234 = arith.muli %mul3A_233, %scan3A_109 : i32
        %add3A_235 = arith.constant 4 : i32
        %add3A_236 = arith.addi %mul3A_234, %add3A_235 : i32
        %mul3A_237 = arith.constant 40 : i32
        %mul3A_238 = arith.muli %add3A_236, %mul3A_237 : i32
        %add3A_239 = arith.addi %mul3A_9, %mul3A_238 : i32
        %dma_wait3A_240 = tpu.memref_slice %arg7[%add3A_239] : memref<160000xi32, #tpu.memory_space<hbm>> -> memref<40xi32, #tpu.memory_space<hbm>>
        %dma_wait3A_241 = tpu.memref_slice %arg7[%add3A_239] : memref<160000xi32, #tpu.memory_space<hbm>> -> memref<40xi32, #tpu.memory_space<hbm>>
        tpu.wait_dma2 semaphore(%arg34 : memref<!tpu.dma_semaphore, #tpu.memory_space<semaphore_mem>>) src(%dma_wait3A_241 : memref<40xi32, #tpu.memory_space<hbm>>) dst(%arg18 : memref<40xi32, #tpu.memory_space<vmem>>)
        %mul3A_242 = arith.constant 40 : i32
        %mul3A_243 = arith.muli %add3A_236, %mul3A_242 : i32
        %dma_wait3A_244 = tpu.memref_slice %arg13[%mul3A_243] : memref<10000xi32, #tpu.memory_space<vmem>> -> memref<40xi32, #tpu.memory_space<vmem>>
        %dma_wait3A_245 = arith.constant 0 : i32
        %dma_wait3A_246 = arith.constant 0 : i32
        %dma_wait3A_247 = tpu.memref_slice %arg4[%dma_wait3A_245, %dma_wait3A_246] : memref<10000x128xf32, #tpu.memory_space<hbm>> -> memref<10000x128xf32, #tpu.memory_space<hbm>>
        tpu.wait_indirect_dma semaphore(%arg29 : memref<!tpu.dma_semaphore, #tpu.memory_space<semaphore_mem>>) src(%dma_wait3A_247 : memref<10000x128xf32, #tpu.memory_space<hbm>>) dst(%arg23 : memref<40x128xf32, #tpu.memory_space<vmem>>)
        %dma_start3A_248 = arith.constant 0 : i32
        %dma_start3A_249 = arith.constant 0 : i32
        %dma_start3A_250 = tpu.memref_slice %arg24[%dma_start3A_248, %dma_start3A_249] : memref<10240x128xf32, #tpu.memory_space<vmem_shared>> -> memref<10240x128xf32, #tpu.memory_space<vmem_shared>>
        tpu.enqueue_indirect_dma source(%arg23 : memref<40x128xf32, #tpu.memory_space<vmem>>) target(%dma_start3A_250 : memref<10240x128xf32, #tpu.memory_space<vmem_shared>>) offsets(%arg18 : memref<40xi32, #tpu.memory_space<vmem>>) semaphore(%arg39 : memref<!tpu.dma_semaphore, #tpu.memory_space<semaphore_mem>>) {add = true}
        %dma_wait3A_251 = arith.constant 0 : i32
        %dma_wait3A_252 = arith.constant 0 : i32
        %dma_wait3A_253 = tpu.memref_slice %arg24[%dma_wait3A_251, %dma_wait3A_252] : memref<10240x128xf32, #tpu.memory_space<vmem_shared>> -> memref<10240x128xf32, #tpu.memory_space<vmem_shared>>
        tpu.wait_indirect_dma semaphore(%arg37 : memref<!tpu.dma_semaphore, #tpu.memory_space<semaphore_mem>>) src(%arg21 : memref<40x128xf32, #tpu.memory_space<vmem>>) dst(%dma_wait3A_253 : memref<10240x128xf32, #tpu.memory_space<vmem_shared>>)
        %lt3A_254 = arith.constant 49 : i32
        %lt3A_255 = arith.cmpi slt, %scan3A_109, %lt3A_254 : i32
        %convert_element_type3A_256 = arith.extui %lt3A_255 : i1 to i32
        %cond3A_257 = arith.constant 0 : i32
        %cond3A_258 = arith.cmpi ne, %convert_element_type3A_256, %cond3A_257 : i32
        scf.if %cond3A_258 {
          %add3A_260 = arith.constant 3 : i32
          %add3A_261 = arith.addi %add3A_236, %add3A_260 : i32
          %mul3A_262 = arith.constant 40 : i32
          %mul3A_263 = arith.muli %add3A_261, %mul3A_262 : i32
          %add3A_264 = arith.addi %mul3A_9, %mul3A_263 : i32
          %dma_start3A_265 = tpu.memref_slice %arg7[%add3A_264] : memref<160000xi32, #tpu.memory_space<hbm>> -> memref<40xi32, #tpu.memory_space<hbm>>
          %dma_start3A_266 = tpu.memref_slice %arg7[%add3A_264] : memref<160000xi32, #tpu.memory_space<hbm>> -> memref<40xi32, #tpu.memory_space<hbm>>
          tpu.enqueue_dma source(%dma_start3A_266 : memref<40xi32, #tpu.memory_space<hbm>>) target(%arg16 : memref<40xi32, #tpu.memory_space<vmem>>) target_semaphore(%arg32 : memref<!tpu.dma_semaphore, #tpu.memory_space<semaphore_mem>>)
          %mul3A_267 = arith.constant 40 : i32
          %mul3A_268 = arith.muli %add3A_261, %mul3A_267 : i32
          %dma_start3A_269 = tpu.memref_slice %arg13[%mul3A_268] : memref<10000xi32, #tpu.memory_space<vmem>> -> memref<40xi32, #tpu.memory_space<vmem>>
          %dma_start3A_270 = arith.constant 0 : i32
          %dma_start3A_271 = arith.constant 0 : i32
          %dma_start3A_272 = tpu.memref_slice %arg4[%dma_start3A_270, %dma_start3A_271] : memref<10000x128xf32, #tpu.memory_space<hbm>> -> memref<10000x128xf32, #tpu.memory_space<hbm>>
          tpu.enqueue_indirect_dma source(%dma_start3A_272 : memref<10000x128xf32, #tpu.memory_space<hbm>>) target(%arg21 : memref<40x128xf32, #tpu.memory_space<vmem>>) offsets(%dma_start3A_269 : memref<40xi32, #tpu.memory_space<vmem>>) semaphore(%arg27 : memref<!tpu.dma_semaphore, #tpu.memory_space<semaphore_mem>>)
        } else {
        }
        %scan3A_259 = arith.constant 0 : i32
        scf.yield %scan3A_259 : i32
      }
      %scan3A_47 = arith.constant 50 : i32
      %dma_wait3A_48 = arith.constant 0 : i32
      %dma_wait3A_49 = arith.constant 0 : i32
      %dma_wait3A_50 = tpu.memref_slice %arg24[%dma_wait3A_48, %dma_wait3A_49] : memref<10240x128xf32, #tpu.memory_space<vmem_shared>> -> memref<10240x128xf32, #tpu.memory_space<vmem_shared>>
      tpu.wait_indirect_dma semaphore(%arg38 : memref<!tpu.dma_semaphore, #tpu.memory_space<semaphore_mem>>) src(%arg22 : memref<40x128xf32, #tpu.memory_space<vmem>>) dst(%dma_wait3A_50 : memref<10240x128xf32, #tpu.memory_space<vmem_shared>>)
      %dma_wait3A_51 = arith.constant 0 : i32
      %dma_wait3A_52 = arith.constant 0 : i32
      %dma_wait3A_53 = tpu.memref_slice %arg24[%dma_wait3A_51, %dma_wait3A_52] : memref<10240x128xf32, #tpu.memory_space<vmem_shared>> -> memref<10240x128xf32, #tpu.memory_space<vmem_shared>>
      tpu.wait_indirect_dma semaphore(%arg39 : memref<!tpu.dma_semaphore, #tpu.memory_space<semaphore_mem>>) src(%arg23 : memref<40x128xf32, #tpu.memory_space<vmem>>) dst(%dma_wait3A_53 : memref<10240x128xf32, #tpu.memory_space<vmem_shared>>)
      %barrier3A_54 = arith.constant 0 : index
      tpu.barrier barrier_id(%barrier3A_54)
      "tpu.region"() ({
        %run_scoped3A = tpu.sem_alloc : memref<!tpu.dma_semaphore, #tpu.memory_space<semaphore_mem>>
        %dma_start3A_109 = arith.constant 0 : i32
        %dma_start3A_110 = tpu.memref_slice %arg11[%mul3A_7, %dma_start3A_109] : memref<10240x128xf32, #tpu.memory_space<hbm>> -> memref<640x128xf32, #tpu.memory_space<hbm>>
        %dma_start3A_111 = arith.constant 0 : i32
        %dma_start3A_112 = tpu.memref_slice %arg24[%mul3A_7, %dma_start3A_111] : memref<10240x128xf32, #tpu.memory_space<vmem_shared>> -> memref<640x128xf32, #tpu.memory_space<vmem_shared>>
        tpu.enqueue_dma source(%dma_start3A_112 : memref<640x128xf32, #tpu.memory_space<vmem_shared>>) target(%dma_start3A_110 : memref<640x128xf32, #tpu.memory_space<hbm>>) target_semaphore(%run_scoped3A : memref<!tpu.dma_semaphore, #tpu.memory_space<semaphore_mem>>)
        %dma_wait3A_113 = arith.constant 0 : i32
        %dma_wait3A_114 = tpu.memref_slice %arg11[%mul3A_7, %dma_wait3A_113] : memref<10240x128xf32, #tpu.memory_space<hbm>> -> memref<640x128xf32, #tpu.memory_space<hbm>>
        %dma_wait3A_115 = arith.constant 0 : i32
        %dma_wait3A_116 = tpu.memref_slice %arg24[%mul3A_7, %dma_wait3A_115] : memref<10240x128xf32, #tpu.memory_space<vmem_shared>> -> memref<640x128xf32, #tpu.memory_space<vmem_shared>>
        tpu.wait_dma2 semaphore(%run_scoped3A : memref<!tpu.dma_semaphore, #tpu.memory_space<semaphore_mem>>) src(%dma_wait3A_116 : memref<640x128xf32, #tpu.memory_space<vmem_shared>>) dst(%dma_wait3A_114 : memref<640x128xf32, #tpu.memory_space<hbm>>)
        tpu.yield
      }) : () -> ()
      %mul3A_55 = arith.constant 640 : i32
      %mul3A_56 = arith.muli %arg1, %mul3A_55 : i32
      %mul3A_57 = arith.constant 10000 : i32
      %mul3A_58 = arith.muli %arg1, %mul3A_57 : i32
      %dma_start3A_59 = arith.constant 0 : i32
      %dma_start3A_60 = tpu.memref_slice %arg24[%mul3A_56, %dma_start3A_59] : memref<10240x128xf32, #tpu.memory_space<vmem_shared>> -> memref<640x128xf32, #tpu.memory_space<vmem_shared>>
      %dma_start3A_61 = arith.constant 0 : i32
      %dma_start3A_62 = tpu.memref_slice %arg8[%mul3A_56, %dma_start3A_61] : memref<10240x128xf32, #tpu.memory_space<hbm>> -> memref<640x128xf32, #tpu.memory_space<hbm>>
      tpu.enqueue_dma source(%dma_start3A_62 : memref<640x128xf32, #tpu.memory_space<hbm>>) target(%dma_start3A_60 : memref<640x128xf32, #tpu.memory_space<vmem_shared>>) target_semaphore(%arg25 : memref<!tpu.dma_semaphore, #tpu.memory_space<semaphore_mem>>)
      %dma_wait3A_63 = arith.constant 0 : i32
      %dma_wait3A_64 = tpu.memref_slice %arg24[%mul3A_56, %dma_wait3A_63] : memref<10240x128xf32, #tpu.memory_space<vmem_shared>> -> memref<640x128xf32, #tpu.memory_space<vmem_shared>>
      %dma_wait3A_65 = arith.constant 0 : i32
      %dma_wait3A_66 = tpu.memref_slice %arg8[%mul3A_56, %dma_wait3A_65] : memref<10240x128xf32, #tpu.memory_space<hbm>> -> memref<640x128xf32, #tpu.memory_space<hbm>>
      tpu.wait_dma2 semaphore(%arg25 : memref<!tpu.dma_semaphore, #tpu.memory_space<semaphore_mem>>) src(%dma_wait3A_66 : memref<640x128xf32, #tpu.memory_space<hbm>>) dst(%dma_wait3A_64 : memref<640x128xf32, #tpu.memory_space<vmem_shared>>)
      %barrier3A_67 = arith.constant 0 : index
      tpu.barrier barrier_id(%barrier3A_67)
      %add3A_68 = arith.constant 0 : i32
      %add3A_69 = arith.addi %mul3A_58, %add3A_68 : i32
      %dma_start3A_70 = tpu.memref_slice %arg7[%add3A_69] : memref<160000xi32, #tpu.memory_space<hbm>> -> memref<40xi32, #tpu.memory_space<hbm>>
      %dma_start3A_71 = tpu.memref_slice %arg7[%add3A_69] : memref<160000xi32, #tpu.memory_space<hbm>> -> memref<40xi32, #tpu.memory_space<hbm>>
      tpu.enqueue_dma source(%dma_start3A_71 : memref<40xi32, #tpu.memory_space<hbm>>) target(%arg14 : memref<40xi32, #tpu.memory_space<vmem>>) target_semaphore(%arg30 : memref<!tpu.dma_semaphore, #tpu.memory_space<semaphore_mem>>)
      %dma_start3A_72 = arith.constant 0 : i32
      %dma_start3A_73 = tpu.memref_slice %arg13[%dma_start3A_72] : memref<10000xi32, #tpu.memory_space<vmem>> -> memref<40xi32, #tpu.memory_space<vmem>>
      %dma_start3A_74 = arith.constant 0 : i32
      %dma_start3A_75 = arith.constant 0 : i32
      %dma_start3A_76 = tpu.memref_slice %arg5[%dma_start3A_74, %dma_start3A_75] : memref<10000x128xf32, #tpu.memory_space<hbm>> -> memref<10000x128xf32, #tpu.memory_space<hbm>>
      tpu.enqueue_indirect_dma source(%dma_start3A_76 : memref<10000x128xf32, #tpu.memory_space<hbm>>) target(%arg19 : memref<40x128xf32, #tpu.memory_space<vmem>>) offsets(%dma_start3A_73 : memref<40xi32, #tpu.memory_space<vmem>>) semaphore(%arg25 : memref<!tpu.dma_semaphore, #tpu.memory_space<semaphore_mem>>)
      %add3A_77 = arith.constant 40 : i32
      %add3A_78 = arith.addi %mul3A_58, %add3A_77 : i32
      %dma_start3A_79 = tpu.memref_slice %arg7[%add3A_78] : memref<160000xi32, #tpu.memory_space<hbm>> -> memref<40xi32, #tpu.memory_space<hbm>>
      %dma_start3A_80 = tpu.memref_slice %arg7[%add3A_78] : memref<160000xi32, #tpu.memory_space<hbm>> -> memref<40xi32, #tpu.memory_space<hbm>>
      tpu.enqueue_dma source(%dma_start3A_80 : memref<40xi32, #tpu.memory_space<hbm>>) target(%arg15 : memref<40xi32, #tpu.memory_space<vmem>>) target_semaphore(%arg31 : memref<!tpu.dma_semaphore, #tpu.memory_space<semaphore_mem>>)
      %dma_start3A_81 = arith.constant 40 : i32
      %dma_start3A_82 = tpu.memref_slice %arg13[%dma_start3A_81] : memref<10000xi32, #tpu.memory_space<vmem>> -> memref<40xi32, #tpu.memory_space<vmem>>
      %dma_start3A_83 = arith.constant 0 : i32
      %dma_start3A_84 = arith.constant 0 : i32
      %dma_start3A_85 = tpu.memref_slice %arg5[%dma_start3A_83, %dma_start3A_84] : memref<10000x128xf32, #tpu.memory_space<hbm>> -> memref<10000x128xf32, #tpu.memory_space<hbm>>
      tpu.enqueue_indirect_dma source(%dma_start3A_85 : memref<10000x128xf32, #tpu.memory_space<hbm>>) target(%arg20 : memref<40x128xf32, #tpu.memory_space<vmem>>) offsets(%dma_start3A_82 : memref<40xi32, #tpu.memory_space<vmem>>) semaphore(%arg26 : memref<!tpu.dma_semaphore, #tpu.memory_space<semaphore_mem>>)
      %add3A_86 = arith.constant 80 : i32
      %add3A_87 = arith.addi %mul3A_58, %add3A_86 : i32
      %dma_start3A_88 = tpu.memref_slice %arg7[%add3A_87] : memref<160000xi32, #tpu.memory_space<hbm>> -> memref<40xi32, #tpu.memory_space<hbm>>
      %dma_start3A_89 = tpu.memref_slice %arg7[%add3A_87] : memref<160000xi32, #tpu.memory_space<hbm>> -> memref<40xi32, #tpu.memory_space<hbm>>
      tpu.enqueue_dma source(%dma_start3A_89 : memref<40xi32, #tpu.memory_space<hbm>>) target(%arg16 : memref<40xi32, #tpu.memory_space<vmem>>) target_semaphore(%arg32 : memref<!tpu.dma_semaphore, #tpu.memory_space<semaphore_mem>>)
      %dma_start3A_90 = arith.constant 80 : i32
      %dma_start3A_91 = tpu.memref_slice %arg13[%dma_start3A_90] : memref<10000xi32, #tpu.memory_space<vmem>> -> memref<40xi32, #tpu.memory_space<vmem>>
      %dma_start3A_92 = arith.constant 0 : i32
      %dma_start3A_93 = arith.constant 0 : i32
      %dma_start3A_94 = tpu.memref_slice %arg5[%dma_start3A_92, %dma_start3A_93] : memref<10000x128xf32, #tpu.memory_space<hbm>> -> memref<10000x128xf32, #tpu.memory_space<hbm>>
      tpu.enqueue_indirect_dma source(%dma_start3A_94 : memref<10000x128xf32, #tpu.memory_space<hbm>>) target(%arg21 : memref<40x128xf32, #tpu.memory_space<vmem>>) offsets(%dma_start3A_91 : memref<40xi32, #tpu.memory_space<vmem>>) semaphore(%arg27 : memref<!tpu.dma_semaphore, #tpu.memory_space<semaphore_mem>>)
      %scan3A_95 = arith.constant 0 : i32
      %scan3A_96 = arith.constant 0 : i32
      %scan3A_97 = arith.constant 50 : i32
      %scan3A_98 = arith.addi %scan3A_96, %scan3A_97 : i32
      %scan3A_99 = arith.constant 1 : i32
      %scan3A_100 = scf.for %scan3A_109 = %scan3A_96 to %scan3A_98 step %scan3A_99 iter_args(%scan3A_110 = %scan3A_95) -> (i32)  : i32 {
        %mul3A_111 = arith.constant 5 : i32
        %mul3A_112 = arith.muli %mul3A_111, %scan3A_109 : i32
        %add3A_113 = arith.constant 0 : i32
        %add3A_114 = arith.addi %mul3A_112, %add3A_113 : i32
        %mul3A_115 = arith.constant 40 : i32
        %mul3A_116 = arith.muli %add3A_114, %mul3A_115 : i32
        %add3A_117 = arith.addi %mul3A_58, %mul3A_116 : i32
        %dma_wait3A_118 = tpu.memref_slice %arg7[%add3A_117] : memref<160000xi32, #tpu.memory_space<hbm>> -> memref<40xi32, #tpu.memory_space<hbm>>
        %dma_wait3A_119 = tpu.memref_slice %arg7[%add3A_117] : memref<160000xi32, #tpu.memory_space<hbm>> -> memref<40xi32, #tpu.memory_space<hbm>>
        tpu.wait_dma2 semaphore(%arg30 : memref<!tpu.dma_semaphore, #tpu.memory_space<semaphore_mem>>) src(%dma_wait3A_119 : memref<40xi32, #tpu.memory_space<hbm>>) dst(%arg14 : memref<40xi32, #tpu.memory_space<vmem>>)
        %mul3A_120 = arith.constant 40 : i32
        %mul3A_121 = arith.muli %add3A_114, %mul3A_120 : i32
        %dma_wait3A_122 = tpu.memref_slice %arg13[%mul3A_121] : memref<10000xi32, #tpu.memory_space<vmem>> -> memref<40xi32, #tpu.memory_space<vmem>>
        %dma_wait3A_123 = arith.constant 0 : i32
        %dma_wait3A_124 = arith.constant 0 : i32
        %dma_wait3A_125 = tpu.memref_slice %arg5[%dma_wait3A_123, %dma_wait3A_124] : memref<10000x128xf32, #tpu.memory_space<hbm>> -> memref<10000x128xf32, #tpu.memory_space<hbm>>
        tpu.wait_indirect_dma semaphore(%arg25 : memref<!tpu.dma_semaphore, #tpu.memory_space<semaphore_mem>>) src(%dma_wait3A_125 : memref<10000x128xf32, #tpu.memory_space<hbm>>) dst(%arg19 : memref<40x128xf32, #tpu.memory_space<vmem>>)
        %dma_start3A_126 = arith.constant 0 : i32
        %dma_start3A_127 = arith.constant 0 : i32
        %dma_start3A_128 = tpu.memref_slice %arg24[%dma_start3A_126, %dma_start3A_127] : memref<10240x128xf32, #tpu.memory_space<vmem_shared>> -> memref<10240x128xf32, #tpu.memory_space<vmem_shared>>
        tpu.enqueue_indirect_dma source(%arg19 : memref<40x128xf32, #tpu.memory_space<vmem>>) target(%dma_start3A_128 : memref<10240x128xf32, #tpu.memory_space<vmem_shared>>) offsets(%arg14 : memref<40xi32, #tpu.memory_space<vmem>>) semaphore(%arg35 : memref<!tpu.dma_semaphore, #tpu.memory_space<semaphore_mem>>) {add = true}
        %gt3A = arith.constant 0 : i32
        %gt3A_129 = arith.cmpi sgt, %scan3A_109, %gt3A : i32
        %convert_element_type3A_130 = arith.extui %gt3A_129 : i1 to i32
        %cond3A_131 = arith.constant 0 : i32
        %cond3A_132 = arith.cmpi ne, %convert_element_type3A_130, %cond3A_131 : i32
        scf.if %cond3A_132 {
          %dma_wait3A_260 = arith.constant 0 : i32
          %dma_wait3A_261 = arith.constant 0 : i32
          %dma_wait3A_262 = tpu.memref_slice %arg24[%dma_wait3A_260, %dma_wait3A_261] : memref<10240x128xf32, #tpu.memory_space<vmem_shared>> -> memref<10240x128xf32, #tpu.memory_space<vmem_shared>>
          tpu.wait_indirect_dma semaphore(%arg38 : memref<!tpu.dma_semaphore, #tpu.memory_space<semaphore_mem>>) src(%arg22 : memref<40x128xf32, #tpu.memory_space<vmem>>) dst(%dma_wait3A_262 : memref<10240x128xf32, #tpu.memory_space<vmem_shared>>)
        } else {
        }
        %add3A_133 = arith.constant 3 : i32
        %add3A_134 = arith.addi %add3A_114, %add3A_133 : i32
        %mul3A_135 = arith.constant 40 : i32
        %mul3A_136 = arith.muli %add3A_134, %mul3A_135 : i32
        %add3A_137 = arith.addi %mul3A_58, %mul3A_136 : i32
        %dma_start3A_138 = tpu.memref_slice %arg7[%add3A_137] : memref<160000xi32, #tpu.memory_space<hbm>> -> memref<40xi32, #tpu.memory_space<hbm>>
        %dma_start3A_139 = tpu.memref_slice %arg7[%add3A_137] : memref<160000xi32, #tpu.memory_space<hbm>> -> memref<40xi32, #tpu.memory_space<hbm>>
        tpu.enqueue_dma source(%dma_start3A_139 : memref<40xi32, #tpu.memory_space<hbm>>) target(%arg17 : memref<40xi32, #tpu.memory_space<vmem>>) target_semaphore(%arg33 : memref<!tpu.dma_semaphore, #tpu.memory_space<semaphore_mem>>)
        %mul3A_140 = arith.constant 40 : i32
        %mul3A_141 = arith.muli %add3A_134, %mul3A_140 : i32
        %dma_start3A_142 = tpu.memref_slice %arg13[%mul3A_141] : memref<10000xi32, #tpu.memory_space<vmem>> -> memref<40xi32, #tpu.memory_space<vmem>>
        %dma_start3A_143 = arith.constant 0 : i32
        %dma_start3A_144 = arith.constant 0 : i32
        %dma_start3A_145 = tpu.memref_slice %arg5[%dma_start3A_143, %dma_start3A_144] : memref<10000x128xf32, #tpu.memory_space<hbm>> -> memref<10000x128xf32, #tpu.memory_space<hbm>>
        tpu.enqueue_indirect_dma source(%dma_start3A_145 : memref<10000x128xf32, #tpu.memory_space<hbm>>) target(%arg22 : memref<40x128xf32, #tpu.memory_space<vmem>>) offsets(%dma_start3A_142 : memref<40xi32, #tpu.memory_space<vmem>>) semaphore(%arg28 : memref<!tpu.dma_semaphore, #tpu.memory_space<semaphore_mem>>)
        %mul3A_146 = arith.constant 5 : i32
        %mul3A_147 = arith.muli %mul3A_146, %scan3A_109 : i32
        %add3A_148 = arith.constant 1 : i32
        %add3A_149 = arith.addi %mul3A_147, %add3A_148 : i32
        %mul3A_150 = arith.constant 40 : i32
        %mul3A_151 = arith.muli %add3A_149, %mul3A_150 : i32
        %add3A_152 = arith.addi %mul3A_58, %mul3A_151 : i32
        %dma_wait3A_153 = tpu.memref_slice %arg7[%add3A_152] : memref<160000xi32, #tpu.memory_space<hbm>> -> memref<40xi32, #tpu.memory_space<hbm>>
        %dma_wait3A_154 = tpu.memref_slice %arg7[%add3A_152] : memref<160000xi32, #tpu.memory_space<hbm>> -> memref<40xi32, #tpu.memory_space<hbm>>
        tpu.wait_dma2 semaphore(%arg31 : memref<!tpu.dma_semaphore, #tpu.memory_space<semaphore_mem>>) src(%dma_wait3A_154 : memref<40xi32, #tpu.memory_space<hbm>>) dst(%arg15 : memref<40xi32, #tpu.memory_space<vmem>>)
        %mul3A_155 = arith.constant 40 : i32
        %mul3A_156 = arith.muli %add3A_149, %mul3A_155 : i32
        %dma_wait3A_157 = tpu.memref_slice %arg13[%mul3A_156] : memref<10000xi32, #tpu.memory_space<vmem>> -> memref<40xi32, #tpu.memory_space<vmem>>
        %dma_wait3A_158 = arith.constant 0 : i32
        %dma_wait3A_159 = arith.constant 0 : i32
        %dma_wait3A_160 = tpu.memref_slice %arg5[%dma_wait3A_158, %dma_wait3A_159] : memref<10000x128xf32, #tpu.memory_space<hbm>> -> memref<10000x128xf32, #tpu.memory_space<hbm>>
        tpu.wait_indirect_dma semaphore(%arg26 : memref<!tpu.dma_semaphore, #tpu.memory_space<semaphore_mem>>) src(%dma_wait3A_160 : memref<10000x128xf32, #tpu.memory_space<hbm>>) dst(%arg20 : memref<40x128xf32, #tpu.memory_space<vmem>>)
        %dma_start3A_161 = arith.constant 0 : i32
        %dma_start3A_162 = arith.constant 0 : i32
        %dma_start3A_163 = tpu.memref_slice %arg24[%dma_start3A_161, %dma_start3A_162] : memref<10240x128xf32, #tpu.memory_space<vmem_shared>> -> memref<10240x128xf32, #tpu.memory_space<vmem_shared>>
        tpu.enqueue_indirect_dma source(%arg20 : memref<40x128xf32, #tpu.memory_space<vmem>>) target(%dma_start3A_163 : memref<10240x128xf32, #tpu.memory_space<vmem_shared>>) offsets(%arg15 : memref<40xi32, #tpu.memory_space<vmem>>) semaphore(%arg36 : memref<!tpu.dma_semaphore, #tpu.memory_space<semaphore_mem>>) {add = true}
        %gt3A_164 = arith.constant 0 : i32
        %gt3A_165 = arith.cmpi sgt, %scan3A_109, %gt3A_164 : i32
        %convert_element_type3A_166 = arith.extui %gt3A_165 : i1 to i32
        %cond3A_167 = arith.constant 0 : i32
        %cond3A_168 = arith.cmpi ne, %convert_element_type3A_166, %cond3A_167 : i32
        scf.if %cond3A_168 {
          %dma_wait3A_260 = arith.constant 0 : i32
          %dma_wait3A_261 = arith.constant 0 : i32
          %dma_wait3A_262 = tpu.memref_slice %arg24[%dma_wait3A_260, %dma_wait3A_261] : memref<10240x128xf32, #tpu.memory_space<vmem_shared>> -> memref<10240x128xf32, #tpu.memory_space<vmem_shared>>
          tpu.wait_indirect_dma semaphore(%arg39 : memref<!tpu.dma_semaphore, #tpu.memory_space<semaphore_mem>>) src(%arg23 : memref<40x128xf32, #tpu.memory_space<vmem>>) dst(%dma_wait3A_262 : memref<10240x128xf32, #tpu.memory_space<vmem_shared>>)
        } else {
        }
        %add3A_169 = arith.constant 3 : i32
        %add3A_170 = arith.addi %add3A_149, %add3A_169 : i32
        %mul3A_171 = arith.constant 40 : i32
        %mul3A_172 = arith.muli %add3A_170, %mul3A_171 : i32
        %add3A_173 = arith.addi %mul3A_58, %mul3A_172 : i32
        %dma_start3A_174 = tpu.memref_slice %arg7[%add3A_173] : memref<160000xi32, #tpu.memory_space<hbm>> -> memref<40xi32, #tpu.memory_space<hbm>>
        %dma_start3A_175 = tpu.memref_slice %arg7[%add3A_173] : memref<160000xi32, #tpu.memory_space<hbm>> -> memref<40xi32, #tpu.memory_space<hbm>>
        tpu.enqueue_dma source(%dma_start3A_175 : memref<40xi32, #tpu.memory_space<hbm>>) target(%arg18 : memref<40xi32, #tpu.memory_space<vmem>>) target_semaphore(%arg34 : memref<!tpu.dma_semaphore, #tpu.memory_space<semaphore_mem>>)
        %mul3A_176 = arith.constant 40 : i32
        %mul3A_177 = arith.muli %add3A_170, %mul3A_176 : i32
        %dma_start3A_178 = tpu.memref_slice %arg13[%mul3A_177] : memref<10000xi32, #tpu.memory_space<vmem>> -> memref<40xi32, #tpu.memory_space<vmem>>
        %dma_start3A_179 = arith.constant 0 : i32
        %dma_start3A_180 = arith.constant 0 : i32
        %dma_start3A_181 = tpu.memref_slice %arg5[%dma_start3A_179, %dma_start3A_180] : memref<10000x128xf32, #tpu.memory_space<hbm>> -> memref<10000x128xf32, #tpu.memory_space<hbm>>
        tpu.enqueue_indirect_dma source(%dma_start3A_181 : memref<10000x128xf32, #tpu.memory_space<hbm>>) target(%arg23 : memref<40x128xf32, #tpu.memory_space<vmem>>) offsets(%dma_start3A_178 : memref<40xi32, #tpu.memory_space<vmem>>) semaphore(%arg29 : memref<!tpu.dma_semaphore, #tpu.memory_space<semaphore_mem>>)
        %mul3A_182 = arith.constant 5 : i32
        %mul3A_183 = arith.muli %mul3A_182, %scan3A_109 : i32
        %add3A_184 = arith.constant 2 : i32
        %add3A_185 = arith.addi %mul3A_183, %add3A_184 : i32
        %mul3A_186 = arith.constant 40 : i32
        %mul3A_187 = arith.muli %add3A_185, %mul3A_186 : i32
        %add3A_188 = arith.addi %mul3A_58, %mul3A_187 : i32
        %dma_wait3A_189 = tpu.memref_slice %arg7[%add3A_188] : memref<160000xi32, #tpu.memory_space<hbm>> -> memref<40xi32, #tpu.memory_space<hbm>>
        %dma_wait3A_190 = tpu.memref_slice %arg7[%add3A_188] : memref<160000xi32, #tpu.memory_space<hbm>> -> memref<40xi32, #tpu.memory_space<hbm>>
        tpu.wait_dma2 semaphore(%arg32 : memref<!tpu.dma_semaphore, #tpu.memory_space<semaphore_mem>>) src(%dma_wait3A_190 : memref<40xi32, #tpu.memory_space<hbm>>) dst(%arg16 : memref<40xi32, #tpu.memory_space<vmem>>)
        %mul3A_191 = arith.constant 40 : i32
        %mul3A_192 = arith.muli %add3A_185, %mul3A_191 : i32
        %dma_wait3A_193 = tpu.memref_slice %arg13[%mul3A_192] : memref<10000xi32, #tpu.memory_space<vmem>> -> memref<40xi32, #tpu.memory_space<vmem>>
        %dma_wait3A_194 = arith.constant 0 : i32
        %dma_wait3A_195 = arith.constant 0 : i32
        %dma_wait3A_196 = tpu.memref_slice %arg5[%dma_wait3A_194, %dma_wait3A_195] : memref<10000x128xf32, #tpu.memory_space<hbm>> -> memref<10000x128xf32, #tpu.memory_space<hbm>>
        tpu.wait_indirect_dma semaphore(%arg27 : memref<!tpu.dma_semaphore, #tpu.memory_space<semaphore_mem>>) src(%dma_wait3A_196 : memref<10000x128xf32, #tpu.memory_space<hbm>>) dst(%arg21 : memref<40x128xf32, #tpu.memory_space<vmem>>)
        %dma_start3A_197 = arith.constant 0 : i32
        %dma_start3A_198 = arith.constant 0 : i32
        %dma_start3A_199 = tpu.memref_slice %arg24[%dma_start3A_197, %dma_start3A_198] : memref<10240x128xf32, #tpu.memory_space<vmem_shared>> -> memref<10240x128xf32, #tpu.memory_space<vmem_shared>>
        tpu.enqueue_indirect_dma source(%arg21 : memref<40x128xf32, #tpu.memory_space<vmem>>) target(%dma_start3A_199 : memref<10240x128xf32, #tpu.memory_space<vmem_shared>>) offsets(%arg16 : memref<40xi32, #tpu.memory_space<vmem>>) semaphore(%arg37 : memref<!tpu.dma_semaphore, #tpu.memory_space<semaphore_mem>>) {add = true}
        %dma_wait3A_200 = arith.constant 0 : i32
        %dma_wait3A_201 = arith.constant 0 : i32
        %dma_wait3A_202 = tpu.memref_slice %arg24[%dma_wait3A_200, %dma_wait3A_201] : memref<10240x128xf32, #tpu.memory_space<vmem_shared>> -> memref<10240x128xf32, #tpu.memory_space<vmem_shared>>
        tpu.wait_indirect_dma semaphore(%arg35 : memref<!tpu.dma_semaphore, #tpu.memory_space<semaphore_mem>>) src(%arg19 : memref<40x128xf32, #tpu.memory_space<vmem>>) dst(%dma_wait3A_202 : memref<10240x128xf32, #tpu.memory_space<vmem_shared>>)
        %lt3A = arith.constant 49 : i32
        %lt3A_203 = arith.cmpi slt, %scan3A_109, %lt3A : i32
        %convert_element_type3A_204 = arith.extui %lt3A_203 : i1 to i32
        %cond3A_205 = arith.constant 0 : i32
        %cond3A_206 = arith.cmpi ne, %convert_element_type3A_204, %cond3A_205 : i32
        scf.if %cond3A_206 {
          %add3A_260 = arith.constant 3 : i32
          %add3A_261 = arith.addi %add3A_185, %add3A_260 : i32
          %mul3A_262 = arith.constant 40 : i32
          %mul3A_263 = arith.muli %add3A_261, %mul3A_262 : i32
          %add3A_264 = arith.addi %mul3A_58, %mul3A_263 : i32
          %dma_start3A_265 = tpu.memref_slice %arg7[%add3A_264] : memref<160000xi32, #tpu.memory_space<hbm>> -> memref<40xi32, #tpu.memory_space<hbm>>
          %dma_start3A_266 = tpu.memref_slice %arg7[%add3A_264] : memref<160000xi32, #tpu.memory_space<hbm>> -> memref<40xi32, #tpu.memory_space<hbm>>
          tpu.enqueue_dma source(%dma_start3A_266 : memref<40xi32, #tpu.memory_space<hbm>>) target(%arg14 : memref<40xi32, #tpu.memory_space<vmem>>) target_semaphore(%arg30 : memref<!tpu.dma_semaphore, #tpu.memory_space<semaphore_mem>>)
          %mul3A_267 = arith.constant 40 : i32
          %mul3A_268 = arith.muli %add3A_261, %mul3A_267 : i32
          %dma_start3A_269 = tpu.memref_slice %arg13[%mul3A_268] : memref<10000xi32, #tpu.memory_space<vmem>> -> memref<40xi32, #tpu.memory_space<vmem>>
          %dma_start3A_270 = arith.constant 0 : i32
          %dma_start3A_271 = arith.constant 0 : i32
          %dma_start3A_272 = tpu.memref_slice %arg5[%dma_start3A_270, %dma_start3A_271] : memref<10000x128xf32, #tpu.memory_space<hbm>> -> memref<10000x128xf32, #tpu.memory_space<hbm>>
          tpu.enqueue_indirect_dma source(%dma_start3A_272 : memref<10000x128xf32, #tpu.memory_space<hbm>>) target(%arg19 : memref<40x128xf32, #tpu.memory_space<vmem>>) offsets(%dma_start3A_269 : memref<40xi32, #tpu.memory_space<vmem>>) semaphore(%arg25 : memref<!tpu.dma_semaphore, #tpu.memory_space<semaphore_mem>>)
        } else {
        }
        %mul3A_207 = arith.constant 5 : i32
        %mul3A_208 = arith.muli %mul3A_207, %scan3A_109 : i32
        %add3A_209 = arith.constant 3 : i32
        %add3A_210 = arith.addi %mul3A_208, %add3A_209 : i32
        %mul3A_211 = arith.constant 40 : i32
        %mul3A_212 = arith.muli %add3A_210, %mul3A_211 : i32
        %add3A_213 = arith.addi %mul3A_58, %mul3A_212 : i32
        %dma_wait3A_214 = tpu.memref_slice %arg7[%add3A_213] : memref<160000xi32, #tpu.memory_space<hbm>> -> memref<40xi32, #tpu.memory_space<hbm>>
        %dma_wait3A_215 = tpu.memref_slice %arg7[%add3A_213] : memref<160000xi32, #tpu.memory_space<hbm>> -> memref<40xi32, #tpu.memory_space<hbm>>
        tpu.wait_dma2 semaphore(%arg33 : memref<!tpu.dma_semaphore, #tpu.memory_space<semaphore_mem>>) src(%dma_wait3A_215 : memref<40xi32, #tpu.memory_space<hbm>>) dst(%arg17 : memref<40xi32, #tpu.memory_space<vmem>>)
        %mul3A_216 = arith.constant 40 : i32
        %mul3A_217 = arith.muli %add3A_210, %mul3A_216 : i32
        %dma_wait3A_218 = tpu.memref_slice %arg13[%mul3A_217] : memref<10000xi32, #tpu.memory_space<vmem>> -> memref<40xi32, #tpu.memory_space<vmem>>
        %dma_wait3A_219 = arith.constant 0 : i32
        %dma_wait3A_220 = arith.constant 0 : i32
        %dma_wait3A_221 = tpu.memref_slice %arg5[%dma_wait3A_219, %dma_wait3A_220] : memref<10000x128xf32, #tpu.memory_space<hbm>> -> memref<10000x128xf32, #tpu.memory_space<hbm>>
        tpu.wait_indirect_dma semaphore(%arg28 : memref<!tpu.dma_semaphore, #tpu.memory_space<semaphore_mem>>) src(%dma_wait3A_221 : memref<10000x128xf32, #tpu.memory_space<hbm>>) dst(%arg22 : memref<40x128xf32, #tpu.memory_space<vmem>>)
        %dma_start3A_222 = arith.constant 0 : i32
        %dma_start3A_223 = arith.constant 0 : i32
        %dma_start3A_224 = tpu.memref_slice %arg24[%dma_start3A_222, %dma_start3A_223] : memref<10240x128xf32, #tpu.memory_space<vmem_shared>> -> memref<10240x128xf32, #tpu.memory_space<vmem_shared>>
        tpu.enqueue_indirect_dma source(%arg22 : memref<40x128xf32, #tpu.memory_space<vmem>>) target(%dma_start3A_224 : memref<10240x128xf32, #tpu.memory_space<vmem_shared>>) offsets(%arg17 : memref<40xi32, #tpu.memory_space<vmem>>) semaphore(%arg38 : memref<!tpu.dma_semaphore, #tpu.memory_space<semaphore_mem>>) {add = true}
        %dma_wait3A_225 = arith.constant 0 : i32
        %dma_wait3A_226 = arith.constant 0 : i32
        %dma_wait3A_227 = tpu.memref_slice %arg24[%dma_wait3A_225, %dma_wait3A_226] : memref<10240x128xf32, #tpu.memory_space<vmem_shared>> -> memref<10240x128xf32, #tpu.memory_space<vmem_shared>>
        tpu.wait_indirect_dma semaphore(%arg36 : memref<!tpu.dma_semaphore, #tpu.memory_space<semaphore_mem>>) src(%arg20 : memref<40x128xf32, #tpu.memory_space<vmem>>) dst(%dma_wait3A_227 : memref<10240x128xf32, #tpu.memory_space<vmem_shared>>)
        %lt3A_228 = arith.constant 49 : i32
        %lt3A_229 = arith.cmpi slt, %scan3A_109, %lt3A_228 : i32
        %convert_element_type3A_230 = arith.extui %lt3A_229 : i1 to i32
        %cond3A_231 = arith.constant 0 : i32
        %cond3A_232 = arith.cmpi ne, %convert_element_type3A_230, %cond3A_231 : i32
        scf.if %cond3A_232 {
          %add3A_260 = arith.constant 3 : i32
          %add3A_261 = arith.addi %add3A_210, %add3A_260 : i32
          %mul3A_262 = arith.constant 40 : i32
          %mul3A_263 = arith.muli %add3A_261, %mul3A_262 : i32
          %add3A_264 = arith.addi %mul3A_58, %mul3A_263 : i32
          %dma_start3A_265 = tpu.memref_slice %arg7[%add3A_264] : memref<160000xi32, #tpu.memory_space<hbm>> -> memref<40xi32, #tpu.memory_space<hbm>>
          %dma_start3A_266 = tpu.memref_slice %arg7[%add3A_264] : memref<160000xi32, #tpu.memory_space<hbm>> -> memref<40xi32, #tpu.memory_space<hbm>>
          tpu.enqueue_dma source(%dma_start3A_266 : memref<40xi32, #tpu.memory_space<hbm>>) target(%arg15 : memref<40xi32, #tpu.memory_space<vmem>>) target_semaphore(%arg31 : memref<!tpu.dma_semaphore, #tpu.memory_space<semaphore_mem>>)
          %mul3A_267 = arith.constant 40 : i32
          %mul3A_268 = arith.muli %add3A_261, %mul3A_267 : i32
          %dma_start3A_269 = tpu.memref_slice %arg13[%mul3A_268] : memref<10000xi32, #tpu.memory_space<vmem>> -> memref<40xi32, #tpu.memory_space<vmem>>
          %dma_start3A_270 = arith.constant 0 : i32
          %dma_start3A_271 = arith.constant 0 : i32
          %dma_start3A_272 = tpu.memref_slice %arg5[%dma_start3A_270, %dma_start3A_271] : memref<10000x128xf32, #tpu.memory_space<hbm>> -> memref<10000x128xf32, #tpu.memory_space<hbm>>
          tpu.enqueue_indirect_dma source(%dma_start3A_272 : memref<10000x128xf32, #tpu.memory_space<hbm>>) target(%arg20 : memref<40x128xf32, #tpu.memory_space<vmem>>) offsets(%dma_start3A_269 : memref<40xi32, #tpu.memory_space<vmem>>) semaphore(%arg26 : memref<!tpu.dma_semaphore, #tpu.memory_space<semaphore_mem>>)
        } else {
        }
        %mul3A_233 = arith.constant 5 : i32
        %mul3A_234 = arith.muli %mul3A_233, %scan3A_109 : i32
        %add3A_235 = arith.constant 4 : i32
        %add3A_236 = arith.addi %mul3A_234, %add3A_235 : i32
        %mul3A_237 = arith.constant 40 : i32
        %mul3A_238 = arith.muli %add3A_236, %mul3A_237 : i32
        %add3A_239 = arith.addi %mul3A_58, %mul3A_238 : i32
        %dma_wait3A_240 = tpu.memref_slice %arg7[%add3A_239] : memref<160000xi32, #tpu.memory_space<hbm>> -> memref<40xi32, #tpu.memory_space<hbm>>
        %dma_wait3A_241 = tpu.memref_slice %arg7[%add3A_239] : memref<160000xi32, #tpu.memory_space<hbm>> -> memref<40xi32, #tpu.memory_space<hbm>>
        tpu.wait_dma2 semaphore(%arg34 : memref<!tpu.dma_semaphore, #tpu.memory_space<semaphore_mem>>) src(%dma_wait3A_241 : memref<40xi32, #tpu.memory_space<hbm>>) dst(%arg18 : memref<40xi32, #tpu.memory_space<vmem>>)
        %mul3A_242 = arith.constant 40 : i32
        %mul3A_243 = arith.muli %add3A_236, %mul3A_242 : i32
        %dma_wait3A_244 = tpu.memref_slice %arg13[%mul3A_243] : memref<10000xi32, #tpu.memory_space<vmem>> -> memref<40xi32, #tpu.memory_space<vmem>>
        %dma_wait3A_245 = arith.constant 0 : i32
        %dma_wait3A_246 = arith.constant 0 : i32
        %dma_wait3A_247 = tpu.memref_slice %arg5[%dma_wait3A_245, %dma_wait3A_246] : memref<10000x128xf32, #tpu.memory_space<hbm>> -> memref<10000x128xf32, #tpu.memory_space<hbm>>
        tpu.wait_indirect_dma semaphore(%arg29 : memref<!tpu.dma_semaphore, #tpu.memory_space<semaphore_mem>>) src(%dma_wait3A_247 : memref<10000x128xf32, #tpu.memory_space<hbm>>) dst(%arg23 : memref<40x128xf32, #tpu.memory_space<vmem>>)
        %dma_start3A_248 = arith.constant 0 : i32
        %dma_start3A_249 = arith.constant 0 : i32
        %dma_start3A_250 = tpu.memref_slice %arg24[%dma_start3A_248, %dma_start3A_249] : memref<10240x128xf32, #tpu.memory_space<vmem_shared>> -> memref<10240x128xf32, #tpu.memory_space<vmem_shared>>
        tpu.enqueue_indirect_dma source(%arg23 : memref<40x128xf32, #tpu.memory_space<vmem>>) target(%dma_start3A_250 : memref<10240x128xf32, #tpu.memory_space<vmem_shared>>) offsets(%arg18 : memref<40xi32, #tpu.memory_space<vmem>>) semaphore(%arg39 : memref<!tpu.dma_semaphore, #tpu.memory_space<semaphore_mem>>) {add = true}
        %dma_wait3A_251 = arith.constant 0 : i32
        %dma_wait3A_252 = arith.constant 0 : i32
        %dma_wait3A_253 = tpu.memref_slice %arg24[%dma_wait3A_251, %dma_wait3A_252] : memref<10240x128xf32, #tpu.memory_space<vmem_shared>> -> memref<10240x128xf32, #tpu.memory_space<vmem_shared>>
        tpu.wait_indirect_dma semaphore(%arg37 : memref<!tpu.dma_semaphore, #tpu.memory_space<semaphore_mem>>) src(%arg21 : memref<40x128xf32, #tpu.memory_space<vmem>>) dst(%dma_wait3A_253 : memref<10240x128xf32, #tpu.memory_space<vmem_shared>>)
        %lt3A_254 = arith.constant 49 : i32
        %lt3A_255 = arith.cmpi slt, %scan3A_109, %lt3A_254 : i32
        %convert_element_type3A_256 = arith.extui %lt3A_255 : i1 to i32
        %cond3A_257 = arith.constant 0 : i32
        %cond3A_258 = arith.cmpi ne, %convert_element_type3A_256, %cond3A_257 : i32
        scf.if %cond3A_258 {
          %add3A_260 = arith.constant 3 : i32
          %add3A_261 = arith.addi %add3A_236, %add3A_260 : i32
          %mul3A_262 = arith.constant 40 : i32
          %mul3A_263 = arith.muli %add3A_261, %mul3A_262 : i32
          %add3A_264 = arith.addi %mul3A_58, %mul3A_263 : i32
          %dma_start3A_265 = tpu.memref_slice %arg7[%add3A_264] : memref<160000xi32, #tpu.memory_space<hbm>> -> memref<40xi32, #tpu.memory_space<hbm>>
          %dma_start3A_266 = tpu.memref_slice %arg7[%add3A_264] : memref<160000xi32, #tpu.memory_space<hbm>> -> memref<40xi32, #tpu.memory_space<hbm>>
          tpu.enqueue_dma source(%dma_start3A_266 : memref<40xi32, #tpu.memory_space<hbm>>) target(%arg16 : memref<40xi32, #tpu.memory_space<vmem>>) target_semaphore(%arg32 : memref<!tpu.dma_semaphore, #tpu.memory_space<semaphore_mem>>)
          %mul3A_267 = arith.constant 40 : i32
          %mul3A_268 = arith.muli %add3A_261, %mul3A_267 : i32
          %dma_start3A_269 = tpu.memref_slice %arg13[%mul3A_268] : memref<10000xi32, #tpu.memory_space<vmem>> -> memref<40xi32, #tpu.memory_space<vmem>>
          %dma_start3A_270 = arith.constant 0 : i32
          %dma_start3A_271 = arith.constant 0 : i32
          %dma_start3A_272 = tpu.memref_slice %arg5[%dma_start3A_270, %dma_start3A_271] : memref<10000x128xf32, #tpu.memory_space<hbm>> -> memref<10000x128xf32, #tpu.memory_space<hbm>>
          tpu.enqueue_indirect_dma source(%dma_start3A_272 : memref<10000x128xf32, #tpu.memory_space<hbm>>) target(%arg21 : memref<40x128xf32, #tpu.memory_space<vmem>>) offsets(%dma_start3A_269 : memref<40xi32, #tpu.memory_space<vmem>>) semaphore(%arg27 : memref<!tpu.dma_semaphore, #tpu.memory_space<semaphore_mem>>)
        } else {
        }
        %scan3A_259 = arith.constant 0 : i32
        scf.yield %scan3A_259 : i32
      }
      %scan3A_101 = arith.constant 50 : i32
      %dma_wait3A_102 = arith.constant 0 : i32
      %dma_wait3A_103 = arith.constant 0 : i32
      %dma_wait3A_104 = tpu.memref_slice %arg24[%dma_wait3A_102, %dma_wait3A_103] : memref<10240x128xf32, #tpu.memory_space<vmem_shared>> -> memref<10240x128xf32, #tpu.memory_space<vmem_shared>>
      tpu.wait_indirect_dma semaphore(%arg38 : memref<!tpu.dma_semaphore, #tpu.memory_space<semaphore_mem>>) src(%arg22 : memref<40x128xf32, #tpu.memory_space<vmem>>) dst(%dma_wait3A_104 : memref<10240x128xf32, #tpu.memory_space<vmem_shared>>)
      %dma_wait3A_105 = arith.constant 0 : i32
      %dma_wait3A_106 = arith.constant 0 : i32
      %dma_wait3A_107 = tpu.memref_slice %arg24[%dma_wait3A_105, %dma_wait3A_106] : memref<10240x128xf32, #tpu.memory_space<vmem_shared>> -> memref<10240x128xf32, #tpu.memory_space<vmem_shared>>
      tpu.wait_indirect_dma semaphore(%arg39 : memref<!tpu.dma_semaphore, #tpu.memory_space<semaphore_mem>>) src(%arg23 : memref<40x128xf32, #tpu.memory_space<vmem>>) dst(%dma_wait3A_107 : memref<10240x128xf32, #tpu.memory_space<vmem_shared>>)
      %barrier3A_108 = arith.constant 0 : index
      tpu.barrier barrier_id(%barrier3A_108)
      "tpu.region"() ({
        %run_scoped3A = tpu.sem_alloc : memref<!tpu.dma_semaphore, #tpu.memory_space<semaphore_mem>>
        %dma_start3A_109 = arith.constant 0 : i32
        %dma_start3A_110 = tpu.memref_slice %arg12[%mul3A_56, %dma_start3A_109] : memref<10240x128xf32, #tpu.memory_space<hbm>> -> memref<640x128xf32, #tpu.memory_space<hbm>>
        %dma_start3A_111 = arith.constant 0 : i32
        %dma_start3A_112 = tpu.memref_slice %arg24[%mul3A_56, %dma_start3A_111] : memref<10240x128xf32, #tpu.memory_space<vmem_shared>> -> memref<640x128xf32, #tpu.memory_space<vmem_shared>>
        tpu.enqueue_dma source(%dma_start3A_112 : memref<640x128xf32, #tpu.memory_space<vmem_shared>>) target(%dma_start3A_110 : memref<640x128xf32, #tpu.memory_space<hbm>>) target_semaphore(%run_scoped3A : memref<!tpu.dma_semaphore, #tpu.memory_space<semaphore_mem>>)
        %dma_wait3A_113 = arith.constant 0 : i32
        %dma_wait3A_114 = tpu.memref_slice %arg12[%mul3A_56, %dma_wait3A_113] : memref<10240x128xf32, #tpu.memory_space<hbm>> -> memref<640x128xf32, #tpu.memory_space<hbm>>
        %dma_wait3A_115 = arith.constant 0 : i32
        %dma_wait3A_116 = tpu.memref_slice %arg24[%mul3A_56, %dma_wait3A_115] : memref<10240x128xf32, #tpu.memory_space<vmem_shared>> -> memref<640x128xf32, #tpu.memory_space<vmem_shared>>
        tpu.wait_dma2 semaphore(%run_scoped3A : memref<!tpu.dma_semaphore, #tpu.memory_space<semaphore_mem>>) src(%dma_wait3A_116 : memref<640x128xf32, #tpu.memory_space<vmem_shared>>) dst(%dma_wait3A_114 : memref<640x128xf32, #tpu.memory_space<hbm>>)
        tpu.yield
      }) : () -> ()
    } else {
    }
    return
  }
}

#map = affine_map<(d0, d1) -> (0, 0)>
#map1 = affine_map<(d0, d1) -> (0)>
module attributes {stable_mosaic.version = 14 : i64} {
  func.func @segsum2(%arg0: i32, %arg1: i32, %arg2: memref<20000x128xf32, #tpu.memory_space<hbm>>, %arg3: memref<160000xi32, #tpu.memory_space<hbm>>, %arg4: memref<160000xi32, #tpu.memory_space<hbm>>, %arg5: memref<10240x128xf32, #tpu.memory_space<hbm>>, %arg6: memref<10240x128xf32, #tpu.memory_space<hbm>>, %arg7: memref<10240x128xf32, #tpu.memory_space<hbm>>, %arg8: memref<10000xi32, #tpu.memory_space<vmem>>, %arg9: memref<40xi32, #tpu.memory_space<vmem>>, %arg10: memref<40xi32, #tpu.memory_space<vmem>>, %arg11: memref<40xi32, #tpu.memory_space<vmem>>, %arg12: memref<40xi32, #tpu.memory_space<vmem>>, %arg13: memref<40xi32, #tpu.memory_space<vmem>>, %arg14: memref<40x128xf32, #tpu.memory_space<vmem>>, %arg15: memref<40x128xf32, #tpu.memory_space<vmem>>, %arg16: memref<40x128xf32, #tpu.memory_space<vmem>>, %arg17: memref<40x128xf32, #tpu.memory_space<vmem>>, %arg18: memref<40x128xf32, #tpu.memory_space<vmem>>, %arg19: memref<10240x128xf32, #tpu.memory_space<vmem_shared>>, %arg20: memref<!tpu.dma_semaphore, #tpu.memory_space<semaphore_mem>>, %arg21: memref<!tpu.dma_semaphore, #tpu.memory_space<semaphore_mem>>, %arg22: memref<!tpu.dma_semaphore, #tpu.memory_space<semaphore_mem>>, %arg23: memref<!tpu.dma_semaphore, #tpu.memory_space<semaphore_mem>>, %arg24: memref<!tpu.dma_semaphore, #tpu.memory_space<semaphore_mem>>, %arg25: memref<!tpu.dma_semaphore, #tpu.memory_space<semaphore_mem>>, %arg26: memref<!tpu.dma_semaphore, #tpu.memory_space<semaphore_mem>>, %arg27: memref<!tpu.dma_semaphore, #tpu.memory_space<semaphore_mem>>, %arg28: memref<!tpu.dma_semaphore, #tpu.memory_space<semaphore_mem>>, %arg29: memref<!tpu.dma_semaphore, #tpu.memory_space<semaphore_mem>>, %arg30: memref<!tpu.dma_semaphore, #tpu.memory_space<semaphore_mem>>, %arg31: memref<!tpu.dma_semaphore, #tpu.memory_space<semaphore_mem>>, %arg32: memref<!tpu.dma_semaphore, #tpu.memory_space<semaphore_mem>>, %arg33: memref<!tpu.dma_semaphore, #tpu.memory_space<semaphore_mem>>, %arg34: memref<!tpu.dma_semaphore, #tpu.memory_space<semaphore_mem>>) attributes {dimension_semantics = [#tpu.dimension_semantics<core_parallel>, #tpu.dimension_semantics<subcore_parallel>], iteration_bounds = array<i64: 2, 16>, scalar_prefetch = 0 : i64, scratch_operands = 27 : i64, tpu.core_type = #tpu.core_type<sc_vector_subcore>, window_params = [{transform_indices = #map}, {transform_indices = #map1}, {transform_indices = #map1}, {transform_indices = #map}, {transform_indices = #map}, {transform_indices = #map}]} {
    %eq3A = arith.constant 0 : i32
    %eq3A_0 = arith.cmpi eq, %arg0, %eq3A : i32
    %convert_element_type3A = arith.extui %eq3A_0 : i1 to i32
    %cond3A = arith.constant 0 : i32
    %cond3A_1 = arith.cmpi ne, %convert_element_type3A, %cond3A : i32
    scf.if %cond3A_1 {
      %mul3A = arith.constant 640 : i32
      %mul3A_7 = arith.muli %arg1, %mul3A : i32
      %mul3A_8 = arith.constant 10000 : i32
      %mul3A_9 = arith.muli %arg1, %mul3A_8 : i32
      %dma_start3A = arith.constant 0 : i32
      %dma_start3A_10 = tpu.memref_slice %arg19[%mul3A_7, %dma_start3A] : memref<10240x128xf32, #tpu.memory_space<vmem_shared>> -> memref<640x128xf32, #tpu.memory_space<vmem_shared>>
      %dma_start3A_11 = arith.constant 0 : i32
      %dma_start3A_12 = tpu.memref_slice %arg5[%mul3A_7, %dma_start3A_11] : memref<10240x128xf32, #tpu.memory_space<hbm>> -> memref<640x128xf32, #tpu.memory_space<hbm>>
      tpu.enqueue_dma source(%dma_start3A_12 : memref<640x128xf32, #tpu.memory_space<hbm>>) target(%dma_start3A_10 : memref<640x128xf32, #tpu.memory_space<vmem_shared>>) target_semaphore(%arg20 : memref<!tpu.dma_semaphore, #tpu.memory_space<semaphore_mem>>)
      "tpu.region"() ({
        %run_scoped3A = tpu.sem_alloc : memref<!tpu.dma_semaphore, #tpu.memory_space<semaphore_mem>>
        %dma_start3A_62 = tpu.memref_slice %arg3[%mul3A_9] : memref<160000xi32, #tpu.memory_space<hbm>> -> memref<10000xi32, #tpu.memory_space<hbm>>
        %dma_start3A_63 = tpu.memref_slice %arg3[%mul3A_9] : memref<160000xi32, #tpu.memory_space<hbm>> -> memref<10000xi32, #tpu.memory_space<hbm>>
        tpu.enqueue_dma source(%dma_start3A_63 : memref<10000xi32, #tpu.memory_space<hbm>>) target(%arg8 : memref<10000xi32, #tpu.memory_space<vmem>>) target_semaphore(%run_scoped3A : memref<!tpu.dma_semaphore, #tpu.memory_space<semaphore_mem>>)
        %dma_wait3A_64 = tpu.memref_slice %arg3[%mul3A_9] : memref<160000xi32, #tpu.memory_space<hbm>> -> memref<10000xi32, #tpu.memory_space<hbm>>
        %dma_wait3A_65 = tpu.memref_slice %arg3[%mul3A_9] : memref<160000xi32, #tpu.memory_space<hbm>> -> memref<10000xi32, #tpu.memory_space<hbm>>
        tpu.wait_dma2 semaphore(%run_scoped3A : memref<!tpu.dma_semaphore, #tpu.memory_space<semaphore_mem>>) src(%dma_wait3A_65 : memref<10000xi32, #tpu.memory_space<hbm>>) dst(%arg8 : memref<10000xi32, #tpu.memory_space<vmem>>)
        tpu.yield
      }) : () -> ()
      %scan3A = arith.constant 0 : i32
      %scan3A_13 = arith.constant 0 : i32
      %scan3A_14 = arith.constant 125 : i32
      %scan3A_15 = arith.addi %scan3A_13, %scan3A_14 : i32
      %scan3A_16 = arith.constant 1 : i32
      %scan3A_17 = scf.for %scan3A_62 = %scan3A_13 to %scan3A_15 step %scan3A_16 iter_args(%scan3A_63 = %scan3A) -> (i32)  : i32 {
        %mul3A_64 = arith.constant 80 : i32
        %mul3A_65 = arith.muli %scan3A_62, %mul3A_64 : i32
        %add3A_66 = arith.constant 0 : i32
        %add3A_67 = arith.addi %mul3A_65, %add3A_66 : i32
        %get3A = arith.index_cast %add3A_67 : i32 to index
        %get3A_68 = tpu.vector_load %arg8[%get3A] {strides = array<i32>} : memref<10000xi32, #tpu.memory_space<vmem>>, vector<16xi32>,
        %get3A_69 = vector.shape_cast %get3A_68 : vector<16xi32> to vector<16xi32>
        %mul3A_70 = arith.constant 2 : i32
        %mul3A_71 = vector.broadcast %mul3A_70 : i32 to vector<16xi32>
        %mul3A_72 = arith.muli %get3A_69, %mul3A_71 : vector<16xi32>
        %add3A_73 = arith.constant 0 : i32
        %add3A_74 = vector.broadcast %add3A_73 : i32 to vector<16xi32>
        %add3A_75 = arith.addi %mul3A_72, %add3A_74 : vector<16xi32>
        %swap3A = arith.index_cast %add3A_67 : i32 to index
        %swap3A_76 = tpu.vector_load %arg8[%swap3A] {strides = array<i32>} : memref<10000xi32, #tpu.memory_space<vmem>>, vector<16xi32>,
        %swap3A_77 = vector.shape_cast %swap3A_76 : vector<16xi32> to vector<16xi32>
        %swap3A_78 = vector.shape_cast %add3A_75 : vector<16xi32> to vector<16xi32>
        tpu.vector_store %arg8[%swap3A], %swap3A_78 {strides = array<i32>} : memref<10000xi32, #tpu.memory_space<vmem>>, vector<16xi32>,
        %mul3A_79 = arith.constant 80 : i32
        %mul3A_80 = arith.muli %scan3A_62, %mul3A_79 : i32
        %add3A_81 = arith.constant 16 : i32
        %add3A_82 = arith.addi %mul3A_80, %add3A_81 : i32
        %get3A_83 = arith.index_cast %add3A_82 : i32 to index
        %get3A_84 = tpu.vector_load %arg8[%get3A_83] {strides = array<i32>} : memref<10000xi32, #tpu.memory_space<vmem>>, vector<16xi32>,
        %get3A_85 = vector.shape_cast %get3A_84 : vector<16xi32> to vector<16xi32>
        %mul3A_86 = arith.constant 2 : i32
        %mul3A_87 = vector.broadcast %mul3A_86 : i32 to vector<16xi32>
        %mul3A_88 = arith.muli %get3A_85, %mul3A_87 : vector<16xi32>
        %add3A_89 = arith.constant 0 : i32
        %add3A_90 = vector.broadcast %add3A_89 : i32 to vector<16xi32>
        %add3A_91 = arith.addi %mul3A_88, %add3A_90 : vector<16xi32>
        %swap3A_92 = arith.index_cast %add3A_82 : i32 to index
        %swap3A_93 = tpu.vector_load %arg8[%swap3A_92] {strides = array<i32>} : memref<10000xi32, #tpu.memory_space<vmem>>, vector<16xi32>,
        %swap3A_94 = vector.shape_cast %swap3A_93 : vector<16xi32> to vector<16xi32>
        %swap3A_95 = vector.shape_cast %add3A_91 : vector<16xi32> to vector<16xi32>
        tpu.vector_store %arg8[%swap3A_92], %swap3A_95 {strides = array<i32>} : memref<10000xi32, #tpu.memory_space<vmem>>, vector<16xi32>,
        %mul3A_96 = arith.constant 80 : i32
        %mul3A_97 = arith.muli %scan3A_62, %mul3A_96 : i32
        %add3A_98 = arith.constant 32 : i32
        %add3A_99 = arith.addi %mul3A_97, %add3A_98 : i32
        %get3A_100 = arith.index_cast %add3A_99 : i32 to index
        %get3A_101 = tpu.vector_load %arg8[%get3A_100] {strides = array<i32>} : memref<10000xi32, #tpu.memory_space<vmem>>, vector<16xi32>,
        %get3A_102 = vector.shape_cast %get3A_101 : vector<16xi32> to vector<16xi32>
        %mul3A_103 = arith.constant 2 : i32
        %mul3A_104 = vector.broadcast %mul3A_103 : i32 to vector<16xi32>
        %mul3A_105 = arith.muli %get3A_102, %mul3A_104 : vector<16xi32>
        %add3A_106 = arith.constant 0 : i32
        %add3A_107 = vector.broadcast %add3A_106 : i32 to vector<16xi32>
        %add3A_108 = arith.addi %mul3A_105, %add3A_107 : vector<16xi32>
        %swap3A_109 = arith.index_cast %add3A_99 : i32 to index
        %swap3A_110 = tpu.vector_load %arg8[%swap3A_109] {strides = array<i32>} : memref<10000xi32, #tpu.memory_space<vmem>>, vector<16xi32>,
        %swap3A_111 = vector.shape_cast %swap3A_110 : vector<16xi32> to vector<16xi32>
        %swap3A_112 = vector.shape_cast %add3A_108 : vector<16xi32> to vector<16xi32>
        tpu.vector_store %arg8[%swap3A_109], %swap3A_112 {strides = array<i32>} : memref<10000xi32, #tpu.memory_space<vmem>>, vector<16xi32>,
        %mul3A_113 = arith.constant 80 : i32
        %mul3A_114 = arith.muli %scan3A_62, %mul3A_113 : i32
        %add3A_115 = arith.constant 48 : i32
        %add3A_116 = arith.addi %mul3A_114, %add3A_115 : i32
        %get3A_117 = arith.index_cast %add3A_116 : i32 to index
        %get3A_118 = tpu.vector_load %arg8[%get3A_117] {strides = array<i32>} : memref<10000xi32, #tpu.memory_space<vmem>>, vector<16xi32>,
        %get3A_119 = vector.shape_cast %get3A_118 : vector<16xi32> to vector<16xi32>
        %mul3A_120 = arith.constant 2 : i32
        %mul3A_121 = vector.broadcast %mul3A_120 : i32 to vector<16xi32>
        %mul3A_122 = arith.muli %get3A_119, %mul3A_121 : vector<16xi32>
        %add3A_123 = arith.constant 0 : i32
        %add3A_124 = vector.broadcast %add3A_123 : i32 to vector<16xi32>
        %add3A_125 = arith.addi %mul3A_122, %add3A_124 : vector<16xi32>
        %swap3A_126 = arith.index_cast %add3A_116 : i32 to index
        %swap3A_127 = tpu.vector_load %arg8[%swap3A_126] {strides = array<i32>} : memref<10000xi32, #tpu.memory_space<vmem>>, vector<16xi32>,
        %swap3A_128 = vector.shape_cast %swap3A_127 : vector<16xi32> to vector<16xi32>
        %swap3A_129 = vector.shape_cast %add3A_125 : vector<16xi32> to vector<16xi32>
        tpu.vector_store %arg8[%swap3A_126], %swap3A_129 {strides = array<i32>} : memref<10000xi32, #tpu.memory_space<vmem>>, vector<16xi32>,
        %mul3A_130 = arith.constant 80 : i32
        %mul3A_131 = arith.muli %scan3A_62, %mul3A_130 : i32
        %add3A_132 = arith.constant 64 : i32
        %add3A_133 = arith.addi %mul3A_131, %add3A_132 : i32
        %get3A_134 = arith.index_cast %add3A_133 : i32 to index
        %get3A_135 = tpu.vector_load %arg8[%get3A_134] {strides = array<i32>} : memref<10000xi32, #tpu.memory_space<vmem>>, vector<16xi32>,
        %get3A_136 = vector.shape_cast %get3A_135 : vector<16xi32> to vector<16xi32>
        %mul3A_137 = arith.constant 2 : i32
        %mul3A_138 = vector.broadcast %mul3A_137 : i32 to vector<16xi32>
        %mul3A_139 = arith.muli %get3A_136, %mul3A_138 : vector<16xi32>
        %add3A_140 = arith.constant 0 : i32
        %add3A_141 = vector.broadcast %add3A_140 : i32 to vector<16xi32>
        %add3A_142 = arith.addi %mul3A_139, %add3A_141 : vector<16xi32>
        %swap3A_143 = arith.index_cast %add3A_133 : i32 to index
        %swap3A_144 = tpu.vector_load %arg8[%swap3A_143] {strides = array<i32>} : memref<10000xi32, #tpu.memory_space<vmem>>, vector<16xi32>,
        %swap3A_145 = vector.shape_cast %swap3A_144 : vector<16xi32> to vector<16xi32>
        %swap3A_146 = vector.shape_cast %add3A_142 : vector<16xi32> to vector<16xi32>
        tpu.vector_store %arg8[%swap3A_143], %swap3A_146 {strides = array<i32>} : memref<10000xi32, #tpu.memory_space<vmem>>, vector<16xi32>,
        %scan3A_147 = arith.constant 0 : i32
        scf.yield %scan3A_147 : i32
      }
      %scan3A_18 = arith.constant 125 : i32
      %dma_wait3A = arith.constant 0 : i32
      %dma_wait3A_19 = tpu.memref_slice %arg19[%mul3A_7, %dma_wait3A] : memref<10240x128xf32, #tpu.memory_space<vmem_shared>> -> memref<640x128xf32, #tpu.memory_space<vmem_shared>>
      %dma_wait3A_20 = arith.constant 0 : i32
      %dma_wait3A_21 = tpu.memref_slice %arg5[%mul3A_7, %dma_wait3A_20] : memref<10240x128xf32, #tpu.memory_space<hbm>> -> memref<640x128xf32, #tpu.memory_space<hbm>>
      tpu.wait_dma2 semaphore(%arg20 : memref<!tpu.dma_semaphore, #tpu.memory_space<semaphore_mem>>) src(%dma_wait3A_21 : memref<640x128xf32, #tpu.memory_space<hbm>>) dst(%dma_wait3A_19 : memref<640x128xf32, #tpu.memory_space<vmem_shared>>)
      %barrier3A = arith.constant 0 : index
      tpu.barrier barrier_id(%barrier3A)
      %add3A = arith.constant 0 : i32
      %add3A_22 = arith.addi %mul3A_9, %add3A : i32
      %dma_start3A_23 = tpu.memref_slice %arg4[%add3A_22] : memref<160000xi32, #tpu.memory_space<hbm>> -> memref<40xi32, #tpu.memory_space<hbm>>
      %dma_start3A_24 = tpu.memref_slice %arg4[%add3A_22] : memref<160000xi32, #tpu.memory_space<hbm>> -> memref<40xi32, #tpu.memory_space<hbm>>
      tpu.enqueue_dma source(%dma_start3A_24 : memref<40xi32, #tpu.memory_space<hbm>>) target(%arg9 : memref<40xi32, #tpu.memory_space<vmem>>) target_semaphore(%arg25 : memref<!tpu.dma_semaphore, #tpu.memory_space<semaphore_mem>>)
      %dma_start3A_25 = arith.constant 0 : i32
      %dma_start3A_26 = tpu.memref_slice %arg8[%dma_start3A_25] : memref<10000xi32, #tpu.memory_space<vmem>> -> memref<40xi32, #tpu.memory_space<vmem>>
      %dma_start3A_27 = arith.constant 0 : i32
      %dma_start3A_28 = arith.constant 0 : i32
      %dma_start3A_29 = tpu.memref_slice %arg2[%dma_start3A_27, %dma_start3A_28] : memref<20000x128xf32, #tpu.memory_space<hbm>> -> memref<20000x128xf32, #tpu.memory_space<hbm>>
      tpu.enqueue_indirect_dma source(%dma_start3A_29 : memref<20000x128xf32, #tpu.memory_space<hbm>>) target(%arg14 : memref<40x128xf32, #tpu.memory_space<vmem>>) offsets(%dma_start3A_26 : memref<40xi32, #tpu.memory_space<vmem>>) semaphore(%arg20 : memref<!tpu.dma_semaphore, #tpu.memory_space<semaphore_mem>>)
      %add3A_30 = arith.constant 40 : i32
      %add3A_31 = arith.addi %mul3A_9, %add3A_30 : i32
      %dma_start3A_32 = tpu.memref_slice %arg4[%add3A_31] : memref<160000xi32, #tpu.memory_space<hbm>> -> memref<40xi32, #tpu.memory_space<hbm>>
      %dma_start3A_33 = tpu.memref_slice %arg4[%add3A_31] : memref<160000xi32, #tpu.memory_space<hbm>> -> memref<40xi32, #tpu.memory_space<hbm>>
      tpu.enqueue_dma source(%dma_start3A_33 : memref<40xi32, #tpu.memory_space<hbm>>) target(%arg10 : memref<40xi32, #tpu.memory_space<vmem>>) target_semaphore(%arg26 : memref<!tpu.dma_semaphore, #tpu.memory_space<semaphore_mem>>)
      %dma_start3A_34 = arith.constant 40 : i32
      %dma_start3A_35 = tpu.memref_slice %arg8[%dma_start3A_34] : memref<10000xi32, #tpu.memory_space<vmem>> -> memref<40xi32, #tpu.memory_space<vmem>>
      %dma_start3A_36 = arith.constant 0 : i32
      %dma_start3A_37 = arith.constant 0 : i32
      %dma_start3A_38 = tpu.memref_slice %arg2[%dma_start3A_36, %dma_start3A_37] : memref<20000x128xf32, #tpu.memory_space<hbm>> -> memref<20000x128xf32, #tpu.memory_space<hbm>>
      tpu.enqueue_indirect_dma source(%dma_start3A_38 : memref<20000x128xf32, #tpu.memory_space<hbm>>) target(%arg15 : memref<40x128xf32, #tpu.memory_space<vmem>>) offsets(%dma_start3A_35 : memref<40xi32, #tpu.memory_space<vmem>>) semaphore(%arg21 : memref<!tpu.dma_semaphore, #tpu.memory_space<semaphore_mem>>)
      %add3A_39 = arith.constant 80 : i32
      %add3A_40 = arith.addi %mul3A_9, %add3A_39 : i32
      %dma_start3A_41 = tpu.memref_slice %arg4[%add3A_40] : memref<160000xi32, #tpu.memory_space<hbm>> -> memref<40xi32, #tpu.memory_space<hbm>>
      %dma_start3A_42 = tpu.memref_slice %arg4[%add3A_40] : memref<160000xi32, #tpu.memory_space<hbm>> -> memref<40xi32, #tpu.memory_space<hbm>>
      tpu.enqueue_dma source(%dma_start3A_42 : memref<40xi32, #tpu.memory_space<hbm>>) target(%arg11 : memref<40xi32, #tpu.memory_space<vmem>>) target_semaphore(%arg27 : memref<!tpu.dma_semaphore, #tpu.memory_space<semaphore_mem>>)
      %dma_start3A_43 = arith.constant 80 : i32
      %dma_start3A_44 = tpu.memref_slice %arg8[%dma_start3A_43] : memref<10000xi32, #tpu.memory_space<vmem>> -> memref<40xi32, #tpu.memory_space<vmem>>
      %dma_start3A_45 = arith.constant 0 : i32
      %dma_start3A_46 = arith.constant 0 : i32
      %dma_start3A_47 = tpu.memref_slice %arg2[%dma_start3A_45, %dma_start3A_46] : memref<20000x128xf32, #tpu.memory_space<hbm>> -> memref<20000x128xf32, #tpu.memory_space<hbm>>
      tpu.enqueue_indirect_dma source(%dma_start3A_47 : memref<20000x128xf32, #tpu.memory_space<hbm>>) target(%arg16 : memref<40x128xf32, #tpu.memory_space<vmem>>) offsets(%dma_start3A_44 : memref<40xi32, #tpu.memory_space<vmem>>) semaphore(%arg22 : memref<!tpu.dma_semaphore, #tpu.memory_space<semaphore_mem>>)
      %scan3A_48 = arith.constant 0 : i32
      %scan3A_49 = arith.constant 0 : i32
      %scan3A_50 = arith.constant 50 : i32
      %scan3A_51 = arith.addi %scan3A_49, %scan3A_50 : i32
      %scan3A_52 = arith.constant 1 : i32
      %scan3A_53 = scf.for %scan3A_62 = %scan3A_49 to %scan3A_51 step %scan3A_52 iter_args(%scan3A_63 = %scan3A_48) -> (i32)  : i32 {
        %mul3A_64 = arith.constant 5 : i32
        %mul3A_65 = arith.muli %mul3A_64, %scan3A_62 : i32
        %add3A_66 = arith.constant 0 : i32
        %add3A_67 = arith.addi %mul3A_65, %add3A_66 : i32
        %mul3A_68 = arith.constant 40 : i32
        %mul3A_69 = arith.muli %add3A_67, %mul3A_68 : i32
        %add3A_70 = arith.addi %mul3A_9, %mul3A_69 : i32
        %dma_wait3A_71 = tpu.memref_slice %arg4[%add3A_70] : memref<160000xi32, #tpu.memory_space<hbm>> -> memref<40xi32, #tpu.memory_space<hbm>>
        %dma_wait3A_72 = tpu.memref_slice %arg4[%add3A_70] : memref<160000xi32, #tpu.memory_space<hbm>> -> memref<40xi32, #tpu.memory_space<hbm>>
        tpu.wait_dma2 semaphore(%arg25 : memref<!tpu.dma_semaphore, #tpu.memory_space<semaphore_mem>>) src(%dma_wait3A_72 : memref<40xi32, #tpu.memory_space<hbm>>) dst(%arg9 : memref<40xi32, #tpu.memory_space<vmem>>)
        %mul3A_73 = arith.constant 40 : i32
        %mul3A_74 = arith.muli %add3A_67, %mul3A_73 : i32
        %dma_wait3A_75 = tpu.memref_slice %arg8[%mul3A_74] : memref<10000xi32, #tpu.memory_space<vmem>> -> memref<40xi32, #tpu.memory_space<vmem>>
        %dma_wait3A_76 = arith.constant 0 : i32
        %dma_wait3A_77 = arith.constant 0 : i32
        %dma_wait3A_78 = tpu.memref_slice %arg2[%dma_wait3A_76, %dma_wait3A_77] : memref<20000x128xf32, #tpu.memory_space<hbm>> -> memref<20000x128xf32, #tpu.memory_space<hbm>>
        tpu.wait_indirect_dma semaphore(%arg20 : memref<!tpu.dma_semaphore, #tpu.memory_space<semaphore_mem>>) src(%dma_wait3A_78 : memref<20000x128xf32, #tpu.memory_space<hbm>>) dst(%arg14 : memref<40x128xf32, #tpu.memory_space<vmem>>)
        %dma_start3A_79 = arith.constant 0 : i32
        %dma_start3A_80 = arith.constant 0 : i32
        %dma_start3A_81 = tpu.memref_slice %arg19[%dma_start3A_79, %dma_start3A_80] : memref<10240x128xf32, #tpu.memory_space<vmem_shared>> -> memref<10240x128xf32, #tpu.memory_space<vmem_shared>>
        tpu.enqueue_indirect_dma source(%arg14 : memref<40x128xf32, #tpu.memory_space<vmem>>) target(%dma_start3A_81 : memref<10240x128xf32, #tpu.memory_space<vmem_shared>>) offsets(%arg9 : memref<40xi32, #tpu.memory_space<vmem>>) semaphore(%arg30 : memref<!tpu.dma_semaphore, #tpu.memory_space<semaphore_mem>>) {add = true}
        %gt3A = arith.constant 0 : i32
        %gt3A_82 = arith.cmpi sgt, %scan3A_62, %gt3A : i32
        %convert_element_type3A_83 = arith.extui %gt3A_82 : i1 to i32
        %cond3A_84 = arith.constant 0 : i32
        %cond3A_85 = arith.cmpi ne, %convert_element_type3A_83, %cond3A_84 : i32
        scf.if %cond3A_85 {
          %dma_wait3A_213 = arith.constant 0 : i32
          %dma_wait3A_214 = arith.constant 0 : i32
          %dma_wait3A_215 = tpu.memref_slice %arg19[%dma_wait3A_213, %dma_wait3A_214] : memref<10240x128xf32, #tpu.memory_space<vmem_shared>> -> memref<10240x128xf32, #tpu.memory_space<vmem_shared>>
          tpu.wait_indirect_dma semaphore(%arg33 : memref<!tpu.dma_semaphore, #tpu.memory_space<semaphore_mem>>) src(%arg17 : memref<40x128xf32, #tpu.memory_space<vmem>>) dst(%dma_wait3A_215 : memref<10240x128xf32, #tpu.memory_space<vmem_shared>>)
        } else {
        }
        %add3A_86 = arith.constant 3 : i32
        %add3A_87 = arith.addi %add3A_67, %add3A_86 : i32
        %mul3A_88 = arith.constant 40 : i32
        %mul3A_89 = arith.muli %add3A_87, %mul3A_88 : i32
        %add3A_90 = arith.addi %mul3A_9, %mul3A_89 : i32
        %dma_start3A_91 = tpu.memref_slice %arg4[%add3A_90] : memref<160000xi32, #tpu.memory_space<hbm>> -> memref<40xi32, #tpu.memory_space<hbm>>
        %dma_start3A_92 = tpu.memref_slice %arg4[%add3A_90] : memref<160000xi32, #tpu.memory_space<hbm>> -> memref<40xi32, #tpu.memory_space<hbm>>
        tpu.enqueue_dma source(%dma_start3A_92 : memref<40xi32, #tpu.memory_space<hbm>>) target(%arg12 : memref<40xi32, #tpu.memory_space<vmem>>) target_semaphore(%arg28 : memref<!tpu.dma_semaphore, #tpu.memory_space<semaphore_mem>>)
        %mul3A_93 = arith.constant 40 : i32
        %mul3A_94 = arith.muli %add3A_87, %mul3A_93 : i32
        %dma_start3A_95 = tpu.memref_slice %arg8[%mul3A_94] : memref<10000xi32, #tpu.memory_space<vmem>> -> memref<40xi32, #tpu.memory_space<vmem>>
        %dma_start3A_96 = arith.constant 0 : i32
        %dma_start3A_97 = arith.constant 0 : i32
        %dma_start3A_98 = tpu.memref_slice %arg2[%dma_start3A_96, %dma_start3A_97] : memref<20000x128xf32, #tpu.memory_space<hbm>> -> memref<20000x128xf32, #tpu.memory_space<hbm>>
        tpu.enqueue_indirect_dma source(%dma_start3A_98 : memref<20000x128xf32, #tpu.memory_space<hbm>>) target(%arg17 : memref<40x128xf32, #tpu.memory_space<vmem>>) offsets(%dma_start3A_95 : memref<40xi32, #tpu.memory_space<vmem>>) semaphore(%arg23 : memref<!tpu.dma_semaphore, #tpu.memory_space<semaphore_mem>>)
        %mul3A_99 = arith.constant 5 : i32
        %mul3A_100 = arith.muli %mul3A_99, %scan3A_62 : i32
        %add3A_101 = arith.constant 1 : i32
        %add3A_102 = arith.addi %mul3A_100, %add3A_101 : i32
        %mul3A_103 = arith.constant 40 : i32
        %mul3A_104 = arith.muli %add3A_102, %mul3A_103 : i32
        %add3A_105 = arith.addi %mul3A_9, %mul3A_104 : i32
        %dma_wait3A_106 = tpu.memref_slice %arg4[%add3A_105] : memref<160000xi32, #tpu.memory_space<hbm>> -> memref<40xi32, #tpu.memory_space<hbm>>
        %dma_wait3A_107 = tpu.memref_slice %arg4[%add3A_105] : memref<160000xi32, #tpu.memory_space<hbm>> -> memref<40xi32, #tpu.memory_space<hbm>>
        tpu.wait_dma2 semaphore(%arg26 : memref<!tpu.dma_semaphore, #tpu.memory_space<semaphore_mem>>) src(%dma_wait3A_107 : memref<40xi32, #tpu.memory_space<hbm>>) dst(%arg10 : memref<40xi32, #tpu.memory_space<vmem>>)
        %mul3A_108 = arith.constant 40 : i32
        %mul3A_109 = arith.muli %add3A_102, %mul3A_108 : i32
        %dma_wait3A_110 = tpu.memref_slice %arg8[%mul3A_109] : memref<10000xi32, #tpu.memory_space<vmem>> -> memref<40xi32, #tpu.memory_space<vmem>>
        %dma_wait3A_111 = arith.constant 0 : i32
        %dma_wait3A_112 = arith.constant 0 : i32
        %dma_wait3A_113 = tpu.memref_slice %arg2[%dma_wait3A_111, %dma_wait3A_112] : memref<20000x128xf32, #tpu.memory_space<hbm>> -> memref<20000x128xf32, #tpu.memory_space<hbm>>
        tpu.wait_indirect_dma semaphore(%arg21 : memref<!tpu.dma_semaphore, #tpu.memory_space<semaphore_mem>>) src(%dma_wait3A_113 : memref<20000x128xf32, #tpu.memory_space<hbm>>) dst(%arg15 : memref<40x128xf32, #tpu.memory_space<vmem>>)
        %dma_start3A_114 = arith.constant 0 : i32
        %dma_start3A_115 = arith.constant 0 : i32
        %dma_start3A_116 = tpu.memref_slice %arg19[%dma_start3A_114, %dma_start3A_115] : memref<10240x128xf32, #tpu.memory_space<vmem_shared>> -> memref<10240x128xf32, #tpu.memory_space<vmem_shared>>
        tpu.enqueue_indirect_dma source(%arg15 : memref<40x128xf32, #tpu.memory_space<vmem>>) target(%dma_start3A_116 : memref<10240x128xf32, #tpu.memory_space<vmem_shared>>) offsets(%arg10 : memref<40xi32, #tpu.memory_space<vmem>>) semaphore(%arg31 : memref<!tpu.dma_semaphore, #tpu.memory_space<semaphore_mem>>) {add = true}
        %gt3A_117 = arith.constant 0 : i32
        %gt3A_118 = arith.cmpi sgt, %scan3A_62, %gt3A_117 : i32
        %convert_element_type3A_119 = arith.extui %gt3A_118 : i1 to i32
        %cond3A_120 = arith.constant 0 : i32
        %cond3A_121 = arith.cmpi ne, %convert_element_type3A_119, %cond3A_120 : i32
        scf.if %cond3A_121 {
          %dma_wait3A_213 = arith.constant 0 : i32
          %dma_wait3A_214 = arith.constant 0 : i32
          %dma_wait3A_215 = tpu.memref_slice %arg19[%dma_wait3A_213, %dma_wait3A_214] : memref<10240x128xf32, #tpu.memory_space<vmem_shared>> -> memref<10240x128xf32, #tpu.memory_space<vmem_shared>>
          tpu.wait_indirect_dma semaphore(%arg34 : memref<!tpu.dma_semaphore, #tpu.memory_space<semaphore_mem>>) src(%arg18 : memref<40x128xf32, #tpu.memory_space<vmem>>) dst(%dma_wait3A_215 : memref<10240x128xf32, #tpu.memory_space<vmem_shared>>)
        } else {
        }
        %add3A_122 = arith.constant 3 : i32
        %add3A_123 = arith.addi %add3A_102, %add3A_122 : i32
        %mul3A_124 = arith.constant 40 : i32
        %mul3A_125 = arith.muli %add3A_123, %mul3A_124 : i32
        %add3A_126 = arith.addi %mul3A_9, %mul3A_125 : i32
        %dma_start3A_127 = tpu.memref_slice %arg4[%add3A_126] : memref<160000xi32, #tpu.memory_space<hbm>> -> memref<40xi32, #tpu.memory_space<hbm>>
        %dma_start3A_128 = tpu.memref_slice %arg4[%add3A_126] : memref<160000xi32, #tpu.memory_space<hbm>> -> memref<40xi32, #tpu.memory_space<hbm>>
        tpu.enqueue_dma source(%dma_start3A_128 : memref<40xi32, #tpu.memory_space<hbm>>) target(%arg13 : memref<40xi32, #tpu.memory_space<vmem>>) target_semaphore(%arg29 : memref<!tpu.dma_semaphore, #tpu.memory_space<semaphore_mem>>)
        %mul3A_129 = arith.constant 40 : i32
        %mul3A_130 = arith.muli %add3A_123, %mul3A_129 : i32
        %dma_start3A_131 = tpu.memref_slice %arg8[%mul3A_130] : memref<10000xi32, #tpu.memory_space<vmem>> -> memref<40xi32, #tpu.memory_space<vmem>>
        %dma_start3A_132 = arith.constant 0 : i32
        %dma_start3A_133 = arith.constant 0 : i32
        %dma_start3A_134 = tpu.memref_slice %arg2[%dma_start3A_132, %dma_start3A_133] : memref<20000x128xf32, #tpu.memory_space<hbm>> -> memref<20000x128xf32, #tpu.memory_space<hbm>>
        tpu.enqueue_indirect_dma source(%dma_start3A_134 : memref<20000x128xf32, #tpu.memory_space<hbm>>) target(%arg18 : memref<40x128xf32, #tpu.memory_space<vmem>>) offsets(%dma_start3A_131 : memref<40xi32, #tpu.memory_space<vmem>>) semaphore(%arg24 : memref<!tpu.dma_semaphore, #tpu.memory_space<semaphore_mem>>)
        %mul3A_135 = arith.constant 5 : i32
        %mul3A_136 = arith.muli %mul3A_135, %scan3A_62 : i32
        %add3A_137 = arith.constant 2 : i32
        %add3A_138 = arith.addi %mul3A_136, %add3A_137 : i32
        %mul3A_139 = arith.constant 40 : i32
        %mul3A_140 = arith.muli %add3A_138, %mul3A_139 : i32
        %add3A_141 = arith.addi %mul3A_9, %mul3A_140 : i32
        %dma_wait3A_142 = tpu.memref_slice %arg4[%add3A_141] : memref<160000xi32, #tpu.memory_space<hbm>> -> memref<40xi32, #tpu.memory_space<hbm>>
        %dma_wait3A_143 = tpu.memref_slice %arg4[%add3A_141] : memref<160000xi32, #tpu.memory_space<hbm>> -> memref<40xi32, #tpu.memory_space<hbm>>
        tpu.wait_dma2 semaphore(%arg27 : memref<!tpu.dma_semaphore, #tpu.memory_space<semaphore_mem>>) src(%dma_wait3A_143 : memref<40xi32, #tpu.memory_space<hbm>>) dst(%arg11 : memref<40xi32, #tpu.memory_space<vmem>>)
        %mul3A_144 = arith.constant 40 : i32
        %mul3A_145 = arith.muli %add3A_138, %mul3A_144 : i32
        %dma_wait3A_146 = tpu.memref_slice %arg8[%mul3A_145] : memref<10000xi32, #tpu.memory_space<vmem>> -> memref<40xi32, #tpu.memory_space<vmem>>
        %dma_wait3A_147 = arith.constant 0 : i32
        %dma_wait3A_148 = arith.constant 0 : i32
        %dma_wait3A_149 = tpu.memref_slice %arg2[%dma_wait3A_147, %dma_wait3A_148] : memref<20000x128xf32, #tpu.memory_space<hbm>> -> memref<20000x128xf32, #tpu.memory_space<hbm>>
        tpu.wait_indirect_dma semaphore(%arg22 : memref<!tpu.dma_semaphore, #tpu.memory_space<semaphore_mem>>) src(%dma_wait3A_149 : memref<20000x128xf32, #tpu.memory_space<hbm>>) dst(%arg16 : memref<40x128xf32, #tpu.memory_space<vmem>>)
        %dma_start3A_150 = arith.constant 0 : i32
        %dma_start3A_151 = arith.constant 0 : i32
        %dma_start3A_152 = tpu.memref_slice %arg19[%dma_start3A_150, %dma_start3A_151] : memref<10240x128xf32, #tpu.memory_space<vmem_shared>> -> memref<10240x128xf32, #tpu.memory_space<vmem_shared>>
        tpu.enqueue_indirect_dma source(%arg16 : memref<40x128xf32, #tpu.memory_space<vmem>>) target(%dma_start3A_152 : memref<10240x128xf32, #tpu.memory_space<vmem_shared>>) offsets(%arg11 : memref<40xi32, #tpu.memory_space<vmem>>) semaphore(%arg32 : memref<!tpu.dma_semaphore, #tpu.memory_space<semaphore_mem>>) {add = true}
        %dma_wait3A_153 = arith.constant 0 : i32
        %dma_wait3A_154 = arith.constant 0 : i32
        %dma_wait3A_155 = tpu.memref_slice %arg19[%dma_wait3A_153, %dma_wait3A_154] : memref<10240x128xf32, #tpu.memory_space<vmem_shared>> -> memref<10240x128xf32, #tpu.memory_space<vmem_shared>>
        tpu.wait_indirect_dma semaphore(%arg30 : memref<!tpu.dma_semaphore, #tpu.memory_space<semaphore_mem>>) src(%arg14 : memref<40x128xf32, #tpu.memory_space<vmem>>) dst(%dma_wait3A_155 : memref<10240x128xf32, #tpu.memory_space<vmem_shared>>)
        %lt3A = arith.constant 49 : i32
        %lt3A_156 = arith.cmpi slt, %scan3A_62, %lt3A : i32
        %convert_element_type3A_157 = arith.extui %lt3A_156 : i1 to i32
        %cond3A_158 = arith.constant 0 : i32
        %cond3A_159 = arith.cmpi ne, %convert_element_type3A_157, %cond3A_158 : i32
        scf.if %cond3A_159 {
          %add3A_213 = arith.constant 3 : i32
          %add3A_214 = arith.addi %add3A_138, %add3A_213 : i32
          %mul3A_215 = arith.constant 40 : i32
          %mul3A_216 = arith.muli %add3A_214, %mul3A_215 : i32
          %add3A_217 = arith.addi %mul3A_9, %mul3A_216 : i32
          %dma_start3A_218 = tpu.memref_slice %arg4[%add3A_217] : memref<160000xi32, #tpu.memory_space<hbm>> -> memref<40xi32, #tpu.memory_space<hbm>>
          %dma_start3A_219 = tpu.memref_slice %arg4[%add3A_217] : memref<160000xi32, #tpu.memory_space<hbm>> -> memref<40xi32, #tpu.memory_space<hbm>>
          tpu.enqueue_dma source(%dma_start3A_219 : memref<40xi32, #tpu.memory_space<hbm>>) target(%arg9 : memref<40xi32, #tpu.memory_space<vmem>>) target_semaphore(%arg25 : memref<!tpu.dma_semaphore, #tpu.memory_space<semaphore_mem>>)
          %mul3A_220 = arith.constant 40 : i32
          %mul3A_221 = arith.muli %add3A_214, %mul3A_220 : i32
          %dma_start3A_222 = tpu.memref_slice %arg8[%mul3A_221] : memref<10000xi32, #tpu.memory_space<vmem>> -> memref<40xi32, #tpu.memory_space<vmem>>
          %dma_start3A_223 = arith.constant 0 : i32
          %dma_start3A_224 = arith.constant 0 : i32
          %dma_start3A_225 = tpu.memref_slice %arg2[%dma_start3A_223, %dma_start3A_224] : memref<20000x128xf32, #tpu.memory_space<hbm>> -> memref<20000x128xf32, #tpu.memory_space<hbm>>
          tpu.enqueue_indirect_dma source(%dma_start3A_225 : memref<20000x128xf32, #tpu.memory_space<hbm>>) target(%arg14 : memref<40x128xf32, #tpu.memory_space<vmem>>) offsets(%dma_start3A_222 : memref<40xi32, #tpu.memory_space<vmem>>) semaphore(%arg20 : memref<!tpu.dma_semaphore, #tpu.memory_space<semaphore_mem>>)
        } else {
        }
        %mul3A_160 = arith.constant 5 : i32
        %mul3A_161 = arith.muli %mul3A_160, %scan3A_62 : i32
        %add3A_162 = arith.constant 3 : i32
        %add3A_163 = arith.addi %mul3A_161, %add3A_162 : i32
        %mul3A_164 = arith.constant 40 : i32
        %mul3A_165 = arith.muli %add3A_163, %mul3A_164 : i32
        %add3A_166 = arith.addi %mul3A_9, %mul3A_165 : i32
        %dma_wait3A_167 = tpu.memref_slice %arg4[%add3A_166] : memref<160000xi32, #tpu.memory_space<hbm>> -> memref<40xi32, #tpu.memory_space<hbm>>
        %dma_wait3A_168 = tpu.memref_slice %arg4[%add3A_166] : memref<160000xi32, #tpu.memory_space<hbm>> -> memref<40xi32, #tpu.memory_space<hbm>>
        tpu.wait_dma2 semaphore(%arg28 : memref<!tpu.dma_semaphore, #tpu.memory_space<semaphore_mem>>) src(%dma_wait3A_168 : memref<40xi32, #tpu.memory_space<hbm>>) dst(%arg12 : memref<40xi32, #tpu.memory_space<vmem>>)
        %mul3A_169 = arith.constant 40 : i32
        %mul3A_170 = arith.muli %add3A_163, %mul3A_169 : i32
        %dma_wait3A_171 = tpu.memref_slice %arg8[%mul3A_170] : memref<10000xi32, #tpu.memory_space<vmem>> -> memref<40xi32, #tpu.memory_space<vmem>>
        %dma_wait3A_172 = arith.constant 0 : i32
        %dma_wait3A_173 = arith.constant 0 : i32
        %dma_wait3A_174 = tpu.memref_slice %arg2[%dma_wait3A_172, %dma_wait3A_173] : memref<20000x128xf32, #tpu.memory_space<hbm>> -> memref<20000x128xf32, #tpu.memory_space<hbm>>
        tpu.wait_indirect_dma semaphore(%arg23 : memref<!tpu.dma_semaphore, #tpu.memory_space<semaphore_mem>>) src(%dma_wait3A_174 : memref<20000x128xf32, #tpu.memory_space<hbm>>) dst(%arg17 : memref<40x128xf32, #tpu.memory_space<vmem>>)
        %dma_start3A_175 = arith.constant 0 : i32
        %dma_start3A_176 = arith.constant 0 : i32
        %dma_start3A_177 = tpu.memref_slice %arg19[%dma_start3A_175, %dma_start3A_176] : memref<10240x128xf32, #tpu.memory_space<vmem_shared>> -> memref<10240x128xf32, #tpu.memory_space<vmem_shared>>
        tpu.enqueue_indirect_dma source(%arg17 : memref<40x128xf32, #tpu.memory_space<vmem>>) target(%dma_start3A_177 : memref<10240x128xf32, #tpu.memory_space<vmem_shared>>) offsets(%arg12 : memref<40xi32, #tpu.memory_space<vmem>>) semaphore(%arg33 : memref<!tpu.dma_semaphore, #tpu.memory_space<semaphore_mem>>) {add = true}
        %dma_wait3A_178 = arith.constant 0 : i32
        %dma_wait3A_179 = arith.constant 0 : i32
        %dma_wait3A_180 = tpu.memref_slice %arg19[%dma_wait3A_178, %dma_wait3A_179] : memref<10240x128xf32, #tpu.memory_space<vmem_shared>> -> memref<10240x128xf32, #tpu.memory_space<vmem_shared>>
        tpu.wait_indirect_dma semaphore(%arg31 : memref<!tpu.dma_semaphore, #tpu.memory_space<semaphore_mem>>) src(%arg15 : memref<40x128xf32, #tpu.memory_space<vmem>>) dst(%dma_wait3A_180 : memref<10240x128xf32, #tpu.memory_space<vmem_shared>>)
        %lt3A_181 = arith.constant 49 : i32
        %lt3A_182 = arith.cmpi slt, %scan3A_62, %lt3A_181 : i32
        %convert_element_type3A_183 = arith.extui %lt3A_182 : i1 to i32
        %cond3A_184 = arith.constant 0 : i32
        %cond3A_185 = arith.cmpi ne, %convert_element_type3A_183, %cond3A_184 : i32
        scf.if %cond3A_185 {
          %add3A_213 = arith.constant 3 : i32
          %add3A_214 = arith.addi %add3A_163, %add3A_213 : i32
          %mul3A_215 = arith.constant 40 : i32
          %mul3A_216 = arith.muli %add3A_214, %mul3A_215 : i32
          %add3A_217 = arith.addi %mul3A_9, %mul3A_216 : i32
          %dma_start3A_218 = tpu.memref_slice %arg4[%add3A_217] : memref<160000xi32, #tpu.memory_space<hbm>> -> memref<40xi32, #tpu.memory_space<hbm>>
          %dma_start3A_219 = tpu.memref_slice %arg4[%add3A_217] : memref<160000xi32, #tpu.memory_space<hbm>> -> memref<40xi32, #tpu.memory_space<hbm>>
          tpu.enqueue_dma source(%dma_start3A_219 : memref<40xi32, #tpu.memory_space<hbm>>) target(%arg10 : memref<40xi32, #tpu.memory_space<vmem>>) target_semaphore(%arg26 : memref<!tpu.dma_semaphore, #tpu.memory_space<semaphore_mem>>)
          %mul3A_220 = arith.constant 40 : i32
          %mul3A_221 = arith.muli %add3A_214, %mul3A_220 : i32
          %dma_start3A_222 = tpu.memref_slice %arg8[%mul3A_221] : memref<10000xi32, #tpu.memory_space<vmem>> -> memref<40xi32, #tpu.memory_space<vmem>>
          %dma_start3A_223 = arith.constant 0 : i32
          %dma_start3A_224 = arith.constant 0 : i32
          %dma_start3A_225 = tpu.memref_slice %arg2[%dma_start3A_223, %dma_start3A_224] : memref<20000x128xf32, #tpu.memory_space<hbm>> -> memref<20000x128xf32, #tpu.memory_space<hbm>>
          tpu.enqueue_indirect_dma source(%dma_start3A_225 : memref<20000x128xf32, #tpu.memory_space<hbm>>) target(%arg15 : memref<40x128xf32, #tpu.memory_space<vmem>>) offsets(%dma_start3A_222 : memref<40xi32, #tpu.memory_space<vmem>>) semaphore(%arg21 : memref<!tpu.dma_semaphore, #tpu.memory_space<semaphore_mem>>)
        } else {
        }
        %mul3A_186 = arith.constant 5 : i32
        %mul3A_187 = arith.muli %mul3A_186, %scan3A_62 : i32
        %add3A_188 = arith.constant 4 : i32
        %add3A_189 = arith.addi %mul3A_187, %add3A_188 : i32
        %mul3A_190 = arith.constant 40 : i32
        %mul3A_191 = arith.muli %add3A_189, %mul3A_190 : i32
        %add3A_192 = arith.addi %mul3A_9, %mul3A_191 : i32
        %dma_wait3A_193 = tpu.memref_slice %arg4[%add3A_192] : memref<160000xi32, #tpu.memory_space<hbm>> -> memref<40xi32, #tpu.memory_space<hbm>>
        %dma_wait3A_194 = tpu.memref_slice %arg4[%add3A_192] : memref<160000xi32, #tpu.memory_space<hbm>> -> memref<40xi32, #tpu.memory_space<hbm>>
        tpu.wait_dma2 semaphore(%arg29 : memref<!tpu.dma_semaphore, #tpu.memory_space<semaphore_mem>>) src(%dma_wait3A_194 : memref<40xi32, #tpu.memory_space<hbm>>) dst(%arg13 : memref<40xi32, #tpu.memory_space<vmem>>)
        %mul3A_195 = arith.constant 40 : i32
        %mul3A_196 = arith.muli %add3A_189, %mul3A_195 : i32
        %dma_wait3A_197 = tpu.memref_slice %arg8[%mul3A_196] : memref<10000xi32, #tpu.memory_space<vmem>> -> memref<40xi32, #tpu.memory_space<vmem>>
        %dma_wait3A_198 = arith.constant 0 : i32
        %dma_wait3A_199 = arith.constant 0 : i32
        %dma_wait3A_200 = tpu.memref_slice %arg2[%dma_wait3A_198, %dma_wait3A_199] : memref<20000x128xf32, #tpu.memory_space<hbm>> -> memref<20000x128xf32, #tpu.memory_space<hbm>>
        tpu.wait_indirect_dma semaphore(%arg24 : memref<!tpu.dma_semaphore, #tpu.memory_space<semaphore_mem>>) src(%dma_wait3A_200 : memref<20000x128xf32, #tpu.memory_space<hbm>>) dst(%arg18 : memref<40x128xf32, #tpu.memory_space<vmem>>)
        %dma_start3A_201 = arith.constant 0 : i32
        %dma_start3A_202 = arith.constant 0 : i32
        %dma_start3A_203 = tpu.memref_slice %arg19[%dma_start3A_201, %dma_start3A_202] : memref<10240x128xf32, #tpu.memory_space<vmem_shared>> -> memref<10240x128xf32, #tpu.memory_space<vmem_shared>>
        tpu.enqueue_indirect_dma source(%arg18 : memref<40x128xf32, #tpu.memory_space<vmem>>) target(%dma_start3A_203 : memref<10240x128xf32, #tpu.memory_space<vmem_shared>>) offsets(%arg13 : memref<40xi32, #tpu.memory_space<vmem>>) semaphore(%arg34 : memref<!tpu.dma_semaphore, #tpu.memory_space<semaphore_mem>>) {add = true}
        %dma_wait3A_204 = arith.constant 0 : i32
        %dma_wait3A_205 = arith.constant 0 : i32
        %dma_wait3A_206 = tpu.memref_slice %arg19[%dma_wait3A_204, %dma_wait3A_205] : memref<10240x128xf32, #tpu.memory_space<vmem_shared>> -> memref<10240x128xf32, #tpu.memory_space<vmem_shared>>
        tpu.wait_indirect_dma semaphore(%arg32 : memref<!tpu.dma_semaphore, #tpu.memory_space<semaphore_mem>>) src(%arg16 : memref<40x128xf32, #tpu.memory_space<vmem>>) dst(%dma_wait3A_206 : memref<10240x128xf32, #tpu.memory_space<vmem_shared>>)
        %lt3A_207 = arith.constant 49 : i32
        %lt3A_208 = arith.cmpi slt, %scan3A_62, %lt3A_207 : i32
        %convert_element_type3A_209 = arith.extui %lt3A_208 : i1 to i32
        %cond3A_210 = arith.constant 0 : i32
        %cond3A_211 = arith.cmpi ne, %convert_element_type3A_209, %cond3A_210 : i32
        scf.if %cond3A_211 {
          %add3A_213 = arith.constant 3 : i32
          %add3A_214 = arith.addi %add3A_189, %add3A_213 : i32
          %mul3A_215 = arith.constant 40 : i32
          %mul3A_216 = arith.muli %add3A_214, %mul3A_215 : i32
          %add3A_217 = arith.addi %mul3A_9, %mul3A_216 : i32
          %dma_start3A_218 = tpu.memref_slice %arg4[%add3A_217] : memref<160000xi32, #tpu.memory_space<hbm>> -> memref<40xi32, #tpu.memory_space<hbm>>
          %dma_start3A_219 = tpu.memref_slice %arg4[%add3A_217] : memref<160000xi32, #tpu.memory_space<hbm>> -> memref<40xi32, #tpu.memory_space<hbm>>
          tpu.enqueue_dma source(%dma_start3A_219 : memref<40xi32, #tpu.memory_space<hbm>>) target(%arg11 : memref<40xi32, #tpu.memory_space<vmem>>) target_semaphore(%arg27 : memref<!tpu.dma_semaphore, #tpu.memory_space<semaphore_mem>>)
          %mul3A_220 = arith.constant 40 : i32
          %mul3A_221 = arith.muli %add3A_214, %mul3A_220 : i32
          %dma_start3A_222 = tpu.memref_slice %arg8[%mul3A_221] : memref<10000xi32, #tpu.memory_space<vmem>> -> memref<40xi32, #tpu.memory_space<vmem>>
          %dma_start3A_223 = arith.constant 0 : i32
          %dma_start3A_224 = arith.constant 0 : i32
          %dma_start3A_225 = tpu.memref_slice %arg2[%dma_start3A_223, %dma_start3A_224] : memref<20000x128xf32, #tpu.memory_space<hbm>> -> memref<20000x128xf32, #tpu.memory_space<hbm>>
          tpu.enqueue_indirect_dma source(%dma_start3A_225 : memref<20000x128xf32, #tpu.memory_space<hbm>>) target(%arg16 : memref<40x128xf32, #tpu.memory_space<vmem>>) offsets(%dma_start3A_222 : memref<40xi32, #tpu.memory_space<vmem>>) semaphore(%arg22 : memref<!tpu.dma_semaphore, #tpu.memory_space<semaphore_mem>>)
        } else {
        }
        %scan3A_212 = arith.constant 0 : i32
        scf.yield %scan3A_212 : i32
      }
      %scan3A_54 = arith.constant 50 : i32
      %dma_wait3A_55 = arith.constant 0 : i32
      %dma_wait3A_56 = arith.constant 0 : i32
      %dma_wait3A_57 = tpu.memref_slice %arg19[%dma_wait3A_55, %dma_wait3A_56] : memref<10240x128xf32, #tpu.memory_space<vmem_shared>> -> memref<10240x128xf32, #tpu.memory_space<vmem_shared>>
      tpu.wait_indirect_dma semaphore(%arg33 : memref<!tpu.dma_semaphore, #tpu.memory_space<semaphore_mem>>) src(%arg17 : memref<40x128xf32, #tpu.memory_space<vmem>>) dst(%dma_wait3A_57 : memref<10240x128xf32, #tpu.memory_space<vmem_shared>>)
      %dma_wait3A_58 = arith.constant 0 : i32
      %dma_wait3A_59 = arith.constant 0 : i32
      %dma_wait3A_60 = tpu.memref_slice %arg19[%dma_wait3A_58, %dma_wait3A_59] : memref<10240x128xf32, #tpu.memory_space<vmem_shared>> -> memref<10240x128xf32, #tpu.memory_space<vmem_shared>>
      tpu.wait_indirect_dma semaphore(%arg34 : memref<!tpu.dma_semaphore, #tpu.memory_space<semaphore_mem>>) src(%arg18 : memref<40x128xf32, #tpu.memory_space<vmem>>) dst(%dma_wait3A_60 : memref<10240x128xf32, #tpu.memory_space<vmem_shared>>)
      %barrier3A_61 = arith.constant 0 : index
      tpu.barrier barrier_id(%barrier3A_61)
      "tpu.region"() ({
        %run_scoped3A = tpu.sem_alloc : memref<!tpu.dma_semaphore, #tpu.memory_space<semaphore_mem>>
        %dma_start3A_62 = arith.constant 0 : i32
        %dma_start3A_63 = tpu.memref_slice %arg6[%mul3A_7, %dma_start3A_62] : memref<10240x128xf32, #tpu.memory_space<hbm>> -> memref<640x128xf32, #tpu.memory_space<hbm>>
        %dma_start3A_64 = arith.constant 0 : i32
        %dma_start3A_65 = tpu.memref_slice %arg19[%mul3A_7, %dma_start3A_64] : memref<10240x128xf32, #tpu.memory_space<vmem_shared>> -> memref<640x128xf32, #tpu.memory_space<vmem_shared>>
        tpu.enqueue_dma source(%dma_start3A_65 : memref<640x128xf32, #tpu.memory_space<vmem_shared>>) target(%dma_start3A_63 : memref<640x128xf32, #tpu.memory_space<hbm>>) target_semaphore(%run_scoped3A : memref<!tpu.dma_semaphore, #tpu.memory_space<semaphore_mem>>)
        %dma_wait3A_66 = arith.constant 0 : i32
        %dma_wait3A_67 = tpu.memref_slice %arg6[%mul3A_7, %dma_wait3A_66] : memref<10240x128xf32, #tpu.memory_space<hbm>> -> memref<640x128xf32, #tpu.memory_space<hbm>>
        %dma_wait3A_68 = arith.constant 0 : i32
        %dma_wait3A_69 = tpu.memref_slice %arg19[%mul3A_7, %dma_wait3A_68] : memref<10240x128xf32, #tpu.memory_space<vmem_shared>> -> memref<640x128xf32, #tpu.memory_space<vmem_shared>>
        tpu.wait_dma2 semaphore(%run_scoped3A : memref<!tpu.dma_semaphore, #tpu.memory_space<semaphore_mem>>) src(%dma_wait3A_69 : memref<640x128xf32, #tpu.memory_space<vmem_shared>>) dst(%dma_wait3A_67 : memref<640x128xf32, #tpu.memory_space<hbm>>)
        tpu.yield
      }) : () -> ()
    } else {
    }
    %eq3A_2 = arith.constant 1 : i32
    %eq3A_3 = arith.cmpi eq, %arg0, %eq3A_2 : i32
    %convert_element_type3A_4 = arith.extui %eq3A_3 : i1 to i32
    %cond3A_5 = arith.constant 0 : i32
    %cond3A_6 = arith.cmpi ne, %convert_element_type3A_4, %cond3A_5 : i32
    scf.if %cond3A_6 {
      %mul3A = arith.constant 640 : i32
      %mul3A_7 = arith.muli %arg1, %mul3A : i32
      %mul3A_8 = arith.constant 10000 : i32
      %mul3A_9 = arith.muli %arg1, %mul3A_8 : i32
      %dma_start3A = arith.constant 0 : i32
      %dma_start3A_10 = tpu.memref_slice %arg19[%mul3A_7, %dma_start3A] : memref<10240x128xf32, #tpu.memory_space<vmem_shared>> -> memref<640x128xf32, #tpu.memory_space<vmem_shared>>
      %dma_start3A_11 = arith.constant 0 : i32
      %dma_start3A_12 = tpu.memref_slice %arg5[%mul3A_7, %dma_start3A_11] : memref<10240x128xf32, #tpu.memory_space<hbm>> -> memref<640x128xf32, #tpu.memory_space<hbm>>
      tpu.enqueue_dma source(%dma_start3A_12 : memref<640x128xf32, #tpu.memory_space<hbm>>) target(%dma_start3A_10 : memref<640x128xf32, #tpu.memory_space<vmem_shared>>) target_semaphore(%arg20 : memref<!tpu.dma_semaphore, #tpu.memory_space<semaphore_mem>>)
      "tpu.region"() ({
        %run_scoped3A = tpu.sem_alloc : memref<!tpu.dma_semaphore, #tpu.memory_space<semaphore_mem>>
        %dma_start3A_62 = tpu.memref_slice %arg3[%mul3A_9] : memref<160000xi32, #tpu.memory_space<hbm>> -> memref<10000xi32, #tpu.memory_space<hbm>>
        %dma_start3A_63 = tpu.memref_slice %arg3[%mul3A_9] : memref<160000xi32, #tpu.memory_space<hbm>> -> memref<10000xi32, #tpu.memory_space<hbm>>
        tpu.enqueue_dma source(%dma_start3A_63 : memref<10000xi32, #tpu.memory_space<hbm>>) target(%arg8 : memref<10000xi32, #tpu.memory_space<vmem>>) target_semaphore(%run_scoped3A : memref<!tpu.dma_semaphore, #tpu.memory_space<semaphore_mem>>)
        %dma_wait3A_64 = tpu.memref_slice %arg3[%mul3A_9] : memref<160000xi32, #tpu.memory_space<hbm>> -> memref<10000xi32, #tpu.memory_space<hbm>>
        %dma_wait3A_65 = tpu.memref_slice %arg3[%mul3A_9] : memref<160000xi32, #tpu.memory_space<hbm>> -> memref<10000xi32, #tpu.memory_space<hbm>>
        tpu.wait_dma2 semaphore(%run_scoped3A : memref<!tpu.dma_semaphore, #tpu.memory_space<semaphore_mem>>) src(%dma_wait3A_65 : memref<10000xi32, #tpu.memory_space<hbm>>) dst(%arg8 : memref<10000xi32, #tpu.memory_space<vmem>>)
        tpu.yield
      }) : () -> ()
      %scan3A = arith.constant 0 : i32
      %scan3A_13 = arith.constant 0 : i32
      %scan3A_14 = arith.constant 125 : i32
      %scan3A_15 = arith.addi %scan3A_13, %scan3A_14 : i32
      %scan3A_16 = arith.constant 1 : i32
      %scan3A_17 = scf.for %scan3A_62 = %scan3A_13 to %scan3A_15 step %scan3A_16 iter_args(%scan3A_63 = %scan3A) -> (i32)  : i32 {
        %mul3A_64 = arith.constant 80 : i32
        %mul3A_65 = arith.muli %scan3A_62, %mul3A_64 : i32
        %add3A_66 = arith.constant 0 : i32
        %add3A_67 = arith.addi %mul3A_65, %add3A_66 : i32
        %get3A = arith.index_cast %add3A_67 : i32 to index
        %get3A_68 = tpu.vector_load %arg8[%get3A] {strides = array<i32>} : memref<10000xi32, #tpu.memory_space<vmem>>, vector<16xi32>,
        %get3A_69 = vector.shape_cast %get3A_68 : vector<16xi32> to vector<16xi32>
        %mul3A_70 = arith.constant 2 : i32
        %mul3A_71 = vector.broadcast %mul3A_70 : i32 to vector<16xi32>
        %mul3A_72 = arith.muli %get3A_69, %mul3A_71 : vector<16xi32>
        %add3A_73 = arith.constant 1 : i32
        %add3A_74 = vector.broadcast %add3A_73 : i32 to vector<16xi32>
        %add3A_75 = arith.addi %mul3A_72, %add3A_74 : vector<16xi32>
        %swap3A = arith.index_cast %add3A_67 : i32 to index
        %swap3A_76 = tpu.vector_load %arg8[%swap3A] {strides = array<i32>} : memref<10000xi32, #tpu.memory_space<vmem>>, vector<16xi32>,
        %swap3A_77 = vector.shape_cast %swap3A_76 : vector<16xi32> to vector<16xi32>
        %swap3A_78 = vector.shape_cast %add3A_75 : vector<16xi32> to vector<16xi32>
        tpu.vector_store %arg8[%swap3A], %swap3A_78 {strides = array<i32>} : memref<10000xi32, #tpu.memory_space<vmem>>, vector<16xi32>,
        %mul3A_79 = arith.constant 80 : i32
        %mul3A_80 = arith.muli %scan3A_62, %mul3A_79 : i32
        %add3A_81 = arith.constant 16 : i32
        %add3A_82 = arith.addi %mul3A_80, %add3A_81 : i32
        %get3A_83 = arith.index_cast %add3A_82 : i32 to index
        %get3A_84 = tpu.vector_load %arg8[%get3A_83] {strides = array<i32>} : memref<10000xi32, #tpu.memory_space<vmem>>, vector<16xi32>,
        %get3A_85 = vector.shape_cast %get3A_84 : vector<16xi32> to vector<16xi32>
        %mul3A_86 = arith.constant 2 : i32
        %mul3A_87 = vector.broadcast %mul3A_86 : i32 to vector<16xi32>
        %mul3A_88 = arith.muli %get3A_85, %mul3A_87 : vector<16xi32>
        %add3A_89 = arith.constant 1 : i32
        %add3A_90 = vector.broadcast %add3A_89 : i32 to vector<16xi32>
        %add3A_91 = arith.addi %mul3A_88, %add3A_90 : vector<16xi32>
        %swap3A_92 = arith.index_cast %add3A_82 : i32 to index
        %swap3A_93 = tpu.vector_load %arg8[%swap3A_92] {strides = array<i32>} : memref<10000xi32, #tpu.memory_space<vmem>>, vector<16xi32>,
        %swap3A_94 = vector.shape_cast %swap3A_93 : vector<16xi32> to vector<16xi32>
        %swap3A_95 = vector.shape_cast %add3A_91 : vector<16xi32> to vector<16xi32>
        tpu.vector_store %arg8[%swap3A_92], %swap3A_95 {strides = array<i32>} : memref<10000xi32, #tpu.memory_space<vmem>>, vector<16xi32>,
        %mul3A_96 = arith.constant 80 : i32
        %mul3A_97 = arith.muli %scan3A_62, %mul3A_96 : i32
        %add3A_98 = arith.constant 32 : i32
        %add3A_99 = arith.addi %mul3A_97, %add3A_98 : i32
        %get3A_100 = arith.index_cast %add3A_99 : i32 to index
        %get3A_101 = tpu.vector_load %arg8[%get3A_100] {strides = array<i32>} : memref<10000xi32, #tpu.memory_space<vmem>>, vector<16xi32>,
        %get3A_102 = vector.shape_cast %get3A_101 : vector<16xi32> to vector<16xi32>
        %mul3A_103 = arith.constant 2 : i32
        %mul3A_104 = vector.broadcast %mul3A_103 : i32 to vector<16xi32>
        %mul3A_105 = arith.muli %get3A_102, %mul3A_104 : vector<16xi32>
        %add3A_106 = arith.constant 1 : i32
        %add3A_107 = vector.broadcast %add3A_106 : i32 to vector<16xi32>
        %add3A_108 = arith.addi %mul3A_105, %add3A_107 : vector<16xi32>
        %swap3A_109 = arith.index_cast %add3A_99 : i32 to index
        %swap3A_110 = tpu.vector_load %arg8[%swap3A_109] {strides = array<i32>} : memref<10000xi32, #tpu.memory_space<vmem>>, vector<16xi32>,
        %swap3A_111 = vector.shape_cast %swap3A_110 : vector<16xi32> to vector<16xi32>
        %swap3A_112 = vector.shape_cast %add3A_108 : vector<16xi32> to vector<16xi32>
        tpu.vector_store %arg8[%swap3A_109], %swap3A_112 {strides = array<i32>} : memref<10000xi32, #tpu.memory_space<vmem>>, vector<16xi32>,
        %mul3A_113 = arith.constant 80 : i32
        %mul3A_114 = arith.muli %scan3A_62, %mul3A_113 : i32
        %add3A_115 = arith.constant 48 : i32
        %add3A_116 = arith.addi %mul3A_114, %add3A_115 : i32
        %get3A_117 = arith.index_cast %add3A_116 : i32 to index
        %get3A_118 = tpu.vector_load %arg8[%get3A_117] {strides = array<i32>} : memref<10000xi32, #tpu.memory_space<vmem>>, vector<16xi32>,
        %get3A_119 = vector.shape_cast %get3A_118 : vector<16xi32> to vector<16xi32>
        %mul3A_120 = arith.constant 2 : i32
        %mul3A_121 = vector.broadcast %mul3A_120 : i32 to vector<16xi32>
        %mul3A_122 = arith.muli %get3A_119, %mul3A_121 : vector<16xi32>
        %add3A_123 = arith.constant 1 : i32
        %add3A_124 = vector.broadcast %add3A_123 : i32 to vector<16xi32>
        %add3A_125 = arith.addi %mul3A_122, %add3A_124 : vector<16xi32>
        %swap3A_126 = arith.index_cast %add3A_116 : i32 to index
        %swap3A_127 = tpu.vector_load %arg8[%swap3A_126] {strides = array<i32>} : memref<10000xi32, #tpu.memory_space<vmem>>, vector<16xi32>,
        %swap3A_128 = vector.shape_cast %swap3A_127 : vector<16xi32> to vector<16xi32>
        %swap3A_129 = vector.shape_cast %add3A_125 : vector<16xi32> to vector<16xi32>
        tpu.vector_store %arg8[%swap3A_126], %swap3A_129 {strides = array<i32>} : memref<10000xi32, #tpu.memory_space<vmem>>, vector<16xi32>,
        %mul3A_130 = arith.constant 80 : i32
        %mul3A_131 = arith.muli %scan3A_62, %mul3A_130 : i32
        %add3A_132 = arith.constant 64 : i32
        %add3A_133 = arith.addi %mul3A_131, %add3A_132 : i32
        %get3A_134 = arith.index_cast %add3A_133 : i32 to index
        %get3A_135 = tpu.vector_load %arg8[%get3A_134] {strides = array<i32>} : memref<10000xi32, #tpu.memory_space<vmem>>, vector<16xi32>,
        %get3A_136 = vector.shape_cast %get3A_135 : vector<16xi32> to vector<16xi32>
        %mul3A_137 = arith.constant 2 : i32
        %mul3A_138 = vector.broadcast %mul3A_137 : i32 to vector<16xi32>
        %mul3A_139 = arith.muli %get3A_136, %mul3A_138 : vector<16xi32>
        %add3A_140 = arith.constant 1 : i32
        %add3A_141 = vector.broadcast %add3A_140 : i32 to vector<16xi32>
        %add3A_142 = arith.addi %mul3A_139, %add3A_141 : vector<16xi32>
        %swap3A_143 = arith.index_cast %add3A_133 : i32 to index
        %swap3A_144 = tpu.vector_load %arg8[%swap3A_143] {strides = array<i32>} : memref<10000xi32, #tpu.memory_space<vmem>>, vector<16xi32>,
        %swap3A_145 = vector.shape_cast %swap3A_144 : vector<16xi32> to vector<16xi32>
        %swap3A_146 = vector.shape_cast %add3A_142 : vector<16xi32> to vector<16xi32>
        tpu.vector_store %arg8[%swap3A_143], %swap3A_146 {strides = array<i32>} : memref<10000xi32, #tpu.memory_space<vmem>>, vector<16xi32>,
        %scan3A_147 = arith.constant 0 : i32
        scf.yield %scan3A_147 : i32
      }
      %scan3A_18 = arith.constant 125 : i32
      %dma_wait3A = arith.constant 0 : i32
      %dma_wait3A_19 = tpu.memref_slice %arg19[%mul3A_7, %dma_wait3A] : memref<10240x128xf32, #tpu.memory_space<vmem_shared>> -> memref<640x128xf32, #tpu.memory_space<vmem_shared>>
      %dma_wait3A_20 = arith.constant 0 : i32
      %dma_wait3A_21 = tpu.memref_slice %arg5[%mul3A_7, %dma_wait3A_20] : memref<10240x128xf32, #tpu.memory_space<hbm>> -> memref<640x128xf32, #tpu.memory_space<hbm>>
      tpu.wait_dma2 semaphore(%arg20 : memref<!tpu.dma_semaphore, #tpu.memory_space<semaphore_mem>>) src(%dma_wait3A_21 : memref<640x128xf32, #tpu.memory_space<hbm>>) dst(%dma_wait3A_19 : memref<640x128xf32, #tpu.memory_space<vmem_shared>>)
      %barrier3A = arith.constant 0 : index
      tpu.barrier barrier_id(%barrier3A)
      %add3A = arith.constant 0 : i32
      %add3A_22 = arith.addi %mul3A_9, %add3A : i32
      %dma_start3A_23 = tpu.memref_slice %arg4[%add3A_22] : memref<160000xi32, #tpu.memory_space<hbm>> -> memref<40xi32, #tpu.memory_space<hbm>>
      %dma_start3A_24 = tpu.memref_slice %arg4[%add3A_22] : memref<160000xi32, #tpu.memory_space<hbm>> -> memref<40xi32, #tpu.memory_space<hbm>>
      tpu.enqueue_dma source(%dma_start3A_24 : memref<40xi32, #tpu.memory_space<hbm>>) target(%arg9 : memref<40xi32, #tpu.memory_space<vmem>>) target_semaphore(%arg25 : memref<!tpu.dma_semaphore, #tpu.memory_space<semaphore_mem>>)
      %dma_start3A_25 = arith.constant 0 : i32
      %dma_start3A_26 = tpu.memref_slice %arg8[%dma_start3A_25] : memref<10000xi32, #tpu.memory_space<vmem>> -> memref<40xi32, #tpu.memory_space<vmem>>
      %dma_start3A_27 = arith.constant 0 : i32
      %dma_start3A_28 = arith.constant 0 : i32
      %dma_start3A_29 = tpu.memref_slice %arg2[%dma_start3A_27, %dma_start3A_28] : memref<20000x128xf32, #tpu.memory_space<hbm>> -> memref<20000x128xf32, #tpu.memory_space<hbm>>
      tpu.enqueue_indirect_dma source(%dma_start3A_29 : memref<20000x128xf32, #tpu.memory_space<hbm>>) target(%arg14 : memref<40x128xf32, #tpu.memory_space<vmem>>) offsets(%dma_start3A_26 : memref<40xi32, #tpu.memory_space<vmem>>) semaphore(%arg20 : memref<!tpu.dma_semaphore, #tpu.memory_space<semaphore_mem>>)
      %add3A_30 = arith.constant 40 : i32
      %add3A_31 = arith.addi %mul3A_9, %add3A_30 : i32
      %dma_start3A_32 = tpu.memref_slice %arg4[%add3A_31] : memref<160000xi32, #tpu.memory_space<hbm>> -> memref<40xi32, #tpu.memory_space<hbm>>
      %dma_start3A_33 = tpu.memref_slice %arg4[%add3A_31] : memref<160000xi32, #tpu.memory_space<hbm>> -> memref<40xi32, #tpu.memory_space<hbm>>
      tpu.enqueue_dma source(%dma_start3A_33 : memref<40xi32, #tpu.memory_space<hbm>>) target(%arg10 : memref<40xi32, #tpu.memory_space<vmem>>) target_semaphore(%arg26 : memref<!tpu.dma_semaphore, #tpu.memory_space<semaphore_mem>>)
      %dma_start3A_34 = arith.constant 40 : i32
      %dma_start3A_35 = tpu.memref_slice %arg8[%dma_start3A_34] : memref<10000xi32, #tpu.memory_space<vmem>> -> memref<40xi32, #tpu.memory_space<vmem>>
      %dma_start3A_36 = arith.constant 0 : i32
      %dma_start3A_37 = arith.constant 0 : i32
      %dma_start3A_38 = tpu.memref_slice %arg2[%dma_start3A_36, %dma_start3A_37] : memref<20000x128xf32, #tpu.memory_space<hbm>> -> memref<20000x128xf32, #tpu.memory_space<hbm>>
      tpu.enqueue_indirect_dma source(%dma_start3A_38 : memref<20000x128xf32, #tpu.memory_space<hbm>>) target(%arg15 : memref<40x128xf32, #tpu.memory_space<vmem>>) offsets(%dma_start3A_35 : memref<40xi32, #tpu.memory_space<vmem>>) semaphore(%arg21 : memref<!tpu.dma_semaphore, #tpu.memory_space<semaphore_mem>>)
      %add3A_39 = arith.constant 80 : i32
      %add3A_40 = arith.addi %mul3A_9, %add3A_39 : i32
      %dma_start3A_41 = tpu.memref_slice %arg4[%add3A_40] : memref<160000xi32, #tpu.memory_space<hbm>> -> memref<40xi32, #tpu.memory_space<hbm>>
      %dma_start3A_42 = tpu.memref_slice %arg4[%add3A_40] : memref<160000xi32, #tpu.memory_space<hbm>> -> memref<40xi32, #tpu.memory_space<hbm>>
      tpu.enqueue_dma source(%dma_start3A_42 : memref<40xi32, #tpu.memory_space<hbm>>) target(%arg11 : memref<40xi32, #tpu.memory_space<vmem>>) target_semaphore(%arg27 : memref<!tpu.dma_semaphore, #tpu.memory_space<semaphore_mem>>)
      %dma_start3A_43 = arith.constant 80 : i32
      %dma_start3A_44 = tpu.memref_slice %arg8[%dma_start3A_43] : memref<10000xi32, #tpu.memory_space<vmem>> -> memref<40xi32, #tpu.memory_space<vmem>>
      %dma_start3A_45 = arith.constant 0 : i32
      %dma_start3A_46 = arith.constant 0 : i32
      %dma_start3A_47 = tpu.memref_slice %arg2[%dma_start3A_45, %dma_start3A_46] : memref<20000x128xf32, #tpu.memory_space<hbm>> -> memref<20000x128xf32, #tpu.memory_space<hbm>>
      tpu.enqueue_indirect_dma source(%dma_start3A_47 : memref<20000x128xf32, #tpu.memory_space<hbm>>) target(%arg16 : memref<40x128xf32, #tpu.memory_space<vmem>>) offsets(%dma_start3A_44 : memref<40xi32, #tpu.memory_space<vmem>>) semaphore(%arg22 : memref<!tpu.dma_semaphore, #tpu.memory_space<semaphore_mem>>)
      %scan3A_48 = arith.constant 0 : i32
      %scan3A_49 = arith.constant 0 : i32
      %scan3A_50 = arith.constant 50 : i32
      %scan3A_51 = arith.addi %scan3A_49, %scan3A_50 : i32
      %scan3A_52 = arith.constant 1 : i32
      %scan3A_53 = scf.for %scan3A_62 = %scan3A_49 to %scan3A_51 step %scan3A_52 iter_args(%scan3A_63 = %scan3A_48) -> (i32)  : i32 {
        %mul3A_64 = arith.constant 5 : i32
        %mul3A_65 = arith.muli %mul3A_64, %scan3A_62 : i32
        %add3A_66 = arith.constant 0 : i32
        %add3A_67 = arith.addi %mul3A_65, %add3A_66 : i32
        %mul3A_68 = arith.constant 40 : i32
        %mul3A_69 = arith.muli %add3A_67, %mul3A_68 : i32
        %add3A_70 = arith.addi %mul3A_9, %mul3A_69 : i32
        %dma_wait3A_71 = tpu.memref_slice %arg4[%add3A_70] : memref<160000xi32, #tpu.memory_space<hbm>> -> memref<40xi32, #tpu.memory_space<hbm>>
        %dma_wait3A_72 = tpu.memref_slice %arg4[%add3A_70] : memref<160000xi32, #tpu.memory_space<hbm>> -> memref<40xi32, #tpu.memory_space<hbm>>
        tpu.wait_dma2 semaphore(%arg25 : memref<!tpu.dma_semaphore, #tpu.memory_space<semaphore_mem>>) src(%dma_wait3A_72 : memref<40xi32, #tpu.memory_space<hbm>>) dst(%arg9 : memref<40xi32, #tpu.memory_space<vmem>>)
        %mul3A_73 = arith.constant 40 : i32
        %mul3A_74 = arith.muli %add3A_67, %mul3A_73 : i32
        %dma_wait3A_75 = tpu.memref_slice %arg8[%mul3A_74] : memref<10000xi32, #tpu.memory_space<vmem>> -> memref<40xi32, #tpu.memory_space<vmem>>
        %dma_wait3A_76 = arith.constant 0 : i32
        %dma_wait3A_77 = arith.constant 0 : i32
        %dma_wait3A_78 = tpu.memref_slice %arg2[%dma_wait3A_76, %dma_wait3A_77] : memref<20000x128xf32, #tpu.memory_space<hbm>> -> memref<20000x128xf32, #tpu.memory_space<hbm>>
        tpu.wait_indirect_dma semaphore(%arg20 : memref<!tpu.dma_semaphore, #tpu.memory_space<semaphore_mem>>) src(%dma_wait3A_78 : memref<20000x128xf32, #tpu.memory_space<hbm>>) dst(%arg14 : memref<40x128xf32, #tpu.memory_space<vmem>>)
        %dma_start3A_79 = arith.constant 0 : i32
        %dma_start3A_80 = arith.constant 0 : i32
        %dma_start3A_81 = tpu.memref_slice %arg19[%dma_start3A_79, %dma_start3A_80] : memref<10240x128xf32, #tpu.memory_space<vmem_shared>> -> memref<10240x128xf32, #tpu.memory_space<vmem_shared>>
        tpu.enqueue_indirect_dma source(%arg14 : memref<40x128xf32, #tpu.memory_space<vmem>>) target(%dma_start3A_81 : memref<10240x128xf32, #tpu.memory_space<vmem_shared>>) offsets(%arg9 : memref<40xi32, #tpu.memory_space<vmem>>) semaphore(%arg30 : memref<!tpu.dma_semaphore, #tpu.memory_space<semaphore_mem>>) {add = true}
        %gt3A = arith.constant 0 : i32
        %gt3A_82 = arith.cmpi sgt, %scan3A_62, %gt3A : i32
        %convert_element_type3A_83 = arith.extui %gt3A_82 : i1 to i32
        %cond3A_84 = arith.constant 0 : i32
        %cond3A_85 = arith.cmpi ne, %convert_element_type3A_83, %cond3A_84 : i32
        scf.if %cond3A_85 {
          %dma_wait3A_213 = arith.constant 0 : i32
          %dma_wait3A_214 = arith.constant 0 : i32
          %dma_wait3A_215 = tpu.memref_slice %arg19[%dma_wait3A_213, %dma_wait3A_214] : memref<10240x128xf32, #tpu.memory_space<vmem_shared>> -> memref<10240x128xf32, #tpu.memory_space<vmem_shared>>
          tpu.wait_indirect_dma semaphore(%arg33 : memref<!tpu.dma_semaphore, #tpu.memory_space<semaphore_mem>>) src(%arg17 : memref<40x128xf32, #tpu.memory_space<vmem>>) dst(%dma_wait3A_215 : memref<10240x128xf32, #tpu.memory_space<vmem_shared>>)
        } else {
        }
        %add3A_86 = arith.constant 3 : i32
        %add3A_87 = arith.addi %add3A_67, %add3A_86 : i32
        %mul3A_88 = arith.constant 40 : i32
        %mul3A_89 = arith.muli %add3A_87, %mul3A_88 : i32
        %add3A_90 = arith.addi %mul3A_9, %mul3A_89 : i32
        %dma_start3A_91 = tpu.memref_slice %arg4[%add3A_90] : memref<160000xi32, #tpu.memory_space<hbm>> -> memref<40xi32, #tpu.memory_space<hbm>>
        %dma_start3A_92 = tpu.memref_slice %arg4[%add3A_90] : memref<160000xi32, #tpu.memory_space<hbm>> -> memref<40xi32, #tpu.memory_space<hbm>>
        tpu.enqueue_dma source(%dma_start3A_92 : memref<40xi32, #tpu.memory_space<hbm>>) target(%arg12 : memref<40xi32, #tpu.memory_space<vmem>>) target_semaphore(%arg28 : memref<!tpu.dma_semaphore, #tpu.memory_space<semaphore_mem>>)
        %mul3A_93 = arith.constant 40 : i32
        %mul3A_94 = arith.muli %add3A_87, %mul3A_93 : i32
        %dma_start3A_95 = tpu.memref_slice %arg8[%mul3A_94] : memref<10000xi32, #tpu.memory_space<vmem>> -> memref<40xi32, #tpu.memory_space<vmem>>
        %dma_start3A_96 = arith.constant 0 : i32
        %dma_start3A_97 = arith.constant 0 : i32
        %dma_start3A_98 = tpu.memref_slice %arg2[%dma_start3A_96, %dma_start3A_97] : memref<20000x128xf32, #tpu.memory_space<hbm>> -> memref<20000x128xf32, #tpu.memory_space<hbm>>
        tpu.enqueue_indirect_dma source(%dma_start3A_98 : memref<20000x128xf32, #tpu.memory_space<hbm>>) target(%arg17 : memref<40x128xf32, #tpu.memory_space<vmem>>) offsets(%dma_start3A_95 : memref<40xi32, #tpu.memory_space<vmem>>) semaphore(%arg23 : memref<!tpu.dma_semaphore, #tpu.memory_space<semaphore_mem>>)
        %mul3A_99 = arith.constant 5 : i32
        %mul3A_100 = arith.muli %mul3A_99, %scan3A_62 : i32
        %add3A_101 = arith.constant 1 : i32
        %add3A_102 = arith.addi %mul3A_100, %add3A_101 : i32
        %mul3A_103 = arith.constant 40 : i32
        %mul3A_104 = arith.muli %add3A_102, %mul3A_103 : i32
        %add3A_105 = arith.addi %mul3A_9, %mul3A_104 : i32
        %dma_wait3A_106 = tpu.memref_slice %arg4[%add3A_105] : memref<160000xi32, #tpu.memory_space<hbm>> -> memref<40xi32, #tpu.memory_space<hbm>>
        %dma_wait3A_107 = tpu.memref_slice %arg4[%add3A_105] : memref<160000xi32, #tpu.memory_space<hbm>> -> memref<40xi32, #tpu.memory_space<hbm>>
        tpu.wait_dma2 semaphore(%arg26 : memref<!tpu.dma_semaphore, #tpu.memory_space<semaphore_mem>>) src(%dma_wait3A_107 : memref<40xi32, #tpu.memory_space<hbm>>) dst(%arg10 : memref<40xi32, #tpu.memory_space<vmem>>)
        %mul3A_108 = arith.constant 40 : i32
        %mul3A_109 = arith.muli %add3A_102, %mul3A_108 : i32
        %dma_wait3A_110 = tpu.memref_slice %arg8[%mul3A_109] : memref<10000xi32, #tpu.memory_space<vmem>> -> memref<40xi32, #tpu.memory_space<vmem>>
        %dma_wait3A_111 = arith.constant 0 : i32
        %dma_wait3A_112 = arith.constant 0 : i32
        %dma_wait3A_113 = tpu.memref_slice %arg2[%dma_wait3A_111, %dma_wait3A_112] : memref<20000x128xf32, #tpu.memory_space<hbm>> -> memref<20000x128xf32, #tpu.memory_space<hbm>>
        tpu.wait_indirect_dma semaphore(%arg21 : memref<!tpu.dma_semaphore, #tpu.memory_space<semaphore_mem>>) src(%dma_wait3A_113 : memref<20000x128xf32, #tpu.memory_space<hbm>>) dst(%arg15 : memref<40x128xf32, #tpu.memory_space<vmem>>)
        %dma_start3A_114 = arith.constant 0 : i32
        %dma_start3A_115 = arith.constant 0 : i32
        %dma_start3A_116 = tpu.memref_slice %arg19[%dma_start3A_114, %dma_start3A_115] : memref<10240x128xf32, #tpu.memory_space<vmem_shared>> -> memref<10240x128xf32, #tpu.memory_space<vmem_shared>>
        tpu.enqueue_indirect_dma source(%arg15 : memref<40x128xf32, #tpu.memory_space<vmem>>) target(%dma_start3A_116 : memref<10240x128xf32, #tpu.memory_space<vmem_shared>>) offsets(%arg10 : memref<40xi32, #tpu.memory_space<vmem>>) semaphore(%arg31 : memref<!tpu.dma_semaphore, #tpu.memory_space<semaphore_mem>>) {add = true}
        %gt3A_117 = arith.constant 0 : i32
        %gt3A_118 = arith.cmpi sgt, %scan3A_62, %gt3A_117 : i32
        %convert_element_type3A_119 = arith.extui %gt3A_118 : i1 to i32
        %cond3A_120 = arith.constant 0 : i32
        %cond3A_121 = arith.cmpi ne, %convert_element_type3A_119, %cond3A_120 : i32
        scf.if %cond3A_121 {
          %dma_wait3A_213 = arith.constant 0 : i32
          %dma_wait3A_214 = arith.constant 0 : i32
          %dma_wait3A_215 = tpu.memref_slice %arg19[%dma_wait3A_213, %dma_wait3A_214] : memref<10240x128xf32, #tpu.memory_space<vmem_shared>> -> memref<10240x128xf32, #tpu.memory_space<vmem_shared>>
          tpu.wait_indirect_dma semaphore(%arg34 : memref<!tpu.dma_semaphore, #tpu.memory_space<semaphore_mem>>) src(%arg18 : memref<40x128xf32, #tpu.memory_space<vmem>>) dst(%dma_wait3A_215 : memref<10240x128xf32, #tpu.memory_space<vmem_shared>>)
        } else {
        }
        %add3A_122 = arith.constant 3 : i32
        %add3A_123 = arith.addi %add3A_102, %add3A_122 : i32
        %mul3A_124 = arith.constant 40 : i32
        %mul3A_125 = arith.muli %add3A_123, %mul3A_124 : i32
        %add3A_126 = arith.addi %mul3A_9, %mul3A_125 : i32
        %dma_start3A_127 = tpu.memref_slice %arg4[%add3A_126] : memref<160000xi32, #tpu.memory_space<hbm>> -> memref<40xi32, #tpu.memory_space<hbm>>
        %dma_start3A_128 = tpu.memref_slice %arg4[%add3A_126] : memref<160000xi32, #tpu.memory_space<hbm>> -> memref<40xi32, #tpu.memory_space<hbm>>
        tpu.enqueue_dma source(%dma_start3A_128 : memref<40xi32, #tpu.memory_space<hbm>>) target(%arg13 : memref<40xi32, #tpu.memory_space<vmem>>) target_semaphore(%arg29 : memref<!tpu.dma_semaphore, #tpu.memory_space<semaphore_mem>>)
        %mul3A_129 = arith.constant 40 : i32
        %mul3A_130 = arith.muli %add3A_123, %mul3A_129 : i32
        %dma_start3A_131 = tpu.memref_slice %arg8[%mul3A_130] : memref<10000xi32, #tpu.memory_space<vmem>> -> memref<40xi32, #tpu.memory_space<vmem>>
        %dma_start3A_132 = arith.constant 0 : i32
        %dma_start3A_133 = arith.constant 0 : i32
        %dma_start3A_134 = tpu.memref_slice %arg2[%dma_start3A_132, %dma_start3A_133] : memref<20000x128xf32, #tpu.memory_space<hbm>> -> memref<20000x128xf32, #tpu.memory_space<hbm>>
        tpu.enqueue_indirect_dma source(%dma_start3A_134 : memref<20000x128xf32, #tpu.memory_space<hbm>>) target(%arg18 : memref<40x128xf32, #tpu.memory_space<vmem>>) offsets(%dma_start3A_131 : memref<40xi32, #tpu.memory_space<vmem>>) semaphore(%arg24 : memref<!tpu.dma_semaphore, #tpu.memory_space<semaphore_mem>>)
        %mul3A_135 = arith.constant 5 : i32
        %mul3A_136 = arith.muli %mul3A_135, %scan3A_62 : i32
        %add3A_137 = arith.constant 2 : i32
        %add3A_138 = arith.addi %mul3A_136, %add3A_137 : i32
        %mul3A_139 = arith.constant 40 : i32
        %mul3A_140 = arith.muli %add3A_138, %mul3A_139 : i32
        %add3A_141 = arith.addi %mul3A_9, %mul3A_140 : i32
        %dma_wait3A_142 = tpu.memref_slice %arg4[%add3A_141] : memref<160000xi32, #tpu.memory_space<hbm>> -> memref<40xi32, #tpu.memory_space<hbm>>
        %dma_wait3A_143 = tpu.memref_slice %arg4[%add3A_141] : memref<160000xi32, #tpu.memory_space<hbm>> -> memref<40xi32, #tpu.memory_space<hbm>>
        tpu.wait_dma2 semaphore(%arg27 : memref<!tpu.dma_semaphore, #tpu.memory_space<semaphore_mem>>) src(%dma_wait3A_143 : memref<40xi32, #tpu.memory_space<hbm>>) dst(%arg11 : memref<40xi32, #tpu.memory_space<vmem>>)
        %mul3A_144 = arith.constant 40 : i32
        %mul3A_145 = arith.muli %add3A_138, %mul3A_144 : i32
        %dma_wait3A_146 = tpu.memref_slice %arg8[%mul3A_145] : memref<10000xi32, #tpu.memory_space<vmem>> -> memref<40xi32, #tpu.memory_space<vmem>>
        %dma_wait3A_147 = arith.constant 0 : i32
        %dma_wait3A_148 = arith.constant 0 : i32
        %dma_wait3A_149 = tpu.memref_slice %arg2[%dma_wait3A_147, %dma_wait3A_148] : memref<20000x128xf32, #tpu.memory_space<hbm>> -> memref<20000x128xf32, #tpu.memory_space<hbm>>
        tpu.wait_indirect_dma semaphore(%arg22 : memref<!tpu.dma_semaphore, #tpu.memory_space<semaphore_mem>>) src(%dma_wait3A_149 : memref<20000x128xf32, #tpu.memory_space<hbm>>) dst(%arg16 : memref<40x128xf32, #tpu.memory_space<vmem>>)
        %dma_start3A_150 = arith.constant 0 : i32
        %dma_start3A_151 = arith.constant 0 : i32
        %dma_start3A_152 = tpu.memref_slice %arg19[%dma_start3A_150, %dma_start3A_151] : memref<10240x128xf32, #tpu.memory_space<vmem_shared>> -> memref<10240x128xf32, #tpu.memory_space<vmem_shared>>
        tpu.enqueue_indirect_dma source(%arg16 : memref<40x128xf32, #tpu.memory_space<vmem>>) target(%dma_start3A_152 : memref<10240x128xf32, #tpu.memory_space<vmem_shared>>) offsets(%arg11 : memref<40xi32, #tpu.memory_space<vmem>>) semaphore(%arg32 : memref<!tpu.dma_semaphore, #tpu.memory_space<semaphore_mem>>) {add = true}
        %dma_wait3A_153 = arith.constant 0 : i32
        %dma_wait3A_154 = arith.constant 0 : i32
        %dma_wait3A_155 = tpu.memref_slice %arg19[%dma_wait3A_153, %dma_wait3A_154] : memref<10240x128xf32, #tpu.memory_space<vmem_shared>> -> memref<10240x128xf32, #tpu.memory_space<vmem_shared>>
        tpu.wait_indirect_dma semaphore(%arg30 : memref<!tpu.dma_semaphore, #tpu.memory_space<semaphore_mem>>) src(%arg14 : memref<40x128xf32, #tpu.memory_space<vmem>>) dst(%dma_wait3A_155 : memref<10240x128xf32, #tpu.memory_space<vmem_shared>>)
        %lt3A = arith.constant 49 : i32
        %lt3A_156 = arith.cmpi slt, %scan3A_62, %lt3A : i32
        %convert_element_type3A_157 = arith.extui %lt3A_156 : i1 to i32
        %cond3A_158 = arith.constant 0 : i32
        %cond3A_159 = arith.cmpi ne, %convert_element_type3A_157, %cond3A_158 : i32
        scf.if %cond3A_159 {
          %add3A_213 = arith.constant 3 : i32
          %add3A_214 = arith.addi %add3A_138, %add3A_213 : i32
          %mul3A_215 = arith.constant 40 : i32
          %mul3A_216 = arith.muli %add3A_214, %mul3A_215 : i32
          %add3A_217 = arith.addi %mul3A_9, %mul3A_216 : i32
          %dma_start3A_218 = tpu.memref_slice %arg4[%add3A_217] : memref<160000xi32, #tpu.memory_space<hbm>> -> memref<40xi32, #tpu.memory_space<hbm>>
          %dma_start3A_219 = tpu.memref_slice %arg4[%add3A_217] : memref<160000xi32, #tpu.memory_space<hbm>> -> memref<40xi32, #tpu.memory_space<hbm>>
          tpu.enqueue_dma source(%dma_start3A_219 : memref<40xi32, #tpu.memory_space<hbm>>) target(%arg9 : memref<40xi32, #tpu.memory_space<vmem>>) target_semaphore(%arg25 : memref<!tpu.dma_semaphore, #tpu.memory_space<semaphore_mem>>)
          %mul3A_220 = arith.constant 40 : i32
          %mul3A_221 = arith.muli %add3A_214, %mul3A_220 : i32
          %dma_start3A_222 = tpu.memref_slice %arg8[%mul3A_221] : memref<10000xi32, #tpu.memory_space<vmem>> -> memref<40xi32, #tpu.memory_space<vmem>>
          %dma_start3A_223 = arith.constant 0 : i32
          %dma_start3A_224 = arith.constant 0 : i32
          %dma_start3A_225 = tpu.memref_slice %arg2[%dma_start3A_223, %dma_start3A_224] : memref<20000x128xf32, #tpu.memory_space<hbm>> -> memref<20000x128xf32, #tpu.memory_space<hbm>>
          tpu.enqueue_indirect_dma source(%dma_start3A_225 : memref<20000x128xf32, #tpu.memory_space<hbm>>) target(%arg14 : memref<40x128xf32, #tpu.memory_space<vmem>>) offsets(%dma_start3A_222 : memref<40xi32, #tpu.memory_space<vmem>>) semaphore(%arg20 : memref<!tpu.dma_semaphore, #tpu.memory_space<semaphore_mem>>)
        } else {
        }
        %mul3A_160 = arith.constant 5 : i32
        %mul3A_161 = arith.muli %mul3A_160, %scan3A_62 : i32
        %add3A_162 = arith.constant 3 : i32
        %add3A_163 = arith.addi %mul3A_161, %add3A_162 : i32
        %mul3A_164 = arith.constant 40 : i32
        %mul3A_165 = arith.muli %add3A_163, %mul3A_164 : i32
        %add3A_166 = arith.addi %mul3A_9, %mul3A_165 : i32
        %dma_wait3A_167 = tpu.memref_slice %arg4[%add3A_166] : memref<160000xi32, #tpu.memory_space<hbm>> -> memref<40xi32, #tpu.memory_space<hbm>>
        %dma_wait3A_168 = tpu.memref_slice %arg4[%add3A_166] : memref<160000xi32, #tpu.memory_space<hbm>> -> memref<40xi32, #tpu.memory_space<hbm>>
        tpu.wait_dma2 semaphore(%arg28 : memref<!tpu.dma_semaphore, #tpu.memory_space<semaphore_mem>>) src(%dma_wait3A_168 : memref<40xi32, #tpu.memory_space<hbm>>) dst(%arg12 : memref<40xi32, #tpu.memory_space<vmem>>)
        %mul3A_169 = arith.constant 40 : i32
        %mul3A_170 = arith.muli %add3A_163, %mul3A_169 : i32
        %dma_wait3A_171 = tpu.memref_slice %arg8[%mul3A_170] : memref<10000xi32, #tpu.memory_space<vmem>> -> memref<40xi32, #tpu.memory_space<vmem>>
        %dma_wait3A_172 = arith.constant 0 : i32
        %dma_wait3A_173 = arith.constant 0 : i32
        %dma_wait3A_174 = tpu.memref_slice %arg2[%dma_wait3A_172, %dma_wait3A_173] : memref<20000x128xf32, #tpu.memory_space<hbm>> -> memref<20000x128xf32, #tpu.memory_space<hbm>>
        tpu.wait_indirect_dma semaphore(%arg23 : memref<!tpu.dma_semaphore, #tpu.memory_space<semaphore_mem>>) src(%dma_wait3A_174 : memref<20000x128xf32, #tpu.memory_space<hbm>>) dst(%arg17 : memref<40x128xf32, #tpu.memory_space<vmem>>)
        %dma_start3A_175 = arith.constant 0 : i32
        %dma_start3A_176 = arith.constant 0 : i32
        %dma_start3A_177 = tpu.memref_slice %arg19[%dma_start3A_175, %dma_start3A_176] : memref<10240x128xf32, #tpu.memory_space<vmem_shared>> -> memref<10240x128xf32, #tpu.memory_space<vmem_shared>>
        tpu.enqueue_indirect_dma source(%arg17 : memref<40x128xf32, #tpu.memory_space<vmem>>) target(%dma_start3A_177 : memref<10240x128xf32, #tpu.memory_space<vmem_shared>>) offsets(%arg12 : memref<40xi32, #tpu.memory_space<vmem>>) semaphore(%arg33 : memref<!tpu.dma_semaphore, #tpu.memory_space<semaphore_mem>>) {add = true}
        %dma_wait3A_178 = arith.constant 0 : i32
        %dma_wait3A_179 = arith.constant 0 : i32
        %dma_wait3A_180 = tpu.memref_slice %arg19[%dma_wait3A_178, %dma_wait3A_179] : memref<10240x128xf32, #tpu.memory_space<vmem_shared>> -> memref<10240x128xf32, #tpu.memory_space<vmem_shared>>
        tpu.wait_indirect_dma semaphore(%arg31 : memref<!tpu.dma_semaphore, #tpu.memory_space<semaphore_mem>>) src(%arg15 : memref<40x128xf32, #tpu.memory_space<vmem>>) dst(%dma_wait3A_180 : memref<10240x128xf32, #tpu.memory_space<vmem_shared>>)
        %lt3A_181 = arith.constant 49 : i32
        %lt3A_182 = arith.cmpi slt, %scan3A_62, %lt3A_181 : i32
        %convert_element_type3A_183 = arith.extui %lt3A_182 : i1 to i32
        %cond3A_184 = arith.constant 0 : i32
        %cond3A_185 = arith.cmpi ne, %convert_element_type3A_183, %cond3A_184 : i32
        scf.if %cond3A_185 {
          %add3A_213 = arith.constant 3 : i32
          %add3A_214 = arith.addi %add3A_163, %add3A_213 : i32
          %mul3A_215 = arith.constant 40 : i32
          %mul3A_216 = arith.muli %add3A_214, %mul3A_215 : i32
          %add3A_217 = arith.addi %mul3A_9, %mul3A_216 : i32
          %dma_start3A_218 = tpu.memref_slice %arg4[%add3A_217] : memref<160000xi32, #tpu.memory_space<hbm>> -> memref<40xi32, #tpu.memory_space<hbm>>
          %dma_start3A_219 = tpu.memref_slice %arg4[%add3A_217] : memref<160000xi32, #tpu.memory_space<hbm>> -> memref<40xi32, #tpu.memory_space<hbm>>
          tpu.enqueue_dma source(%dma_start3A_219 : memref<40xi32, #tpu.memory_space<hbm>>) target(%arg10 : memref<40xi32, #tpu.memory_space<vmem>>) target_semaphore(%arg26 : memref<!tpu.dma_semaphore, #tpu.memory_space<semaphore_mem>>)
          %mul3A_220 = arith.constant 40 : i32
          %mul3A_221 = arith.muli %add3A_214, %mul3A_220 : i32
          %dma_start3A_222 = tpu.memref_slice %arg8[%mul3A_221] : memref<10000xi32, #tpu.memory_space<vmem>> -> memref<40xi32, #tpu.memory_space<vmem>>
          %dma_start3A_223 = arith.constant 0 : i32
          %dma_start3A_224 = arith.constant 0 : i32
          %dma_start3A_225 = tpu.memref_slice %arg2[%dma_start3A_223, %dma_start3A_224] : memref<20000x128xf32, #tpu.memory_space<hbm>> -> memref<20000x128xf32, #tpu.memory_space<hbm>>
          tpu.enqueue_indirect_dma source(%dma_start3A_225 : memref<20000x128xf32, #tpu.memory_space<hbm>>) target(%arg15 : memref<40x128xf32, #tpu.memory_space<vmem>>) offsets(%dma_start3A_222 : memref<40xi32, #tpu.memory_space<vmem>>) semaphore(%arg21 : memref<!tpu.dma_semaphore, #tpu.memory_space<semaphore_mem>>)
        } else {
        }
        %mul3A_186 = arith.constant 5 : i32
        %mul3A_187 = arith.muli %mul3A_186, %scan3A_62 : i32
        %add3A_188 = arith.constant 4 : i32
        %add3A_189 = arith.addi %mul3A_187, %add3A_188 : i32
        %mul3A_190 = arith.constant 40 : i32
        %mul3A_191 = arith.muli %add3A_189, %mul3A_190 : i32
        %add3A_192 = arith.addi %mul3A_9, %mul3A_191 : i32
        %dma_wait3A_193 = tpu.memref_slice %arg4[%add3A_192] : memref<160000xi32, #tpu.memory_space<hbm>> -> memref<40xi32, #tpu.memory_space<hbm>>
        %dma_wait3A_194 = tpu.memref_slice %arg4[%add3A_192] : memref<160000xi32, #tpu.memory_space<hbm>> -> memref<40xi32, #tpu.memory_space<hbm>>
        tpu.wait_dma2 semaphore(%arg29 : memref<!tpu.dma_semaphore, #tpu.memory_space<semaphore_mem>>) src(%dma_wait3A_194 : memref<40xi32, #tpu.memory_space<hbm>>) dst(%arg13 : memref<40xi32, #tpu.memory_space<vmem>>)
        %mul3A_195 = arith.constant 40 : i32
        %mul3A_196 = arith.muli %add3A_189, %mul3A_195 : i32
        %dma_wait3A_197 = tpu.memref_slice %arg8[%mul3A_196] : memref<10000xi32, #tpu.memory_space<vmem>> -> memref<40xi32, #tpu.memory_space<vmem>>
        %dma_wait3A_198 = arith.constant 0 : i32
        %dma_wait3A_199 = arith.constant 0 : i32
        %dma_wait3A_200 = tpu.memref_slice %arg2[%dma_wait3A_198, %dma_wait3A_199] : memref<20000x128xf32, #tpu.memory_space<hbm>> -> memref<20000x128xf32, #tpu.memory_space<hbm>>
        tpu.wait_indirect_dma semaphore(%arg24 : memref<!tpu.dma_semaphore, #tpu.memory_space<semaphore_mem>>) src(%dma_wait3A_200 : memref<20000x128xf32, #tpu.memory_space<hbm>>) dst(%arg18 : memref<40x128xf32, #tpu.memory_space<vmem>>)
        %dma_start3A_201 = arith.constant 0 : i32
        %dma_start3A_202 = arith.constant 0 : i32
        %dma_start3A_203 = tpu.memref_slice %arg19[%dma_start3A_201, %dma_start3A_202] : memref<10240x128xf32, #tpu.memory_space<vmem_shared>> -> memref<10240x128xf32, #tpu.memory_space<vmem_shared>>
        tpu.enqueue_indirect_dma source(%arg18 : memref<40x128xf32, #tpu.memory_space<vmem>>) target(%dma_start3A_203 : memref<10240x128xf32, #tpu.memory_space<vmem_shared>>) offsets(%arg13 : memref<40xi32, #tpu.memory_space<vmem>>) semaphore(%arg34 : memref<!tpu.dma_semaphore, #tpu.memory_space<semaphore_mem>>) {add = true}
        %dma_wait3A_204 = arith.constant 0 : i32
        %dma_wait3A_205 = arith.constant 0 : i32
        %dma_wait3A_206 = tpu.memref_slice %arg19[%dma_wait3A_204, %dma_wait3A_205] : memref<10240x128xf32, #tpu.memory_space<vmem_shared>> -> memref<10240x128xf32, #tpu.memory_space<vmem_shared>>
        tpu.wait_indirect_dma semaphore(%arg32 : memref<!tpu.dma_semaphore, #tpu.memory_space<semaphore_mem>>) src(%arg16 : memref<40x128xf32, #tpu.memory_space<vmem>>) dst(%dma_wait3A_206 : memref<10240x128xf32, #tpu.memory_space<vmem_shared>>)
        %lt3A_207 = arith.constant 49 : i32
        %lt3A_208 = arith.cmpi slt, %scan3A_62, %lt3A_207 : i32
        %convert_element_type3A_209 = arith.extui %lt3A_208 : i1 to i32
        %cond3A_210 = arith.constant 0 : i32
        %cond3A_211 = arith.cmpi ne, %convert_element_type3A_209, %cond3A_210 : i32
        scf.if %cond3A_211 {
          %add3A_213 = arith.constant 3 : i32
          %add3A_214 = arith.addi %add3A_189, %add3A_213 : i32
          %mul3A_215 = arith.constant 40 : i32
          %mul3A_216 = arith.muli %add3A_214, %mul3A_215 : i32
          %add3A_217 = arith.addi %mul3A_9, %mul3A_216 : i32
          %dma_start3A_218 = tpu.memref_slice %arg4[%add3A_217] : memref<160000xi32, #tpu.memory_space<hbm>> -> memref<40xi32, #tpu.memory_space<hbm>>
          %dma_start3A_219 = tpu.memref_slice %arg4[%add3A_217] : memref<160000xi32, #tpu.memory_space<hbm>> -> memref<40xi32, #tpu.memory_space<hbm>>
          tpu.enqueue_dma source(%dma_start3A_219 : memref<40xi32, #tpu.memory_space<hbm>>) target(%arg11 : memref<40xi32, #tpu.memory_space<vmem>>) target_semaphore(%arg27 : memref<!tpu.dma_semaphore, #tpu.memory_space<semaphore_mem>>)
          %mul3A_220 = arith.constant 40 : i32
          %mul3A_221 = arith.muli %add3A_214, %mul3A_220 : i32
          %dma_start3A_222 = tpu.memref_slice %arg8[%mul3A_221] : memref<10000xi32, #tpu.memory_space<vmem>> -> memref<40xi32, #tpu.memory_space<vmem>>
          %dma_start3A_223 = arith.constant 0 : i32
          %dma_start3A_224 = arith.constant 0 : i32
          %dma_start3A_225 = tpu.memref_slice %arg2[%dma_start3A_223, %dma_start3A_224] : memref<20000x128xf32, #tpu.memory_space<hbm>> -> memref<20000x128xf32, #tpu.memory_space<hbm>>
          tpu.enqueue_indirect_dma source(%dma_start3A_225 : memref<20000x128xf32, #tpu.memory_space<hbm>>) target(%arg16 : memref<40x128xf32, #tpu.memory_space<vmem>>) offsets(%dma_start3A_222 : memref<40xi32, #tpu.memory_space<vmem>>) semaphore(%arg22 : memref<!tpu.dma_semaphore, #tpu.memory_space<semaphore_mem>>)
        } else {
        }
        %scan3A_212 = arith.constant 0 : i32
        scf.yield %scan3A_212 : i32
      }
      %scan3A_54 = arith.constant 50 : i32
      %dma_wait3A_55 = arith.constant 0 : i32
      %dma_wait3A_56 = arith.constant 0 : i32
      %dma_wait3A_57 = tpu.memref_slice %arg19[%dma_wait3A_55, %dma_wait3A_56] : memref<10240x128xf32, #tpu.memory_space<vmem_shared>> -> memref<10240x128xf32, #tpu.memory_space<vmem_shared>>
      tpu.wait_indirect_dma semaphore(%arg33 : memref<!tpu.dma_semaphore, #tpu.memory_space<semaphore_mem>>) src(%arg17 : memref<40x128xf32, #tpu.memory_space<vmem>>) dst(%dma_wait3A_57 : memref<10240x128xf32, #tpu.memory_space<vmem_shared>>)
      %dma_wait3A_58 = arith.constant 0 : i32
      %dma_wait3A_59 = arith.constant 0 : i32
      %dma_wait3A_60 = tpu.memref_slice %arg19[%dma_wait3A_58, %dma_wait3A_59] : memref<10240x128xf32, #tpu.memory_space<vmem_shared>> -> memref<10240x128xf32, #tpu.memory_space<vmem_shared>>
      tpu.wait_indirect_dma semaphore(%arg34 : memref<!tpu.dma_semaphore, #tpu.memory_space<semaphore_mem>>) src(%arg18 : memref<40x128xf32, #tpu.memory_space<vmem>>) dst(%dma_wait3A_60 : memref<10240x128xf32, #tpu.memory_space<vmem_shared>>)
      %barrier3A_61 = arith.constant 0 : index
      tpu.barrier barrier_id(%barrier3A_61)
      "tpu.region"() ({
        %run_scoped3A = tpu.sem_alloc : memref<!tpu.dma_semaphore, #tpu.memory_space<semaphore_mem>>
        %dma_start3A_62 = arith.constant 0 : i32
        %dma_start3A_63 = tpu.memref_slice %arg7[%mul3A_7, %dma_start3A_62] : memref<10240x128xf32, #tpu.memory_space<hbm>> -> memref<640x128xf32, #tpu.memory_space<hbm>>
        %dma_start3A_64 = arith.constant 0 : i32
        %dma_start3A_65 = tpu.memref_slice %arg19[%mul3A_7, %dma_start3A_64] : memref<10240x128xf32, #tpu.memory_space<vmem_shared>> -> memref<640x128xf32, #tpu.memory_space<vmem_shared>>
        tpu.enqueue_dma source(%dma_start3A_65 : memref<640x128xf32, #tpu.memory_space<vmem_shared>>) target(%dma_start3A_63 : memref<640x128xf32, #tpu.memory_space<hbm>>) target_semaphore(%run_scoped3A : memref<!tpu.dma_semaphore, #tpu.memory_space<semaphore_mem>>)
        %dma_wait3A_66 = arith.constant 0 : i32
        %dma_wait3A_67 = tpu.memref_slice %arg7[%mul3A_7, %dma_wait3A_66] : memref<10240x128xf32, #tpu.memory_space<hbm>> -> memref<640x128xf32, #tpu.memory_space<hbm>>
        %dma_wait3A_68 = arith.constant 0 : i32
        %dma_wait3A_69 = tpu.memref_slice %arg19[%mul3A_7, %dma_wait3A_68] : memref<10240x128xf32, #tpu.memory_space<vmem_shared>> -> memref<640x128xf32, #tpu.memory_space<vmem_shared>>
        tpu.wait_dma2 semaphore(%run_scoped3A : memref<!tpu.dma_semaphore, #tpu.memory_space<semaphore_mem>>) src(%dma_wait3A_69 : memref<640x128xf32, #tpu.memory_space<vmem_shared>>) dst(%dma_wait3A_67 : memref<640x128xf32, #tpu.memory_space<hbm>>)
        tpu.yield
      }) : () -> ()
    } else {
    }
    return
  }
}

module attributes {stable_mosaic.version = 14 : i64} {
  func.func @_mm1_body(%arg0: i32, %arg1: memref<2000x128xf32, #tpu.memory_space<vmem>>, %arg2: memref<2000x128xf32, #tpu.memory_space<vmem>>, %arg3: memref<512x256xf32, #tpu.memory_space<vmem>>, %arg4: memref<1x512xf32, #tpu.memory_space<vmem>>, %arg5: memref<2000x128xf32, #tpu.memory_space<vmem>>, %arg6: memref<2000x128xf32, #tpu.memory_space<vmem>>, %arg7: memref<2000x128xf32, #tpu.memory_space<vmem>>, %arg8: memref<2000x128xf32, #tpu.memory_space<vmem>>) attributes {dimension_semantics = [#tpu.dimension_semantics<arbitrary>], iteration_bounds = array<i64: 5>, scalar_prefetch = 0 : i64, scratch_operands = 0 : i64, tpu.core_type = #tpu.core_type<tc>, window_params = [{transform_indices = @transform_0, window_bounds = array<i64: 2000, 128>}, {transform_indices = @transform_1, window_bounds = array<i64: 2000, 128>}, {pipeline_mode = #tpu.pipeline_mode<synchronous>, transform_indices = @transform_2, window_bounds = array<i64: 512, 256>}, {pipeline_mode = #tpu.pipeline_mode<synchronous>, transform_indices = @transform_3, window_bounds = array<i64: 1, 512>}, {transform_indices = @transform_4, window_bounds = array<i64: 2000, 128>}, {transform_indices = @transform_5, window_bounds = array<i64: 2000, 128>}, {transform_indices = @transform_6, window_bounds = array<i64: 2000, 128>}, {transform_indices = @transform_7, window_bounds = array<i64: 2000, 128>}]} {
    %get3A = arith.constant 0 : index
    %get3A_0 = arith.constant 0 : index
    %get3A_1 = vector.load %arg1[%get3A, %get3A_0] : memref<2000x128xf32, #tpu.memory_space<vmem>>, vector<2000x128xf32>
    %get3A_2 = arith.constant 0 : index
    %get3A_3 = arith.constant 0 : index
    %get3A_4 = vector.load %arg3[%get3A_2, %get3A_3] : memref<512x256xf32, #tpu.memory_space<vmem>>, vector<512x128xf32>
    %dot_general3A = arith.constant dense<0.000000e+00> : vector<2000x512xf32>
    %dot_general3A_5 = tpu.matmul %get3A_1, %get3A_4, %dot_general3A {dimension_numbers = #tpu.dot_dimension_numbers<[1], [1], [0], [0], [0, 0, 1, 0], [], []>, transpose_lhs_hint = false} : vector<2000x128xf32>, vector<512x128xf32>, vector<2000x512xf32> -> vector<2000x512xf32>
    %get3A_6 = arith.constant 0 : index
    %get3A_7 = arith.constant 0 : index
    %get3A_8 = vector.load %arg2[%get3A_6, %get3A_7] : memref<2000x128xf32, #tpu.memory_space<vmem>>, vector<2000x128xf32>
    %get3A_9 = arith.constant 0 : index
    %get3A_10 = arith.constant 128 : index
    %get3A_11 = vector.load %arg3[%get3A_9, %get3A_10] : memref<512x256xf32, #tpu.memory_space<vmem>>, vector<512x128xf32>
    %dot_general3A_12 = arith.constant dense<0.000000e+00> : vector<2000x512xf32>
    %dot_general3A_13 = tpu.matmul %get3A_8, %get3A_11, %dot_general3A_12 {dimension_numbers = #tpu.dot_dimension_numbers<[1], [1], [0], [0], [0, 0, 1, 0], [], []>, transpose_lhs_hint = false} : vector<2000x128xf32>, vector<512x128xf32>, vector<2000x512xf32> -> vector<2000x512xf32>
    %add3A = arith.addf %dot_general3A_5, %dot_general3A_13 : vector<2000x512xf32>
    %get3A_14 = arith.constant 0 : index
    %get3A_15 = arith.constant 0 : index
    %get3A_16 = vector.load %arg4[%get3A_14, %get3A_15] : memref<1x512xf32, #tpu.memory_space<vmem>>, vector<1x512xf32>
    %add3A_17 = vector.broadcast %get3A_16 : vector<1x512xf32> to vector<2000x512xf32>
    %add3A_18 = arith.addf %add3A, %add3A_17 : vector<2000x512xf32>
    %max3A = arith.constant 0.000000e+00 : f32
    %max3A_19 = vector.broadcast %max3A : f32 to vector<2000x512xf32>
    %max3A_20 = arith.maximumf %add3A_18, %max3A_19 : vector<2000x512xf32>
    %slice3A = vector.extract_strided_slice %max3A_20 {offsets = [0, 0], sizes = [2000, 128], strides = [1, 1]} : vector<2000x512xf32> to vector<2000x128xf32>
    %swap3A = arith.constant 0 : index
    %swap3A_21 = arith.constant 0 : index
    %swap3A_22 = vector.load %arg5[%swap3A, %swap3A_21] : memref<2000x128xf32, #tpu.memory_space<vmem>>, vector<2000x128xf32>
    tpu.vector_store %arg5[%swap3A, %swap3A_21], %slice3A {strides = array<i32>} : memref<2000x128xf32, #tpu.memory_space<vmem>>, vector<2000x128xf32>,
    %slice3A_23 = vector.extract_strided_slice %max3A_20 {offsets = [0, 128], sizes = [2000, 128], strides = [1, 1]} : vector<2000x512xf32> to vector<2000x128xf32>
    %swap3A_24 = arith.constant 0 : index
    %swap3A_25 = arith.constant 0 : index
    %swap3A_26 = vector.load %arg6[%swap3A_24, %swap3A_25] : memref<2000x128xf32, #tpu.memory_space<vmem>>, vector<2000x128xf32>
    tpu.vector_store %arg6[%swap3A_24, %swap3A_25], %slice3A_23 {strides = array<i32>} : memref<2000x128xf32, #tpu.memory_space<vmem>>, vector<2000x128xf32>,
    %slice3A_27 = vector.extract_strided_slice %max3A_20 {offsets = [0, 256], sizes = [2000, 128], strides = [1, 1]} : vector<2000x512xf32> to vector<2000x128xf32>
    %swap3A_28 = arith.constant 0 : index
    %swap3A_29 = arith.constant 0 : index
    %swap3A_30 = vector.load %arg7[%swap3A_28, %swap3A_29] : memref<2000x128xf32, #tpu.memory_space<vmem>>, vector<2000x128xf32>
    tpu.vector_store %arg7[%swap3A_28, %swap3A_29], %slice3A_27 {strides = array<i32>} : memref<2000x128xf32, #tpu.memory_space<vmem>>, vector<2000x128xf32>,
    %slice3A_31 = vector.extract_strided_slice %max3A_20 {offsets = [0, 384], sizes = [2000, 128], strides = [1, 1]} : vector<2000x512xf32> to vector<2000x128xf32>
    %swap3A_32 = arith.constant 0 : index
    %swap3A_33 = arith.constant 0 : index
    %swap3A_34 = vector.load %arg8[%swap3A_32, %swap3A_33] : memref<2000x128xf32, #tpu.memory_space<vmem>>, vector<2000x128xf32>
    tpu.vector_store %arg8[%swap3A_32, %swap3A_33], %slice3A_31 {strides = array<i32>} : memref<2000x128xf32, #tpu.memory_space<vmem>>, vector<2000x128xf32>,
    return
  }
  func.func @transform_0(%arg0: i32) -> (i32, i32) {
    %c0_i32 = arith.constant 0 : i32
    %c0_i32_0 = arith.constant 0 : i32
    return %arg0, %c0_i32 : i32, i32
  }
  func.func @transform_1(%arg0: i32) -> (i32, i32) {
    %c0_i32 = arith.constant 0 : i32
    %c0_i32_0 = arith.constant 0 : i32
    return %arg0, %c0_i32 : i32, i32
  }
  func.func @transform_2(%arg0: i32) -> (i32, i32) {
    %c0_i32 = arith.constant 0 : i32
    %c0_i32_0 = arith.constant 0 : i32
    %c0_i32_1 = arith.constant 0 : i32
    return %c0_i32, %c0_i32_0 : i32, i32
  }
  func.func @transform_3(%arg0: i32) -> (i32, i32) {
    %c0_i32 = arith.constant 0 : i32
    %c0_i32_0 = arith.constant 0 : i32
    %c0_i32_1 = arith.constant 0 : i32
    return %c0_i32, %c0_i32_0 : i32, i32
  }
  func.func @transform_4(%arg0: i32) -> (i32, i32) {
    %c0_i32 = arith.constant 0 : i32
    %c0_i32_0 = arith.constant 0 : i32
    return %arg0, %c0_i32 : i32, i32
  }
  func.func @transform_5(%arg0: i32) -> (i32, i32) {
    %c0_i32 = arith.constant 0 : i32
    %c0_i32_0 = arith.constant 0 : i32
    return %arg0, %c0_i32 : i32, i32
  }
  func.func @transform_6(%arg0: i32) -> (i32, i32) {
    %c0_i32 = arith.constant 0 : i32
    %c0_i32_0 = arith.constant 0 : i32
    return %arg0, %c0_i32 : i32, i32
  }
  func.func @transform_7(%arg0: i32) -> (i32, i32) {
    %c0_i32 = arith.constant 0 : i32
    %c0_i32_0 = arith.constant 0 : i32
    return %arg0, %c0_i32 : i32, i32
  }
}

module attributes {stable_mosaic.version = 14 : i64} {
  func.func @_mm2_body(%arg0: i32, %arg1: memref<2000x128xf32, #tpu.memory_space<vmem>>, %arg2: memref<2000x128xf32, #tpu.memory_space<vmem>>, %arg3: memref<2000x128xf32, #tpu.memory_space<vmem>>, %arg4: memref<2000x128xf32, #tpu.memory_space<vmem>>, %arg5: memref<512x512xf32, #tpu.memory_space<vmem>>, %arg6: memref<1x512xf32, #tpu.memory_space<vmem>>, %arg7: memref<2000x512xf32, #tpu.memory_space<vmem>>) attributes {dimension_semantics = [#tpu.dimension_semantics<arbitrary>], iteration_bounds = array<i64: 5>, scalar_prefetch = 0 : i64, scratch_operands = 0 : i64, tpu.core_type = #tpu.core_type<tc>, window_params = [{transform_indices = @transform_0, window_bounds = array<i64: 2000, 128>}, {transform_indices = @transform_1, window_bounds = array<i64: 2000, 128>}, {transform_indices = @transform_2, window_bounds = array<i64: 2000, 128>}, {transform_indices = @transform_3, window_bounds = array<i64: 2000, 128>}, {pipeline_mode = #tpu.pipeline_mode<synchronous>, transform_indices = @transform_4, window_bounds = array<i64: 512, 512>}, {pipeline_mode = #tpu.pipeline_mode<synchronous>, transform_indices = @transform_5, window_bounds = array<i64: 1, 512>}, {transform_indices = @transform_6, window_bounds = array<i64: 2000, 512>}]} {
    %get3A = arith.constant 0 : index
    %get3A_0 = arith.constant 0 : index
    %get3A_1 = vector.load %arg1[%get3A, %get3A_0] : memref<2000x128xf32, #tpu.memory_space<vmem>>, vector<2000x128xf32>
    %get3A_2 = arith.constant 0 : index
    %get3A_3 = arith.constant 0 : index
    %get3A_4 = vector.load %arg5[%get3A_2, %get3A_3] : memref<512x512xf32, #tpu.memory_space<vmem>>, vector<512x128xf32>
    %dot_general3A = arith.constant dense<0.000000e+00> : vector<2000x512xf32>
    %dot_general3A_5 = tpu.matmul %get3A_1, %get3A_4, %dot_general3A {dimension_numbers = #tpu.dot_dimension_numbers<[1], [1], [0], [0], [0, 0, 1, 0], [], []>, transpose_lhs_hint = false} : vector<2000x128xf32>, vector<512x128xf32>, vector<2000x512xf32> -> vector<2000x512xf32>
    %get3A_6 = arith.constant 0 : index
    %get3A_7 = arith.constant 0 : index
    %get3A_8 = vector.load %arg2[%get3A_6, %get3A_7] : memref<2000x128xf32, #tpu.memory_space<vmem>>, vector<2000x128xf32>
    %get3A_9 = arith.constant 0 : index
    %get3A_10 = arith.constant 128 : index
    %get3A_11 = vector.load %arg5[%get3A_9, %get3A_10] : memref<512x512xf32, #tpu.memory_space<vmem>>, vector<512x128xf32>
    %dot_general3A_12 = arith.constant dense<0.000000e+00> : vector<2000x512xf32>
    %dot_general3A_13 = tpu.matmul %get3A_8, %get3A_11, %dot_general3A_12 {dimension_numbers = #tpu.dot_dimension_numbers<[1], [1], [0], [0], [0, 0, 1, 0], [], []>, transpose_lhs_hint = false} : vector<2000x128xf32>, vector<512x128xf32>, vector<2000x512xf32> -> vector<2000x512xf32>
    %add3A = arith.addf %dot_general3A_5, %dot_general3A_13 : vector<2000x512xf32>
    %get3A_14 = arith.constant 0 : index
    %get3A_15 = arith.constant 0 : index
    %get3A_16 = vector.load %arg3[%get3A_14, %get3A_15] : memref<2000x128xf32, #tpu.memory_space<vmem>>, vector<2000x128xf32>
    %get3A_17 = arith.constant 0 : index
    %get3A_18 = arith.constant 256 : index
    %get3A_19 = vector.load %arg5[%get3A_17, %get3A_18] : memref<512x512xf32, #tpu.memory_space<vmem>>, vector<512x128xf32>
    %dot_general3A_20 = arith.constant dense<0.000000e+00> : vector<2000x512xf32>
    %dot_general3A_21 = tpu.matmul %get3A_16, %get3A_19, %dot_general3A_20 {dimension_numbers = #tpu.dot_dimension_numbers<[1], [1], [0], [0], [0, 0, 1, 0], [], []>, transpose_lhs_hint = false} : vector<2000x128xf32>, vector<512x128xf32>, vector<2000x512xf32> -> vector<2000x512xf32>
    %add3A_22 = arith.addf %add3A, %dot_general3A_21 : vector<2000x512xf32>
    %get3A_23 = arith.constant 0 : index
    %get3A_24 = arith.constant 0 : index
    %get3A_25 = vector.load %arg4[%get3A_23, %get3A_24] : memref<2000x128xf32, #tpu.memory_space<vmem>>, vector<2000x128xf32>
    %get3A_26 = arith.constant 0 : index
    %get3A_27 = arith.constant 384 : index
    %get3A_28 = vector.load %arg5[%get3A_26, %get3A_27] : memref<512x512xf32, #tpu.memory_space<vmem>>, vector<512x128xf32>
    %dot_general3A_29 = arith.constant dense<0.000000e+00> : vector<2000x512xf32>
    %dot_general3A_30 = tpu.matmul %get3A_25, %get3A_28, %dot_general3A_29 {dimension_numbers = #tpu.dot_dimension_numbers<[1], [1], [0], [0], [0, 0, 1, 0], [], []>, transpose_lhs_hint = false} : vector<2000x128xf32>, vector<512x128xf32>, vector<2000x512xf32> -> vector<2000x512xf32>
    %add3A_31 = arith.addf %add3A_22, %dot_general3A_30 : vector<2000x512xf32>
    %get3A_32 = arith.constant 0 : index
    %get3A_33 = arith.constant 0 : index
    %get3A_34 = vector.load %arg6[%get3A_32, %get3A_33] : memref<1x512xf32, #tpu.memory_space<vmem>>, vector<1x512xf32>
    %add3A_35 = vector.broadcast %get3A_34 : vector<1x512xf32> to vector<2000x512xf32>
    %add3A_36 = arith.addf %add3A_31, %add3A_35 : vector<2000x512xf32>
    %max3A = arith.constant 0.000000e+00 : f32
    %max3A_37 = vector.broadcast %max3A : f32 to vector<2000x512xf32>
    %max3A_38 = arith.maximumf %add3A_36, %max3A_37 : vector<2000x512xf32>
    %swap3A = arith.constant 0 : index
    %swap3A_39 = arith.constant 0 : index
    %swap3A_40 = vector.load %arg7[%swap3A, %swap3A_39] : memref<2000x512xf32, #tpu.memory_space<vmem>>, vector<2000x512xf32>
    tpu.vector_store %arg7[%swap3A, %swap3A_39], %max3A_38 {strides = array<i32>} : memref<2000x512xf32, #tpu.memory_space<vmem>>, vector<2000x512xf32>,
    return
  }
  func.func @transform_0(%arg0: i32) -> (i32, i32) {
    %c0_i32 = arith.constant 0 : i32
    %c0_i32_0 = arith.constant 0 : i32
    return %arg0, %c0_i32 : i32, i32
  }
  func.func @transform_1(%arg0: i32) -> (i32, i32) {
    %c0_i32 = arith.constant 0 : i32
    %c0_i32_0 = arith.constant 0 : i32
    return %arg0, %c0_i32 : i32, i32
  }
  func.func @transform_2(%arg0: i32) -> (i32, i32) {
    %c0_i32 = arith.constant 0 : i32
    %c0_i32_0 = arith.constant 0 : i32
    return %arg0, %c0_i32 : i32, i32
  }
  func.func @transform_3(%arg0: i32) -> (i32, i32) {
    %c0_i32 = arith.constant 0 : i32
    %c0_i32_0 = arith.constant 0 : i32
    return %arg0, %c0_i32 : i32, i32
  }
  func.func @transform_4(%arg0: i32) -> (i32, i32) {
    %c0_i32 = arith.constant 0 : i32
    %c0_i32_0 = arith.constant 0 : i32
    %c0_i32_1 = arith.constant 0 : i32
    return %c0_i32, %c0_i32_0 : i32, i32
  }
  func.func @transform_5(%arg0: i32) -> (i32, i32) {
    %c0_i32 = arith.constant 0 : i32
    %c0_i32_0 = arith.constant 0 : i32
    %c0_i32_1 = arith.constant 0 : i32
    return %c0_i32, %c0_i32_0 : i32, i32
  }
  func.func @transform_6(%arg0: i32) -> (i32, i32) {
    %c0_i32 = arith.constant 0 : i32
    %c0_i32_0 = arith.constant 0 : i32
    return %arg0, %c0_i32 : i32, i32
  }
}

</mosaic_0001>

<sc_bundles>
// kernel: kernel.6.cloned.1.call-start
scs
__scs_entry_jumppad:
0x0: {  	(pc) =	sbr.rel $0x88, $3  }
0x1: {  	(tag) =	ssettag $0x0;
	lr =	simm.s32 $0x1  }
0x2: {  	[smem:$0x3F9B] =	sst lr;
	_ =	strace $0xD0000000  }
0x3: {  	_ = 	snop  }
0x4: {  	_ = 	snop  }
0x5: {  	_ = 	snop  }
0x6: {  	_ = 	snop  }
0x7: {  	_ = 	snop  }
__scs_overlays_trampoline_lowered:
0x8: {  	[smem:$0x3FAA] =	sst s0  }
0x9: {  	[smem:$0x3FAB] =	sst s1  }
0xa: {  	[smem:$0x3FAC] =	sst s2  }
0xb: {  	[smem:$0x3FAD] =	sst s3  }
0xc: {  	[smem:$0x3FAE] =	sst s4  }
0xd: {  	[smem:$0x3FAF] =	sst s5  }
0xe: {  	[smem:$0x3FB0] =	sst s6  }
0xf: {  	[smem:$0x3FB1] =	sst s7  }
0x10: {  	[smem:$0x3FB2] =	sst s8  }
0x11: {  	[smem:$0x3FB3] =	sst s9;
	s0 =	simm.s32 @!p0 $0x0  }
0x12: {  	s1 =	sld [smem:$0x3F99];
	s0 =	simm.s32 @p0 $0x1  }
0x13: {  	[smem:$0x3FB4] =	sst s0;
	s0 =	simm.s32 @!p1 $0x0  }
0x14: {  	s2 =	sld [smem:$0x3F98];
	s0 =	simm.s32 @p1 $0x1  }
0x15: {  	[smem:$0x3FB5] =	sst s0;
	s0 =	simm.s32 @!p2 $0x0  }
0x16: {  	s3 =	sld [smem:$0x3FDB];
	s0 =	simm.s32 @p2 $0x1  }
0x17: {  	s4 =	simm.s32 $0x1BF5;
	[smem:$0x3FB7] =	sst s0  }
0x18: {  	s0 =	sld [smem:$0x3F9A];
	_ =	swait.ge [sflag:s4], $0x0  }
0x19: {  	s7 =	sld [smem:$0x3F9B]  }
0x1a: {  	s8 =	sadd.s32 $0xFFFFE003, lr  }
0x1b: {  	s9 =	sadd.s32 $0xFFFFFEF7, lr;
	s5 =	simm.s32 $0xFFFFFFFF;
	p2 =	slt.u32 s8, $0xFFFFF086  }
0x1c: {  	p1 =	slt.u32 s9, $0xF7A;
	s5 =	simm.s32 @!p2 $0x0  }
0x1d: {  	s5 =	simm.s32 @p1 $0x1;
	p0 =	seq.s32 s7, s2  }
0x1e: {  	s7 =	smul.u32 @!p0 $0xF7A, s2;
	p2 =	seq.s32 @!p0 s5, $0x0  }
0x1f: {  	s9 =	smul.u32 $0xF7A, s1;
	s8 =	simm.s32 @!p0 $0x1BF5;
	p2 =	por !p2, p0  }
0x20: {  	[sflag:s8] =	ssyncset.s32 @!p0 $0xFFFFF086;
	s6 =	sadd.s32 @!p0 s3, s7;
	s7 =	simm.s32 @!p0 $0x108  }
0x21: {  	s3 =	sadd.s32 s3, s9;
	s6 =	sadd.s32 @!p0 $0x88, s6;
	s7 =	simm.s32 @p2 $0x1082  }
0x22: {  	[simem:s7], [sflag:s8] =	dma.local @!p0 [hbm:s6], $0xF7A  }
0x23: {  	s9 =	sor.u32 $0xD0000000, s2;
	s6 =	simm.s32 $0x108;
	_ =	swait.ge @!p0 [sflag:s8], $0x0  }
0x24: {  	s3 =	sadd.s32 $0x88, s3;
	s6 =	simm.s32 @!p1 $0x1082;
	[sflag:s4] =	ssyncset.s32 $0xFFFFF086  }
0x25: {  	[simem:s6], [sflag:s4] =	dma.local [hbm:s3], $0xF7A  }
0x26: {  	[smem:$0x3F9B] =	sst s1;
	(tag) =	ssettag s2;
	_ =	strace s9  }
0x27: {  	s1 =	sld [smem:$0x3FAB]  }
0x28: {  	s2 =	sld [smem:$0x3FAC]  }
0x29: {  	s4 =	sld [smem:$0x3FAE]  }
0x2a: {  	p0 =	seq.s32 s5, $0x0;
	s5 =	sld [smem:$0x3FAF]  }
0x2b: {  	s6 =	sld [smem:$0x3FB0]  }
0x2c: {  	s7 =	sld [smem:$0x3FB1]  }
0x2d: {  	s3 =	simm.s32 $0x108;
	s8 =	sld [smem:$0x3FB2]  }
0x2e: {  	s3 =	simm.s32 @!p0 $0x1082;
	s9 =	sld [smem:$0x3FB3]  }
0x2f: {  	lr =	sadd.s32 s0, s3;
	s0 =	sld [smem:$0x3FAA]  }
0x30: {  	s3 =	sld [smem:$0x3FAD]  }
0x31: {  	[smem:$0x3FB6] =	sst s10  }
0x32: {  	s10 =	sld [smem:$0x3FB4];
	_ =	sdelay $0x3  }
0x33: {  	p0 =	seq.s32 s10, $0x1;
	s10 =	sld [smem:$0x3FB6];
	_ =	sdelay $0x3  }
0x34: {  	[smem:$0x3FB6] =	sst s10  }
0x35: {  	s10 =	sld [smem:$0x3FB5];
	_ =	sdelay $0x3  }
0x36: {  	p1 =	seq.s32 s10, $0x1;
	s10 =	sld [smem:$0x3FB6];
	_ =	sdelay $0x3  }
0x37: {  	[smem:$0x3FB6] =	sst s10  }
0x38: {  	s10 =	sld [smem:$0x3FB7]  }
0x39: {  	_ = 	snop;
	(pc) =	sbr.ind lr, $3  }
0x3a: {  	_ = 	snop  }
0x3b: {  	_ = 	snop  }
0x3c: {  	p2 =	seq.s32 s10, $0x1;
	s10 =	sld [smem:$0x3FB6]  }
0x3d: {  	_ =	shalt  }
0x3e: {  	_ =	shalt  }
0x3f: {  	_ =	shalt  }
0x40: {  	_ =	shalt  }
0x41: {  	_ =	shalt  }
0x42: {  	_ =	shalt  }
0x43: {  	_ =	shalt  }
0x44: {  	_ =	shalt  }
0x45: {  	_ =	shalt  }
0x46: {  	_ =	shalt  }
0x47: {  	_ =	shalt  }
0x48: {  	_ =	shalt  }
0x49: {  	_ =	shalt  }
0x4a: {  	_ =	shalt  }
0x4b: {  	_ =	shalt  }
0x4c: {  	_ =	shalt  }
0x4d: {  	_ =	shalt  }
0x4e: {  	_ =	shalt  }
0x4f: {  	_ =	shalt  }
0x50: {  	_ =	shalt  }
0x51: {  	_ =	shalt  }
0x52: {  	_ =	shalt  }
0x53: {  	_ =	shalt  }
0x54: {  	_ =	shalt  }
0x55: {  	_ =	shalt  }
0x56: {  	_ =	shalt  }
0x57: {  	_ =	shalt  }
0x58: {  	_ =	shalt  }
0x59: {  	_ =	shalt  }
0x5a: {  	_ =	shalt  }
0x5b: {  	_ =	shalt  }
0x5c: {  	_ =	shalt  }
0x5d: {  	_ =	shalt  }
0x5e: {  	_ =	shalt  }
0x5f: {  	_ =	shalt  }
0x60: {  	_ =	shalt  }
0x61: {  	_ =	shalt  }
0x62: {  	_ =	shalt  }
0x63: {  	_ =	shalt  }
0x64: {  	_ =	shalt  }
0x65: {  	_ =	shalt  }
0x66: {  	_ =	shalt  }
0x67: {  	_ =	shalt  }
0x68: {  	_ =	shalt  }
0x69: {  	_ =	shalt  }
0x6a: {  	_ =	shalt  }
0x6b: {  	_ =	shalt  }
0x6c: {  	_ =	shalt  }
0x6d: {  	_ =	shalt  }
0x6e: {  	_ =	shalt  }
0x6f: {  	_ =	shalt  }
0x70: {  	_ =	shalt  }
0x71: {  	_ =	shalt  }
0x72: {  	_ =	shalt  }
0x73: {  	_ =	shalt  }
0x74: {  	_ =	shalt  }
0x75: {  	_ =	shalt  }
0x76: {  	_ =	shalt  }
0x77: {  	_ =	shalt  }
0x78: {  	_ =	shalt  }
0x79: {  	_ =	shalt  }
0x7a: {  	_ =	shalt  }
0x7b: {  	_ =	shalt  }
0x7c: {  	_ =	shalt  }
0x7d: {  	_ =	shalt  }
0x7e: {  	_ =	shalt  }
0x7f: {  	_ =	shalt  }
0x80: {  	_ =	shalt  }
0x81: {  	_ =	shalt  }
0x82: {  	_ =	shalt  }
0x83: {  	_ =	shalt  }
0x84: {  	_ =	shalt  }
0x85: {  	_ =	shalt  }
0x86: {  	_ =	shalt  }
0x87: {  	_ =	shalt  }
.Lfunc_end0:
.L_simem_size_0:
called_computation_lowered:
.L_overlay_start_0:
0x88: {  	s2 =	sld [smem:$0x3FD9]  }
0x89: {  	s3 =	sld [smem:$0x3FFE];
	_ =	sdelay $0x1  }
0x8a: {  	s1 =	srdreg.scid  }
0x8b: {  	s0 =	sand.u32 $0x1, s1  }
0x8c: {  	s17 =	sshll.u32 s0, $0xA;
	s2 =	sadd.s32 s3, s2  }
0x8d: {  	s2 =	sadd.s32 s2, s17  }
0x8e: {  	[smem:$0x3FC2] =	sst s2  }
0x8f: {  	_ = 	snop  }
0x90: {  	s2 =	sld [smem:$0x3FD0];
	(tm) =	ssettm $0x1  }
0x91: {  	s18 =	sld [smem:$0x3FFB];
	_ =	sdelay $0x3  }
0x92: {  	_ =	strace s18  }
0x93: {  	s3 =	sld [smem:$0x3FFC];
	_ =	sdelay $0x3  }
0x94: {  	_ =	strace s3  }
0x95: {  	s3 =	sld [smem:$0x3FFD];
	_ =	sdelay $0x3  }
0x96: {  	_ =	strace s3  }
0x97: {  	_ =	strace $0x8FFFFFFF  }
0x98: {  	s19 =	sld [smem:$0x3FDB];
	_ =	sdelay $0x1  }
0x99: {  	s4 =	simm.s32 $_scs_section_size  }
0x9a: {  	s5 =	simm.s32 $_size__tile_overlayer_lowered;
	s6 =	simm.s32 $_tile_overlayer_lowered  }
0x9b: {  	s22 =	simm.s32 $0x1BFF;
	s21 =	sshll.u32 s6, $0x1;
	s3 =	sadd.s32 s4, s19  }
0x9c: {  	s7 =	simm.s32 $0x0;
	s20 =	sshll.u32 s5, $0x1;
	s5 =	sadd.s32 s21, s3  }
0x9d: {  	[timem:s7], [sflag:s22] =	dma.local [hbm:s5], s20  }
0x9e: {  	_ =	swait.ge [sflag:s22], s20  }
0x9f: {  	s4 =	ssub.s32 $0x0, s20;
	[sflag:s22] =	ssyncset.done $0x0  }
0xa0: {  	[sflag:s22] =	ssyncadd.s32 s4;
	_ =	sdelay $0x1  }
0xa1: {  	s23 =	simm.s32 $0x1B8B  }
0xa2: {  	_ =	swait.ge [sflag:s23], $0x1  }
0xa3: {  	[sflag:s23] =	ssyncset.done $0x0  }
0xa4: {  	s25 =	simm.s32 $0x1B8E;
	s24 =	sld [smem:$0x3FFE];
	[sflag:s23] =	ssyncadd.s32 $0xFFFFFFFF  }
0xa5: {  	s26 =	simm.s32 $execute0_lowered;
	[smem:$0x3FD2] =	sst s25  }
0xa6: {  	s5 =	sshll.u32 s26, $0x1;
	_ =	strace $0x80000046;
	[dreg:$0x1] =	wrdreg $0xFFFFFFFF  }
0xa7: {  	s28 =	simm.s32 $_size_execute0_lowered;
	s3 =	sadd.s32 s3, s5;
	[dreg:$0x0] =	wrdreg $0x0  }
0xa8: {  	s5 =	sshll.u32 s28, $0x1;
	[dreg:$0x2] =	wrdreg s3  }
0xa9: {  	[dreg:$0x3] =	wrdreg s5  }
0xaa: {  	[dreg:$0x4] =	wrdreg $0xC0  }
0xab: {  	_ =	task [dreg:s7], $0x5FFFF  }
0xac: {  	[dreg:$0x1] =	wrdreg $0xFFFFFFFF  }
0xad: {  	[dreg:$0x0] =	wrdreg $0x60  }
0xae: {  	[dreg:$0x2] =	wrdreg s2  }
0xaf: {  	[dreg:$0x3] =	wrdreg s24  }
0xb0: {  	[dreg:$0x4] =	wrdreg $0x8E000  }
0xb1: {  	[dreg:$0x5] =	wrdreg $0x9  }
0xb2: {  	_ =	task.clear_ibuf [dreg:s7], $0x6FFFF;
	_ =	strace $0x90000046  }
0xb3: {  	s29 =	simm.s32 $0x9;
	_ =	strace $0x80000048  }
0xb4: {  	_ =	swait.ge [sflag:s29], $0x1  }
0xb5: {  	[sflag:s29] =	ssyncadd.s32 $0xFFFFFFFF  }
0xb6: {  	_ =	strace $0x90000048  }
0xb7: {  	_ =	sfence  }
0xb8: {  	s30 =	sld [smem:$0x0];
	_ =	sdelay $0x2  }
0xb9: {  	s31 =	sshll.u32 s1, $0xD;
	s1 =	sshrl.u32 s1, $0x2  }
0xba: {  	s3 =	sand.u32 $0x4000, s31;
	s1 =	sadd.s32 s1, s30  }
0xbb: {  	s0 =	sor.u32 s3, s0;
	s1 =	sshll.u32 s1, $0x11  }
0xbc: {  	s0 =	sor.u32 s1, s0  }
0xbd: {  	s0 =	sadd.s32 $0x8F2B, s0  }
0xbe: {  	[sflag:s0] =	ssyncadd.remote.s32 $0x1  }
0xbf: {  	_ =	sfence.sel $0xFFFF  }
0xc0: {  	[dreg:$0x0] =	wrdreg $0xFFFFFFFF;
	(pc) =	sbr.abs _section_cstart, $3  }
0xc1: {  	[dreg:$0x1] =	wrdreg $0xFFFFFFFF  }
0xc2: {  	_ =	task.clear_ibuf [dreg:s7], $0x2FFFF;
	_ =	strace $0x9FFFFFFF  }
0xc3: {  	(tm) =	ssettm $0x7FFFFFFF  }
tec
execute0_lowered:
.L_overlay_start_1:
0x0: {  	(tag) =	ssettag $0x1  }
0x1: {  	s2 =	rddreg [dreg:$0x0]  }
0x2: {  	s0 =	rddreg [dreg:$0x1]  }
0x3: {  	s3 =	rddreg [dreg:$0x2];
	s12 =	stileid.u32;
	s4 =	simm.s32 $0x0  }
0x4: {  	s7 =	srdreg.scid;
	s15 =	simm.s32 $0x10;
	s19 =	simm.s32 $0x1  }
0x5: {  	s28 =	simm.s32 $0x5200;
	s29 =	simm.s32 $0x6;
	s1 =	smul.u32 $0x2710, s12  }
0x6: {  	s17 =	simm.s32 $0x0;
	[smem:$0x7FF] =	sst s4;
	s10 =	smul.u32 $0x2800, s12  }
0x7: {  	s8 =	sadd.s32 $0x2200, s0;
	s7 =	sand.u32 $0x1, s7;
	s9 =	smul.u32 $0x50000, s12  }
0x8: {  	s11 =	sadd.s32 $0x34200, s0;
	s25 =	smul.u32 $0x4E2, s12;
	s30 =	sshll.u32 s12, $0x6  }
0x9: {  	s12 =	simm.s32 $0xD;
	_ =	strace $0x80000047;
	[dreg:$0x5] =	wrdreg s11  }
0xa: {  	s20 =	ssub.s32 $0x2, s7;
	p0 =	seq.s32 s7, $0x1;
	[dreg:$0xc] =	wrdreg s30  }
0xb: {  	s31 =	sor.u32 $0x1C01, s30;
	s7 =	simm.s32 $0x7A00;
	s11 =	simm.s32 $0x5  }
0xc: {  	s5 =	sshrl.u32 s1, $0x3;
	[dreg:$0x4] =	wrdreg s10;
	s10 =	sadd.s32 s10, s0  }
0xd: {  	s21 =	sshrl.u32 s20, $0x1;
	s9 =	sshrl.u32 s9, $0x2;
	s1 =	sadd.s32 $0x28, s1  }
0xe: {  	[dreg:$0xe] =	wrdreg s31;
	s16 =	sadd.s32 s25, s8;
	s25 =	simm.s32 $0x2880  }
0xf: {  	s6 =	sadd.s32 s5, s0;
	s0 =	sadd.s32 $0x5C200, s0;
	s22 =	sadd.s32 s9, s3  }
0x10: {  	s23 =	sadd.s32 $0xC200, s10;
	s24 =	sadd.s32 s8, s5;
	s1 =	sshrl.u32 s1, $0x3  }
0x11: {  	s5 =	simm.s32 $0x3;
	s9 =	simm.s32 $0xA;
	[dreg:$0x6] =	wrdreg s0  }
0x12: {  	s0 =	ssub.s32 s20, s21;
	[dreg:$0x7] =	wrdreg s23;
	s6 =	sadd.s32 $0x7200, s6  }
0x13: {  	s1 =	sadd.s32 s8, s1;
	[dreg:$0x9] =	wrdreg s24;
	s26 =	sadd.s32 $0xA, s24  }
0x14: {  	s14 =	sshrl.u32 s22, $0x3;
	s20 =	simm.s32 $0x2780;
	s21 =	simm.s32 $0x28  }
.Ltmp0:
0x15: {  	s22 =	simm.s32 $0x2A00;
	[dreg:$0x8] =	wrdreg s6;
	(pc) =	sbr.rel .LBB2_1-.Ltmp0, $4  }
0x16: {  	s23 =	simm.s32 $0x2800;
	s24 =	simm.s32 $0x3E00;
	[dreg:$0xa] =	wrdreg s1  }
0x17: {  	s8 =	simm.s32 $0xB;
	[dreg:$0xb] =	wrdreg s26;
	s0 =	smax.u32 s0, $0x1  }
0x18: {  	s1 =	simm.s32 $0x2;
	s6 =	simm.s32 $0x2980;
	[dreg:$0xf] =	wrdreg s14  }
0x19: {  	s26 =	simm.s32 $0x8;
	[dreg:$0xd] =	wrdreg s0;
	s0 =	simm.s32 $0x7  }
.LBB2_12:
0x1a: {  	s13 =	rddreg [dreg:$0x6]  }
0x1b: {  	s17 =	rddreg [dreg:$0x10]  }
.LBB2_13:
0x1c: {  	s10 =	simm.s32 $0xE  }
0x1d: {  	_ =	swait.ge [sflag:s10], $0x1400  }
0x1e: {  	[sflag:s10] =	ssyncset.done $0x0  }
0x1f: {  	s15 =	simm.s32 $0xF;
	[sflag:s10] =	ssyncadd.s32 $0xFFFFEC00  }
0x20: {  	_ =	swait.ge [sflag:s15], $0x1400  }
0x21: {  	[sflag:s15] =	ssyncset.done $0x0  }
0x22: {  	[sflag:s15] =	ssyncadd.s32 $0xFFFFEC00  }
0x23: {  	s18 =	rddreg [dreg:$0x4];
	[bflag:$0x0] =	sbarrier.arrive $0xFFFF  }
0x24: {  	s10 =	sadd.s32 s13, s18;
	s30 =	rddreg [dreg:$0xc]  }
0x25: {  	s15 =	simm.s32 $0x10;
	s14 =	rddreg [dreg:$0xf];
	s13 =	sor.u32 $0x1C10, s30  }
0x26: {  	[hbm:s10], [sflag:s13] =	dma.local [spmem:s14], $0x2800  }
0x27: {  	_ =	swait.ge [sflag:s15], $0x2800  }
0x28: {  	s17 =	sadd.s32 $0x1, s17;
	s31 =	rddreg [dreg:$0xd]  }
0x29: {  	p1 =	sne.s32 s17, s31  }
.Ltmp1:
0x2a: {  	_ = 	snop;
	(pc) =	sbr.rel @!p1 .LBB2_14-.Ltmp1, $3  }
0x2b: {  	_ =	sdelay $0x1  }
0x2c: {  	[sflag:s15] =	ssyncset.done $0x0  }
0x2d: {  	[sflag:s15] =	ssyncadd.s32 $0xFFFFD800  }
.LBB2_1:
0x2e: {  	[dreg:$0x10] =	wrdreg s17  }
0x2f: {  	s10 =	rddreg [dreg:$0x7]  }
0x30: {  	s13 =	rddreg [dreg:$0xe]  }
0x31: {  	[spmem:s14], [sflag:s13] =	dma.local [hbm:s10], $0x2800  }
.Ltmp2:
0x32: {  	s10 =	rddreg [dreg:$0x8];
	(pc) =	sbr.rel @!p0 .LBB2_2-.Ltmp2, $4  }
0x33: {  	[tilespmem:s4], [sflag:$0x10] =	stream.linear.gather [hbm4b:s10+s4], $0x2710, $0x38;
	[tilespmem:$0x1CE00] =	vst v63  }
0x34: {  	_ =	swait.ge [sflag:s15], $0x2710  }
0x35: {  	[sflag:s15] =	ssyncset.done $0x0  }
0x36: {  	s13 =	simm.s32 $0x0;
	[sflag:s15] =	ssyncadd.s32 $0xFFFFD8F0  }
0x37: {  	v2 =	vld [tilespmem:s13+$0x0]  }
0x38: {  	v3 =	vld [tilespmem:s13+$0x10]  }
0x39: {  	v1 =	vld [tilespmem:s13+$0x20]  }
0x3a: {  	v0 =	vld [tilespmem:s13+$0x30];
	s14 =	simm.s32 $0x140  }
.LBB2_9:
0x3b: {  	p1 =	sne.s32 s14, $0x9B00;
	v4 =	vld [tilespmem:s13+$0x40]  }
0x3c: {  	v2 =	vshll.u32 v2, $0x1  }
0x3d: {  	v2 =	vor.u32 $0x1, v2;
	v3 =	vshll.u32 v3, $0x1  }
.Ltmp3:
0x3e: {  	s10 =	sshra.s32 s14, $0x2;
	[tilespmem:s13+$0x0] =	vst v2;
	v3 =	vor.u32 $0x1, v3;
	v1 =	vshll.u32 v1, $0x1;
	(pc) =	sbr.rel @p1 .LBB2_9-.Ltmp3, $4  }
0x3f: {  	v2 =	vld [tilespmem:s10+$0x0];
	[tilespmem:s13+$0x10] =	vst v3;
	v1 =	vor.u32 $0x1, v1;
	v0 =	vshll.u32 v0, $0x1  }
0x40: {  	v3 =	vld [tilespmem:s10+$0x10];
	[tilespmem:s13+$0x20] =	vst v1;
	v0 =	vor.u32 $0x1, v0;
	v4 =	vshll.u32 v4, $0x1  }
0x41: {  	v1 =	vld [tilespmem:s10+$0x20];
	[tilespmem:s13+$0x30] =	vst v0;
	v4 =	vor.u32 $0x1, v4  }
0x42: {  	s14 =	sadd.s32 $0x140, s14;
	v0 =	vld [tilespmem:s10+$0x30];
	[tilespmem:s13+$0x40] =	vst v4;
	s13 =	smov.u32 s10  }
0x43: {  	v4 =	vld [tilespmem:s13+$0x40]  }
0x44: {  	v2 =	vshll.u32 v2, $0x1  }
0x45: {  	v2 =	vor.u32 $0x1, v2;
	v3 =	vshll.u32 v3, $0x1  }
0x46: {  	[tilespmem:s13+$0x0] =	vst v2;
	v61 =	vor.u32 $0x1, v3;
	v1 =	vshll.u32 v1, $0x1  }
0x47: {  	[tilespmem:s13+$0x10] =	vst v61;
	v1 =	vor.u32 $0x1, v1;
	v0 =	vshll.u32 v0, $0x1  }
0x48: {  	[tilespmem:s13+$0x20] =	vst v1;
	v0 =	vor.u32 $0x1, v0;
	v62 =	vshll.u32 v4, $0x1  }
0x49: {  	[tilespmem:s13+$0x30] =	vst v0;
	v63 =	vor.u32 $0x1, v62  }
0x4a: {  	[tilespmem:s13+$0x40] =	vst v63  }
0x4b: {  	_ =	swait.ge [sflag:s19], $0x2800  }
0x4c: {  	[sflag:s19] =	ssyncset.done $0x0  }
0x4d: {  	[sflag:s19] =	ssyncadd.s32 $0xFFFFD800  }
0x4e: {  	[bflag:$0x0] =	sbarrier.arrive $0xFFFF  }
0x4f: {  	s13 =	simm.s32 $0x0;
	s10 =	rddreg [dreg:$0x9]  }
0x50: {  	[tilespmem:s20], [sflag:$0x6] =	stream.linear.gather [hbm4b:s10+s13], $0x28, $0x38;
	[tilespmem:$0x1CE00] =	vst v63  }
0x51: {  	_ = 	snop  }
0x52: {  	[tilespmem:s22], [sflag:$0x1] =	stream.indirect.gather [hbm4b:s2+s21], $0x80, s13, s21, $0xb8;
	[tilespmem:$0x1CE00] =	vst v63  }
0x53: {  	s18 =	rddreg [dreg:$0xa]  }
0x54: {  	[tilespmem:s23], [sflag:$0x7] =	stream.linear.gather [hbm4b:s18+s13], $0x28, $0x38;
	[tilespmem:$0x1CE00] =	vst v63  }
0x55: {  	_ = 	snop  }
0x56: {  	[tilespmem:s24], [sflag:$0x2] =	stream.indirect.gather [hbm4b:s2+s21], $0x80, s21, s21, $0xb8;
	[tilespmem:$0x1CE00] =	vst v63  }
0x57: {  	s30 =	rddreg [dreg:$0xb]  }
0x58: {  	[tilespmem:s25], [sflag:$0x8] =	stream.linear.gather [hbm4b:s30+s13], $0x28, $0x38;
	[tilespmem:$0x1CE00] =	vst v63  }
0x59: {  	s31 =	simm.s32 $0x50;
	s14 =	simm.s32 $0x118  }
0x5a: {  	[tilespmem:s28], [sflag:$0x3] =	stream.indirect.gather [hbm4b:s2+s21], $0x80, s31, s21, $0xb8;
	[tilespmem:$0x1CE00] =	vst v63  }
.LBB2_11:
0x5b: {  	_ =	swait.ge [sflag:s29], $0x28  }
0x5c: {  	[sflag:s29] =	ssyncset.done $0x0  }
0x5d: {  	[sflag:s29] =	ssyncadd.s32 $0xFFFFFFD8  }
0x5e: {  	_ =	swait.ge [sflag:s19], $0x1400  }
0x5f: {  	p1 =	seq.s32 s13, $0x0;
	[sflag:s19] =	ssyncset.done $0x0  }
0x60: {  	s10 =	simm.s32 @!p1 $0xE;
	[sflag:s19] =	ssyncadd.s32 $0xFFFFEC00  }
0x61: {  	[spmem:s3] =	stream.indirect.scatter.add.f32 [tilespmem:s22], [sflag:$0xB], $0x80, s20, s21, $0xb8;
	[tilespmem:$0x1CE00] =	vst v63  }
0x62: {  	_ =	swait.ge @!p1 [sflag:s10], $0x1400  }
0x63: {  	s15 =	sadd.s32 s13, s16;
	[sflag:s10] =	ssyncset.done @!p1 $0x0  }
0x64: {  	s17 =	simm.s32 $0x2900;
	s31 =	sadd.s32 $0xF, s15;
	[sflag:s10] =	ssyncadd.s32 @!p1 $0xFFFFEC00  }
0x65: {  	[tilespmem:s17], [sflag:$0x9] =	stream.linear.gather [hbm4b:s31+s4], $0x28, $0x38;
	[tilespmem:$0x1CE00] =	vst v63  }
0x66: {  	s18 =	simm.s32 $0x6600;
	s17 =	sadd.s32 $0xFFFFFF60, s14  }
0x67: {  	[tilespmem:s18], [sflag:$0x4] =	stream.indirect.gather [hbm4b:s2+s21], $0x80, s17, s21, $0xb8;
	[tilespmem:$0x1CE00] =	vst v63  }
0x68: {  	_ =	swait.ge [sflag:s0], $0x28  }
0x69: {  	[sflag:s0] =	ssyncset.done $0x0  }
0x6a: {  	[sflag:s0] =	ssyncadd.s32 $0xFFFFFFD8  }
0x6b: {  	_ =	swait.ge [sflag:s1], $0x1400  }
0x6c: {  	[sflag:s1] =	ssyncset.done $0x0  }
0x6d: {  	s10 =	simm.s32 @!p1 $0xF;
	[sflag:s1] =	ssyncadd.s32 $0xFFFFEC00  }
0x6e: {  	[spmem:s3] =	stream.indirect.scatter.add.f32 [tilespmem:s24], [sflag:$0xC], $0x80, s23, s21, $0xb8;
	[tilespmem:$0x1CE00] =	vst v63  }
0x6f: {  	_ =	swait.ge @!p1 [sflag:s10], $0x1400  }
0x70: {  	[sflag:s10] =	ssyncset.done @!p1 $0x0  }
0x71: {  	s30 =	sadd.s32 $0x14, s15;
	[sflag:s10] =	ssyncadd.s32 @!p1 $0xFFFFEC00  }
0x72: {  	[tilespmem:s6], [sflag:$0xA] =	stream.linear.gather [hbm4b:s30+s4], $0x28, $0x38;
	[tilespmem:$0x1CE00] =	vst v63  }
0x73: {  	s31 =	sadd.s32 $0xFFFFFF88, s14  }
0x74: {  	[tilespmem:s7], [sflag:$0x5] =	stream.indirect.gather [hbm4b:s2+s21], $0x80, s31, s21, $0xb8;
	[tilespmem:$0x1CE00] =	vst v63  }
0x75: {  	_ =	swait.ge [sflag:s26], $0x28  }
0x76: {  	[sflag:s26] =	ssyncset.done $0x0  }
0x77: {  	[sflag:s26] =	ssyncadd.s32 $0xFFFFFFD8  }
0x78: {  	_ =	swait.ge [sflag:s5], $0x1400  }
0x79: {  	[sflag:s5] =	ssyncset.done $0x0  }
0x7a: {  	[sflag:s5] =	ssyncadd.s32 $0xFFFFEC00  }
0x7b: {  	[spmem:s3] =	stream.indirect.scatter.add.f32 [tilespmem:s28], [sflag:$0xD], $0x80, s25, s21, $0xb8;
	[tilespmem:$0x1CE00] =	vst v63  }
0x7c: {  	_ =	swait.ge [sflag:s8], $0x1400  }
0x7d: {  	p1 =	seq.s32 s13, $0x4C9;
	[sflag:s8] =	ssyncset.done $0x0  }
0x7e: {  	s10 =	simm.s32 @p1 $0x9;
	[sflag:s8] =	ssyncadd.s32 $0xFFFFEC00  }
0x7f: {  	_ =	swait.ge @p1 [sflag:s10], $0x28  }
0x80: {  	[sflag:s10] =	ssyncset.done @p1 $0x0  }
0x81: {  	[sflag:s10] =	ssyncadd.s32 @p1 $0xFFFFFFD8;
	s10 =	simm.s32 @p1 $0x4  }
0x82: {  	_ =	swait.ge @p1 [sflag:s10], $0x1400  }
0x83: {  	s17 =	simm.s32 @p1 $0x2900;
	[sflag:s10] =	ssyncset.done @p1 $0x0  }
0x84: {  	s18 =	simm.s32 @p1 $0x6600;
	[sflag:s10] =	ssyncadd.s32 @p1 $0xFFFFEC00;
	s10 =	simm.s32 @p1 $0x28  }
0x85: {  	[spmem:s3] =	stream.indirect.scatter.add.f32 @p1 [tilespmem:s18], [sflag:$0xE], $0x80, s17, s10, $0xb8;
	[tilespmem:$0x1CE00] =	vst v63  }
0x86: {  	s10 =	simm.s32 @p1 $0xC  }
0x87: {  	_ =	swait.ge @p1 [sflag:s10], $0x1400  }
0x88: {  	[sflag:s10] =	ssyncset.done @p1 $0x0  }
0x89: {  	[sflag:s10] =	ssyncadd.s32 @p1 $0xFFFFEC00;
	s10 =	sadd.s32 @!p1 s13, s16  }
0x8a: {  	s30 =	simm.s32 @!p1 $0x2780;
	s18 =	simm.s32 @!p1 $0x0;
	s17 =	sadd.s32 @!p1 $0x19, s10  }
0x8b: {  	[tilespmem:s30], [sflag:$0x6] =	stream.linear.gather @!p1 [hbm4b:s17+s18], $0x28, $0x38;
	[tilespmem:$0x1CE00] =	vst v63  }
0x8c: {  	s31 =	simm.s32 @!p1 $0x2A00;
	s17 =	sadd.s32 @!p1 $0xFFFFFFB0, s14;
	s30 =	simm.s32 @!p1 $0x28  }
0x8d: {  	[tilespmem:s31], [sflag:$0x1] =	stream.indirect.gather @!p1 [hbm4b:s2+s30], $0x80, s17, s30, $0xb8;
	[tilespmem:$0x1CE00] =	vst v63  }
0x8e: {  	s17 =	simm.s32 @!p1 $0x9  }
0x8f: {  	_ =	swait.ge @!p1 [sflag:s17], $0x28  }
0x90: {  	[sflag:s17] =	ssyncset.done @!p1 $0x0  }
0x91: {  	[sflag:s17] =	ssyncadd.s32 @!p1 $0xFFFFFFD8;
	s17 =	simm.s32 @!p1 $0x4  }
0x92: {  	_ =	swait.ge @!p1 [sflag:s17], $0x1400  }
0x93: {  	[sflag:s17] =	ssyncset.done @!p1 $0x0  }
0x94: {  	s31 =	simm.s32 @!p1 $0x6600;
	[sflag:s17] =	ssyncadd.s32 @!p1 $0xFFFFEC00;
	s17 =	simm.s32 @!p1 $0x2900  }
0x95: {  	[spmem:s3] =	stream.indirect.scatter.add.f32 @!p1 [tilespmem:s31], [sflag:$0xE], $0x80, s17, s30, $0xb8;
	[tilespmem:$0x1CE00] =	vst v63  }
0x96: {  	s17 =	simm.s32 @!p1 $0xC  }
0x97: {  	_ =	swait.ge @!p1 [sflag:s17], $0x1400  }
0x98: {  	[sflag:s17] =	ssyncset.done @!p1 $0x0  }
0x99: {  	s10 =	sadd.s32 @!p1 $0x1E, s10;
	[sflag:s17] =	ssyncadd.s32 @!p1 $0xFFFFEC00;
	s17 =	simm.s32 @!p1 $0x2800  }
0x9a: {  	[tilespmem:s17], [sflag:$0x7] =	stream.linear.gather @!p1 [hbm4b:s10+s18], $0x28, $0x38;
	[tilespmem:$0x1CE00] =	vst v63  }
0x9b: {  	s10 =	sadd.s32 @!p1 $0xFFFFFFD8, s14;
	s17 =	simm.s32 @!p1 $0x3E00  }
0x9c: {  	[tilespmem:s17], [sflag:$0x2] =	stream.indirect.gather @!p1 [hbm4b:s2+s30], $0x80, s10, s30, $0xb8;
	[tilespmem:$0x1CE00] =	vst v63  }
0x9d: {  	_ =	swait.ge [sflag:s9], $0x28  }
0x9e: {  	[sflag:s9] =	ssyncset.done $0x0  }
0x9f: {  	[sflag:s9] =	ssyncadd.s32 $0xFFFFFFD8  }
0xa0: {  	_ =	swait.ge [sflag:s11], $0x1400  }
0xa1: {  	[sflag:s11] =	ssyncset.done $0x0  }
.Ltmp4:
0xa2: {  	[sflag:s11] =	ssyncadd.s32 $0xFFFFEC00;
	(pc) =	sbr.rel @p1 .LBB2_12-.Ltmp4, $4  }
0xa3: {  	[spmem:s3] =	stream.indirect.scatter.add.f32 [tilespmem:s7], [sflag:$0xF], $0x80, s6, s21, $0xb8;
	[tilespmem:$0x1CE00] =	vst v63  }
0xa4: {  	_ =	swait.ge [sflag:s12], $0x1400  }
0xa5: {  	[sflag:s12] =	ssyncset.done $0x0  }
0xa6: {  	[sflag:s12] =	ssyncadd.s32 $0xFFFFEC00  }
.Ltmp5:
0xa7: {  	s10 =	sadd.s32 $0x23, s15;
	(pc) =	sbr.rel .LBB2_11-.Ltmp5, $4  }
0xa8: {  	[tilespmem:s25], [sflag:$0x8] =	stream.linear.gather [hbm4b:s10+s4], $0x28, $0x38;
	[tilespmem:$0x1CE00] =	vst v63  }
0xa9: {  	_ = 	snop  }
0xaa: {  	[tilespmem:s28], [sflag:$0x3] =	stream.indirect.gather [hbm4b:s2+s21], $0x80, s14, s21, $0xb8;
	[tilespmem:$0x1CE00] =	vst v63  }
0xab: {  	s13 =	sadd.s32 $0x19, s13;
	s14 =	sadd.s32 $0xC8, s14  }
.LBB2_2:
0xac: {  	v3 =	vld [tilespmem:s13+$0x0]  }
0xad: {  	v2 =	vld [tilespmem:s13+$0x10]  }
0xae: {  	v1 =	vld [tilespmem:s13+$0x20]  }
0xaf: {  	v0 =	vld [tilespmem:s13+$0x30];
	s14 =	simm.s32 $0x140  }
.LBB2_3:
0xb0: {  	p1 =	sne.s32 s14, $0x9B00;
	v4 =	vld [tilespmem:s13+$0x40]  }
0xb1: {  	v3 =	vshll.u32 v3, $0x1  }
.Ltmp6:
0xb2: {  	s15 =	sshra.s32 s14, $0x2;
	[tilespmem:s13+$0x0] =	vst v3;
	v2 =	vshll.u32 v2, $0x1;
	(pc) =	sbr.rel @p1 .LBB2_3-.Ltmp6, $4  }
0xb3: {  	v3 =	vld [tilespmem:s15+$0x0];
	[tilespmem:s13+$0x10] =	vst v2;
	v1 =	vshll.u32 v1, $0x1  }
0xb4: {  	v2 =	vld [tilespmem:s15+$0x10];
	[tilespmem:s13+$0x20] =	vst v1;
	v0 =	vshll.u32 v0, $0x1  }
0xb5: {  	v1 =	vld [tilespmem:s15+$0x20];
	[tilespmem:s13+$0x30] =	vst v0;
	v4 =	vshll.u32 v4, $0x1  }
0xb6: {  	s14 =	sadd.s32 $0x140, s14;
	v0 =	vld [tilespmem:s15+$0x30];
	[tilespmem:s13+$0x40] =	vst v4;
	s13 =	smov.u32 s15  }
0xb7: {  	v4 =	vld [tilespmem:s13+$0x40]  }
0xb8: {  	v3 =	vshll.u32 v3, $0x1  }
0xb9: {  	[tilespmem:s13+$0x0] =	vst v3;
	v2 =	vshll.u32 v2, $0x1  }
0xba: {  	[tilespmem:s13+$0x10] =	vst v2;
	v1 =	vshll.u32 v1, $0x1  }
0xbb: {  	[tilespmem:s13+$0x20] =	vst v1;
	v0 =	vshll.u32 v0, $0x1  }
0xbc: {  	[tilespmem:s13+$0x30] =	vst v0;
	v63 =	vshll.u32 v4, $0x1  }
0xbd: {  	[tilespmem:s13+$0x40] =	vst v63  }
0xbe: {  	_ =	swait.ge [sflag:s19], $0x2800  }
0xbf: {  	[sflag:s19] =	ssyncset.done $0x0  }
0xc0: {  	[sflag:s19] =	ssyncadd.s32 $0xFFFFD800  }
0xc1: {  	[bflag:$0x0] =	sbarrier.arrive $0xFFFF  }
0xc2: {  	s13 =	simm.s32 $0x0;
	s10 =	rddreg [dreg:$0x9]  }
0xc3: {  	[tilespmem:s20], [sflag:$0x6] =	stream.linear.gather [hbm4b:s10+s13], $0x28, $0x38;
	[tilespmem:$0x1CE00] =	vst v63  }
0xc4: {  	_ = 	snop  }
0xc5: {  	[tilespmem:s22], [sflag:$0x1] =	stream.indirect.gather [hbm4b:s2+s21], $0x80, s13, s21, $0xb8;
	[tilespmem:$0x1CE00] =	vst v63  }
0xc6: {  	s18 =	rddreg [dreg:$0xa]  }
0xc7: {  	[tilespmem:s23], [sflag:$0x7] =	stream.linear.gather [hbm4b:s18+s13], $0x28, $0x38;
	[tilespmem:$0x1CE00] =	vst v63  }
0xc8: {  	_ = 	snop  }
0xc9: {  	[tilespmem:s24], [sflag:$0x2] =	stream.indirect.gather [hbm4b:s2+s21], $0x80, s21, s21, $0xb8;
	[tilespmem:$0x1CE00] =	vst v63  }
0xca: {  	s30 =	rddreg [dreg:$0xb]  }
0xcb: {  	[tilespmem:s25], [sflag:$0x8] =	stream.linear.gather [hbm4b:s30+s13], $0x28, $0x38;
	[tilespmem:$0x1CE00] =	vst v63  }
0xcc: {  	s31 =	simm.s32 $0x50;
	s14 =	simm.s32 $0x118  }
0xcd: {  	[tilespmem:s28], [sflag:$0x3] =	stream.indirect.gather [hbm4b:s2+s21], $0x80, s31, s21, $0xb8;
	[tilespmem:$0x1CE00] =	vst v63  }
.LBB2_5:
0xce: {  	_ =	swait.ge [sflag:s29], $0x28  }
0xcf: {  	[sflag:s29] =	ssyncset.done $0x0  }
0xd0: {  	[sflag:s29] =	ssyncadd.s32 $0xFFFFFFD8  }
0xd1: {  	_ =	swait.ge [sflag:s19], $0x1400  }
0xd2: {  	p1 =	seq.s32 s13, $0x0;
	[sflag:s19] =	ssyncset.done $0x0  }
0xd3: {  	s17 =	simm.s32 @!p1 $0xE;
	[sflag:s19] =	ssyncadd.s32 $0xFFFFEC00  }
0xd4: {  	[spmem:s3] =	stream.indirect.scatter.add.f32 [tilespmem:s22], [sflag:$0xB], $0x80, s20, s21, $0xb8;
	[tilespmem:$0x1CE00] =	vst v63  }
0xd5: {  	_ =	swait.ge @!p1 [sflag:s17], $0x1400  }
0xd6: {  	s15 =	sadd.s32 s13, s16;
	[sflag:s17] =	ssyncset.done @!p1 $0x0  }
0xd7: {  	s10 =	simm.s32 $0x2900;
	s31 =	sadd.s32 $0xF, s15;
	[sflag:s17] =	ssyncadd.s32 @!p1 $0xFFFFEC00  }
0xd8: {  	[tilespmem:s10], [sflag:$0x9] =	stream.linear.gather [hbm4b:s31+s4], $0x28, $0x38;
	[tilespmem:$0x1CE00] =	vst v63  }
0xd9: {  	s18 =	simm.s32 $0x6600;
	s10 =	sadd.s32 $0xFFFFFF60, s14  }
0xda: {  	[tilespmem:s18], [sflag:$0x4] =	stream.indirect.gather [hbm4b:s2+s21], $0x80, s10, s21, $0xb8;
	[tilespmem:$0x1CE00] =	vst v63  }
0xdb: {  	_ =	swait.ge [sflag:s0], $0x28  }
0xdc: {  	[sflag:s0] =	ssyncset.done $0x0  }
0xdd: {  	[sflag:s0] =	ssyncadd.s32 $0xFFFFFFD8  }
0xde: {  	_ =	swait.ge [sflag:s1], $0x1400  }
0xdf: {  	[sflag:s1] =	ssyncset.done $0x0  }
0xe0: {  	s17 =	simm.s32 @!p1 $0xF;
	[sflag:s1] =	ssyncadd.s32 $0xFFFFEC00  }
0xe1: {  	[spmem:s3] =	stream.indirect.scatter.add.f32 [tilespmem:s24], [sflag:$0xC], $0x80, s23, s21, $0xb8;
	[tilespmem:$0x1CE00] =	vst v63  }
0xe2: {  	_ =	swait.ge @!p1 [sflag:s17], $0x1400  }
0xe3: {  	[sflag:s17] =	ssyncset.done @!p1 $0x0  }
0xe4: {  	s30 =	sadd.s32 $0x14, s15;
	[sflag:s17] =	ssyncadd.s32 @!p1 $0xFFFFEC00  }
0xe5: {  	[tilespmem:s6], [sflag:$0xA] =	stream.linear.gather [hbm4b:s30+s4], $0x28, $0x38;
	[tilespmem:$0x1CE00] =	vst v63  }
0xe6: {  	s31 =	sadd.s32 $0xFFFFFF88, s14  }
0xe7: {  	[tilespmem:s7], [sflag:$0x5] =	stream.indirect.gather [hbm4b:s2+s21], $0x80, s31, s21, $0xb8;
	[tilespmem:$0x1CE00] =	vst v63  }
0xe8: {  	_ =	swait.ge [sflag:s26], $0x28  }
0xe9: {  	[sflag:s26] =	ssyncset.done $0x0  }
0xea: {  	[sflag:s26] =	ssyncadd.s32 $0xFFFFFFD8  }
0xeb: {  	_ =	swait.ge [sflag:s5], $0x1400  }
0xec: {  	[sflag:s5] =	ssyncset.done $0x0  }
0xed: {  	[sflag:s5] =	ssyncadd.s32 $0xFFFFEC00  }
0xee: {  	[spmem:s3] =	stream.indirect.scatter.add.f32 [tilespmem:s28], [sflag:$0xD], $0x80, s25, s21, $0xb8;
	[tilespmem:$0x1CE00] =	vst v63  }
0xef: {  	_ =	swait.ge [sflag:s8], $0x1400  }
0xf0: {  	p1 =	seq.s32 s13, $0x4C9;
	[sflag:s8] =	ssyncset.done $0x0  }
0xf1: {  	s17 =	simm.s32 @p1 $0x9;
	[sflag:s8] =	ssyncadd.s32 $0xFFFFEC00  }
0xf2: {  	_ =	swait.ge @p1 [sflag:s17], $0x28  }
0xf3: {  	[sflag:s17] =	ssyncset.done @p1 $0x0  }
0xf4: {  	[sflag:s17] =	ssyncadd.s32 @p1 $0xFFFFFFD8;
	s17 =	simm.s32 @p1 $0x4  }
0xf5: {  	_ =	swait.ge @p1 [sflag:s17], $0x1400  }
0xf6: {  	s18 =	simm.s32 @p1 $0x2900;
	[sflag:s17] =	ssyncset.done @p1 $0x0  }
0xf7: {  	s10 =	simm.s32 @p1 $0x6600;
	[sflag:s17] =	ssyncadd.s32 @p1 $0xFFFFEC00;
	s17 =	simm.s32 @p1 $0x28  }
0xf8: {  	[spmem:s3] =	stream.indirect.scatter.add.f32 @p1 [tilespmem:s10], [sflag:$0xE], $0x80, s18, s17, $0xb8;
	[tilespmem:$0x1CE00] =	vst v63  }
0xf9: {  	s10 =	simm.s32 @p1 $0xC  }
0xfa: {  	_ =	swait.ge @p1 [sflag:s10], $0x1400  }
0xfb: {  	[sflag:s10] =	ssyncset.done @p1 $0x0  }
0xfc: {  	[sflag:s10] =	ssyncadd.s32 @p1 $0xFFFFEC00;
	s10 =	sadd.s32 @!p1 s13, s16  }
0xfd: {  	s30 =	simm.s32 @!p1 $0x2780;
	s18 =	simm.s32 @!p1 $0x0;
	s17 =	sadd.s32 @!p1 $0x19, s10  }
0xfe: {  	[tilespmem:s30], [sflag:$0x6] =	stream.linear.gather @!p1 [hbm4b:s17+s18], $0x28, $0x38;
	[tilespmem:$0x1CE00] =	vst v63  }
0xff: {  	s31 =	simm.s32 @!p1 $0x2A00;
	s17 =	sadd.s32 @!p1 $0xFFFFFFB0, s14;
	s30 =	simm.s32 @!p1 $0x28  }
0x100: {  	[tilespmem:s31], [sflag:$0x1] =	stream.indirect.gather @!p1 [hbm4b:s2+s30], $0x80, s17, s30, $0xb8;
	[tilespmem:$0x1CE00] =	vst v63  }
0x101: {  	s17 =	simm.s32 @!p1 $0x9  }
0x102: {  	_ =	swait.ge @!p1 [sflag:s17], $0x28  }
0x103: {  	[sflag:s17] =	ssyncset.done @!p1 $0x0  }
0x104: {  	[sflag:s17] =	ssyncadd.s32 @!p1 $0xFFFFFFD8;
	s17 =	simm.s32 @!p1 $0x4  }
0x105: {  	_ =	swait.ge @!p1 [sflag:s17], $0x1400  }
0x106: {  	[sflag:s17] =	ssyncset.done @!p1 $0x0  }
0x107: {  	s31 =	simm.s32 @!p1 $0x6600;
	[sflag:s17] =	ssyncadd.s32 @!p1 $0xFFFFEC00;
	s17 =	simm.s32 @!p1 $0x2900  }
0x108: {  	[spmem:s3] =	stream.indirect.scatter.add.f32 @!p1 [tilespmem:s31], [sflag:$0xE], $0x80, s17, s30, $0xb8;
	[tilespmem:$0x1CE00] =	vst v63  }
0x109: {  	s17 =	simm.s32 @!p1 $0xC  }
0x10a: {  	_ =	swait.ge @!p1 [sflag:s17], $0x1400  }
0x10b: {  	[sflag:s17] =	ssyncset.done @!p1 $0x0  }
0x10c: {  	s10 =	sadd.s32 @!p1 $0x1E, s10;
	[sflag:s17] =	ssyncadd.s32 @!p1 $0xFFFFEC00;
	s17 =	simm.s32 @!p1 $0x2800  }
0x10d: {  	[tilespmem:s17], [sflag:$0x7] =	stream.linear.gather @!p1 [hbm4b:s10+s18], $0x28, $0x38;
	[tilespmem:$0x1CE00] =	vst v63  }
0x10e: {  	s10 =	sadd.s32 @!p1 $0xFFFFFFD8, s14;
	s17 =	simm.s32 @!p1 $0x3E00  }
0x10f: {  	[tilespmem:s17], [sflag:$0x2] =	stream.indirect.gather @!p1 [hbm4b:s2+s30], $0x80, s10, s30, $0xb8;
	[tilespmem:$0x1CE00] =	vst v63  }
0x110: {  	_ =	swait.ge [sflag:s9], $0x28  }
0x111: {  	[sflag:s9] =	ssyncset.done $0x0  }
0x112: {  	[sflag:s9] =	ssyncadd.s32 $0xFFFFFFD8  }
0x113: {  	_ =	swait.ge [sflag:s11], $0x1400  }
0x114: {  	[sflag:s11] =	ssyncset.done $0x0  }
.Ltmp7:
0x115: {  	[sflag:s11] =	ssyncadd.s32 $0xFFFFEC00;
	(pc) =	sbr.rel @p1 .LBB2_6-.Ltmp7, $4  }
0x116: {  	[spmem:s3] =	stream.indirect.scatter.add.f32 [tilespmem:s7], [sflag:$0xF], $0x80, s6, s21, $0xb8;
	[tilespmem:$0x1CE00] =	vst v63  }
0x117: {  	_ =	swait.ge [sflag:s12], $0x1400  }
0x118: {  	[sflag:s12] =	ssyncset.done $0x0  }
0x119: {  	[sflag:s12] =	ssyncadd.s32 $0xFFFFEC00  }
.Ltmp8:
0x11a: {  	s10 =	sadd.s32 $0x23, s15;
	(pc) =	sbr.rel .LBB2_5-.Ltmp8, $4  }
0x11b: {  	[tilespmem:s25], [sflag:$0x8] =	stream.linear.gather [hbm4b:s10+s4], $0x28, $0x38;
	[tilespmem:$0x1CE00] =	vst v63  }
0x11c: {  	_ = 	snop  }
0x11d: {  	[tilespmem:s28], [sflag:$0x3] =	stream.indirect.gather [hbm4b:s2+s21], $0x80, s14, s21, $0xb8;
	[tilespmem:$0x1CE00] =	vst v63  }
0x11e: {  	s13 =	sadd.s32 $0x19, s13;
	s14 =	sadd.s32 $0xC8, s14  }
.LBB2_6:
.Ltmp9:
0x11f: {  	(pc) =	sbr.rel .LBB2_13-.Ltmp9, $3  }
0x120: {  	_ =	sdelay $0x1  }
0x121: {  	s13 =	rddreg [dreg:$0x5]  }
0x122: {  	s17 =	rddreg [dreg:$0x10]  }
.LBB2_14:
0x123: {  	_ =	sfence.sel $0x180000  }
0x124: {  	[bflag:$0x0] =	sbarrier.arrive $0xFFFF  }
0x125: {  	_ =	strace $0x90000047  }
0x126: {  	s0 =	stileid.u32;
	[bflag:$0x2] =	sbarrier.arrive $0xFFFF  }
0x127: {  	p0 =	sne.s32 s0, $0x0;
	s0 =	rddreg [dreg:$0x3]  }
0x128: {  	s0 =	sadd.s32 @!p0 $0x100000, s0  }
0x129: {  	[sflag:s0] =	ssyncadd.tile.s32 @!p0 $0x1;
	_ =	shalt  }
.Lfunc_end2:
_tile_overlayer_lowered:
.L_overlay_start_2:
0x12a: {  	(tag) =	ssettag $0x2  }
0x12b: {  	s0 =	rddreg [dreg:$0x0];
	s2 =	stileid.u32  }
0x12c: {  	s1 =	rddreg [dreg:$0x1];
	p0 =	sne.s32 s2, $0x0  }
0x12d: {  	s3 =	rddreg [dreg:$0x2];
	[bflag:$0x3] =	sbarrier.arrive $0xFFFF;
	s2 =	simm.s32 @!p0 $0x1C10  }
0x12e: {  	[timem:s3], [sflag:s2] =	dma.local @!p0 [hbm:s0], s1  }
0x12f: {  	s0 =	simm.s32 @!p0 $0x10  }
0x130: {  	_ =	swait.ge @!p0 [sflag:s0], s1  }
0x131: {  	s1 =	ssub.s32 @!p0 $0x0, s1;
	[sflag:s0] =	ssyncset.done @!p0 $0x0  }
0x132: {  	[sflag:s0] =	ssyncadd.s32 @!p0 s1  }
0x133: {  	[bflag:$0x3] =	sbarrier.arrive $0xFFFF  }
0x134: {  	_ =	shalt  }

// kernel: kernel.9.cloned.1.call-start
scs
__scs_entry_jumppad:
0x0: {  	(pc) =	sbr.rel $0x88, $3  }
0x1: {  	(tag) =	ssettag $0x0;
	lr =	simm.s32 $0x1  }
0x2: {  	[smem:$0x3F9B] =	sst lr;
	_ =	strace $0xD0000000  }
0x3: {  	_ = 	snop  }
0x4: {  	_ = 	snop  }
0x5: {  	_ = 	snop  }
0x6: {  	_ = 	snop  }
0x7: {  	_ = 	snop  }
__scs_overlays_trampoline_lowered:
0x8: {  	[smem:$0x3FAA] =	sst s0  }
0x9: {  	[smem:$0x3FAB] =	sst s1  }
0xa: {  	[smem:$0x3FAC] =	sst s2  }
0xb: {  	[smem:$0x3FAD] =	sst s3  }
0xc: {  	[smem:$0x3FAE] =	sst s4  }
0xd: {  	[smem:$0x3FAF] =	sst s5  }
0xe: {  	[smem:$0x3FB0] =	sst s6  }
0xf: {  	[smem:$0x3FB1] =	sst s7  }
0x10: {  	[smem:$0x3FB2] =	sst s8  }
0x11: {  	[smem:$0x3FB3] =	sst s9;
	s0 =	simm.s32 @!p0 $0x0  }
0x12: {  	s1 =	sld [smem:$0x3F99];
	s0 =	simm.s32 @p0 $0x1  }
0x13: {  	[smem:$0x3FB4] =	sst s0;
	s0 =	simm.s32 @!p1 $0x0  }
0x14: {  	s2 =	sld [smem:$0x3F98];
	s0 =	simm.s32 @p1 $0x1  }
0x15: {  	[smem:$0x3FB5] =	sst s0;
	s0 =	simm.s32 @!p2 $0x0  }
0x16: {  	s3 =	sld [smem:$0x3FDB];
	s0 =	simm.s32 @p2 $0x1  }
0x17: {  	s4 =	simm.s32 $0x1BF5;
	[smem:$0x3FB7] =	sst s0  }
0x18: {  	s0 =	sld [smem:$0x3F9A];
	_ =	swait.ge [sflag:s4], $0x0  }
0x19: {  	s7 =	sld [smem:$0x3F9B]  }
0x1a: {  	s8 =	sadd.s32 $0xFFFFE003, lr  }
0x1b: {  	s9 =	sadd.s32 $0xFFFFFEF7, lr;
	s5 =	simm.s32 $0xFFFFFFFF;
	p2 =	slt.u32 s8, $0xFFFFF086  }
0x1c: {  	p1 =	slt.u32 s9, $0xF7A;
	s5 =	simm.s32 @!p2 $0x0  }
0x1d: {  	s5 =	simm.s32 @p1 $0x1;
	p0 =	seq.s32 s7, s2  }
0x1e: {  	s7 =	smul.u32 @!p0 $0xF7A, s2;
	p2 =	seq.s32 @!p0 s5, $0x0  }
0x1f: {  	s9 =	smul.u32 $0xF7A, s1;
	s8 =	simm.s32 @!p0 $0x1BF5;
	p2 =	por !p2, p0  }
0x20: {  	[sflag:s8] =	ssyncset.s32 @!p0 $0xFFFFF086;
	s6 =	sadd.s32 @!p0 s3, s7;
	s7 =	simm.s32 @!p0 $0x108  }
0x21: {  	s3 =	sadd.s32 s3, s9;
	s6 =	sadd.s32 @!p0 $0x88, s6;
	s7 =	simm.s32 @p2 $0x1082  }
0x22: {  	[simem:s7], [sflag:s8] =	dma.local @!p0 [hbm:s6], $0xF7A  }
0x23: {  	s9 =	sor.u32 $0xD0000000, s2;
	s6 =	simm.s32 $0x108;
	_ =	swait.ge @!p0 [sflag:s8], $0x0  }
0x24: {  	s3 =	sadd.s32 $0x88, s3;
	s6 =	simm.s32 @!p1 $0x1082;
	[sflag:s4] =	ssyncset.s32 $0xFFFFF086  }
0x25: {  	[simem:s6], [sflag:s4] =	dma.local [hbm:s3], $0xF7A  }
0x26: {  	[smem:$0x3F9B] =	sst s1;
	(tag) =	ssettag s2;
	_ =	strace s9  }
0x27: {  	s1 =	sld [smem:$0x3FAB]  }
0x28: {  	s2 =	sld [smem:$0x3FAC]  }
0x29: {  	s4 =	sld [smem:$0x3FAE]  }
0x2a: {  	p0 =	seq.s32 s5, $0x0;
	s5 =	sld [smem:$0x3FAF]  }
0x2b: {  	s6 =	sld [smem:$0x3FB0]  }
0x2c: {  	s7 =	sld [smem:$0x3FB1]  }
0x2d: {  	s3 =	simm.s32 $0x108;
	s8 =	sld [smem:$0x3FB2]  }
0x2e: {  	s3 =	simm.s32 @!p0 $0x1082;
	s9 =	sld [smem:$0x3FB3]  }
0x2f: {  	lr =	sadd.s32 s0, s3;
	s0 =	sld [smem:$0x3FAA]  }
0x30: {  	s3 =	sld [smem:$0x3FAD]  }
0x31: {  	[smem:$0x3FB6] =	sst s10  }
0x32: {  	s10 =	sld [smem:$0x3FB4];
	_ =	sdelay $0x3  }
0x33: {  	p0 =	seq.s32 s10, $0x1;
	s10 =	sld [smem:$0x3FB6];
	_ =	sdelay $0x3  }
0x34: {  	[smem:$0x3FB6] =	sst s10  }
0x35: {  	s10 =	sld [smem:$0x3FB5];
	_ =	sdelay $0x3  }
0x36: {  	p1 =	seq.s32 s10, $0x1;
	s10 =	sld [smem:$0x3FB6];
	_ =	sdelay $0x3  }
0x37: {  	[smem:$0x3FB6] =	sst s10  }
0x38: {  	s10 =	sld [smem:$0x3FB7]  }
0x39: {  	_ = 	snop;
	(pc) =	sbr.ind lr, $3  }
0x3a: {  	_ = 	snop  }
0x3b: {  	_ = 	snop  }
0x3c: {  	p2 =	seq.s32 s10, $0x1;
	s10 =	sld [smem:$0x3FB6]  }
0x3d: {  	_ =	shalt  }
0x3e: {  	_ =	shalt  }
0x3f: {  	_ =	shalt  }
0x40: {  	_ =	shalt  }
0x41: {  	_ =	shalt  }
0x42: {  	_ =	shalt  }
0x43: {  	_ =	shalt  }
0x44: {  	_ =	shalt  }
0x45: {  	_ =	shalt  }
0x46: {  	_ =	shalt  }
0x47: {  	_ =	shalt  }
0x48: {  	_ =	shalt  }
0x49: {  	_ =	shalt  }
0x4a: {  	_ =	shalt  }
0x4b: {  	_ =	shalt  }
0x4c: {  	_ =	shalt  }
0x4d: {  	_ =	shalt  }
0x4e: {  	_ =	shalt  }
0x4f: {  	_ =	shalt  }
0x50: {  	_ =	shalt  }
0x51: {  	_ =	shalt  }
0x52: {  	_ =	shalt  }
0x53: {  	_ =	shalt  }
0x54: {  	_ =	shalt  }
0x55: {  	_ =	shalt  }
0x56: {  	_ =	shalt  }
0x57: {  	_ =	shalt  }
0x58: {  	_ =	shalt  }
0x59: {  	_ =	shalt  }
0x5a: {  	_ =	shalt  }
0x5b: {  	_ =	shalt  }
0x5c: {  	_ =	shalt  }
0x5d: {  	_ =	shalt  }
0x5e: {  	_ =	shalt  }
0x5f: {  	_ =	shalt  }
0x60: {  	_ =	shalt  }
0x61: {  	_ =	shalt  }
0x62: {  	_ =	shalt  }
0x63: {  	_ =	shalt  }
0x64: {  	_ =	shalt  }
0x65: {  	_ =	shalt  }
0x66: {  	_ =	shalt  }
0x67: {  	_ =	shalt  }
0x68: {  	_ =	shalt  }
0x69: {  	_ =	shalt  }
0x6a: {  	_ =	shalt  }
0x6b: {  	_ =	shalt  }
0x6c: {  	_ =	shalt  }
0x6d: {  	_ =	shalt  }
0x6e: {  	_ =	shalt  }
0x6f: {  	_ =	shalt  }
0x70: {  	_ =	shalt  }
0x71: {  	_ =	shalt  }
0x72: {  	_ =	shalt  }
0x73: {  	_ =	shalt  }
0x74: {  	_ =	shalt  }
0x75: {  	_ =	shalt  }
0x76: {  	_ =	shalt  }
0x77: {  	_ =	shalt  }
0x78: {  	_ =	shalt  }
0x79: {  	_ =	shalt  }
0x7a: {  	_ =	shalt  }
0x7b: {  	_ =	shalt  }
0x7c: {  	_ =	shalt  }
0x7d: {  	_ =	shalt  }
0x7e: {  	_ =	shalt  }
0x7f: {  	_ =	shalt  }
0x80: {  	_ =	shalt  }
0x81: {  	_ =	shalt  }
0x82: {  	_ =	shalt  }
0x83: {  	_ =	shalt  }
0x84: {  	_ =	shalt  }
0x85: {  	_ =	shalt  }
0x86: {  	_ =	shalt  }
0x87: {  	_ =	shalt  }
.Lfunc_end0:
.L_simem_size_0:
called_computation.1_lowered:
.L_overlay_start_0:
0x88: {  	s2 =	sld [smem:$0x3FD9]  }
0x89: {  	s3 =	sld [smem:$0x3FFE];
	_ =	sdelay $0x1  }
0x8a: {  	s1 =	srdreg.scid  }
0x8b: {  	s0 =	sand.u32 $0x1, s1  }
0x8c: {  	s17 =	sshll.u32 s0, $0xA;
	s2 =	sadd.s32 s3, s2  }
0x8d: {  	s2 =	sadd.s32 s2, s17  }
0x8e: {  	[smem:$0x3FC2] =	sst s2  }
0x8f: {  	_ = 	snop  }
0x90: {  	s2 =	sld [smem:$0x3FD0];
	(tm) =	ssettm $0x1  }
0x91: {  	s18 =	sld [smem:$0x3FFB];
	_ =	sdelay $0x3  }
0x92: {  	_ =	strace s18  }
0x93: {  	s3 =	sld [smem:$0x3FFC];
	_ =	sdelay $0x3  }
0x94: {  	_ =	strace s3  }
0x95: {  	s3 =	sld [smem:$0x3FFD];
	_ =	sdelay $0x3  }
0x96: {  	_ =	strace s3  }
0x97: {  	_ =	strace $0x8FFFFFFF  }
0x98: {  	s19 =	sld [smem:$0x3FDB];
	_ =	sdelay $0x1  }
0x99: {  	s4 =	simm.s32 $_scs_section_size  }
0x9a: {  	s5 =	simm.s32 $_size__tile_overlayer_lowered;
	s6 =	simm.s32 $_tile_overlayer_lowered  }
0x9b: {  	s22 =	simm.s32 $0x1BFF;
	s21 =	sshll.u32 s6, $0x1;
	s3 =	sadd.s32 s4, s19  }
0x9c: {  	s7 =	simm.s32 $0x0;
	s20 =	sshll.u32 s5, $0x1;
	s5 =	sadd.s32 s21, s3  }
0x9d: {  	[timem:s7], [sflag:s22] =	dma.local [hbm:s5], s20  }
0x9e: {  	_ =	swait.ge [sflag:s22], s20  }
0x9f: {  	s4 =	ssub.s32 $0x0, s20;
	[sflag:s22] =	ssyncset.done $0x0  }
0xa0: {  	[sflag:s22] =	ssyncadd.s32 s4;
	_ =	sdelay $0x1  }
0xa1: {  	s23 =	simm.s32 $0x1B8B  }
0xa2: {  	_ =	swait.ge [sflag:s23], $0x1  }
0xa3: {  	[sflag:s23] =	ssyncset.done $0x0  }
0xa4: {  	s25 =	simm.s32 $0x1B8E;
	s24 =	sld [smem:$0x3FFE];
	[sflag:s23] =	ssyncadd.s32 $0xFFFFFFFF  }
0xa5: {  	s26 =	simm.s32 $execute0_lowered;
	[smem:$0x3FD2] =	sst s25  }
0xa6: {  	s5 =	sshll.u32 s26, $0x1;
	_ =	strace $0x80000049;
	[dreg:$0x1] =	wrdreg $0xFFFFFFFF  }
0xa7: {  	s28 =	simm.s32 $_size_execute0_lowered;
	s3 =	sadd.s32 s3, s5;
	[dreg:$0x0] =	wrdreg $0x0  }
0xa8: {  	s5 =	sshll.u32 s28, $0x1;
	[dreg:$0x2] =	wrdreg s3  }
0xa9: {  	[dreg:$0x3] =	wrdreg s5  }
0xaa: {  	[dreg:$0x4] =	wrdreg $0xC0  }
0xab: {  	_ =	task [dreg:s7], $0x5FFFF  }
0xac: {  	[dreg:$0x1] =	wrdreg $0xFFFFFFFF  }
0xad: {  	[dreg:$0x0] =	wrdreg $0x60  }
0xae: {  	[dreg:$0x2] =	wrdreg s24  }
0xaf: {  	[dreg:$0x3] =	wrdreg s2  }
0xb0: {  	[dreg:$0x4] =	wrdreg $0x8E000  }
0xb1: {  	[dreg:$0x5] =	wrdreg $0x9  }
0xb2: {  	_ =	task.clear_ibuf [dreg:s7], $0x6FFFF;
	_ =	strace $0x90000049  }
0xb3: {  	s29 =	simm.s32 $0x9;
	_ =	strace $0x8000004B  }
0xb4: {  	_ =	swait.ge [sflag:s29], $0x1  }
0xb5: {  	[sflag:s29] =	ssyncadd.s32 $0xFFFFFFFF  }
0xb6: {  	_ =	strace $0x9000004B  }
0xb7: {  	_ =	sfence  }
0xb8: {  	s30 =	sld [smem:$0x0];
	_ =	sdelay $0x2  }
0xb9: {  	s31 =	sshll.u32 s1, $0xD;
	s1 =	sshrl.u32 s1, $0x2  }
0xba: {  	s3 =	sand.u32 $0x4000, s31;
	s1 =	sadd.s32 s1, s30  }
0xbb: {  	s0 =	sor.u32 s3, s0;
	s1 =	sshll.u32 s1, $0x11  }
0xbc: {  	s0 =	sor.u32 s1, s0  }
0xbd: {  	s0 =	sadd.s32 $0x8F2B, s0  }
0xbe: {  	[sflag:s0] =	ssyncadd.remote.s32 $0x1  }
0xbf: {  	_ =	sfence.sel $0xFFFF  }
0xc0: {  	[dreg:$0x0] =	wrdreg $0xFFFFFFFF;
	(pc) =	sbr.abs _section_cstart, $3  }
0xc1: {  	[dreg:$0x1] =	wrdreg $0xFFFFFFFF  }
0xc2: {  	_ =	task.clear_ibuf [dreg:s7], $0x2FFFF;
	_ =	strace $0x9FFFFFFF  }
0xc3: {  	(tm) =	ssettm $0x7FFFFFFF  }
tec
execute0_lowered:
.L_overlay_start_1:
0x0: {  	(tag) =	ssettag $0x1  }
0x1: {  	s0 =	rddreg [dreg:$0x0]  }
0x2: {  	s1 =	rddreg [dreg:$0x1]  }
0x3: {  	s2 =	rddreg [dreg:$0x2];
	s3 =	simm.s32 $0x0  }
0x4: {  	s16 =	stileid.u32;
	s11 =	srdreg.scid;
	s30 =	simm.s32 $0x3E00  }
0x5: {  	s31 =	simm.s32 $0x2880;
	s19 =	simm.s32 $0x2980;
	s18 =	simm.s32 $0x3  }
0x6: {  	[smem:$0x7FF] =	sst s3;
	s8 =	smul.u32 $0x2710, s16;
	s4 =	sadd.s32 $0x34200, s0  }
0x7: {  	s5 =	sadd.s32 $0x5B400, s0;
	s6 =	sadd.s32 $0x82600, s0;
	s17 =	smul.u32 $0x2800, s16  }
0x8: {  	s7 =	sadd.s32 $0xA9800, s0;
	s12 =	sadd.s32 $0x2200, s0;
	s14 =	smul.u32 $0x50000, s16  }
0x9: {  	s11 =	sand.u32 $0x1, s11;
	s13 =	sadd.s32 $0xD0A00, s0;
	s25 =	smul.u32 $0x4E2, s16  }
0xa: {  	s28 =	sshll.u32 s16, $0x6;
	_ =	strace $0x8000004A;
	[dreg:$0x5] =	wrdreg s13  }
0xb: {  	s20 =	ssub.s32 $0x2, s11;
	p0 =	seq.s32 s11, $0x1;
	[dreg:$0xe] =	wrdreg s28  }
0xc: {  	s29 =	sor.u32 $0x1C01, s28;
	s9 =	sshrl.u32 s8, $0x3;
	s15 =	sadd.s32 s17, s0  }
0xd: {  	s21 =	sshrl.u32 s20, $0x1;
	s22 =	sshrl.u32 s14, $0x2;
	[dreg:$0x4] =	wrdreg s17  }
0xe: {  	s8 =	sadd.s32 $0x28, s8;
	s1 =	sadd.s32 s1, s17;
	[dreg:$0x10] =	wrdreg s29  }
0xf: {  	s17 =	simm.s32 $0x7;
	s14 =	simm.s32 $0xA;
	s10 =	sadd.s32 s9, s0  }
0x10: {  	s0 =	sadd.s32 $0x120A00, s0;
	s11 =	sadd.s32 s22, s2;
	s23 =	sadd.s32 $0xC200, s15  }
0x11: {  	s9 =	sadd.s32 s12, s9;
	s8 =	sshrl.u32 s8, $0x3;
	[dreg:$0xc] =	wrdreg s1  }
0x12: {  	s26 =	sadd.s32 $0xF8A00, s15;
	s22 =	simm.s32 $0x10;
	[dreg:$0x6] =	wrdreg s0  }
0x13: {  	s1 =	simm.s32 $0x5200;
	s15 =	simm.s32 $0x5;
	[dreg:$0x7] =	wrdreg s23  }
0x14: {  	s0 =	ssub.s32 s20, s21;
	s10 =	sadd.s32 $0x7200, s10;
	[dreg:$0x9] =	wrdreg s9  }
0x15: {  	s8 =	sadd.s32 s12, s8;
	s24 =	sadd.s32 $0xA, s9;
	[dreg:$0xd] =	wrdreg s26  }
0x16: {  	s21 =	sadd.s32 s25, s12;
	s16 =	sshrl.u32 s11, $0x3;
	s26 =	simm.s32 $0x28  }
.Ltmp0:
0x17: {  	s9 =	simm.s32 $0x6;
	[dreg:$0x8] =	wrdreg s10;
	(pc) =	sbr.rel .LBB2_1-.Ltmp0, $4  }
0x18: {  	s12 =	simm.s32 $0x2;
	s11 =	simm.s32 $0xB;
	[dreg:$0xa] =	wrdreg s8  }
0x19: {  	s20 =	simm.s32 $0xD;
	s23 =	simm.s32 $0x0;
	[dreg:$0xb] =	wrdreg s24  }
0x1a: {  	s0 =	smax.u32 s0, $0x1;
	s24 =	simm.s32 $0x1;
	[dreg:$0x11] =	wrdreg s16  }
0x1b: {  	s8 =	simm.s32 $0x8;
	[dreg:$0xf] =	wrdreg s0;
	s0 =	simm.s32 $0x7A00  }
.LBB2_14:
0x1c: {  	s13 =	rddreg [dreg:$0x6]  }
0x1d: {  	s16 =	rddreg [dreg:$0x11]  }
0x1e: {  	s23 =	rddreg [dreg:$0x12]  }
.LBB2_15:
0x1f: {  	s10 =	simm.s32 $0xE  }
0x20: {  	_ =	swait.ge [sflag:s10], $0x1400  }
0x21: {  	[sflag:s10] =	ssyncset.done $0x0  }
0x22: {  	s22 =	simm.s32 $0xF;
	[sflag:s10] =	ssyncadd.s32 $0xFFFFEC00  }
0x23: {  	_ =	swait.ge [sflag:s22], $0x1400  }
0x24: {  	[sflag:s22] =	ssyncset.done $0x0  }
0x25: {  	[sflag:s22] =	ssyncadd.s32 $0xFFFFEC00  }
0x26: {  	s25 =	rddreg [dreg:$0x4];
	[bflag:$0x0] =	sbarrier.arrive $0xFFFF  }
0x27: {  	s10 =	sadd.s32 s13, s25;
	s22 =	simm.s32 $0x10;
	s28 =	rddreg [dreg:$0x13]  }
0x28: {  	[hbm:s10], [sflag:s28] =	dma.local [spmem:s16], $0x2800  }
0x29: {  	_ =	swait.ge [sflag:s22], $0x2800  }
0x2a: {  	s23 =	sadd.s32 $0x1, s23;
	s29 =	rddreg [dreg:$0xf]  }
0x2b: {  	p1 =	sne.s32 s23, s29  }
.Ltmp1:
0x2c: {  	_ = 	snop;
	(pc) =	sbr.rel @!p1 .LBB2_16-.Ltmp1, $3  }
0x2d: {  	_ =	sdelay $0x1  }
0x2e: {  	[sflag:s22] =	ssyncset.done $0x0  }
0x2f: {  	[sflag:s22] =	ssyncadd.s32 $0xFFFFD800  }
.LBB2_1:
0x30: {  	[dreg:$0x12] =	wrdreg s23  }
0x31: {  	s10 =	rddreg [dreg:$0x7]  }
0x32: {  	s13 =	rddreg [dreg:$0x10]  }
0x33: {  	[spmem:s16], [sflag:s13] =	dma.local [hbm:s10], $0x2800  }
0x34: {  	s10 =	rddreg [dreg:$0x8]  }
0x35: {  	[tilespmem:s3], [sflag:$0x10] =	stream.linear.gather [hbm4b:s10+s3], $0x2710, $0x38;
	[tilespmem:$0x1CE00] =	vst v63  }
0x36: {  	_ =	swait.ge [sflag:s22], $0x2710  }
0x37: {  	[sflag:s22] =	ssyncset.done $0x0  }
0x38: {  	[sflag:s22] =	ssyncadd.s32 $0xFFFFD8F0  }
0x39: {  	_ =	swait.ge [sflag:s24], $0x2800  }
.Ltmp2:
0x3a: {  	[sflag:s24] =	ssyncset.done $0x0;
	(pc) =	sbr.rel @!p0 .LBB2_2-.Ltmp2, $4  }
0x3b: {  	[sflag:s24] =	ssyncadd.s32 $0xFFFFD800  }
0x3c: {  	s29 =	simm.s32 $0x2780;
	[bflag:$0x0] =	sbarrier.arrive $0xFFFF  }
0x3d: {  	s10 =	simm.s32 $0x2A00;
	s22 =	simm.s32 $0x0;
	s28 =	rddreg [dreg:$0x9]  }
0x3e: {  	[tilespmem:s29], [sflag:$0x6] =	stream.linear.gather [hbm4b:s28+s3], $0x28, $0x38;
	[tilespmem:$0x1CE00] =	vst v63  }
0x3f: {  	[tilespmem:s10], [sflag:$0x1] =	stream.indirect.gather [hbm4b:s6+s26], $0x80, s22, s26, $0xb8;
	[tilespmem:$0x1CE00] =	vst v63  }
0x40: {  	s25 =	rddreg [dreg:$0xa];
	s13 =	simm.s32 $0x2800  }
0x41: {  	[tilespmem:s13], [sflag:$0x7] =	stream.linear.gather [hbm4b:s25+s22], $0x28, $0x38;
	[tilespmem:$0x1CE00] =	vst v63  }
0x42: {  	_ = 	snop  }
0x43: {  	[tilespmem:s30], [sflag:$0x2] =	stream.indirect.gather [hbm4b:s6+s26], $0x80, s26, s26, $0xb8;
	[tilespmem:$0x1CE00] =	vst v63  }
0x44: {  	s28 =	rddreg [dreg:$0xb]  }
0x45: {  	[tilespmem:s31], [sflag:$0x8] =	stream.linear.gather [hbm4b:s28+s22], $0x28, $0x38;
	[tilespmem:$0x1CE00] =	vst v63  }
0x46: {  	s29 =	simm.s32 $0x50;
	s23 =	simm.s32 $0x118  }
0x47: {  	[tilespmem:s1], [sflag:$0x3] =	stream.indirect.gather [hbm4b:s6+s26], $0x80, s29, s26, $0xb8;
	[tilespmem:$0x1CE00] =	vst v63  }
.LBB2_10:
0x48: {  	_ =	swait.ge [sflag:s9], $0x28  }
0x49: {  	[sflag:s9] =	ssyncset.done $0x0  }
0x4a: {  	[sflag:s9] =	ssyncadd.s32 $0xFFFFFFD8  }
0x4b: {  	_ =	swait.ge [sflag:s24], $0x1400  }
0x4c: {  	s10 =	simm.s32 $0x2780;
	[sflag:s24] =	ssyncset.done $0x0  }
0x4d: {  	s13 =	simm.s32 $0x2A00;
	p1 =	seq.s32 s22, $0x0;
	[sflag:s24] =	ssyncadd.s32 $0xFFFFEC00  }
0x4e: {  	[spmem:s2] =	stream.indirect.scatter.add.f32 [tilespmem:s13], [sflag:$0xB], $0x80, s10, s26, $0xb8;
	[tilespmem:$0x1CE00] =	vst v63  }
0x4f: {  	s10 =	simm.s32 @!p1 $0xE  }
0x50: {  	_ =	swait.ge @!p1 [sflag:s10], $0x1400  }
0x51: {  	s13 =	sadd.s32 s22, s21;
	[sflag:s10] =	ssyncset.done @!p1 $0x0  }
0x52: {  	s16 =	simm.s32 $0x2900;
	s25 =	sadd.s32 $0xF, s13;
	[sflag:s10] =	ssyncadd.s32 @!p1 $0xFFFFEC00  }
0x53: {  	[tilespmem:s16], [sflag:$0x9] =	stream.linear.gather [hbm4b:s25+s3], $0x28, $0x38;
	[tilespmem:$0x1CE00] =	vst v63  }
0x54: {  	s28 =	sadd.s32 $0xFFFFFF60, s23;
	s29 =	simm.s32 $0x6600  }
0x55: {  	[tilespmem:s29], [sflag:$0x4] =	stream.indirect.gather [hbm4b:s6+s26], $0x80, s28, s26, $0xb8;
	[tilespmem:$0x1CE00] =	vst v63  }
0x56: {  	_ =	swait.ge [sflag:s17], $0x28  }
0x57: {  	[sflag:s17] =	ssyncset.done $0x0  }
0x58: {  	[sflag:s17] =	ssyncadd.s32 $0xFFFFFFD8  }
0x59: {  	_ =	swait.ge [sflag:s12], $0x1400  }
0x5a: {  	[sflag:s12] =	ssyncset.done $0x0  }
0x5b: {  	s10 =	simm.s32 @!p1 $0xF;
	s25 =	simm.s32 $0x2800;
	[sflag:s12] =	ssyncadd.s32 $0xFFFFEC00  }
0x5c: {  	[spmem:s2] =	stream.indirect.scatter.add.f32 [tilespmem:s30], [sflag:$0xC], $0x80, s25, s26, $0xb8;
	[tilespmem:$0x1CE00] =	vst v63  }
0x5d: {  	_ =	swait.ge @!p1 [sflag:s10], $0x1400  }
0x5e: {  	[sflag:s10] =	ssyncset.done @!p1 $0x0  }
0x5f: {  	s28 =	sadd.s32 $0x14, s13;
	[sflag:s10] =	ssyncadd.s32 @!p1 $0xFFFFEC00  }
0x60: {  	[tilespmem:s19], [sflag:$0xA] =	stream.linear.gather [hbm4b:s28+s3], $0x28, $0x38;
	[tilespmem:$0x1CE00] =	vst v63  }
0x61: {  	s29 =	sadd.s32 $0xFFFFFF88, s23  }
0x62: {  	[tilespmem:s0], [sflag:$0x5] =	stream.indirect.gather [hbm4b:s6+s26], $0x80, s29, s26, $0xb8;
	[tilespmem:$0x1CE00] =	vst v63  }
0x63: {  	_ =	swait.ge [sflag:s8], $0x28  }
0x64: {  	[sflag:s8] =	ssyncset.done $0x0  }
0x65: {  	[sflag:s8] =	ssyncadd.s32 $0xFFFFFFD8  }
0x66: {  	_ =	swait.ge [sflag:s18], $0x1400  }
0x67: {  	[sflag:s18] =	ssyncset.done $0x0  }
0x68: {  	[sflag:s18] =	ssyncadd.s32 $0xFFFFEC00  }
0x69: {  	[spmem:s2] =	stream.indirect.scatter.add.f32 [tilespmem:s1], [sflag:$0xD], $0x80, s31, s26, $0xb8;
	[tilespmem:$0x1CE00] =	vst v63  }
0x6a: {  	_ =	swait.ge [sflag:s11], $0x1400  }
0x6b: {  	p1 =	seq.s32 s22, $0x4C9;
	[sflag:s11] =	ssyncset.done $0x0  }
0x6c: {  	s10 =	simm.s32 @p1 $0x9;
	[sflag:s11] =	ssyncadd.s32 $0xFFFFEC00  }
0x6d: {  	_ =	swait.ge @p1 [sflag:s10], $0x28  }
0x6e: {  	[sflag:s10] =	ssyncset.done @p1 $0x0  }
0x6f: {  	[sflag:s10] =	ssyncadd.s32 @p1 $0xFFFFFFD8;
	s10 =	simm.s32 @p1 $0x4  }
0x70: {  	_ =	swait.ge @p1 [sflag:s10], $0x1400  }
0x71: {  	s16 =	simm.s32 @p1 $0x2900;
	[sflag:s10] =	ssyncset.done @p1 $0x0  }
0x72: {  	s25 =	simm.s32 @p1 $0x6600;
	[sflag:s10] =	ssyncadd.s32 @p1 $0xFFFFEC00;
	s10 =	simm.s32 @p1 $0x28  }
0x73: {  	[spmem:s2] =	stream.indirect.scatter.add.f32 @p1 [tilespmem:s25], [sflag:$0xE], $0x80, s16, s10, $0xb8;
	[tilespmem:$0x1CE00] =	vst v63  }
0x74: {  	s10 =	simm.s32 @p1 $0xC  }
0x75: {  	_ =	swait.ge @p1 [sflag:s10], $0x1400  }
0x76: {  	[sflag:s10] =	ssyncset.done @p1 $0x0  }
0x77: {  	[sflag:s10] =	ssyncadd.s32 @p1 $0xFFFFEC00;
	s10 =	sadd.s32 @!p1 s22, s21  }
0x78: {  	s28 =	simm.s32 @!p1 $0x2780;
	s25 =	simm.s32 @!p1 $0x0;
	s16 =	sadd.s32 @!p1 $0x19, s10  }
0x79: {  	[tilespmem:s28], [sflag:$0x6] =	stream.linear.gather @!p1 [hbm4b:s16+s25], $0x28, $0x38;
	[tilespmem:$0x1CE00] =	vst v63  }
0x7a: {  	s29 =	simm.s32 @!p1 $0x2A00;
	s16 =	sadd.s32 @!p1 $0xFFFFFFB0, s23;
	s28 =	simm.s32 @!p1 $0x28  }
0x7b: {  	[tilespmem:s29], [sflag:$0x1] =	stream.indirect.gather @!p1 [hbm4b:s6+s28], $0x80, s16, s28, $0xb8;
	[tilespmem:$0x1CE00] =	vst v63  }
0x7c: {  	s16 =	simm.s32 @!p1 $0x9  }
0x7d: {  	_ =	swait.ge @!p1 [sflag:s16], $0x28  }
0x7e: {  	[sflag:s16] =	ssyncset.done @!p1 $0x0  }
0x7f: {  	[sflag:s16] =	ssyncadd.s32 @!p1 $0xFFFFFFD8;
	s16 =	simm.s32 @!p1 $0x4  }
0x80: {  	_ =	swait.ge @!p1 [sflag:s16], $0x1400  }
0x81: {  	[sflag:s16] =	ssyncset.done @!p1 $0x0  }
0x82: {  	s29 =	simm.s32 @!p1 $0x6600;
	[sflag:s16] =	ssyncadd.s32 @!p1 $0xFFFFEC00;
	s16 =	simm.s32 @!p1 $0x2900  }
0x83: {  	[spmem:s2] =	stream.indirect.scatter.add.f32 @!p1 [tilespmem:s29], [sflag:$0xE], $0x80, s16, s28, $0xb8;
	[tilespmem:$0x1CE00] =	vst v63  }
0x84: {  	s16 =	simm.s32 @!p1 $0xC  }
0x85: {  	_ =	swait.ge @!p1 [sflag:s16], $0x1400  }
0x86: {  	[sflag:s16] =	ssyncset.done @!p1 $0x0  }
0x87: {  	s10 =	sadd.s32 @!p1 $0x1E, s10;
	[sflag:s16] =	ssyncadd.s32 @!p1 $0xFFFFEC00;
	s16 =	simm.s32 @!p1 $0x2800  }
0x88: {  	[tilespmem:s16], [sflag:$0x7] =	stream.linear.gather @!p1 [hbm4b:s10+s25], $0x28, $0x38;
	[tilespmem:$0x1CE00] =	vst v63  }
0x89: {  	s10 =	sadd.s32 @!p1 $0xFFFFFFD8, s23;
	s16 =	simm.s32 @!p1 $0x3E00  }
0x8a: {  	[tilespmem:s16], [sflag:$0x2] =	stream.indirect.gather @!p1 [hbm4b:s6+s28], $0x80, s10, s28, $0xb8;
	[tilespmem:$0x1CE00] =	vst v63  }
0x8b: {  	_ =	swait.ge [sflag:s14], $0x28  }
0x8c: {  	[sflag:s14] =	ssyncset.done $0x0  }
0x8d: {  	[sflag:s14] =	ssyncadd.s32 $0xFFFFFFD8  }
0x8e: {  	_ =	swait.ge [sflag:s15], $0x1400  }
0x8f: {  	[sflag:s15] =	ssyncset.done $0x0  }
.Ltmp3:
0x90: {  	[sflag:s15] =	ssyncadd.s32 $0xFFFFEC00;
	(pc) =	sbr.rel @p1 .LBB2_12-.Ltmp3, $4  }
0x91: {  	[spmem:s2] =	stream.indirect.scatter.add.f32 [tilespmem:s0], [sflag:$0xF], $0x80, s19, s26, $0xb8;
	[tilespmem:$0x1CE00] =	vst v63  }
0x92: {  	_ =	swait.ge [sflag:s20], $0x1400  }
0x93: {  	[sflag:s20] =	ssyncset.done $0x0  }
0x94: {  	[sflag:s20] =	ssyncadd.s32 $0xFFFFEC00  }
.Ltmp4:
0x95: {  	s10 =	sadd.s32 $0x23, s13;
	(pc) =	sbr.rel .LBB2_10-.Ltmp4, $4  }
0x96: {  	[tilespmem:s31], [sflag:$0x8] =	stream.linear.gather [hbm4b:s10+s3], $0x28, $0x38;
	[tilespmem:$0x1CE00] =	vst v63  }
0x97: {  	_ = 	snop  }
0x98: {  	[tilespmem:s1], [sflag:$0x3] =	stream.indirect.gather [hbm4b:s6+s26], $0x80, s23, s26, $0xb8;
	[tilespmem:$0x1CE00] =	vst v63  }
0x99: {  	s22 =	sadd.s32 $0x19, s22;
	s23 =	sadd.s32 $0xC8, s23  }
.LBB2_2:
0x9a: {  	[tilespmem:s10], [sflag:$0x1] =	stream.indirect.gather [hbm4b:s4+s26], $0x80, s22, s26, $0xb8;
	[tilespmem:$0x1CE00] =	vst v63  }
0x9b: {  	s25 =	rddreg [dreg:$0xa];
	s13 =	simm.s32 $0x2800  }
0x9c: {  	[tilespmem:s13], [sflag:$0x7] =	stream.linear.gather [hbm4b:s25+s22], $0x28, $0x38;
	[tilespmem:$0x1CE00] =	vst v63  }
0x9d: {  	_ = 	snop  }
0x9e: {  	[tilespmem:s30], [sflag:$0x2] =	stream.indirect.gather [hbm4b:s4+s26], $0x80, s26, s26, $0xb8;
	[tilespmem:$0x1CE00] =	vst v63  }
0x9f: {  	s28 =	rddreg [dreg:$0xb]  }
0xa0: {  	[tilespmem:s31], [sflag:$0x8] =	stream.linear.gather [hbm4b:s28+s22], $0x28, $0x38;
	[tilespmem:$0x1CE00] =	vst v63  }
0xa1: {  	s29 =	simm.s32 $0x50;
	s23 =	simm.s32 $0x118  }
0xa2: {  	[tilespmem:s1], [sflag:$0x3] =	stream.indirect.gather [hbm4b:s4+s26], $0x80, s29, s26, $0xb8;
	[tilespmem:$0x1CE00] =	vst v63  }
.LBB2_3:
0xa3: {  	_ =	swait.ge [sflag:s9], $0x28  }
0xa4: {  	[sflag:s9] =	ssyncset.done $0x0  }
0xa5: {  	[sflag:s9] =	ssyncadd.s32 $0xFFFFFFD8  }
0xa6: {  	_ =	swait.ge [sflag:s24], $0x1400  }
0xa7: {  	s10 =	simm.s32 $0x2780;
	[sflag:s24] =	ssyncset.done $0x0  }
0xa8: {  	s13 =	simm.s32 $0x2A00;
	p1 =	seq.s32 s22, $0x0;
	[sflag:s24] =	ssyncadd.s32 $0xFFFFEC00  }
0xa9: {  	[spmem:s2] =	stream.indirect.scatter.add.f32 [tilespmem:s13], [sflag:$0xB], $0x80, s10, s26, $0xb8;
	[tilespmem:$0x1CE00] =	vst v63  }
0xaa: {  	s10 =	simm.s32 @!p1 $0xE  }
0xab: {  	_ =	swait.ge @!p1 [sflag:s10], $0x1400  }
0xac: {  	s13 =	sadd.s32 s22, s21;
	[sflag:s10] =	ssyncset.done @!p1 $0x0  }
0xad: {  	s16 =	simm.s32 $0x2900;
	s25 =	sadd.s32 $0xF, s13;
	[sflag:s10] =	ssyncadd.s32 @!p1 $0xFFFFEC00  }
0xae: {  	[tilespmem:s16], [sflag:$0x9] =	stream.linear.gather [hbm4b:s25+s3], $0x28, $0x38;
	[tilespmem:$0x1CE00] =	vst v63  }
0xaf: {  	s28 =	sadd.s32 $0xFFFFFF60, s23;
	s29 =	simm.s32 $0x6600  }
0xb0: {  	[tilespmem:s29], [sflag:$0x4] =	stream.indirect.gather [hbm4b:s4+s26], $0x80, s28, s26, $0xb8;
	[tilespmem:$0x1CE00] =	vst v63  }
0xb1: {  	_ =	swait.ge [sflag:s17], $0x28  }
0xb2: {  	[sflag:s17] =	ssyncset.done $0x0  }
0xb3: {  	[sflag:s17] =	ssyncadd.s32 $0xFFFFFFD8  }
0xb4: {  	_ =	swait.ge [sflag:s12], $0x1400  }
0xb5: {  	[sflag:s12] =	ssyncset.done $0x0  }
0xb6: {  	s10 =	simm.s32 @!p1 $0xF;
	s25 =	simm.s32 $0x2800;
	[sflag:s12] =	ssyncadd.s32 $0xFFFFEC00  }
0xb7: {  	[spmem:s2] =	stream.indirect.scatter.add.f32 [tilespmem:s30], [sflag:$0xC], $0x80, s25, s26, $0xb8;
	[tilespmem:$0x1CE00] =	vst v63  }
0xb8: {  	_ =	swait.ge @!p1 [sflag:s10], $0x1400  }
0xb9: {  	[sflag:s10] =	ssyncset.done @!p1 $0x0  }
0xba: {  	s28 =	sadd.s32 $0x14, s13;
	[sflag:s10] =	ssyncadd.s32 @!p1 $0xFFFFEC00  }
0xbb: {  	[tilespmem:s19], [sflag:$0xA] =	stream.linear.gather [hbm4b:s28+s3], $0x28, $0x38;
	[tilespmem:$0x1CE00] =	vst v63  }
0xbc: {  	s29 =	sadd.s32 $0xFFFFFF88, s23  }
0xbd: {  	[tilespmem:s0], [sflag:$0x5] =	stream.indirect.gather [hbm4b:s4+s26], $0x80, s29, s26, $0xb8;
	[tilespmem:$0x1CE00] =	vst v63  }
0xbe: {  	_ =	swait.ge [sflag:s8], $0x28  }
0xbf: {  	[sflag:s8] =	ssyncset.done $0x0  }
0xc0: {  	[sflag:s8] =	ssyncadd.s32 $0xFFFFFFD8  }
0xc1: {  	_ =	swait.ge [sflag:s18], $0x1400  }
0xc2: {  	[sflag:s18] =	ssyncset.done $0x0  }
0xc3: {  	[sflag:s18] =	ssyncadd.s32 $0xFFFFEC00  }
0xc4: {  	[spmem:s2] =	stream.indirect.scatter.add.f32 [tilespmem:s1], [sflag:$0xD], $0x80, s31, s26, $0xb8;
	[tilespmem:$0x1CE00] =	vst v63  }
0xc5: {  	_ =	swait.ge [sflag:s11], $0x1400  }
0xc6: {  	p1 =	seq.s32 s22, $0x4C9;
	[sflag:s11] =	ssyncset.done $0x0  }
0xc7: {  	s10 =	simm.s32 @p1 $0x9;
	[sflag:s11] =	ssyncadd.s32 $0xFFFFEC00  }
0xc8: {  	_ =	swait.ge @p1 [sflag:s10], $0x28  }
0xc9: {  	[sflag:s10] =	ssyncset.done @p1 $0x0  }
0xca: {  	[sflag:s10] =	ssyncadd.s32 @p1 $0xFFFFFFD8;
	s10 =	simm.s32 @p1 $0x4  }
0xcb: {  	_ =	swait.ge @p1 [sflag:s10], $0x1400  }
0xcc: {  	s16 =	simm.s32 @p1 $0x2900;
	[sflag:s10] =	ssyncset.done @p1 $0x0  }
0xcd: {  	s25 =	simm.s32 @p1 $0x6600;
	[sflag:s10] =	ssyncadd.s32 @p1 $0xFFFFEC00;
	s10 =	simm.s32 @p1 $0x28  }
0xce: {  	[spmem:s2] =	stream.indirect.scatter.add.f32 @p1 [tilespmem:s25], [sflag:$0xE], $0x80, s16, s10, $0xb8;
	[tilespmem:$0x1CE00] =	vst v63  }
0xcf: {  	s10 =	simm.s32 @p1 $0xC  }
0xd0: {  	_ =	swait.ge @p1 [sflag:s10], $0x1400  }
0xd1: {  	[sflag:s10] =	ssyncset.done @p1 $0x0  }
0xd2: {  	[sflag:s10] =	ssyncadd.s32 @p1 $0xFFFFEC00;
	s10 =	sadd.s32 @!p1 s22, s21  }
0xd3: {  	s28 =	simm.s32 @!p1 $0x2780;
	s25 =	simm.s32 @!p1 $0x0;
	s16 =	sadd.s32 @!p1 $0x19, s10  }
0xd4: {  	[tilespmem:s28], [sflag:$0x6] =	stream.linear.gather @!p1 [hbm4b:s16+s25], $0x28, $0x38;
	[tilespmem:$0x1CE00] =	vst v63  }
0xd5: {  	s29 =	simm.s32 @!p1 $0x2A00;
	s16 =	sadd.s32 @!p1 $0xFFFFFFB0, s23;
	s28 =	simm.s32 @!p1 $0x28  }
0xd6: {  	[tilespmem:s29], [sflag:$0x1] =	stream.indirect.gather @!p1 [hbm4b:s4+s28], $0x80, s16, s28, $0xb8;
	[tilespmem:$0x1CE00] =	vst v63  }
0xd7: {  	s16 =	simm.s32 @!p1 $0x9  }
0xd8: {  	_ =	swait.ge @!p1 [sflag:s16], $0x28  }
0xd9: {  	[sflag:s16] =	ssyncset.done @!p1 $0x0  }
0xda: {  	[sflag:s16] =	ssyncadd.s32 @!p1 $0xFFFFFFD8;
	s16 =	simm.s32 @!p1 $0x4  }
0xdb: {  	_ =	swait.ge @!p1 [sflag:s16], $0x1400  }
0xdc: {  	[sflag:s16] =	ssyncset.done @!p1 $0x0  }
0xdd: {  	s29 =	simm.s32 @!p1 $0x6600;
	[sflag:s16] =	ssyncadd.s32 @!p1 $0xFFFFEC00;
	s16 =	simm.s32 @!p1 $0x2900  }
0xde: {  	[spmem:s2] =	stream.indirect.scatter.add.f32 @!p1 [tilespmem:s29], [sflag:$0xE], $0x80, s16, s28, $0xb8;
	[tilespmem:$0x1CE00] =	vst v63  }
0xdf: {  	s16 =	simm.s32 @!p1 $0xC  }
0xe0: {  	_ =	swait.ge @!p1 [sflag:s16], $0x1400  }
0xe1: {  	[sflag:s16] =	ssyncset.done @!p1 $0x0  }
0xe2: {  	s10 =	sadd.s32 @!p1 $0x1E, s10;
	[sflag:s16] =	ssyncadd.s32 @!p1 $0xFFFFEC00;
	s16 =	simm.s32 @!p1 $0x2800  }
0xe3: {  	[tilespmem:s16], [sflag:$0x7] =	stream.linear.gather @!p1 [hbm4b:s10+s25], $0x28, $0x38;
	[tilespmem:$0x1CE00] =	vst v63  }
0xe4: {  	s10 =	sadd.s32 @!p1 $0xFFFFFFD8, s23;
	s16 =	simm.s32 @!p1 $0x3E00  }
0xe5: {  	[tilespmem:s16], [sflag:$0x2] =	stream.indirect.gather @!p1 [hbm4b:s4+s28], $0x80, s10, s28, $0xb8;
	[tilespmem:$0x1CE00] =	vst v63  }
0xe6: {  	_ =	swait.ge [sflag:s14], $0x28  }
0xe7: {  	[sflag:s14] =	ssyncset.done $0x0  }
0xe8: {  	[sflag:s14] =	ssyncadd.s32 $0xFFFFFFD8  }
0xe9: {  	_ =	swait.ge [sflag:s15], $0x1400  }
0xea: {  	[sflag:s15] =	ssyncset.done $0x0  }
.Ltmp5:
0xeb: {  	[sflag:s15] =	ssyncadd.s32 $0xFFFFEC00;
	(pc) =	sbr.rel @p1 .LBB2_5-.Ltmp5, $4  }
0xec: {  	[spmem:s2] =	stream.indirect.scatter.add.f32 [tilespmem:s0], [sflag:$0xF], $0x80, s19, s26, $0xb8;
	[tilespmem:$0x1CE00] =	vst v63  }
0xed: {  	_ =	swait.ge [sflag:s20], $0x1400  }
0xee: {  	[sflag:s20] =	ssyncset.done $0x0  }
0xef: {  	[sflag:s20] =	ssyncadd.s32 $0xFFFFEC00  }
.Ltmp6:
0xf0: {  	s10 =	sadd.s32 $0x23, s13;
	(pc) =	sbr.rel .LBB2_3-.Ltmp6, $4  }
0xf1: {  	[tilespmem:s31], [sflag:$0x8] =	stream.linear.gather [hbm4b:s10+s3], $0x28, $0x38;
	[tilespmem:$0x1CE00] =	vst v63  }
0xf2: {  	_ = 	snop  }
0xf3: {  	[tilespmem:s1], [sflag:$0x3] =	stream.indirect.gather [hbm4b:s4+s26], $0x80, s23, s26, $0xb8;
	[tilespmem:$0x1CE00] =	vst v63  }
0xf4: {  	s22 =	sadd.s32 $0x19, s22;
	s23 =	sadd.s32 $0xC8, s23  }
.LBB2_12:
0xf5: {  	s10 =	simm.s32 $0xE  }
0xf6: {  	_ =	swait.ge [sflag:s10], $0x1400  }
0xf7: {  	[sflag:s10] =	ssyncset.done $0x0  }
0xf8: {  	s25 =	simm.s32 $0xF;
	[sflag:s10] =	ssyncadd.s32 $0xFFFFEC00  }
0xf9: {  	_ =	swait.ge [sflag:s25], $0x1400  }
0xfa: {  	[sflag:s25] =	ssyncset.done $0x0  }
0xfb: {  	[sflag:s25] =	ssyncadd.s32 $0xFFFFEC00  }
0xfc: {  	[bflag:$0x0] =	sbarrier.arrive $0xFFFF  }
0xfd: {  	s28 =	rddreg [dreg:$0xe]  }
0xfe: {  	s29 =	rddreg [dreg:$0xd]  }
0xff: {  	s16 =	rddreg [dreg:$0x11];
	s13 =	sor.u32 $0x1C10, s28  }
0x100: {  	s22 =	simm.s32 $0x10;
	[dreg:$0x13] =	wrdreg s13  }
0x101: {  	[hbm:s29], [sflag:s13] =	dma.local [spmem:s16], $0x2800  }
0x102: {  	_ =	swait.ge [sflag:s22], $0x2800  }
0x103: {  	[sflag:s22] =	ssyncset.done $0x0;
	s23 =	rddreg [dreg:$0x7]  }
0x104: {  	s25 =	rddreg [dreg:$0x10];
	[sflag:s22] =	ssyncadd.s32 $0xFFFFD800  }
0x105: {  	[spmem:s16], [sflag:s25] =	dma.local [hbm:s23], $0x2800  }
0x106: {  	_ =	swait.ge [sflag:s24], $0x2800  }
0x107: {  	[sflag:s24] =	ssyncset.done $0x0  }
0x108: {  	[sflag:s24] =	ssyncadd.s32 $0xFFFFD800  }
0x109: {  	[bflag:$0x0] =	sbarrier.arrive $0xFFFF  }
0x10a: {  	s29 =	simm.s32 $0x2780;
	s23 =	simm.s32 $0x0;
	s28 =	rddreg [dreg:$0x9]  }
0x10b: {  	[tilespmem:s29], [sflag:$0x6] =	stream.linear.gather [hbm4b:s28+s23], $0x28, $0x38;
	[tilespmem:$0x1CE00] =	vst v63  }
0x10c: {  	s16 =	simm.s32 $0x2A00  }
0x10d: {  	[tilespmem:s16], [sflag:$0x1] =	stream.indirect.gather [hbm4b:s7+s26], $0x80, s23, s26, $0xb8;
	[tilespmem:$0x1CE00] =	vst v63  }
0x10e: {  	s25 =	simm.s32 $0x2800;
	s22 =	rddreg [dreg:$0xa]  }
0x10f: {  	[tilespmem:s25], [sflag:$0x7] =	stream.linear.gather [hbm4b:s22+s23], $0x28, $0x38;
	[tilespmem:$0x1CE00] =	vst v63  }
0x110: {  	_ = 	snop  }
0x111: {  	[tilespmem:s30], [sflag:$0x2] =	stream.indirect.gather [hbm4b:s7+s26], $0x80, s26, s26, $0xb8;
	[tilespmem:$0x1CE00] =	vst v63  }
0x112: {  	s28 =	rddreg [dreg:$0xb]  }
0x113: {  	[tilespmem:s31], [sflag:$0x8] =	stream.linear.gather [hbm4b:s28+s23], $0x28, $0x38;
	[tilespmem:$0x1CE00] =	vst v63  }
0x114: {  	s29 =	simm.s32 $0x50;
	s22 =	simm.s32 $0x118  }
0x115: {  	[tilespmem:s1], [sflag:$0x3] =	stream.indirect.gather [hbm4b:s7+s26], $0x80, s29, s26, $0xb8;
	[tilespmem:$0x1CE00] =	vst v63  }
.LBB2_13:
0x116: {  	_ =	swait.ge [sflag:s9], $0x28  }
0x117: {  	[sflag:s9] =	ssyncset.done $0x0  }
0x118: {  	[sflag:s9] =	ssyncadd.s32 $0xFFFFFFD8  }
0x119: {  	_ =	swait.ge [sflag:s24], $0x1400  }
0x11a: {  	s10 =	simm.s32 $0x2780;
	[sflag:s24] =	ssyncset.done $0x0  }
0x11b: {  	s13 =	simm.s32 $0x2A00;
	p1 =	seq.s32 s23, $0x0;
	[sflag:s24] =	ssyncadd.s32 $0xFFFFEC00  }
0x11c: {  	[spmem:s2] =	stream.indirect.scatter.add.f32 [tilespmem:s13], [sflag:$0xB], $0x80, s10, s26, $0xb8;
	[tilespmem:$0x1CE00] =	vst v63  }
0x11d: {  	s10 =	simm.s32 @!p1 $0xE  }
0x11e: {  	_ =	swait.ge @!p1 [sflag:s10], $0x1400  }
0x11f: {  	s13 =	sadd.s32 s23, s21;
	[sflag:s10] =	ssyncset.done @!p1 $0x0  }
0x120: {  	s16 =	simm.s32 $0x2900;
	s25 =	sadd.s32 $0xF, s13;
	[sflag:s10] =	ssyncadd.s32 @!p1 $0xFFFFEC00  }
0x121: {  	[tilespmem:s16], [sflag:$0x9] =	stream.linear.gather [hbm4b:s25+s3], $0x28, $0x38;
	[tilespmem:$0x1CE00] =	vst v63  }
0x122: {  	s28 =	sadd.s32 $0xFFFFFF60, s22;
	s29 =	simm.s32 $0x6600  }
0x123: {  	[tilespmem:s29], [sflag:$0x4] =	stream.indirect.gather [hbm4b:s7+s26], $0x80, s28, s26, $0xb8;
	[tilespmem:$0x1CE00] =	vst v63  }
0x124: {  	_ =	swait.ge [sflag:s17], $0x28  }
0x125: {  	[sflag:s17] =	ssyncset.done $0x0  }
0x126: {  	[sflag:s17] =	ssyncadd.s32 $0xFFFFFFD8  }
0x127: {  	_ =	swait.ge [sflag:s12], $0x1400  }
0x128: {  	[sflag:s12] =	ssyncset.done $0x0  }
0x129: {  	s10 =	simm.s32 @!p1 $0xF;
	s25 =	simm.s32 $0x2800;
	[sflag:s12] =	ssyncadd.s32 $0xFFFFEC00  }
0x12a: {  	[spmem:s2] =	stream.indirect.scatter.add.f32 [tilespmem:s30], [sflag:$0xC], $0x80, s25, s26, $0xb8;
	[tilespmem:$0x1CE00] =	vst v63  }
0x12b: {  	_ =	swait.ge @!p1 [sflag:s10], $0x1400  }
0x12c: {  	[sflag:s10] =	ssyncset.done @!p1 $0x0  }
0x12d: {  	s28 =	sadd.s32 $0x14, s13;
	[sflag:s10] =	ssyncadd.s32 @!p1 $0xFFFFEC00  }
0x12e: {  	[tilespmem:s19], [sflag:$0xA] =	stream.linear.gather [hbm4b:s28+s3], $0x28, $0x38;
	[tilespmem:$0x1CE00] =	vst v63  }
0x12f: {  	s29 =	sadd.s32 $0xFFFFFF88, s22  }
0x130: {  	[tilespmem:s0], [sflag:$0x5] =	stream.indirect.gather [hbm4b:s7+s26], $0x80, s29, s26, $0xb8;
	[tilespmem:$0x1CE00] =	vst v63  }
0x131: {  	_ =	swait.ge [sflag:s8], $0x28  }
0x132: {  	[sflag:s8] =	ssyncset.done $0x0  }
0x133: {  	[sflag:s8] =	ssyncadd.s32 $0xFFFFFFD8  }
0x134: {  	_ =	swait.ge [sflag:s18], $0x1400  }
0x135: {  	[sflag:s18] =	ssyncset.done $0x0  }
0x136: {  	[sflag:s18] =	ssyncadd.s32 $0xFFFFEC00  }
0x137: {  	[spmem:s2] =	stream.indirect.scatter.add.f32 [tilespmem:s1], [sflag:$0xD], $0x80, s31, s26, $0xb8;
	[tilespmem:$0x1CE00] =	vst v63  }
0x138: {  	_ =	swait.ge [sflag:s11], $0x1400  }
0x139: {  	p1 =	seq.s32 s23, $0x4C9;
	[sflag:s11] =	ssyncset.done $0x0  }
0x13a: {  	s10 =	simm.s32 @p1 $0x9;
	[sflag:s11] =	ssyncadd.s32 $0xFFFFEC00  }
0x13b: {  	_ =	swait.ge @p1 [sflag:s10], $0x28  }
0x13c: {  	[sflag:s10] =	ssyncset.done @p1 $0x0  }
0x13d: {  	[sflag:s10] =	ssyncadd.s32 @p1 $0xFFFFFFD8;
	s10 =	simm.s32 @p1 $0x4  }
0x13e: {  	_ =	swait.ge @p1 [sflag:s10], $0x1400  }
0x13f: {  	s16 =	simm.s32 @p1 $0x2900;
	[sflag:s10] =	ssyncset.done @p1 $0x0  }
0x140: {  	s25 =	simm.s32 @p1 $0x6600;
	[sflag:s10] =	ssyncadd.s32 @p1 $0xFFFFEC00;
	s10 =	simm.s32 @p1 $0x28  }
0x141: {  	[spmem:s2] =	stream.indirect.scatter.add.f32 @p1 [tilespmem:s25], [sflag:$0xE], $0x80, s16, s10, $0xb8;
	[tilespmem:$0x1CE00] =	vst v63  }
0x142: {  	s10 =	simm.s32 @p1 $0xC  }
0x143: {  	_ =	swait.ge @p1 [sflag:s10], $0x1400  }
0x144: {  	[sflag:s10] =	ssyncset.done @p1 $0x0  }
0x145: {  	[sflag:s10] =	ssyncadd.s32 @p1 $0xFFFFEC00;
	s10 =	sadd.s32 @!p1 s23, s21  }
0x146: {  	s28 =	simm.s32 @!p1 $0x2780;
	s25 =	simm.s32 @!p1 $0x0;
	s16 =	sadd.s32 @!p1 $0x19, s10  }
0x147: {  	[tilespmem:s28], [sflag:$0x6] =	stream.linear.gather @!p1 [hbm4b:s16+s25], $0x28, $0x38;
	[tilespmem:$0x1CE00] =	vst v63  }
0x148: {  	s29 =	simm.s32 @!p1 $0x2A00;
	s16 =	sadd.s32 @!p1 $0xFFFFFFB0, s22;
	s28 =	simm.s32 @!p1 $0x28  }
0x149: {  	[tilespmem:s29], [sflag:$0x1] =	stream.indirect.gather @!p1 [hbm4b:s7+s28], $0x80, s16, s28, $0xb8;
	[tilespmem:$0x1CE00] =	vst v63  }
0x14a: {  	s16 =	simm.s32 @!p1 $0x9  }
0x14b: {  	_ =	swait.ge @!p1 [sflag:s16], $0x28  }
0x14c: {  	[sflag:s16] =	ssyncset.done @!p1 $0x0  }
0x14d: {  	[sflag:s16] =	ssyncadd.s32 @!p1 $0xFFFFFFD8;
	s16 =	simm.s32 @!p1 $0x4  }
0x14e: {  	_ =	swait.ge @!p1 [sflag:s16], $0x1400  }
0x14f: {  	[sflag:s16] =	ssyncset.done @!p1 $0x0  }
0x150: {  	s29 =	simm.s32 @!p1 $0x6600;
	[sflag:s16] =	ssyncadd.s32 @!p1 $0xFFFFEC00;
	s16 =	simm.s32 @!p1 $0x2900  }
0x151: {  	[spmem:s2] =	stream.indirect.scatter.add.f32 @!p1 [tilespmem:s29], [sflag:$0xE], $0x80, s16, s28, $0xb8;
	[tilespmem:$0x1CE00] =	vst v63  }
0x152: {  	s16 =	simm.s32 @!p1 $0xC  }
0x153: {  	_ =	swait.ge @!p1 [sflag:s16], $0x1400  }
0x154: {  	[sflag:s16] =	ssyncset.done @!p1 $0x0  }
0x155: {  	s10 =	sadd.s32 @!p1 $0x1E, s10;
	[sflag:s16] =	ssyncadd.s32 @!p1 $0xFFFFEC00;
	s16 =	simm.s32 @!p1 $0x2800  }
0x156: {  	[tilespmem:s16], [sflag:$0x7] =	stream.linear.gather @!p1 [hbm4b:s10+s25], $0x28, $0x38;
	[tilespmem:$0x1CE00] =	vst v63  }
0x157: {  	s10 =	sadd.s32 @!p1 $0xFFFFFFD8, s22;
	s16 =	simm.s32 @!p1 $0x3E00  }
0x158: {  	[tilespmem:s16], [sflag:$0x2] =	stream.indirect.gather @!p1 [hbm4b:s7+s28], $0x80, s10, s28, $0xb8;
	[tilespmem:$0x1CE00] =	vst v63  }
0x159: {  	_ =	swait.ge [sflag:s14], $0x28  }
0x15a: {  	[sflag:s14] =	ssyncset.done $0x0  }
0x15b: {  	[sflag:s14] =	ssyncadd.s32 $0xFFFFFFD8  }
0x15c: {  	_ =	swait.ge [sflag:s15], $0x1400  }
0x15d: {  	[sflag:s15] =	ssyncset.done $0x0  }
.Ltmp7:
0x15e: {  	[sflag:s15] =	ssyncadd.s32 $0xFFFFEC00;
	(pc) =	sbr.rel @p1 .LBB2_14-.Ltmp7, $4  }
0x15f: {  	[spmem:s2] =	stream.indirect.scatter.add.f32 [tilespmem:s0], [sflag:$0xF], $0x80, s19, s26, $0xb8;
	[tilespmem:$0x1CE00] =	vst v63  }
0x160: {  	_ =	swait.ge [sflag:s20], $0x1400  }
0x161: {  	[sflag:s20] =	ssyncset.done $0x0  }
0x162: {  	[sflag:s20] =	ssyncadd.s32 $0xFFFFEC00  }
.Ltmp8:
0x163: {  	s10 =	sadd.s32 $0x23, s13;
	(pc) =	sbr.rel .LBB2_13-.Ltmp8, $4  }
0x164: {  	[tilespmem:s31], [sflag:$0x8] =	stream.linear.gather [hbm4b:s10+s3], $0x28, $0x38;
	[tilespmem:$0x1CE00] =	vst v63  }
0x165: {  	_ = 	snop  }
0x166: {  	[tilespmem:s1], [sflag:$0x3] =	stream.indirect.gather [hbm4b:s7+s26], $0x80, s22, s26, $0xb8;
	[tilespmem:$0x1CE00] =	vst v63  }
0x167: {  	s23 =	sadd.s32 $0x19, s23;
	s22 =	sadd.s32 $0xC8, s22  }
.LBB2_5:
0x168: {  	s10 =	simm.s32 $0xE  }
0x169: {  	_ =	swait.ge [sflag:s10], $0x1400  }
0x16a: {  	[sflag:s10] =	ssyncset.done $0x0  }
0x16b: {  	s25 =	simm.s32 $0xF;
	[sflag:s10] =	ssyncadd.s32 $0xFFFFEC00  }
0x16c: {  	_ =	swait.ge [sflag:s25], $0x1400  }
0x16d: {  	[sflag:s25] =	ssyncset.done $0x0  }
0x16e: {  	[sflag:s25] =	ssyncadd.s32 $0xFFFFEC00  }
0x16f: {  	[bflag:$0x0] =	sbarrier.arrive $0xFFFF  }
0x170: {  	s28 =	rddreg [dreg:$0xe]  }
0x171: {  	s29 =	rddreg [dreg:$0xc]  }
0x172: {  	s16 =	rddreg [dreg:$0x11];
	s13 =	sor.u32 $0x1C10, s28  }
0x173: {  	s22 =	simm.s32 $0x10;
	[dreg:$0x13] =	wrdreg s13  }
0x174: {  	[hbm:s29], [sflag:s13] =	dma.local [spmem:s16], $0x2800  }
0x175: {  	_ =	swait.ge [sflag:s22], $0x2800  }
0x176: {  	[sflag:s22] =	ssyncset.done $0x0;
	s23 =	rddreg [dreg:$0x7]  }
0x177: {  	s25 =	rddreg [dreg:$0x10];
	[sflag:s22] =	ssyncadd.s32 $0xFFFFD800  }
0x178: {  	[spmem:s16], [sflag:s25] =	dma.local [hbm:s23], $0x2800  }
0x179: {  	_ =	swait.ge [sflag:s24], $0x2800  }
0x17a: {  	[sflag:s24] =	ssyncset.done $0x0  }
0x17b: {  	[sflag:s24] =	ssyncadd.s32 $0xFFFFD800  }
0x17c: {  	[bflag:$0x0] =	sbarrier.arrive $0xFFFF  }
0x17d: {  	s29 =	simm.s32 $0x2780;
	s23 =	simm.s32 $0x0;
	s28 =	rddreg [dreg:$0x9]  }
0x17e: {  	[tilespmem:s29], [sflag:$0x6] =	stream.linear.gather [hbm4b:s28+s23], $0x28, $0x38;
	[tilespmem:$0x1CE00] =	vst v63  }
0x17f: {  	s16 =	simm.s32 $0x2A00  }
0x180: {  	[tilespmem:s16], [sflag:$0x1] =	stream.indirect.gather [hbm4b:s5+s26], $0x80, s23, s26, $0xb8;
	[tilespmem:$0x1CE00] =	vst v63  }
0x181: {  	s25 =	simm.s32 $0x2800;
	s22 =	rddreg [dreg:$0xa]  }
0x182: {  	[tilespmem:s25], [sflag:$0x7] =	stream.linear.gather [hbm4b:s22+s23], $0x28, $0x38;
	[tilespmem:$0x1CE00] =	vst v63  }
0x183: {  	_ = 	snop  }
0x184: {  	[tilespmem:s30], [sflag:$0x2] =	stream.indirect.gather [hbm4b:s5+s26], $0x80, s26, s26, $0xb8;
	[tilespmem:$0x1CE00] =	vst v63  }
0x185: {  	s28 =	rddreg [dreg:$0xb]  }
0x186: {  	[tilespmem:s31], [sflag:$0x8] =	stream.linear.gather [hbm4b:s28+s23], $0x28, $0x38;
	[tilespmem:$0x1CE00] =	vst v63  }
0x187: {  	s29 =	simm.s32 $0x50;
	s22 =	simm.s32 $0x118  }
0x188: {  	[tilespmem:s1], [sflag:$0x3] =	stream.indirect.gather [hbm4b:s5+s26], $0x80, s29, s26, $0xb8;
	[tilespmem:$0x1CE00] =	vst v63  }
.LBB2_6:
0x189: {  	_ =	swait.ge [sflag:s9], $0x28  }
0x18a: {  	[sflag:s9] =	ssyncset.done $0x0  }
0x18b: {  	[sflag:s9] =	ssyncadd.s32 $0xFFFFFFD8  }
0x18c: {  	_ =	swait.ge [sflag:s24], $0x1400  }
0x18d: {  	s10 =	simm.s32 $0x2780;
	[sflag:s24] =	ssyncset.done $0x0  }
0x18e: {  	s13 =	simm.s32 $0x2A00;
	p1 =	seq.s32 s23, $0x0;
	[sflag:s24] =	ssyncadd.s32 $0xFFFFEC00  }
0x18f: {  	[spmem:s2] =	stream.indirect.scatter.add.f32 [tilespmem:s13], [sflag:$0xB], $0x80, s10, s26, $0xb8;
	[tilespmem:$0x1CE00] =	vst v63  }
0x190: {  	s10 =	simm.s32 @!p1 $0xE  }
0x191: {  	_ =	swait.ge @!p1 [sflag:s10], $0x1400  }
0x192: {  	s13 =	sadd.s32 s23, s21;
	[sflag:s10] =	ssyncset.done @!p1 $0x0  }
0x193: {  	s16 =	simm.s32 $0x2900;
	s25 =	sadd.s32 $0xF, s13;
	[sflag:s10] =	ssyncadd.s32 @!p1 $0xFFFFEC00  }
0x194: {  	[tilespmem:s16], [sflag:$0x9] =	stream.linear.gather [hbm4b:s25+s3], $0x28, $0x38;
	[tilespmem:$0x1CE00] =	vst v63  }
0x195: {  	s28 =	sadd.s32 $0xFFFFFF60, s22;
	s29 =	simm.s32 $0x6600  }
0x196: {  	[tilespmem:s29], [sflag:$0x4] =	stream.indirect.gather [hbm4b:s5+s26], $0x80, s28, s26, $0xb8;
	[tilespmem:$0x1CE00] =	vst v63  }
0x197: {  	_ =	swait.ge [sflag:s17], $0x28  }
0x198: {  	[sflag:s17] =	ssyncset.done $0x0  }
0x199: {  	[sflag:s17] =	ssyncadd.s32 $0xFFFFFFD8  }
0x19a: {  	_ =	swait.ge [sflag:s12], $0x1400  }
0x19b: {  	[sflag:s12] =	ssyncset.done $0x0  }
0x19c: {  	s10 =	simm.s32 @!p1 $0xF;
	s25 =	simm.s32 $0x2800;
	[sflag:s12] =	ssyncadd.s32 $0xFFFFEC00  }
0x19d: {  	[spmem:s2] =	stream.indirect.scatter.add.f32 [tilespmem:s30], [sflag:$0xC], $0x80, s25, s26, $0xb8;
	[tilespmem:$0x1CE00] =	vst v63  }
0x19e: {  	_ =	swait.ge @!p1 [sflag:s10], $0x1400  }
0x19f: {  	[sflag:s10] =	ssyncset.done @!p1 $0x0  }
0x1a0: {  	s28 =	sadd.s32 $0x14, s13;
	[sflag:s10] =	ssyncadd.s32 @!p1 $0xFFFFEC00  }
0x1a1: {  	[tilespmem:s19], [sflag:$0xA] =	stream.linear.gather [hbm4b:s28+s3], $0x28, $0x38;
	[tilespmem:$0x1CE00] =	vst v63  }
0x1a2: {  	s29 =	sadd.s32 $0xFFFFFF88, s22  }
0x1a3: {  	[tilespmem:s0], [sflag:$0x5] =	stream.indirect.gather [hbm4b:s5+s26], $0x80, s29, s26, $0xb8;
	[tilespmem:$0x1CE00] =	vst v63  }
0x1a4: {  	_ =	swait.ge [sflag:s8], $0x28  }
0x1a5: {  	[sflag:s8] =	ssyncset.done $0x0  }
0x1a6: {  	[sflag:s8] =	ssyncadd.s32 $0xFFFFFFD8  }
0x1a7: {  	_ =	swait.ge [sflag:s18], $0x1400  }
0x1a8: {  	[sflag:s18] =	ssyncset.done $0x0  }
0x1a9: {  	[sflag:s18] =	ssyncadd.s32 $0xFFFFEC00  }
0x1aa: {  	[spmem:s2] =	stream.indirect.scatter.add.f32 [tilespmem:s1], [sflag:$0xD], $0x80, s31, s26, $0xb8;
	[tilespmem:$0x1CE00] =	vst v63  }
0x1ab: {  	_ =	swait.ge [sflag:s11], $0x1400  }
0x1ac: {  	p1 =	seq.s32 s23, $0x4C9;
	[sflag:s11] =	ssyncset.done $0x0  }
0x1ad: {  	s10 =	simm.s32 @p1 $0x9;
	[sflag:s11] =	ssyncadd.s32 $0xFFFFEC00  }
0x1ae: {  	_ =	swait.ge @p1 [sflag:s10], $0x28  }
0x1af: {  	[sflag:s10] =	ssyncset.done @p1 $0x0  }
0x1b0: {  	[sflag:s10] =	ssyncadd.s32 @p1 $0xFFFFFFD8;
	s10 =	simm.s32 @p1 $0x4  }
0x1b1: {  	_ =	swait.ge @p1 [sflag:s10], $0x1400  }
0x1b2: {  	s16 =	simm.s32 @p1 $0x2900;
	[sflag:s10] =	ssyncset.done @p1 $0x0  }
0x1b3: {  	s25 =	simm.s32 @p1 $0x6600;
	[sflag:s10] =	ssyncadd.s32 @p1 $0xFFFFEC00;
	s10 =	simm.s32 @p1 $0x28  }
0x1b4: {  	[spmem:s2] =	stream.indirect.scatter.add.f32 @p1 [tilespmem:s25], [sflag:$0xE], $0x80, s16, s10, $0xb8;
	[tilespmem:$0x1CE00] =	vst v63  }
0x1b5: {  	s10 =	simm.s32 @p1 $0xC  }
0x1b6: {  	_ =	swait.ge @p1 [sflag:s10], $0x1400  }
0x1b7: {  	[sflag:s10] =	ssyncset.done @p1 $0x0  }
0x1b8: {  	[sflag:s10] =	ssyncadd.s32 @p1 $0xFFFFEC00;
	s10 =	sadd.s32 @!p1 s23, s21  }
0x1b9: {  	s28 =	simm.s32 @!p1 $0x2780;
	s25 =	simm.s32 @!p1 $0x0;
	s16 =	sadd.s32 @!p1 $0x19, s10  }
0x1ba: {  	[tilespmem:s28], [sflag:$0x6] =	stream.linear.gather @!p1 [hbm4b:s16+s25], $0x28, $0x38;
	[tilespmem:$0x1CE00] =	vst v63  }
0x1bb: {  	s29 =	simm.s32 @!p1 $0x2A00;
	s16 =	sadd.s32 @!p1 $0xFFFFFFB0, s22;
	s28 =	simm.s32 @!p1 $0x28  }
0x1bc: {  	[tilespmem:s29], [sflag:$0x1] =	stream.indirect.gather @!p1 [hbm4b:s5+s28], $0x80, s16, s28, $0xb8;
	[tilespmem:$0x1CE00] =	vst v63  }
0x1bd: {  	s16 =	simm.s32 @!p1 $0x9  }
0x1be: {  	_ =	swait.ge @!p1 [sflag:s16], $0x28  }
0x1bf: {  	[sflag:s16] =	ssyncset.done @!p1 $0x0  }
0x1c0: {  	[sflag:s16] =	ssyncadd.s32 @!p1 $0xFFFFFFD8;
	s16 =	simm.s32 @!p1 $0x4  }
0x1c1: {  	_ =	swait.ge @!p1 [sflag:s16], $0x1400  }
0x1c2: {  	[sflag:s16] =	ssyncset.done @!p1 $0x0  }
0x1c3: {  	s29 =	simm.s32 @!p1 $0x6600;
	[sflag:s16] =	ssyncadd.s32 @!p1 $0xFFFFEC00;
	s16 =	simm.s32 @!p1 $0x2900  }
0x1c4: {  	[spmem:s2] =	stream.indirect.scatter.add.f32 @!p1 [tilespmem:s29], [sflag:$0xE], $0x80, s16, s28, $0xb8;
	[tilespmem:$0x1CE00] =	vst v63  }
0x1c5: {  	s16 =	simm.s32 @!p1 $0xC  }
0x1c6: {  	_ =	swait.ge @!p1 [sflag:s16], $0x1400  }
0x1c7: {  	[sflag:s16] =	ssyncset.done @!p1 $0x0  }
0x1c8: {  	s10 =	sadd.s32 @!p1 $0x1E, s10;
	[sflag:s16] =	ssyncadd.s32 @!p1 $0xFFFFEC00;
	s16 =	simm.s32 @!p1 $0x2800  }
0x1c9: {  	[tilespmem:s16], [sflag:$0x7] =	stream.linear.gather @!p1 [hbm4b:s10+s25], $0x28, $0x38;
	[tilespmem:$0x1CE00] =	vst v63  }
0x1ca: {  	s10 =	sadd.s32 @!p1 $0xFFFFFFD8, s22;
	s16 =	simm.s32 @!p1 $0x3E00  }
0x1cb: {  	[tilespmem:s16], [sflag:$0x2] =	stream.indirect.gather @!p1 [hbm4b:s5+s28], $0x80, s10, s28, $0xb8;
	[tilespmem:$0x1CE00] =	vst v63  }
0x1cc: {  	_ =	swait.ge [sflag:s14], $0x28  }
0x1cd: {  	[sflag:s14] =	ssyncset.done $0x0  }
0x1ce: {  	[sflag:s14] =	ssyncadd.s32 $0xFFFFFFD8  }
0x1cf: {  	_ =	swait.ge [sflag:s15], $0x1400  }
0x1d0: {  	[sflag:s15] =	ssyncset.done $0x0  }
.Ltmp9:
0x1d1: {  	[sflag:s15] =	ssyncadd.s32 $0xFFFFEC00;
	(pc) =	sbr.rel @p1 .LBB2_7-.Ltmp9, $4  }
0x1d2: {  	[spmem:s2] =	stream.indirect.scatter.add.f32 [tilespmem:s0], [sflag:$0xF], $0x80, s19, s26, $0xb8;
	[tilespmem:$0x1CE00] =	vst v63  }
0x1d3: {  	_ =	swait.ge [sflag:s20], $0x1400  }
0x1d4: {  	[sflag:s20] =	ssyncset.done $0x0  }
0x1d5: {  	[sflag:s20] =	ssyncadd.s32 $0xFFFFEC00  }
.Ltmp10:
0x1d6: {  	s10 =	sadd.s32 $0x23, s13;
	(pc) =	sbr.rel .LBB2_6-.Ltmp10, $4  }
0x1d7: {  	[tilespmem:s31], [sflag:$0x8] =	stream.linear.gather [hbm4b:s10+s3], $0x28, $0x38;
	[tilespmem:$0x1CE00] =	vst v63  }
0x1d8: {  	_ = 	snop  }
0x1d9: {  	[tilespmem:s1], [sflag:$0x3] =	stream.indirect.gather [hbm4b:s5+s26], $0x80, s22, s26, $0xb8;
	[tilespmem:$0x1CE00] =	vst v63  }
0x1da: {  	s23 =	sadd.s32 $0x19, s23;
	s22 =	sadd.s32 $0xC8, s22  }
.LBB2_7:
.Ltmp11:
0x1db: {  	(pc) =	sbr.rel .LBB2_15-.Ltmp11, $4  }
0x1dc: {  	_ = 	snop  }
0x1dd: {  	s13 =	rddreg [dreg:$0x5]  }
0x1de: {  	s16 =	rddreg [dreg:$0x11]  }
0x1df: {  	s23 =	rddreg [dreg:$0x12]  }
.LBB2_16:
0x1e0: {  	_ =	sfence.sel $0x180000  }
0x1e1: {  	[bflag:$0x0] =	sbarrier.arrive $0xFFFF  }
0x1e2: {  	_ =	strace $0x9000004A  }
0x1e3: {  	s0 =	stileid.u32;
	[bflag:$0x2] =	sbarrier.arrive $0xFFFF  }
0x1e4: {  	p0 =	sne.s32 s0, $0x0;
	s0 =	rddreg [dreg:$0x3]  }
0x1e5: {  	s0 =	sadd.s32 @!p0 $0x100000, s0  }
0x1e6: {  	[sflag:s0] =	ssyncadd.tile.s32 @!p0 $0x1;
	_ =	shalt  }
.Lfunc_end2:
_tile_overlayer_lowered:
.L_overlay_start_2:
0x1e7: {  	(tag) =	ssettag $0x2  }
0x1e8: {  	s0 =	rddreg [dreg:$0x0];
	s2 =	stileid.u32  }
0x1e9: {  	s1 =	rddreg [dreg:$0x1];
	p0 =	sne.s32 s2, $0x0  }
0x1ea: {  	s3 =	rddreg [dreg:$0x2];
	[bflag:$0x3] =	sbarrier.arrive $0xFFFF;
	s2 =	simm.s32 @!p0 $0x1C10  }
0x1eb: {  	[timem:s3], [sflag:s2] =	dma.local @!p0 [hbm:s0], s1  }
0x1ec: {  	s0 =	simm.s32 @!p0 $0x10  }
0x1ed: {  	_ =	swait.ge @!p0 [sflag:s0], s1  }
0x1ee: {  	s1 =	ssub.s32 @!p0 $0x0, s1;
	[sflag:s0] =	ssyncset.done @!p0 $0x0  }
0x1ef: {  	[sflag:s0] =	ssyncadd.s32 @!p0 s1  }
0x1f0: {  	[bflag:$0x3] =	sbarrier.arrive $0xFFFF  }
0x1f1: {  	_ =	shalt  }

</sc_bundles>
